<compile_context>
chip_gen: v7x
topology: tpu7x:2x2x1
jax: 0.10.2.dev20260603
libtpu: 0.0.44.dev20260713+nightly
codegen_flags: <defaults>
</compile_context>

<pallas_src>
import jax
import jax.numpy as jnp
from jax import lax
from jax.experimental import pallas as pl
from jax.experimental.pallas import tpu as pltpu
from jax.experimental.pallas import tpu_sc as plsc

NU = 6000
NI = 4000
NN = NU + NI
DD = 128
EE = 320000

NC = 2
NS = 16
LL = 16
FH = DD // NC

EPW = EE // NS
CHUNK = 80
NCH = EPW // CHUNK
NGR = CHUNK // LL

RPT = 624
TAIL = NN - NS * RPT
ZR = 80

_SEG = FH // LL


def _splat(v16, j):
    idx = jnp.full((LL,), j, jnp.int32)
    return lax.gather(
        v16, idx[:, None],
        lax.GatherDimensionNumbers(offset_dims=(), collapsed_slice_dims=(0,),
                                   start_index_map=(0,)),
        (1,), mode=lax.GatherScatterMode.PROMISE_IN_BOUNDS)


def _spmm_body(xb_hbm, rows_hbm, cols_hbm, vals_hbm, out_hbm,
               rows_v, cols_v, vals_v, gb0, gb1, sb0, sb1, acc_sh,
               gs0, gs1, ss0, ss1):
    cid = lax.axis_index("c")
    sid = lax.axis_index("s")

    zv = jnp.zeros((LL,), jnp.float32)

    def zrow(r, _):
        for j in range(_SEG):
            gb0[r, pl.ds(j * LL, LL)] = zv
        return 0

    lax.fori_loop(0, ZR, zrow, 0)
    for k in range(RPT // ZR):
        pltpu.sync_copy(gb0, acc_sh.at[pl.ds(sid * RPT + k * ZR, ZR)])
    pltpu.sync_copy(gb0.at[pl.ds(0, RPT - (RPT // ZR) * ZR)],
                    acc_sh.at[pl.ds(sid * RPT + (RPT // ZR) * ZR,
                                    RPT - (RPT // ZR) * ZR)])

    @pl.when(sid == NS - 1)
    def _():
        pltpu.sync_copy(gb0.at[pl.ds(0, TAIL)],
                        acc_sh.at[pl.ds(NS * RPT, TAIL)])

    pltpu.sync_copy(rows_hbm.at[sid], rows_v)
    pltpu.sync_copy(cols_hbm.at[cid, sid], cols_v)
    pltpu.sync_copy(vals_hbm.at[sid], vals_v)

    plsc.subcore_barrier()

    gbufs = (gb0, gb1)
    sbufs = (sb0, sb1)
    gsems = (gs0, gs1)
    ssems = (ss0, ss1)

    def start_gather(c, b):
        pltpu.async_copy(xb_hbm.at[cols_v.at[c]], gbufs[b], gsems[b])

    def wait_gather(c, b):
        pltpu.make_async_copy(xb_hbm.at[cols_v.at[c]], gbufs[b],
                              gsems[b]).wait()

    def start_scatter(c, b):
        pltpu.async_copy(sbufs[b], acc_sh.at[rows_v.at[c]], ssems[b],
                         add=True)

    def wait_scatter(c, b):
        pltpu.make_async_copy(sbufs[b], acc_sh.at[rows_v.at[c]],
                              ssems[b]).wait()

    def process(c, b):
        gb = gbufs[b]
        sb = sbufs[b]

        def group(g, _):
            v16 = vals_v[pl.ds(c * CHUNK + g * LL, LL)]
            for q in range(LL // 4):
                vs = [_splat(v16, q * 4 + r) for r in range(4)]
                xs = [[gb[g * LL + q * 4 + r, pl.ds(s * LL, LL)]
                       for s in range(_SEG)] for r in range(4)]
                for r in range(4):
                    for s in range(_SEG):
                        sb[g * LL + q * 4 + r, pl.ds(s * LL, LL)] = (
                            xs[r][s] * vs[r])
            return 0

        lax.fori_loop(0, NGR, group, 0)

    start_gather(0, 0)
    start_gather(1, 1)

    def step(it, _):
        for b in range(2):
            c = it * 2 + b
            wait_gather(c, b)

            @pl.when(it >= 1)
            def _():
                wait_scatter(c - 2, b)

            process(c, b)
            start_scatter(c, b)

            @pl.when(c + 2 < NCH)
            def _():
                start_gather(c + 2, b)
        return 0

    lax.fori_loop(0, NCH // 2, step, 0)
    wait_scatter(NCH - 2, 0)
    wait_scatter(NCH - 1, 1)

    plsc.subcore_barrier()
    pltpu.sync_copy(acc_sh.at[pl.ds(sid * RPT, RPT)],
                    out_hbm.at[cid, pl.ds(sid * RPT, RPT)])

    @pl.when(sid == NS - 1)
    def _():
        pltpu.sync_copy(acc_sh.at[pl.ds(NS * RPT, TAIL)],
                        out_hbm.at[cid, pl.ds(NS * RPT, TAIL)])


@jax.jit
def _spmm(xb, rows, cols, vals):
    mesh = plsc.VectorSubcoreMesh(core_axis_name="c", subcore_axis_name="s")
    return pl.kernel(
        _spmm_body,
        out_type=jax.ShapeDtypeStruct((NC, NN, FH), jnp.float32),
        mesh=mesh,
        scratch_types=[
            pltpu.VMEM((NCH, CHUNK), jnp.int32),
            pltpu.VMEM((NCH, CHUNK), jnp.int32),
            pltpu.VMEM((EPW,), jnp.float32),
            pltpu.VMEM((CHUNK, FH), jnp.float32),
            pltpu.VMEM((CHUNK, FH), jnp.float32),
            pltpu.VMEM((CHUNK, FH), jnp.float32),
            pltpu.VMEM((CHUNK, FH), jnp.float32),
            pltpu.VMEM_SHARED((NN, FH), jnp.float32),
            pltpu.SemaphoreType.DMA,
            pltpu.SemaphoreType.DMA,
            pltpu.SemaphoreType.DMA,
            pltpu.SemaphoreType.DMA,
        ],
        compiler_params=pltpu.CompilerParams(use_tc_tiling_on_sc=False),
    )(xb, rows, cols, vals)


BLK = 1000
NBLK = NN // BLK
UB = NU // BLK


def _seg(i):
    return (i >= UB).astype(jnp.int32)


def _first(i):
    return (i == 0) | (i == UB)


def _projxtx_body(emb_ref, w_ref, hyper_ref, t_ref):
    i = pl.program_id(0)
    hyp = jnp.dot(emb_ref[...], w_ref[0], preferred_element_type=jnp.float32)
    hyper_ref[...] = hyp
    contrib = lax.dot_general(hyp, emb_ref[...], (((0,), (0,)), ((), ())),
                              preferred_element_type=jnp.float32)

    @pl.when(_first(i))
    def _():
        t_ref[0] = contrib

    @pl.when(~_first(i))
    def _():
        t_ref[0] += contrib


@jax.jit
def _projxtx(emb, w_both):
    return pl.pallas_call(
        _projxtx_body,
        grid=(NBLK,),
        in_specs=[
            pl.BlockSpec((BLK, DD), lambda i: (i, 0)),
            pl.BlockSpec((1, DD, DD), lambda i: (_seg(i), 0, 0)),
        ],
        out_specs=[
            pl.BlockSpec((BLK, DD), lambda i: (i, 0)),
            pl.BlockSpec((1, DD, DD), lambda i: (_seg(i), 0, 0)),
        ],
        out_shape=[
            jax.ShapeDtypeStruct((NN, DD), jnp.float32),
            jax.ShapeDtypeStruct((2, DD, DD), jnp.float32),
        ],
    )(emb, w_both)


def _fuse1_body(hyper_ref, t_ref, p_ref, prev_ref,
                gcn_ref, hgnn_ref, ssum_ref, hx_ref, tn_ref):
    i = pl.program_id(0)
    g = jnp.concatenate([p_ref[0], p_ref[1]], axis=-1)
    h = jnp.dot(hyper_ref[...], t_ref[0], preferred_element_type=jnp.float32)
    gcn_ref[...] = g
    hgnn_ref[...] = h
    hid = g + h
    ssum_ref[...] = prev_ref[...] + hid
    hx_ref[0] = hid[:, :FH]
    hx_ref[1] = hid[:, FH:]
    contrib = lax.dot_general(hyper_ref[...], hid, (((0,), (0,)), ((), ())),
                              preferred_element_type=jnp.float32)

    @pl.when(_first(i))
    def _():
        tn_ref[0] = contrib

    @pl.when(~_first(i))
    def _():
        tn_ref[0] += contrib


@jax.jit
def _fuse1(hyper, t, p, prev):
    return pl.pallas_call(
        _fuse1_body,
        grid=(NBLK,),
        in_specs=[
            pl.BlockSpec((BLK, DD), lambda i: (i, 0)),
            pl.BlockSpec((1, DD, DD), lambda i: (_seg(i), 0, 0)),
            pl.BlockSpec((2, BLK, FH), lambda i: (0, i, 0)),
            pl.BlockSpec((BLK, DD), lambda i: (i, 0)),
        ],
        out_specs=[
            pl.BlockSpec((BLK, DD), lambda i: (i, 0)),
            pl.BlockSpec((BLK, DD), lambda i: (i, 0)),
            pl.BlockSpec((BLK, DD), lambda i: (i, 0)),
            pl.BlockSpec((2, BLK, FH), lambda i: (0, i, 0)),
            pl.BlockSpec((1, DD, DD), lambda i: (_seg(i), 0, 0)),
        ],
        out_shape=[
            jax.ShapeDtypeStruct((NN, DD), jnp.float32),
            jax.ShapeDtypeStruct((NN, DD), jnp.float32),
            jax.ShapeDtypeStruct((NN, DD), jnp.float32),
            jax.ShapeDtypeStruct((2, NN, FH), jnp.float32),
            jax.ShapeDtypeStruct((2, DD, DD), jnp.float32),
        ],
    )(hyper, t, p, prev)


def _fuse2_body(hyper_ref, t_ref, p_ref, prev_ref,
                gcn_ref, hgnn_ref, ssum_ref):
    g = jnp.concatenate([p_ref[0], p_ref[1]], axis=-1)
    h = jnp.dot(hyper_ref[...], t_ref[0], preferred_element_type=jnp.float32)
    gcn_ref[...] = g
    hgnn_ref[...] = h
    ssum_ref[...] = prev_ref[...] + g + h


@jax.jit
def _fuse2(hyper, t, p, prev):
    return pl.pallas_call(
        _fuse2_body,
        grid=(NBLK,),
        in_specs=[
            pl.BlockSpec((BLK, DD), lambda i: (i, 0)),
            pl.BlockSpec((1, DD, DD), lambda i: (_seg(i), 0, 0)),
            pl.BlockSpec((2, BLK, FH), lambda i: (0, i, 0)),
            pl.BlockSpec((BLK, DD), lambda i: (i, 0)),
        ],
        out_specs=[
            pl.BlockSpec((BLK, DD), lambda i: (i, 0)),
            pl.BlockSpec((BLK, DD), lambda i: (i, 0)),
            pl.BlockSpec((BLK, DD), lambda i: (i, 0)),
        ],
        out_shape=[jax.ShapeDtypeStruct((NN, DD), jnp.float32)] * 3,
    )(hyper, t, p, prev)


def kernel(user_emb, item_emb, user_w, item_w, adj_indices, adj_vals, keep_rate):
    del keep_rate
    emb = jnp.concatenate([user_emb, item_emb], axis=0)
    w_both = jnp.stack([user_w, item_w], axis=0)
    rows = adj_indices[0].astype(jnp.int32).reshape(NS, NCH, CHUNK)
    cols = adj_indices[1].astype(jnp.int32).reshape(NS, NCH, CHUNK)
    cols_both = jnp.stack([cols, cols + NN], axis=0)
    vals = adj_vals.astype(jnp.float32).reshape(NS, EPW)

    xb1 = emb.reshape(NN, NC, FH).transpose(1, 0, 2).reshape(NC * NN, FH)
    p1 = _spmm(xb1, rows, cols_both, vals)
    hyper, t1 = _projxtx(emb, w_both)
    gcn1, hgnn1, sum1, hx, t2 = _fuse1(hyper, t1, p1, emb)
    p2 = _spmm(hx.reshape(NC * NN, FH), rows, cols_both, vals)
    gcn2, hgnn2, sum2 = _fuse2(hyper, t2, p2, sum1)

    return (sum2[:NU], sum2[NU:],
            jnp.stack([gcn1, gcn2], axis=0), jnp.stack([hgnn1, hgnn2], axis=0))

# --- scband reference (transcript-rebuilt; emitter-appended) ---
"""Pipeline reference for scband-hccfencoder-12429635354857 (READ-ONLY COPY).

The authoritative reference and input builder live on the scoring server;
editing this copy changes nothing except your own understanding.
"""

import jax, jax.numpy as jnp
import numpy as np

N_USERS = 6000
N_ITEMS = 4000
N = N_USERS + N_ITEMS
D = 128
H = 128
E = 320000
N_LAYERS = 2


def setup_inputs(seed: int = 0) -> dict:
    key = jax.random.key(seed)
    k1, k2, k3, k4, k5, k6, k7 = jax.random.split(key, 7)
    user_emb = jax.random.normal(k1, (N_USERS, D), dtype=jnp.float32) * 0.02
    item_emb = jax.random.normal(k2, (N_ITEMS, D), dtype=jnp.float32) * 0.02
    user_w = jax.random.normal(k3, (D, H), dtype=jnp.float32) * 0.1
    item_w = jax.random.normal(k4, (D, H), dtype=jnp.float32) * 0.1
    rows = jax.random.randint(k5, (E,), 0, N)
    cols = jax.random.randint(k6, (E,), 0, N)
    adj_indices = jnp.stack([rows, cols], axis=0).astype(jnp.int64)
    # normalized adjacency values (positive, roughly 1/degree scaled)
    adj_vals = jax.random.uniform(k7, (E,), dtype=jnp.float32) * 0.01
    return {
        'user_emb': user_emb,
        'item_emb': item_emb,
        'user_w': user_w,
        'item_w': item_w,
        'adj_indices': adj_indices,
        'adj_vals': adj_vals,
        'keep_rate': 1,
    }


def reference(user_emb, item_emb, user_w, item_w, adj_indices, adj_vals, keep_rate):
    # keep_rate == 1 -> SpAdjDropEdge is identity; drop_rate=0 -> Dropout is identity (eval)
    rows = adj_indices[0]
    cols = adj_indices[1]

    def spmm(x):
        # torch.sparse.mm(adj, x): gather source rows, scale by edge value, scatter-add to dst
        return jnp.zeros((N, x.shape[1]), dtype=x.dtype).at[rows].add(adj_vals[:, None] * x[cols])

    embeddings = jnp.concatenate([user_emb, item_emb], axis=0)
    hidden = [embeddings]
    gcn_hidden = []
    hgnn_hidden = []
    hyper_uu = user_emb @ user_w  # [n_users, H]
    hyper_ii = item_emb @ item_w  # [n_items, H]
    for _ in range(N_LAYERS):
        gcn_emb = spmm(hidden[-1])
        # HGNNLayer: adj.T @ embeds, then adj @ edge_embeds
        hyper_uemb = hyper_uu @ (hyper_uu.T @ hidden[-1][:N_USERS])
        hyper_iemb = hyper_ii @ (hyper_ii.T @ hidden[-1][N_USERS:])
        gcn_hidden.append(gcn_emb)
        hgnn_hidden.append(jnp.concatenate([hyper_uemb, hyper_iemb], axis=0))
        hidden.append(gcn_emb + hgnn_hidden[-1])
    out = hidden[0]
    for h in hidden[1:]:
        out = out + h
    user_out = out[:N_USERS]
    item_out = out[N_USERS:]
    return (user_out, item_out, jnp.stack(gcn_hidden, axis=0), jnp.stack(hgnn_hidden, axis=0))

if __name__ == "__main__":
    import jax
    _d = setup_inputs()
    print(jax.jit(kernel)(*tuple(_d.values())))

</pallas_src>

<mosaic_0001>
#map = affine_map<(d0, d1) -> (0, 0)>
#map1 = affine_map<(d0, d1) -> (0, 0, 0)>
#map2 = affine_map<(d0, d1) -> (0, 0, 0, 0)>
module attributes {stable_mosaic.version = 14 : i64} {
  func.func @_spmm_body(%arg0: i32, %arg1: i32, %arg2: memref<20000x64xf32, #tpu.memory_space<hbm>>, %arg3: memref<16x250x80xi32, #tpu.memory_space<hbm>>, %arg4: memref<2x16x250x80xi32, #tpu.memory_space<hbm>>, %arg5: memref<16x20000xf32, #tpu.memory_space<hbm>>, %arg6: memref<2x10000x64xf32, #tpu.memory_space<hbm>>, %arg7: memref<250x80xi32, #tpu.memory_space<vmem>>, %arg8: memref<250x80xi32, #tpu.memory_space<vmem>>, %arg9: memref<20000xf32, #tpu.memory_space<vmem>>, %arg10: memref<80x64xf32, #tpu.memory_space<vmem>>, %arg11: memref<80x64xf32, #tpu.memory_space<vmem>>, %arg12: memref<80x64xf32, #tpu.memory_space<vmem>>, %arg13: memref<80x64xf32, #tpu.memory_space<vmem>>, %arg14: memref<10000x64xf32, #tpu.memory_space<vmem_shared>>, %arg15: memref<!tpu.dma_semaphore, #tpu.memory_space<semaphore_mem>>, %arg16: memref<!tpu.dma_semaphore, #tpu.memory_space<semaphore_mem>>, %arg17: memref<!tpu.dma_semaphore, #tpu.memory_space<semaphore_mem>>, %arg18: memref<!tpu.dma_semaphore, #tpu.memory_space<semaphore_mem>>) attributes {dimension_semantics = [#tpu.dimension_semantics<core_parallel>, #tpu.dimension_semantics<subcore_parallel>], iteration_bounds = array<i64: 2, 16>, scalar_prefetch = 0 : i64, scratch_operands = 12 : i64, tpu.core_type = #tpu.core_type<sc_vector_subcore>, window_params = [{transform_indices = #map}, {transform_indices = #map1}, {transform_indices = #map2}, {transform_indices = #map}, {transform_indices = #map1}]} {
    %broadcast_in_dim3A = arith.constant 0.000000e+00 : f32
    %broadcast_in_dim3A_0 = vector.broadcast %broadcast_in_dim3A : f32 to vector<16xf32>
    %scan3A = arith.constant 0 : i32
    %scan3A_1 = arith.constant 0 : i32
    %scan3A_2 = arith.constant 80 : i32
    %scan3A_3 = arith.addi %scan3A_1, %scan3A_2 : i32
    %scan3A_4 = arith.constant 1 : i32
    %scan3A_5 = scf.for %scan3A_82 = %scan3A_1 to %scan3A_3 step %scan3A_4 iter_args(%scan3A_83 = %scan3A) -> (i32)  : i32 {
      %swap3A = arith.index_cast %scan3A_82 : i32 to index
      %swap3A_84 = arith.constant 0 : index
      %swap3A_85 = tpu.vector_load %arg10[%swap3A, %swap3A_84] {strides = array<i32>} : memref<80x64xf32, #tpu.memory_space<vmem>>, vector<1x16xf32>,
      %swap3A_86 = vector.shape_cast %swap3A_85 : vector<1x16xf32> to vector<16xf32>
      %swap3A_87 = vector.shape_cast %broadcast_in_dim3A_0 : vector<16xf32> to vector<1x16xf32>
      tpu.vector_store %arg10[%swap3A, %swap3A_84], %swap3A_87 {strides = array<i32>} : memref<80x64xf32, #tpu.memory_space<vmem>>, vector<1x16xf32>,
      %swap3A_88 = arith.index_cast %scan3A_82 : i32 to index
      %swap3A_89 = arith.constant 16 : index
      %swap3A_90 = tpu.vector_load %arg10[%swap3A_88, %swap3A_89] {strides = array<i32>} : memref<80x64xf32, #tpu.memory_space<vmem>>, vector<1x16xf32>,
      %swap3A_91 = vector.shape_cast %swap3A_90 : vector<1x16xf32> to vector<16xf32>
      %swap3A_92 = vector.shape_cast %broadcast_in_dim3A_0 : vector<16xf32> to vector<1x16xf32>
      tpu.vector_store %arg10[%swap3A_88, %swap3A_89], %swap3A_92 {strides = array<i32>} : memref<80x64xf32, #tpu.memory_space<vmem>>, vector<1x16xf32>,
      %swap3A_93 = arith.index_cast %scan3A_82 : i32 to index
      %swap3A_94 = arith.constant 32 : index
      %swap3A_95 = tpu.vector_load %arg10[%swap3A_93, %swap3A_94] {strides = array<i32>} : memref<80x64xf32, #tpu.memory_space<vmem>>, vector<1x16xf32>,
      %swap3A_96 = vector.shape_cast %swap3A_95 : vector<1x16xf32> to vector<16xf32>
      %swap3A_97 = vector.shape_cast %broadcast_in_dim3A_0 : vector<16xf32> to vector<1x16xf32>
      tpu.vector_store %arg10[%swap3A_93, %swap3A_94], %swap3A_97 {strides = array<i32>} : memref<80x64xf32, #tpu.memory_space<vmem>>, vector<1x16xf32>,
      %swap3A_98 = arith.index_cast %scan3A_82 : i32 to index
      %swap3A_99 = arith.constant 48 : index
      %swap3A_100 = tpu.vector_load %arg10[%swap3A_98, %swap3A_99] {strides = array<i32>} : memref<80x64xf32, #tpu.memory_space<vmem>>, vector<1x16xf32>,
      %swap3A_101 = vector.shape_cast %swap3A_100 : vector<1x16xf32> to vector<16xf32>
      %swap3A_102 = vector.shape_cast %broadcast_in_dim3A_0 : vector<16xf32> to vector<1x16xf32>
      tpu.vector_store %arg10[%swap3A_98, %swap3A_99], %swap3A_102 {strides = array<i32>} : memref<80x64xf32, #tpu.memory_space<vmem>>, vector<1x16xf32>,
      %scan3A_103 = arith.constant 0 : i32
      scf.yield %scan3A_103 : i32
    }
    %scan3A_6 = arith.constant 80 : i32
    %mul3A = arith.constant 624 : i32
    %mul3A_7 = arith.muli %arg1, %mul3A : i32
    %add3A = arith.constant 0 : i32
    %add3A_8 = arith.addi %mul3A_7, %add3A : i32
    "tpu.region"() ({
      %run_scoped3A = tpu.sem_alloc : memref<!tpu.dma_semaphore, #tpu.memory_space<semaphore_mem>>
      %dma_start3A_82 = arith.constant 0 : i32
      %dma_start3A_83 = tpu.memref_slice %arg14[%add3A_8, %dma_start3A_82] : memref<10000x64xf32, #tpu.memory_space<vmem_shared>> -> memref<80x64xf32, #tpu.memory_space<vmem_shared>>
      %dma_start3A_84 = arith.constant 0 : i32
      %dma_start3A_85 = tpu.memref_slice %arg14[%add3A_8, %dma_start3A_84] : memref<10000x64xf32, #tpu.memory_space<vmem_shared>> -> memref<80x64xf32, #tpu.memory_space<vmem_shared>>
      tpu.enqueue_dma source(%arg10 : memref<80x64xf32, #tpu.memory_space<vmem>>) target(%dma_start3A_85 : memref<80x64xf32, #tpu.memory_space<vmem_shared>>) target_semaphore(%run_scoped3A : memref<!tpu.dma_semaphore, #tpu.memory_space<semaphore_mem>>)
      %dma_wait3A_86 = arith.constant 0 : i32
      %dma_wait3A_87 = tpu.memref_slice %arg14[%add3A_8, %dma_wait3A_86] : memref<10000x64xf32, #tpu.memory_space<vmem_shared>> -> memref<80x64xf32, #tpu.memory_space<vmem_shared>>
      %dma_wait3A_88 = arith.constant 0 : i32
      %dma_wait3A_89 = tpu.memref_slice %arg14[%add3A_8, %dma_wait3A_88] : memref<10000x64xf32, #tpu.memory_space<vmem_shared>> -> memref<80x64xf32, #tpu.memory_space<vmem_shared>>
      tpu.wait_dma2 semaphore(%run_scoped3A : memref<!tpu.dma_semaphore, #tpu.memory_space<semaphore_mem>>) src(%arg10 : memref<80x64xf32, #tpu.memory_space<vmem>>) dst(%dma_wait3A_89 : memref<80x64xf32, #tpu.memory_space<vmem_shared>>)
      tpu.yield
    }) : () -> ()
    %mul3A_9 = arith.constant 624 : i32
    %mul3A_10 = arith.muli %arg1, %mul3A_9 : i32
    %add3A_11 = arith.constant 80 : i32
    %add3A_12 = arith.addi %mul3A_10, %add3A_11 : i32
    "tpu.region"() ({
      %run_scoped3A = tpu.sem_alloc : memref<!tpu.dma_semaphore, #tpu.memory_space<semaphore_mem>>
      %dma_start3A_82 = arith.constant 0 : i32
      %dma_start3A_83 = tpu.memref_slice %arg14[%add3A_12, %dma_start3A_82] : memref<10000x64xf32, #tpu.memory_space<vmem_shared>> -> memref<80x64xf32, #tpu.memory_space<vmem_shared>>
      %dma_start3A_84 = arith.constant 0 : i32
      %dma_start3A_85 = tpu.memref_slice %arg14[%add3A_12, %dma_start3A_84] : memref<10000x64xf32, #tpu.memory_space<vmem_shared>> -> memref<80x64xf32, #tpu.memory_space<vmem_shared>>
      tpu.enqueue_dma source(%arg10 : memref<80x64xf32, #tpu.memory_space<vmem>>) target(%dma_start3A_85 : memref<80x64xf32, #tpu.memory_space<vmem_shared>>) target_semaphore(%run_scoped3A : memref<!tpu.dma_semaphore, #tpu.memory_space<semaphore_mem>>)
      %dma_wait3A_86 = arith.constant 0 : i32
      %dma_wait3A_87 = tpu.memref_slice %arg14[%add3A_12, %dma_wait3A_86] : memref<10000x64xf32, #tpu.memory_space<vmem_shared>> -> memref<80x64xf32, #tpu.memory_space<vmem_shared>>
      %dma_wait3A_88 = arith.constant 0 : i32
      %dma_wait3A_89 = tpu.memref_slice %arg14[%add3A_12, %dma_wait3A_88] : memref<10000x64xf32, #tpu.memory_space<vmem_shared>> -> memref<80x64xf32, #tpu.memory_space<vmem_shared>>
      tpu.wait_dma2 semaphore(%run_scoped3A : memref<!tpu.dma_semaphore, #tpu.memory_space<semaphore_mem>>) src(%arg10 : memref<80x64xf32, #tpu.memory_space<vmem>>) dst(%dma_wait3A_89 : memref<80x64xf32, #tpu.memory_space<vmem_shared>>)
      tpu.yield
    }) : () -> ()
    %mul3A_13 = arith.constant 624 : i32
    %mul3A_14 = arith.muli %arg1, %mul3A_13 : i32
    %add3A_15 = arith.constant 160 : i32
    %add3A_16 = arith.addi %mul3A_14, %add3A_15 : i32
    "tpu.region"() ({
      %run_scoped3A = tpu.sem_alloc : memref<!tpu.dma_semaphore, #tpu.memory_space<semaphore_mem>>
      %dma_start3A_82 = arith.constant 0 : i32
      %dma_start3A_83 = tpu.memref_slice %arg14[%add3A_16, %dma_start3A_82] : memref<10000x64xf32, #tpu.memory_space<vmem_shared>> -> memref<80x64xf32, #tpu.memory_space<vmem_shared>>
      %dma_start3A_84 = arith.constant 0 : i32
      %dma_start3A_85 = tpu.memref_slice %arg14[%add3A_16, %dma_start3A_84] : memref<10000x64xf32, #tpu.memory_space<vmem_shared>> -> memref<80x64xf32, #tpu.memory_space<vmem_shared>>
      tpu.enqueue_dma source(%arg10 : memref<80x64xf32, #tpu.memory_space<vmem>>) target(%dma_start3A_85 : memref<80x64xf32, #tpu.memory_space<vmem_shared>>) target_semaphore(%run_scoped3A : memref<!tpu.dma_semaphore, #tpu.memory_space<semaphore_mem>>)
      %dma_wait3A_86 = arith.constant 0 : i32
      %dma_wait3A_87 = tpu.memref_slice %arg14[%add3A_16, %dma_wait3A_86] : memref<10000x64xf32, #tpu.memory_space<vmem_shared>> -> memref<80x64xf32, #tpu.memory_space<vmem_shared>>
      %dma_wait3A_88 = arith.constant 0 : i32
      %dma_wait3A_89 = tpu.memref_slice %arg14[%add3A_16, %dma_wait3A_88] : memref<10000x64xf32, #tpu.memory_space<vmem_shared>> -> memref<80x64xf32, #tpu.memory_space<vmem_shared>>
      tpu.wait_dma2 semaphore(%run_scoped3A : memref<!tpu.dma_semaphore, #tpu.memory_space<semaphore_mem>>) src(%arg10 : memref<80x64xf32, #tpu.memory_space<vmem>>) dst(%dma_wait3A_89 : memref<80x64xf32, #tpu.memory_space<vmem_shared>>)
      tpu.yield
    }) : () -> ()
    %mul3A_17 = arith.constant 624 : i32
    %mul3A_18 = arith.muli %arg1, %mul3A_17 : i32
    %add3A_19 = arith.constant 240 : i32
    %add3A_20 = arith.addi %mul3A_18, %add3A_19 : i32
    "tpu.region"() ({
      %run_scoped3A = tpu.sem_alloc : memref<!tpu.dma_semaphore, #tpu.memory_space<semaphore_mem>>
      %dma_start3A_82 = arith.constant 0 : i32
      %dma_start3A_83 = tpu.memref_slice %arg14[%add3A_20, %dma_start3A_82] : memref<10000x64xf32, #tpu.memory_space<vmem_shared>> -> memref<80x64xf32, #tpu.memory_space<vmem_shared>>
      %dma_start3A_84 = arith.constant 0 : i32
      %dma_start3A_85 = tpu.memref_slice %arg14[%add3A_20, %dma_start3A_84] : memref<10000x64xf32, #tpu.memory_space<vmem_shared>> -> memref<80x64xf32, #tpu.memory_space<vmem_shared>>
      tpu.enqueue_dma source(%arg10 : memref<80x64xf32, #tpu.memory_space<vmem>>) target(%dma_start3A_85 : memref<80x64xf32, #tpu.memory_space<vmem_shared>>) target_semaphore(%run_scoped3A : memref<!tpu.dma_semaphore, #tpu.memory_space<semaphore_mem>>)
      %dma_wait3A_86 = arith.constant 0 : i32
      %dma_wait3A_87 = tpu.memref_slice %arg14[%add3A_20, %dma_wait3A_86] : memref<10000x64xf32, #tpu.memory_space<vmem_shared>> -> memref<80x64xf32, #tpu.memory_space<vmem_shared>>
      %dma_wait3A_88 = arith.constant 0 : i32
      %dma_wait3A_89 = tpu.memref_slice %arg14[%add3A_20, %dma_wait3A_88] : memref<10000x64xf32, #tpu.memory_space<vmem_shared>> -> memref<80x64xf32, #tpu.memory_space<vmem_shared>>
      tpu.wait_dma2 semaphore(%run_scoped3A : memref<!tpu.dma_semaphore, #tpu.memory_space<semaphore_mem>>) src(%arg10 : memref<80x64xf32, #tpu.memory_space<vmem>>) dst(%dma_wait3A_89 : memref<80x64xf32, #tpu.memory_space<vmem_shared>>)
      tpu.yield
    }) : () -> ()
    %mul3A_21 = arith.constant 624 : i32
    %mul3A_22 = arith.muli %arg1, %mul3A_21 : i32
    %add3A_23 = arith.constant 320 : i32
    %add3A_24 = arith.addi %mul3A_22, %add3A_23 : i32
    "tpu.region"() ({
      %run_scoped3A = tpu.sem_alloc : memref<!tpu.dma_semaphore, #tpu.memory_space<semaphore_mem>>
      %dma_start3A_82 = arith.constant 0 : i32
      %dma_start3A_83 = tpu.memref_slice %arg14[%add3A_24, %dma_start3A_82] : memref<10000x64xf32, #tpu.memory_space<vmem_shared>> -> memref<80x64xf32, #tpu.memory_space<vmem_shared>>
      %dma_start3A_84 = arith.constant 0 : i32
      %dma_start3A_85 = tpu.memref_slice %arg14[%add3A_24, %dma_start3A_84] : memref<10000x64xf32, #tpu.memory_space<vmem_shared>> -> memref<80x64xf32, #tpu.memory_space<vmem_shared>>
      tpu.enqueue_dma source(%arg10 : memref<80x64xf32, #tpu.memory_space<vmem>>) target(%dma_start3A_85 : memref<80x64xf32, #tpu.memory_space<vmem_shared>>) target_semaphore(%run_scoped3A : memref<!tpu.dma_semaphore, #tpu.memory_space<semaphore_mem>>)
      %dma_wait3A_86 = arith.constant 0 : i32
      %dma_wait3A_87 = tpu.memref_slice %arg14[%add3A_24, %dma_wait3A_86] : memref<10000x64xf32, #tpu.memory_space<vmem_shared>> -> memref<80x64xf32, #tpu.memory_space<vmem_shared>>
      %dma_wait3A_88 = arith.constant 0 : i32
      %dma_wait3A_89 = tpu.memref_slice %arg14[%add3A_24, %dma_wait3A_88] : memref<10000x64xf32, #tpu.memory_space<vmem_shared>> -> memref<80x64xf32, #tpu.memory_space<vmem_shared>>
      tpu.wait_dma2 semaphore(%run_scoped3A : memref<!tpu.dma_semaphore, #tpu.memory_space<semaphore_mem>>) src(%arg10 : memref<80x64xf32, #tpu.memory_space<vmem>>) dst(%dma_wait3A_89 : memref<80x64xf32, #tpu.memory_space<vmem_shared>>)
      tpu.yield
    }) : () -> ()
    %mul3A_25 = arith.constant 624 : i32
    %mul3A_26 = arith.muli %arg1, %mul3A_25 : i32
    %add3A_27 = arith.constant 400 : i32
    %add3A_28 = arith.addi %mul3A_26, %add3A_27 : i32
    "tpu.region"() ({
      %run_scoped3A = tpu.sem_alloc : memref<!tpu.dma_semaphore, #tpu.memory_space<semaphore_mem>>
      %dma_start3A_82 = arith.constant 0 : i32
      %dma_start3A_83 = tpu.memref_slice %arg14[%add3A_28, %dma_start3A_82] : memref<10000x64xf32, #tpu.memory_space<vmem_shared>> -> memref<80x64xf32, #tpu.memory_space<vmem_shared>>
      %dma_start3A_84 = arith.constant 0 : i32
      %dma_start3A_85 = tpu.memref_slice %arg14[%add3A_28, %dma_start3A_84] : memref<10000x64xf32, #tpu.memory_space<vmem_shared>> -> memref<80x64xf32, #tpu.memory_space<vmem_shared>>
      tpu.enqueue_dma source(%arg10 : memref<80x64xf32, #tpu.memory_space<vmem>>) target(%dma_start3A_85 : memref<80x64xf32, #tpu.memory_space<vmem_shared>>) target_semaphore(%run_scoped3A : memref<!tpu.dma_semaphore, #tpu.memory_space<semaphore_mem>>)
      %dma_wait3A_86 = arith.constant 0 : i32
      %dma_wait3A_87 = tpu.memref_slice %arg14[%add3A_28, %dma_wait3A_86] : memref<10000x64xf32, #tpu.memory_space<vmem_shared>> -> memref<80x64xf32, #tpu.memory_space<vmem_shared>>
      %dma_wait3A_88 = arith.constant 0 : i32
      %dma_wait3A_89 = tpu.memref_slice %arg14[%add3A_28, %dma_wait3A_88] : memref<10000x64xf32, #tpu.memory_space<vmem_shared>> -> memref<80x64xf32, #tpu.memory_space<vmem_shared>>
      tpu.wait_dma2 semaphore(%run_scoped3A : memref<!tpu.dma_semaphore, #tpu.memory_space<semaphore_mem>>) src(%arg10 : memref<80x64xf32, #tpu.memory_space<vmem>>) dst(%dma_wait3A_89 : memref<80x64xf32, #tpu.memory_space<vmem_shared>>)
      tpu.yield
    }) : () -> ()
    %mul3A_29 = arith.constant 624 : i32
    %mul3A_30 = arith.muli %arg1, %mul3A_29 : i32
    %add3A_31 = arith.constant 480 : i32
    %add3A_32 = arith.addi %mul3A_30, %add3A_31 : i32
    "tpu.region"() ({
      %run_scoped3A = tpu.sem_alloc : memref<!tpu.dma_semaphore, #tpu.memory_space<semaphore_mem>>
      %dma_start3A_82 = arith.constant 0 : i32
      %dma_start3A_83 = tpu.memref_slice %arg14[%add3A_32, %dma_start3A_82] : memref<10000x64xf32, #tpu.memory_space<vmem_shared>> -> memref<80x64xf32, #tpu.memory_space<vmem_shared>>
      %dma_start3A_84 = arith.constant 0 : i32
      %dma_start3A_85 = tpu.memref_slice %arg14[%add3A_32, %dma_start3A_84] : memref<10000x64xf32, #tpu.memory_space<vmem_shared>> -> memref<80x64xf32, #tpu.memory_space<vmem_shared>>
      tpu.enqueue_dma source(%arg10 : memref<80x64xf32, #tpu.memory_space<vmem>>) target(%dma_start3A_85 : memref<80x64xf32, #tpu.memory_space<vmem_shared>>) target_semaphore(%run_scoped3A : memref<!tpu.dma_semaphore, #tpu.memory_space<semaphore_mem>>)
      %dma_wait3A_86 = arith.constant 0 : i32
      %dma_wait3A_87 = tpu.memref_slice %arg14[%add3A_32, %dma_wait3A_86] : memref<10000x64xf32, #tpu.memory_space<vmem_shared>> -> memref<80x64xf32, #tpu.memory_space<vmem_shared>>
      %dma_wait3A_88 = arith.constant 0 : i32
      %dma_wait3A_89 = tpu.memref_slice %arg14[%add3A_32, %dma_wait3A_88] : memref<10000x64xf32, #tpu.memory_space<vmem_shared>> -> memref<80x64xf32, #tpu.memory_space<vmem_shared>>
      tpu.wait_dma2 semaphore(%run_scoped3A : memref<!tpu.dma_semaphore, #tpu.memory_space<semaphore_mem>>) src(%arg10 : memref<80x64xf32, #tpu.memory_space<vmem>>) dst(%dma_wait3A_89 : memref<80x64xf32, #tpu.memory_space<vmem_shared>>)
      tpu.yield
    }) : () -> ()
    %mul3A_33 = arith.constant 624 : i32
    %mul3A_34 = arith.muli %arg1, %mul3A_33 : i32
    %add3A_35 = arith.constant 560 : i32
    %add3A_36 = arith.addi %mul3A_34, %add3A_35 : i32
    "tpu.region"() ({
      %run_scoped3A = tpu.sem_alloc : memref<!tpu.dma_semaphore, #tpu.memory_space<semaphore_mem>>
      %dma_start3A_82 = arith.constant 0 : i32
      %dma_start3A_83 = arith.constant 0 : i32
      %dma_start3A_84 = tpu.memref_slice %arg10[%dma_start3A_82, %dma_start3A_83] : memref<80x64xf32, #tpu.memory_space<vmem>> -> memref<64x64xf32, #tpu.memory_space<vmem>>
      %dma_start3A_85 = arith.constant 0 : i32
      %dma_start3A_86 = tpu.memref_slice %arg14[%add3A_36, %dma_start3A_85] : memref<10000x64xf32, #tpu.memory_space<vmem_shared>> -> memref<64x64xf32, #tpu.memory_space<vmem_shared>>
      %dma_start3A_87 = arith.constant 0 : i32
      %dma_start3A_88 = tpu.memref_slice %arg14[%add3A_36, %dma_start3A_87] : memref<10000x64xf32, #tpu.memory_space<vmem_shared>> -> memref<64x64xf32, #tpu.memory_space<vmem_shared>>
      %dma_start3A_89 = arith.constant 0 : i32
      %dma_start3A_90 = arith.constant 0 : i32
      %dma_start3A_91 = tpu.memref_slice %arg10[%dma_start3A_89, %dma_start3A_90] : memref<80x64xf32, #tpu.memory_space<vmem>> -> memref<64x64xf32, #tpu.memory_space<vmem>>
      tpu.enqueue_dma source(%dma_start3A_91 : memref<64x64xf32, #tpu.memory_space<vmem>>) target(%dma_start3A_88 : memref<64x64xf32, #tpu.memory_space<vmem_shared>>) target_semaphore(%run_scoped3A : memref<!tpu.dma_semaphore, #tpu.memory_space<semaphore_mem>>)
      %dma_wait3A_92 = arith.constant 0 : i32
      %dma_wait3A_93 = arith.constant 0 : i32
      %dma_wait3A_94 = tpu.memref_slice %arg10[%dma_wait3A_92, %dma_wait3A_93] : memref<80x64xf32, #tpu.memory_space<vmem>> -> memref<64x64xf32, #tpu.memory_space<vmem>>
      %dma_wait3A_95 = arith.constant 0 : i32
      %dma_wait3A_96 = tpu.memref_slice %arg14[%add3A_36, %dma_wait3A_95] : memref<10000x64xf32, #tpu.memory_space<vmem_shared>> -> memref<64x64xf32, #tpu.memory_space<vmem_shared>>
      %dma_wait3A_97 = arith.constant 0 : i32
      %dma_wait3A_98 = tpu.memref_slice %arg14[%add3A_36, %dma_wait3A_97] : memref<10000x64xf32, #tpu.memory_space<vmem_shared>> -> memref<64x64xf32, #tpu.memory_space<vmem_shared>>
      %dma_wait3A_99 = arith.constant 0 : i32
      %dma_wait3A_100 = arith.constant 0 : i32
      %dma_wait3A_101 = tpu.memref_slice %arg10[%dma_wait3A_99, %dma_wait3A_100] : memref<80x64xf32, #tpu.memory_space<vmem>> -> memref<64x64xf32, #tpu.memory_space<vmem>>
      tpu.wait_dma2 semaphore(%run_scoped3A : memref<!tpu.dma_semaphore, #tpu.memory_space<semaphore_mem>>) src(%dma_wait3A_101 : memref<64x64xf32, #tpu.memory_space<vmem>>) dst(%dma_wait3A_98 : memref<64x64xf32, #tpu.memory_space<vmem_shared>>)
      tpu.yield
    }) : () -> ()
    %eq3A = arith.constant 15 : i32
    %eq3A_37 = arith.cmpi eq, %arg1, %eq3A : i32
    %convert_element_type3A = arith.extui %eq3A_37 : i1 to i32
    %cond3A = arith.constant 0 : i32
    %cond3A_38 = arith.cmpi ne, %convert_element_type3A, %cond3A : i32
    scf.if %cond3A_38 {
      "tpu.region"() ({
        %run_scoped3A = tpu.sem_alloc : memref<!tpu.dma_semaphore, #tpu.memory_space<semaphore_mem>>
        %dma_start3A_82 = arith.constant 0 : i32
        %dma_start3A_83 = arith.constant 0 : i32
        %dma_start3A_84 = tpu.memref_slice %arg10[%dma_start3A_82, %dma_start3A_83] : memref<80x64xf32, #tpu.memory_space<vmem>> -> memref<16x64xf32, #tpu.memory_space<vmem>>
        %dma_start3A_85 = arith.constant 9984 : i32
        %dma_start3A_86 = arith.constant 0 : i32
        %dma_start3A_87 = tpu.memref_slice %arg14[%dma_start3A_85, %dma_start3A_86] : memref<10000x64xf32, #tpu.memory_space<vmem_shared>> -> memref<16x64xf32, #tpu.memory_space<vmem_shared>>
        %dma_start3A_88 = arith.constant 9984 : i32
        %dma_start3A_89 = arith.constant 0 : i32
        %dma_start3A_90 = tpu.memref_slice %arg14[%dma_start3A_88, %dma_start3A_89] : memref<10000x64xf32, #tpu.memory_space<vmem_shared>> -> memref<16x64xf32, #tpu.memory_space<vmem_shared>>
        %dma_start3A_91 = arith.constant 0 : i32
        %dma_start3A_92 = arith.constant 0 : i32
        %dma_start3A_93 = tpu.memref_slice %arg10[%dma_start3A_91, %dma_start3A_92] : memref<80x64xf32, #tpu.memory_space<vmem>> -> memref<16x64xf32, #tpu.memory_space<vmem>>
        tpu.enqueue_dma source(%dma_start3A_93 : memref<16x64xf32, #tpu.memory_space<vmem>>) target(%dma_start3A_90 : memref<16x64xf32, #tpu.memory_space<vmem_shared>>) target_semaphore(%run_scoped3A : memref<!tpu.dma_semaphore, #tpu.memory_space<semaphore_mem>>)
        %dma_wait3A_94 = arith.constant 0 : i32
        %dma_wait3A_95 = arith.constant 0 : i32
        %dma_wait3A_96 = tpu.memref_slice %arg10[%dma_wait3A_94, %dma_wait3A_95] : memref<80x64xf32, #tpu.memory_space<vmem>> -> memref<16x64xf32, #tpu.memory_space<vmem>>
        %dma_wait3A_97 = arith.constant 9984 : i32
        %dma_wait3A_98 = arith.constant 0 : i32
        %dma_wait3A_99 = tpu.memref_slice %arg14[%dma_wait3A_97, %dma_wait3A_98] : memref<10000x64xf32, #tpu.memory_space<vmem_shared>> -> memref<16x64xf32, #tpu.memory_space<vmem_shared>>
        %dma_wait3A_100 = arith.constant 9984 : i32
        %dma_wait3A_101 = arith.constant 0 : i32
        %dma_wait3A_102 = tpu.memref_slice %arg14[%dma_wait3A_100, %dma_wait3A_101] : memref<10000x64xf32, #tpu.memory_space<vmem_shared>> -> memref<16x64xf32, #tpu.memory_space<vmem_shared>>
        %dma_wait3A_103 = arith.constant 0 : i32
        %dma_wait3A_104 = arith.constant 0 : i32
        %dma_wait3A_105 = tpu.memref_slice %arg10[%dma_wait3A_103, %dma_wait3A_104] : memref<80x64xf32, #tpu.memory_space<vmem>> -> memref<16x64xf32, #tpu.memory_space<vmem>>
        tpu.wait_dma2 semaphore(%run_scoped3A : memref<!tpu.dma_semaphore, #tpu.memory_space<semaphore_mem>>) src(%dma_wait3A_105 : memref<16x64xf32, #tpu.memory_space<vmem>>) dst(%dma_wait3A_102 : memref<16x64xf32, #tpu.memory_space<vmem_shared>>)
        tpu.yield
      }) : () -> ()
    } else {
    }
    "tpu.region"() ({
      %run_scoped3A = tpu.sem_alloc : memref<!tpu.dma_semaphore, #tpu.memory_space<semaphore_mem>>
      %dma_start3A_82 = arith.constant 0 : i32
      %dma_start3A_83 = arith.constant 0 : i32
      %dma_start3A_84 = tpu.memref_slice %arg3[%arg1, %dma_start3A_82, %dma_start3A_83] : memref<16x250x80xi32, #tpu.memory_space<hbm>> -> memref<1x250x80xi32, #tpu.memory_space<hbm>>
      %dma_start3A_85 = tpu.memref_squeeze %dma_start3A_84 : memref<1x250x80xi32, #tpu.memory_space<hbm>> -> memref<250x80xi32, #tpu.memory_space<hbm>>
      %dma_start3A_86 = arith.constant 0 : i32
      %dma_start3A_87 = arith.constant 0 : i32
      %dma_start3A_88 = tpu.memref_slice %arg3[%arg1, %dma_start3A_86, %dma_start3A_87] : memref<16x250x80xi32, #tpu.memory_space<hbm>> -> memref<1x250x80xi32, #tpu.memory_space<hbm>>
      %dma_start3A_89 = tpu.memref_squeeze %dma_start3A_88 : memref<1x250x80xi32, #tpu.memory_space<hbm>> -> memref<250x80xi32, #tpu.memory_space<hbm>>
      tpu.enqueue_dma source(%dma_start3A_89 : memref<250x80xi32, #tpu.memory_space<hbm>>) target(%arg7 : memref<250x80xi32, #tpu.memory_space<vmem>>) target_semaphore(%run_scoped3A : memref<!tpu.dma_semaphore, #tpu.memory_space<semaphore_mem>>)
      %dma_wait3A_90 = arith.constant 0 : i32
      %dma_wait3A_91 = arith.constant 0 : i32
      %dma_wait3A_92 = tpu.memref_slice %arg3[%arg1, %dma_wait3A_90, %dma_wait3A_91] : memref<16x250x80xi32, #tpu.memory_space<hbm>> -> memref<1x250x80xi32, #tpu.memory_space<hbm>>
      %dma_wait3A_93 = tpu.memref_squeeze %dma_wait3A_92 : memref<1x250x80xi32, #tpu.memory_space<hbm>> -> memref<250x80xi32, #tpu.memory_space<hbm>>
      %dma_wait3A_94 = arith.constant 0 : i32
      %dma_wait3A_95 = arith.constant 0 : i32
      %dma_wait3A_96 = tpu.memref_slice %arg3[%arg1, %dma_wait3A_94, %dma_wait3A_95] : memref<16x250x80xi32, #tpu.memory_space<hbm>> -> memref<1x250x80xi32, #tpu.memory_space<hbm>>
      %dma_wait3A_97 = tpu.memref_squeeze %dma_wait3A_96 : memref<1x250x80xi32, #tpu.memory_space<hbm>> -> memref<250x80xi32, #tpu.memory_space<hbm>>
      tpu.wait_dma2 semaphore(%run_scoped3A : memref<!tpu.dma_semaphore, #tpu.memory_space<semaphore_mem>>) src(%dma_wait3A_97 : memref<250x80xi32, #tpu.memory_space<hbm>>) dst(%arg7 : memref<250x80xi32, #tpu.memory_space<vmem>>)
      tpu.yield
    }) : () -> ()
    "tpu.region"() ({
      %run_scoped3A = tpu.sem_alloc : memref<!tpu.dma_semaphore, #tpu.memory_space<semaphore_mem>>
      %dma_start3A_82 = arith.constant 0 : i32
      %dma_start3A_83 = arith.constant 0 : i32
      %dma_start3A_84 = tpu.memref_slice %arg4[%arg0, %arg1, %dma_start3A_82, %dma_start3A_83] : memref<2x16x250x80xi32, #tpu.memory_space<hbm>> -> memref<1x1x250x80xi32, #tpu.memory_space<hbm>>
      %dma_start3A_85 = tpu.memref_squeeze %dma_start3A_84 : memref<1x1x250x80xi32, #tpu.memory_space<hbm>> -> memref<250x80xi32, #tpu.memory_space<hbm>>
      %dma_start3A_86 = arith.constant 0 : i32
      %dma_start3A_87 = arith.constant 0 : i32
      %dma_start3A_88 = tpu.memref_slice %arg4[%arg0, %arg1, %dma_start3A_86, %dma_start3A_87] : memref<2x16x250x80xi32, #tpu.memory_space<hbm>> -> memref<1x1x250x80xi32, #tpu.memory_space<hbm>>
      %dma_start3A_89 = tpu.memref_squeeze %dma_start3A_88 : memref<1x1x250x80xi32, #tpu.memory_space<hbm>> -> memref<250x80xi32, #tpu.memory_space<hbm>>
      tpu.enqueue_dma source(%dma_start3A_89 : memref<250x80xi32, #tpu.memory_space<hbm>>) target(%arg8 : memref<250x80xi32, #tpu.memory_space<vmem>>) target_semaphore(%run_scoped3A : memref<!tpu.dma_semaphore, #tpu.memory_space<semaphore_mem>>)
      %dma_wait3A_90 = arith.constant 0 : i32
      %dma_wait3A_91 = arith.constant 0 : i32
      %dma_wait3A_92 = tpu.memref_slice %arg4[%arg0, %arg1, %dma_wait3A_90, %dma_wait3A_91] : memref<2x16x250x80xi32, #tpu.memory_space<hbm>> -> memref<1x1x250x80xi32, #tpu.memory_space<hbm>>
      %dma_wait3A_93 = tpu.memref_squeeze %dma_wait3A_92 : memref<1x1x250x80xi32, #tpu.memory_space<hbm>> -> memref<250x80xi32, #tpu.memory_space<hbm>>
      %dma_wait3A_94 = arith.constant 0 : i32
      %dma_wait3A_95 = arith.constant 0 : i32
      %dma_wait3A_96 = tpu.memref_slice %arg4[%arg0, %arg1, %dma_wait3A_94, %dma_wait3A_95] : memref<2x16x250x80xi32, #tpu.memory_space<hbm>> -> memref<1x1x250x80xi32, #tpu.memory_space<hbm>>
      %dma_wait3A_97 = tpu.memref_squeeze %dma_wait3A_96 : memref<1x1x250x80xi32, #tpu.memory_space<hbm>> -> memref<250x80xi32, #tpu.memory_space<hbm>>
      tpu.wait_dma2 semaphore(%run_scoped3A : memref<!tpu.dma_semaphore, #tpu.memory_space<semaphore_mem>>) src(%dma_wait3A_97 : memref<250x80xi32, #tpu.memory_space<hbm>>) dst(%arg8 : memref<250x80xi32, #tpu.memory_space<vmem>>)
      tpu.yield
    }) : () -> ()
    "tpu.region"() ({
      %run_scoped3A = tpu.sem_alloc : memref<!tpu.dma_semaphore, #tpu.memory_space<semaphore_mem>>
      %dma_start3A_82 = arith.constant 0 : i32
      %dma_start3A_83 = tpu.memref_slice %arg5[%arg1, %dma_start3A_82] : memref<16x20000xf32, #tpu.memory_space<hbm>> -> memref<1x20000xf32, #tpu.memory_space<hbm>>
      %dma_start3A_84 = tpu.memref_squeeze %dma_start3A_83 : memref<1x20000xf32, #tpu.memory_space<hbm>> -> memref<20000xf32, #tpu.memory_space<hbm>>
      %dma_start3A_85 = arith.constant 0 : i32
      %dma_start3A_86 = tpu.memref_slice %arg5[%arg1, %dma_start3A_85] : memref<16x20000xf32, #tpu.memory_space<hbm>> -> memref<1x20000xf32, #tpu.memory_space<hbm>>
      %dma_start3A_87 = tpu.memref_squeeze %dma_start3A_86 : memref<1x20000xf32, #tpu.memory_space<hbm>> -> memref<20000xf32, #tpu.memory_space<hbm>>
      tpu.enqueue_dma source(%dma_start3A_87 : memref<20000xf32, #tpu.memory_space<hbm>>) target(%arg9 : memref<20000xf32, #tpu.memory_space<vmem>>) target_semaphore(%run_scoped3A : memref<!tpu.dma_semaphore, #tpu.memory_space<semaphore_mem>>)
      %dma_wait3A_88 = arith.constant 0 : i32
      %dma_wait3A_89 = tpu.memref_slice %arg5[%arg1, %dma_wait3A_88] : memref<16x20000xf32, #tpu.memory_space<hbm>> -> memref<1x20000xf32, #tpu.memory_space<hbm>>
      %dma_wait3A_90 = tpu.memref_squeeze %dma_wait3A_89 : memref<1x20000xf32, #tpu.memory_space<hbm>> -> memref<20000xf32, #tpu.memory_space<hbm>>
      %dma_wait3A_91 = arith.constant 0 : i32
      %dma_wait3A_92 = tpu.memref_slice %arg5[%arg1, %dma_wait3A_91] : memref<16x20000xf32, #tpu.memory_space<hbm>> -> memref<1x20000xf32, #tpu.memory_space<hbm>>
      %dma_wait3A_93 = tpu.memref_squeeze %dma_wait3A_92 : memref<1x20000xf32, #tpu.memory_space<hbm>> -> memref<20000xf32, #tpu.memory_space<hbm>>
      tpu.wait_dma2 semaphore(%run_scoped3A : memref<!tpu.dma_semaphore, #tpu.memory_space<semaphore_mem>>) src(%dma_wait3A_93 : memref<20000xf32, #tpu.memory_space<hbm>>) dst(%arg9 : memref<20000xf32, #tpu.memory_space<vmem>>)
      tpu.yield
    }) : () -> ()
    %barrier3A = arith.constant 0 : index
    tpu.barrier barrier_id(%barrier3A)
    %dma_start3A = arith.constant 0 : i32
    %dma_start3A_39 = arith.constant 0 : i32
    %dma_start3A_40 = tpu.memref_slice %arg8[%dma_start3A, %dma_start3A_39] : memref<250x80xi32, #tpu.memory_space<vmem>> -> memref<1x80xi32, #tpu.memory_space<vmem>>
    %dma_start3A_41 = tpu.memref_squeeze %dma_start3A_40 : memref<1x80xi32, #tpu.memory_space<vmem>> -> memref<80xi32, #tpu.memory_space<vmem>>
    %dma_start3A_42 = arith.constant 0 : i32
    %dma_start3A_43 = arith.constant 0 : i32
    %dma_start3A_44 = tpu.memref_slice %arg2[%dma_start3A_42, %dma_start3A_43] : memref<20000x64xf32, #tpu.memory_space<hbm>> -> memref<20000x64xf32, #tpu.memory_space<hbm>>
    tpu.enqueue_indirect_dma source(%dma_start3A_44 : memref<20000x64xf32, #tpu.memory_space<hbm>>) target(%arg10 : memref<80x64xf32, #tpu.memory_space<vmem>>) offsets(%dma_start3A_41 : memref<80xi32, #tpu.memory_space<vmem>>) semaphore(%arg15 : memref<!tpu.dma_semaphore, #tpu.memory_space<semaphore_mem>>)
    %dma_start3A_45 = arith.constant 1 : i32
    %dma_start3A_46 = arith.constant 0 : i32
    %dma_start3A_47 = tpu.memref_slice %arg8[%dma_start3A_45, %dma_start3A_46] : memref<250x80xi32, #tpu.memory_space<vmem>> -> memref<1x80xi32, #tpu.memory_space<vmem>>
    %dma_start3A_48 = tpu.memref_squeeze %dma_start3A_47 : memref<1x80xi32, #tpu.memory_space<vmem>> -> memref<80xi32, #tpu.memory_space<vmem>>
    %dma_start3A_49 = arith.constant 0 : i32
    %dma_start3A_50 = arith.constant 0 : i32
    %dma_start3A_51 = tpu.memref_slice %arg2[%dma_start3A_49, %dma_start3A_50] : memref<20000x64xf32, #tpu.memory_space<hbm>> -> memref<20000x64xf32, #tpu.memory_space<hbm>>
    tpu.enqueue_indirect_dma source(%dma_start3A_51 : memref<20000x64xf32, #tpu.memory_space<hbm>>) target(%arg11 : memref<80x64xf32, #tpu.memory_space<vmem>>) offsets(%dma_start3A_48 : memref<80xi32, #tpu.memory_space<vmem>>) semaphore(%arg16 : memref<!tpu.dma_semaphore, #tpu.memory_space<semaphore_mem>>)
    %scan3A_52 = arith.constant 0 : i32
    %scan3A_53 = arith.constant 0 : i32
    %scan3A_54 = arith.constant 125 : i32
    %scan3A_55 = arith.addi %scan3A_53, %scan3A_54 : i32
    %scan3A_56 = arith.constant 1 : i32
    %scan3A_57 = scf.for %scan3A_82 = %scan3A_53 to %scan3A_55 step %scan3A_56 iter_args(%scan3A_83 = %scan3A_52) -> (i32)  : i32 {
      %mul3A_84 = arith.constant 2 : i32
      %mul3A_85 = arith.muli %scan3A_82, %mul3A_84 : i32
      %add3A_86 = arith.constant 0 : i32
      %add3A_87 = arith.addi %mul3A_85, %add3A_86 : i32
      %dma_wait3A_88 = arith.constant 0 : i32
      %dma_wait3A_89 = tpu.memref_slice %arg8[%add3A_87, %dma_wait3A_88] : memref<250x80xi32, #tpu.memory_space<vmem>> -> memref<1x80xi32, #tpu.memory_space<vmem>>
      %dma_wait3A_90 = tpu.memref_squeeze %dma_wait3A_89 : memref<1x80xi32, #tpu.memory_space<vmem>> -> memref<80xi32, #tpu.memory_space<vmem>>
      %dma_wait3A_91 = arith.constant 0 : i32
      %dma_wait3A_92 = arith.constant 0 : i32
      %dma_wait3A_93 = tpu.memref_slice %arg2[%dma_wait3A_91, %dma_wait3A_92] : memref<20000x64xf32, #tpu.memory_space<hbm>> -> memref<20000x64xf32, #tpu.memory_space<hbm>>
      tpu.wait_indirect_dma semaphore(%arg15 : memref<!tpu.dma_semaphore, #tpu.memory_space<semaphore_mem>>) src(%dma_wait3A_93 : memref<20000x64xf32, #tpu.memory_space<hbm>>) dst(%arg10 : memref<80x64xf32, #tpu.memory_space<vmem>>)
      %ge3A = arith.constant 1 : i32
      %ge3A_94 = arith.cmpi sge, %scan3A_82, %ge3A : i32
      %convert_element_type3A_95 = arith.extui %ge3A_94 : i1 to i32
      %cond3A_96 = arith.constant 0 : i32
      %cond3A_97 = arith.cmpi ne, %convert_element_type3A_95, %cond3A_96 : i32
      scf.if %cond3A_97 {
        %sub3A = arith.constant 2 : i32
        %sub3A_153 = arith.subi %add3A_87, %sub3A : i32
        %dma_wait3A_154 = arith.constant 0 : i32
        %dma_wait3A_155 = tpu.memref_slice %arg7[%sub3A_153, %dma_wait3A_154] : memref<250x80xi32, #tpu.memory_space<vmem>> -> memref<1x80xi32, #tpu.memory_space<vmem>>
        %dma_wait3A_156 = tpu.memref_squeeze %dma_wait3A_155 : memref<1x80xi32, #tpu.memory_space<vmem>> -> memref<80xi32, #tpu.memory_space<vmem>>
        %dma_wait3A_157 = arith.constant 0 : i32
        %dma_wait3A_158 = arith.constant 0 : i32
        %dma_wait3A_159 = tpu.memref_slice %arg14[%dma_wait3A_157, %dma_wait3A_158] : memref<10000x64xf32, #tpu.memory_space<vmem_shared>> -> memref<10000x64xf32, #tpu.memory_space<vmem_shared>>
        tpu.wait_indirect_dma semaphore(%arg17 : memref<!tpu.dma_semaphore, #tpu.memory_space<semaphore_mem>>) src(%arg12 : memref<80x64xf32, #tpu.memory_space<vmem>>) dst(%dma_wait3A_159 : memref<10000x64xf32, #tpu.memory_space<vmem_shared>>)
      } else {
      }
      %scan3A_98 = arith.constant 0 : i32
      %scan3A_99 = arith.constant 0 : i32
      %scan3A_100 = arith.constant 5 : i32
      %scan3A_101 = arith.addi %scan3A_99, %scan3A_100 : i32
      %scan3A_102 = arith.constant 1 : i32
      %scan3A_103 = scf.for %scan3A_153 = %scan3A_99 to %scan3A_101 step %scan3A_102 iter_args(%scan3A_154 = %scan3A_98) -> (i32)  : i32 {
        %mul3A_155 = arith.constant 80 : i32
        %mul3A_156 = arith.muli %add3A_87, %mul3A_155 : i32
        %mul3A_157 = arith.constant 16 : i32
        %mul3A_158 = arith.muli %scan3A_153, %mul3A_157 : i32
        %add3A_159 = arith.addi %mul3A_156, %mul3A_158 : i32
        %get3A = arith.index_cast %add3A_159 : i32 to index
        %get3A_160 = tpu.vector_load %arg9[%get3A] {strides = array<i32>} : memref<20000xf32, #tpu.memory_space<vmem>>, vector<16xf32>,
        %get3A_161 = vector.shape_cast %get3A_160 : vector<16xf32> to vector<16xf32>
        %broadcast_in_dim3A_162 = arith.constant 0 : i32
        %broadcast_in_dim3A_163 = vector.broadcast %broadcast_in_dim3A_162 : i32 to vector<16xi32>
        %broadcast_in_dim3A_164 = vector.shape_cast %broadcast_in_dim3A_163 : vector<16xi32> to vector<16x1xi32>
        %gather3A = vector.shape_cast %broadcast_in_dim3A_164 : vector<16x1xi32> to vector<16xi32>
        %gather3A_165 = tpu.dynamic_gather %get3A_161[%gather3A] in [0] : vector<16xf32>, vector<16xi32> -> vector<16xf32>
        %broadcast_in_dim3A_166 = arith.constant 1 : i32
        %broadcast_in_dim3A_167 = vector.broadcast %broadcast_in_dim3A_166 : i32 to vector<16xi32>
        %broadcast_in_dim3A_168 = vector.shape_cast %broadcast_in_dim3A_167 : vector<16xi32> to vector<16x1xi32>
        %gather3A_169 = vector.shape_cast %broadcast_in_dim3A_168 : vector<16x1xi32> to vector<16xi32>
        %gather3A_170 = tpu.dynamic_gather %get3A_161[%gather3A_169] in [0] : vector<16xf32>, vector<16xi32> -> vector<16xf32>
        %broadcast_in_dim3A_171 = arith.constant 2 : i32
        %broadcast_in_dim3A_172 = vector.broadcast %broadcast_in_dim3A_171 : i32 to vector<16xi32>
        %broadcast_in_dim3A_173 = vector.shape_cast %broadcast_in_dim3A_172 : vector<16xi32> to vector<16x1xi32>
        %gather3A_174 = vector.shape_cast %broadcast_in_dim3A_173 : vector<16x1xi32> to vector<16xi32>
        %gather3A_175 = tpu.dynamic_gather %get3A_161[%gather3A_174] in [0] : vector<16xf32>, vector<16xi32> -> vector<16xf32>
        %broadcast_in_dim3A_176 = arith.constant 3 : i32
        %broadcast_in_dim3A_177 = vector.broadcast %broadcast_in_dim3A_176 : i32 to vector<16xi32>
        %broadcast_in_dim3A_178 = vector.shape_cast %broadcast_in_dim3A_177 : vector<16xi32> to vector<16x1xi32>
        %gather3A_179 = vector.shape_cast %broadcast_in_dim3A_178 : vector<16x1xi32> to vector<16xi32>
        %gather3A_180 = tpu.dynamic_gather %get3A_161[%gather3A_179] in [0] : vector<16xf32>, vector<16xi32> -> vector<16xf32>
        %mul3A_181 = arith.constant 16 : i32
        %mul3A_182 = arith.muli %scan3A_153, %mul3A_181 : i32
        %add3A_183 = arith.constant 0 : i32
        %add3A_184 = arith.addi %mul3A_182, %add3A_183 : i32
        %add3A_185 = arith.constant 0 : i32
        %add3A_186 = arith.addi %add3A_184, %add3A_185 : i32
        %get3A_187 = arith.index_cast %add3A_186 : i32 to index
        %get3A_188 = arith.constant 0 : index
        %get3A_189 = tpu.vector_load %arg10[%get3A_187, %get3A_188] {strides = array<i32>} : memref<80x64xf32, #tpu.memory_space<vmem>>, vector<1x16xf32>,
        %get3A_190 = vector.shape_cast %get3A_189 : vector<1x16xf32> to vector<16xf32>
        %mul3A_191 = arith.constant 16 : i32
        %mul3A_192 = arith.muli %scan3A_153, %mul3A_191 : i32
        %add3A_193 = arith.constant 0 : i32
        %add3A_194 = arith.addi %mul3A_192, %add3A_193 : i32
        %add3A_195 = arith.constant 0 : i32
        %add3A_196 = arith.addi %add3A_194, %add3A_195 : i32
        %get3A_197 = arith.index_cast %add3A_196 : i32 to index
        %get3A_198 = arith.constant 16 : index
        %get3A_199 = tpu.vector_load %arg10[%get3A_197, %get3A_198] {strides = array<i32>} : memref<80x64xf32, #tpu.memory_space<vmem>>, vector<1x16xf32>,
        %get3A_200 = vector.shape_cast %get3A_199 : vector<1x16xf32> to vector<16xf32>
        %mul3A_201 = arith.constant 16 : i32
        %mul3A_202 = arith.muli %scan3A_153, %mul3A_201 : i32
        %add3A_203 = arith.constant 0 : i32
        %add3A_204 = arith.addi %mul3A_202, %add3A_203 : i32
        %add3A_205 = arith.constant 0 : i32
        %add3A_206 = arith.addi %add3A_204, %add3A_205 : i32
        %get3A_207 = arith.index_cast %add3A_206 : i32 to index
        %get3A_208 = arith.constant 32 : index
        %get3A_209 = tpu.vector_load %arg10[%get3A_207, %get3A_208] {strides = array<i32>} : memref<80x64xf32, #tpu.memory_space<vmem>>, vector<1x16xf32>,
        %get3A_210 = vector.shape_cast %get3A_209 : vector<1x16xf32> to vector<16xf32>
        %mul3A_211 = arith.constant 16 : i32
        %mul3A_212 = arith.muli %scan3A_153, %mul3A_211 : i32
        %add3A_213 = arith.constant 0 : i32
        %add3A_214 = arith.addi %mul3A_212, %add3A_213 : i32
        %add3A_215 = arith.constant 0 : i32
        %add3A_216 = arith.addi %add3A_214, %add3A_215 : i32
        %get3A_217 = arith.index_cast %add3A_216 : i32 to index
        %get3A_218 = arith.constant 48 : index
        %get3A_219 = tpu.vector_load %arg10[%get3A_217, %get3A_218] {strides = array<i32>} : memref<80x64xf32, #tpu.memory_space<vmem>>, vector<1x16xf32>,
        %get3A_220 = vector.shape_cast %get3A_219 : vector<1x16xf32> to vector<16xf32>
        %mul3A_221 = arith.constant 16 : i32
        %mul3A_222 = arith.muli %scan3A_153, %mul3A_221 : i32
        %add3A_223 = arith.constant 0 : i32
        %add3A_224 = arith.addi %mul3A_222, %add3A_223 : i32
        %add3A_225 = arith.constant 1 : i32
        %add3A_226 = arith.addi %add3A_224, %add3A_225 : i32
        %get3A_227 = arith.index_cast %add3A_226 : i32 to index
        %get3A_228 = arith.constant 0 : index
        %get3A_229 = tpu.vector_load %arg10[%get3A_227, %get3A_228] {strides = array<i32>} : memref<80x64xf32, #tpu.memory_space<vmem>>, vector<1x16xf32>,
        %get3A_230 = vector.shape_cast %get3A_229 : vector<1x16xf32> to vector<16xf32>
        %mul3A_231 = arith.constant 16 : i32
        %mul3A_232 = arith.muli %scan3A_153, %mul3A_231 : i32
        %add3A_233 = arith.constant 0 : i32
        %add3A_234 = arith.addi %mul3A_232, %add3A_233 : i32
        %add3A_235 = arith.constant 1 : i32
        %add3A_236 = arith.addi %add3A_234, %add3A_235 : i32
        %get3A_237 = arith.index_cast %add3A_236 : i32 to index
        %get3A_238 = arith.constant 16 : index
        %get3A_239 = tpu.vector_load %arg10[%get3A_237, %get3A_238] {strides = array<i32>} : memref<80x64xf32, #tpu.memory_space<vmem>>, vector<1x16xf32>,
        %get3A_240 = vector.shape_cast %get3A_239 : vector<1x16xf32> to vector<16xf32>
        %mul3A_241 = arith.constant 16 : i32
        %mul3A_242 = arith.muli %scan3A_153, %mul3A_241 : i32
        %add3A_243 = arith.constant 0 : i32
        %add3A_244 = arith.addi %mul3A_242, %add3A_243 : i32
        %add3A_245 = arith.constant 1 : i32
        %add3A_246 = arith.addi %add3A_244, %add3A_245 : i32
        %get3A_247 = arith.index_cast %add3A_246 : i32 to index
        %get3A_248 = arith.constant 32 : index
        %get3A_249 = tpu.vector_load %arg10[%get3A_247, %get3A_248] {strides = array<i32>} : memref<80x64xf32, #tpu.memory_space<vmem>>, vector<1x16xf32>,
        %get3A_250 = vector.shape_cast %get3A_249 : vector<1x16xf32> to vector<16xf32>
        %mul3A_251 = arith.constant 16 : i32
        %mul3A_252 = arith.muli %scan3A_153, %mul3A_251 : i32
        %add3A_253 = arith.constant 0 : i32
        %add3A_254 = arith.addi %mul3A_252, %add3A_253 : i32
        %add3A_255 = arith.constant 1 : i32
        %add3A_256 = arith.addi %add3A_254, %add3A_255 : i32
        %get3A_257 = arith.index_cast %add3A_256 : i32 to index
        %get3A_258 = arith.constant 48 : index
        %get3A_259 = tpu.vector_load %arg10[%get3A_257, %get3A_258] {strides = array<i32>} : memref<80x64xf32, #tpu.memory_space<vmem>>, vector<1x16xf32>,
        %get3A_260 = vector.shape_cast %get3A_259 : vector<1x16xf32> to vector<16xf32>
        %mul3A_261 = arith.constant 16 : i32
        %mul3A_262 = arith.muli %scan3A_153, %mul3A_261 : i32
        %add3A_263 = arith.constant 0 : i32
        %add3A_264 = arith.addi %mul3A_262, %add3A_263 : i32
        %add3A_265 = arith.constant 2 : i32
        %add3A_266 = arith.addi %add3A_264, %add3A_265 : i32
        %get3A_267 = arith.index_cast %add3A_266 : i32 to index
        %get3A_268 = arith.constant 0 : index
        %get3A_269 = tpu.vector_load %arg10[%get3A_267, %get3A_268] {strides = array<i32>} : memref<80x64xf32, #tpu.memory_space<vmem>>, vector<1x16xf32>,
        %get3A_270 = vector.shape_cast %get3A_269 : vector<1x16xf32> to vector<16xf32>
        %mul3A_271 = arith.constant 16 : i32
        %mul3A_272 = arith.muli %scan3A_153, %mul3A_271 : i32
        %add3A_273 = arith.constant 0 : i32
        %add3A_274 = arith.addi %mul3A_272, %add3A_273 : i32
        %add3A_275 = arith.constant 2 : i32
        %add3A_276 = arith.addi %add3A_274, %add3A_275 : i32
        %get3A_277 = arith.index_cast %add3A_276 : i32 to index
        %get3A_278 = arith.constant 16 : index
        %get3A_279 = tpu.vector_load %arg10[%get3A_277, %get3A_278] {strides = array<i32>} : memref<80x64xf32, #tpu.memory_space<vmem>>, vector<1x16xf32>,
        %get3A_280 = vector.shape_cast %get3A_279 : vector<1x16xf32> to vector<16xf32>
        %mul3A_281 = arith.constant 16 : i32
        %mul3A_282 = arith.muli %scan3A_153, %mul3A_281 : i32
        %add3A_283 = arith.constant 0 : i32
        %add3A_284 = arith.addi %mul3A_282, %add3A_283 : i32
        %add3A_285 = arith.constant 2 : i32
        %add3A_286 = arith.addi %add3A_284, %add3A_285 : i32
        %get3A_287 = arith.index_cast %add3A_286 : i32 to index
        %get3A_288 = arith.constant 32 : index
        %get3A_289 = tpu.vector_load %arg10[%get3A_287, %get3A_288] {strides = array<i32>} : memref<80x64xf32, #tpu.memory_space<vmem>>, vector<1x16xf32>,
        %get3A_290 = vector.shape_cast %get3A_289 : vector<1x16xf32> to vector<16xf32>
        %mul3A_291 = arith.constant 16 : i32
        %mul3A_292 = arith.muli %scan3A_153, %mul3A_291 : i32
        %add3A_293 = arith.constant 0 : i32
        %add3A_294 = arith.addi %mul3A_292, %add3A_293 : i32
        %add3A_295 = arith.constant 2 : i32
        %add3A_296 = arith.addi %add3A_294, %add3A_295 : i32
        %get3A_297 = arith.index_cast %add3A_296 : i32 to index
        %get3A_298 = arith.constant 48 : index
        %get3A_299 = tpu.vector_load %arg10[%get3A_297, %get3A_298] {strides = array<i32>} : memref<80x64xf32, #tpu.memory_space<vmem>>, vector<1x16xf32>,
        %get3A_300 = vector.shape_cast %get3A_299 : vector<1x16xf32> to vector<16xf32>
        %mul3A_301 = arith.constant 16 : i32
        %mul3A_302 = arith.muli %scan3A_153, %mul3A_301 : i32
        %add3A_303 = arith.constant 0 : i32
        %add3A_304 = arith.addi %mul3A_302, %add3A_303 : i32
        %add3A_305 = arith.constant 3 : i32
        %add3A_306 = arith.addi %add3A_304, %add3A_305 : i32
        %get3A_307 = arith.index_cast %add3A_306 : i32 to index
        %get3A_308 = arith.constant 0 : index
        %get3A_309 = tpu.vector_load %arg10[%get3A_307, %get3A_308] {strides = array<i32>} : memref<80x64xf32, #tpu.memory_space<vmem>>, vector<1x16xf32>,
        %get3A_310 = vector.shape_cast %get3A_309 : vector<1x16xf32> to vector<16xf32>
        %mul3A_311 = arith.constant 16 : i32
        %mul3A_312 = arith.muli %scan3A_153, %mul3A_311 : i32
        %add3A_313 = arith.constant 0 : i32
        %add3A_314 = arith.addi %mul3A_312, %add3A_313 : i32
        %add3A_315 = arith.constant 3 : i32
        %add3A_316 = arith.addi %add3A_314, %add3A_315 : i32
        %get3A_317 = arith.index_cast %add3A_316 : i32 to index
        %get3A_318 = arith.constant 16 : index
        %get3A_319 = tpu.vector_load %arg10[%get3A_317, %get3A_318] {strides = array<i32>} : memref<80x64xf32, #tpu.memory_space<vmem>>, vector<1x16xf32>,
        %get3A_320 = vector.shape_cast %get3A_319 : vector<1x16xf32> to vector<16xf32>
        %mul3A_321 = arith.constant 16 : i32
        %mul3A_322 = arith.muli %scan3A_153, %mul3A_321 : i32
        %add3A_323 = arith.constant 0 : i32
        %add3A_324 = arith.addi %mul3A_322, %add3A_323 : i32
        %add3A_325 = arith.constant 3 : i32
        %add3A_326 = arith.addi %add3A_324, %add3A_325 : i32
        %get3A_327 = arith.index_cast %add3A_326 : i32 to index
        %get3A_328 = arith.constant 32 : index
        %get3A_329 = tpu.vector_load %arg10[%get3A_327, %get3A_328] {strides = array<i32>} : memref<80x64xf32, #tpu.memory_space<vmem>>, vector<1x16xf32>,
        %get3A_330 = vector.shape_cast %get3A_329 : vector<1x16xf32> to vector<16xf32>
        %mul3A_331 = arith.constant 16 : i32
        %mul3A_332 = arith.muli %scan3A_153, %mul3A_331 : i32
        %add3A_333 = arith.constant 0 : i32
        %add3A_334 = arith.addi %mul3A_332, %add3A_333 : i32
        %add3A_335 = arith.constant 3 : i32
        %add3A_336 = arith.addi %add3A_334, %add3A_335 : i32
        %get3A_337 = arith.index_cast %add3A_336 : i32 to index
        %get3A_338 = arith.constant 48 : index
        %get3A_339 = tpu.vector_load %arg10[%get3A_337, %get3A_338] {strides = array<i32>} : memref<80x64xf32, #tpu.memory_space<vmem>>, vector<1x16xf32>,
        %get3A_340 = vector.shape_cast %get3A_339 : vector<1x16xf32> to vector<16xf32>
        %mul3A_341 = arith.mulf %get3A_190, %gather3A_165 : vector<16xf32>
        %mul3A_342 = arith.constant 16 : i32
        %mul3A_343 = arith.muli %scan3A_153, %mul3A_342 : i32
        %add3A_344 = arith.constant 0 : i32
        %add3A_345 = arith.addi %mul3A_343, %add3A_344 : i32
        %add3A_346 = arith.constant 0 : i32
        %add3A_347 = arith.addi %add3A_345, %add3A_346 : i32
        %swap3A = arith.index_cast %add3A_347 : i32 to index
        %swap3A_348 = arith.constant 0 : index
        %swap3A_349 = tpu.vector_load %arg12[%swap3A, %swap3A_348] {strides = array<i32>} : memref<80x64xf32, #tpu.memory_space<vmem>>, vector<1x16xf32>,
        %swap3A_350 = vector.shape_cast %swap3A_349 : vector<1x16xf32> to vector<16xf32>
        %swap3A_351 = vector.shape_cast %mul3A_341 : vector<16xf32> to vector<1x16xf32>
        tpu.vector_store %arg12[%swap3A, %swap3A_348], %swap3A_351 {strides = array<i32>} : memref<80x64xf32, #tpu.memory_space<vmem>>, vector<1x16xf32>,
        %mul3A_352 = arith.mulf %get3A_200, %gather3A_165 : vector<16xf32>
        %mul3A_353 = arith.constant 16 : i32
        %mul3A_354 = arith.muli %scan3A_153, %mul3A_353 : i32
        %add3A_355 = arith.constant 0 : i32
        %add3A_356 = arith.addi %mul3A_354, %add3A_355 : i32
        %add3A_357 = arith.constant 0 : i32
        %add3A_358 = arith.addi %add3A_356, %add3A_357 : i32
        %swap3A_359 = arith.index_cast %add3A_358 : i32 to index
        %swap3A_360 = arith.constant 16 : index
        %swap3A_361 = tpu.vector_load %arg12[%swap3A_359, %swap3A_360] {strides = array<i32>} : memref<80x64xf32, #tpu.memory_space<vmem>>, vector<1x16xf32>,
        %swap3A_362 = vector.shape_cast %swap3A_361 : vector<1x16xf32> to vector<16xf32>
        %swap3A_363 = vector.shape_cast %mul3A_352 : vector<16xf32> to vector<1x16xf32>
        tpu.vector_store %arg12[%swap3A_359, %swap3A_360], %swap3A_363 {strides = array<i32>} : memref<80x64xf32, #tpu.memory_space<vmem>>, vector<1x16xf32>,
        %mul3A_364 = arith.mulf %get3A_210, %gather3A_165 : vector<16xf32>
        %mul3A_365 = arith.constant 16 : i32
        %mul3A_366 = arith.muli %scan3A_153, %mul3A_365 : i32
        %add3A_367 = arith.constant 0 : i32
        %add3A_368 = arith.addi %mul3A_366, %add3A_367 : i32
        %add3A_369 = arith.constant 0 : i32
        %add3A_370 = arith.addi %add3A_368, %add3A_369 : i32
        %swap3A_371 = arith.index_cast %add3A_370 : i32 to index
        %swap3A_372 = arith.constant 32 : index
        %swap3A_373 = tpu.vector_load %arg12[%swap3A_371, %swap3A_372] {strides = array<i32>} : memref<80x64xf32, #tpu.memory_space<vmem>>, vector<1x16xf32>,
        %swap3A_374 = vector.shape_cast %swap3A_373 : vector<1x16xf32> to vector<16xf32>
        %swap3A_375 = vector.shape_cast %mul3A_364 : vector<16xf32> to vector<1x16xf32>
        tpu.vector_store %arg12[%swap3A_371, %swap3A_372], %swap3A_375 {strides = array<i32>} : memref<80x64xf32, #tpu.memory_space<vmem>>, vector<1x16xf32>,
        %mul3A_376 = arith.mulf %get3A_220, %gather3A_165 : vector<16xf32>
        %mul3A_377 = arith.constant 16 : i32
        %mul3A_378 = arith.muli %scan3A_153, %mul3A_377 : i32
        %add3A_379 = arith.constant 0 : i32
        %add3A_380 = arith.addi %mul3A_378, %add3A_379 : i32
        %add3A_381 = arith.constant 0 : i32
        %add3A_382 = arith.addi %add3A_380, %add3A_381 : i32
        %swap3A_383 = arith.index_cast %add3A_382 : i32 to index
        %swap3A_384 = arith.constant 48 : index
        %swap3A_385 = tpu.vector_load %arg12[%swap3A_383, %swap3A_384] {strides = array<i32>} : memref<80x64xf32, #tpu.memory_space<vmem>>, vector<1x16xf32>,
        %swap3A_386 = vector.shape_cast %swap3A_385 : vector<1x16xf32> to vector<16xf32>
        %swap3A_387 = vector.shape_cast %mul3A_376 : vector<16xf32> to vector<1x16xf32>
        tpu.vector_store %arg12[%swap3A_383, %swap3A_384], %swap3A_387 {strides = array<i32>} : memref<80x64xf32, #tpu.memory_space<vmem>>, vector<1x16xf32>,
        %mul3A_388 = arith.mulf %get3A_230, %gather3A_170 : vector<16xf32>
        %mul3A_389 = arith.constant 16 : i32
        %mul3A_390 = arith.muli %scan3A_153, %mul3A_389 : i32
        %add3A_391 = arith.constant 0 : i32
        %add3A_392 = arith.addi %mul3A_390, %add3A_391 : i32
        %add3A_393 = arith.constant 1 : i32
        %add3A_394 = arith.addi %add3A_392, %add3A_393 : i32
        %swap3A_395 = arith.index_cast %add3A_394 : i32 to index
        %swap3A_396 = arith.constant 0 : index
        %swap3A_397 = tpu.vector_load %arg12[%swap3A_395, %swap3A_396] {strides = array<i32>} : memref<80x64xf32, #tpu.memory_space<vmem>>, vector<1x16xf32>,
        %swap3A_398 = vector.shape_cast %swap3A_397 : vector<1x16xf32> to vector<16xf32>
        %swap3A_399 = vector.shape_cast %mul3A_388 : vector<16xf32> to vector<1x16xf32>
        tpu.vector_store %arg12[%swap3A_395, %swap3A_396], %swap3A_399 {strides = array<i32>} : memref<80x64xf32, #tpu.memory_space<vmem>>, vector<1x16xf32>,
        %mul3A_400 = arith.mulf %get3A_240, %gather3A_170 : vector<16xf32>
        %mul3A_401 = arith.constant 16 : i32
        %mul3A_402 = arith.muli %scan3A_153, %mul3A_401 : i32
        %add3A_403 = arith.constant 0 : i32
        %add3A_404 = arith.addi %mul3A_402, %add3A_403 : i32
        %add3A_405 = arith.constant 1 : i32
        %add3A_406 = arith.addi %add3A_404, %add3A_405 : i32
        %swap3A_407 = arith.index_cast %add3A_406 : i32 to index
        %swap3A_408 = arith.constant 16 : index
        %swap3A_409 = tpu.vector_load %arg12[%swap3A_407, %swap3A_408] {strides = array<i32>} : memref<80x64xf32, #tpu.memory_space<vmem>>, vector<1x16xf32>,
        %swap3A_410 = vector.shape_cast %swap3A_409 : vector<1x16xf32> to vector<16xf32>
        %swap3A_411 = vector.shape_cast %mul3A_400 : vector<16xf32> to vector<1x16xf32>
        tpu.vector_store %arg12[%swap3A_407, %swap3A_408], %swap3A_411 {strides = array<i32>} : memref<80x64xf32, #tpu.memory_space<vmem>>, vector<1x16xf32>,
        %mul3A_412 = arith.mulf %get3A_250, %gather3A_170 : vector<16xf32>
        %mul3A_413 = arith.constant 16 : i32
        %mul3A_414 = arith.muli %scan3A_153, %mul3A_413 : i32
        %add3A_415 = arith.constant 0 : i32
        %add3A_416 = arith.addi %mul3A_414, %add3A_415 : i32
        %add3A_417 = arith.constant 1 : i32
        %add3A_418 = arith.addi %add3A_416, %add3A_417 : i32
        %swap3A_419 = arith.index_cast %add3A_418 : i32 to index
        %swap3A_420 = arith.constant 32 : index
        %swap3A_421 = tpu.vector_load %arg12[%swap3A_419, %swap3A_420] {strides = array<i32>} : memref<80x64xf32, #tpu.memory_space<vmem>>, vector<1x16xf32>,
        %swap3A_422 = vector.shape_cast %swap3A_421 : vector<1x16xf32> to vector<16xf32>
        %swap3A_423 = vector.shape_cast %mul3A_412 : vector<16xf32> to vector<1x16xf32>
        tpu.vector_store %arg12[%swap3A_419, %swap3A_420], %swap3A_423 {strides = array<i32>} : memref<80x64xf32, #tpu.memory_space<vmem>>, vector<1x16xf32>,
        %mul3A_424 = arith.mulf %get3A_260, %gather3A_170 : vector<16xf32>
        %mul3A_425 = arith.constant 16 : i32
        %mul3A_426 = arith.muli %scan3A_153, %mul3A_425 : i32
        %add3A_427 = arith.constant 0 : i32
        %add3A_428 = arith.addi %mul3A_426, %add3A_427 : i32
        %add3A_429 = arith.constant 1 : i32
        %add3A_430 = arith.addi %add3A_428, %add3A_429 : i32
        %swap3A_431 = arith.index_cast %add3A_430 : i32 to index
        %swap3A_432 = arith.constant 48 : index
        %swap3A_433 = tpu.vector_load %arg12[%swap3A_431, %swap3A_432] {strides = array<i32>} : memref<80x64xf32, #tpu.memory_space<vmem>>, vector<1x16xf32>,
        %swap3A_434 = vector.shape_cast %swap3A_433 : vector<1x16xf32> to vector<16xf32>
        %swap3A_435 = vector.shape_cast %mul3A_424 : vector<16xf32> to vector<1x16xf32>
        tpu.vector_store %arg12[%swap3A_431, %swap3A_432], %swap3A_435 {strides = array<i32>} : memref<80x64xf32, #tpu.memory_space<vmem>>, vector<1x16xf32>,
        %mul3A_436 = arith.mulf %get3A_270, %gather3A_175 : vector<16xf32>
        %mul3A_437 = arith.constant 16 : i32
        %mul3A_438 = arith.muli %scan3A_153, %mul3A_437 : i32
        %add3A_439 = arith.constant 0 : i32
        %add3A_440 = arith.addi %mul3A_438, %add3A_439 : i32
        %add3A_441 = arith.constant 2 : i32
        %add3A_442 = arith.addi %add3A_440, %add3A_441 : i32
        %swap3A_443 = arith.index_cast %add3A_442 : i32 to index
        %swap3A_444 = arith.constant 0 : index
        %swap3A_445 = tpu.vector_load %arg12[%swap3A_443, %swap3A_444] {strides = array<i32>} : memref<80x64xf32, #tpu.memory_space<vmem>>, vector<1x16xf32>,
        %swap3A_446 = vector.shape_cast %swap3A_445 : vector<1x16xf32> to vector<16xf32>
        %swap3A_447 = vector.shape_cast %mul3A_436 : vector<16xf32> to vector<1x16xf32>
        tpu.vector_store %arg12[%swap3A_443, %swap3A_444], %swap3A_447 {strides = array<i32>} : memref<80x64xf32, #tpu.memory_space<vmem>>, vector<1x16xf32>,
        %mul3A_448 = arith.mulf %get3A_280, %gather3A_175 : vector<16xf32>
        %mul3A_449 = arith.constant 16 : i32
        %mul3A_450 = arith.muli %scan3A_153, %mul3A_449 : i32
        %add3A_451 = arith.constant 0 : i32
        %add3A_452 = arith.addi %mul3A_450, %add3A_451 : i32
        %add3A_453 = arith.constant 2 : i32
        %add3A_454 = arith.addi %add3A_452, %add3A_453 : i32
        %swap3A_455 = arith.index_cast %add3A_454 : i32 to index
        %swap3A_456 = arith.constant 16 : index
        %swap3A_457 = tpu.vector_load %arg12[%swap3A_455, %swap3A_456] {strides = array<i32>} : memref<80x64xf32, #tpu.memory_space<vmem>>, vector<1x16xf32>,
        %swap3A_458 = vector.shape_cast %swap3A_457 : vector<1x16xf32> to vector<16xf32>
        %swap3A_459 = vector.shape_cast %mul3A_448 : vector<16xf32> to vector<1x16xf32>
        tpu.vector_store %arg12[%swap3A_455, %swap3A_456], %swap3A_459 {strides = array<i32>} : memref<80x64xf32, #tpu.memory_space<vmem>>, vector<1x16xf32>,
        %mul3A_460 = arith.mulf %get3A_290, %gather3A_175 : vector<16xf32>
        %mul3A_461 = arith.constant 16 : i32
        %mul3A_462 = arith.muli %scan3A_153, %mul3A_461 : i32
        %add3A_463 = arith.constant 0 : i32
        %add3A_464 = arith.addi %mul3A_462, %add3A_463 : i32
        %add3A_465 = arith.constant 2 : i32
        %add3A_466 = arith.addi %add3A_464, %add3A_465 : i32
        %swap3A_467 = arith.index_cast %add3A_466 : i32 to index
        %swap3A_468 = arith.constant 32 : index
        %swap3A_469 = tpu.vector_load %arg12[%swap3A_467, %swap3A_468] {strides = array<i32>} : memref<80x64xf32, #tpu.memory_space<vmem>>, vector<1x16xf32>,
        %swap3A_470 = vector.shape_cast %swap3A_469 : vector<1x16xf32> to vector<16xf32>
        %swap3A_471 = vector.shape_cast %mul3A_460 : vector<16xf32> to vector<1x16xf32>
        tpu.vector_store %arg12[%swap3A_467, %swap3A_468], %swap3A_471 {strides = array<i32>} : memref<80x64xf32, #tpu.memory_space<vmem>>, vector<1x16xf32>,
        %mul3A_472 = arith.mulf %get3A_300, %gather3A_175 : vector<16xf32>
        %mul3A_473 = arith.constant 16 : i32
        %mul3A_474 = arith.muli %scan3A_153, %mul3A_473 : i32
        %add3A_475 = arith.constant 0 : i32
        %add3A_476 = arith.addi %mul3A_474, %add3A_475 : i32
        %add3A_477 = arith.constant 2 : i32
        %add3A_478 = arith.addi %add3A_476, %add3A_477 : i32
        %swap3A_479 = arith.index_cast %add3A_478 : i32 to index
        %swap3A_480 = arith.constant 48 : index
        %swap3A_481 = tpu.vector_load %arg12[%swap3A_479, %swap3A_480] {strides = array<i32>} : memref<80x64xf32, #tpu.memory_space<vmem>>, vector<1x16xf32>,
        %swap3A_482 = vector.shape_cast %swap3A_481 : vector<1x16xf32> to vector<16xf32>
        %swap3A_483 = vector.shape_cast %mul3A_472 : vector<16xf32> to vector<1x16xf32>
        tpu.vector_store %arg12[%swap3A_479, %swap3A_480], %swap3A_483 {strides = array<i32>} : memref<80x64xf32, #tpu.memory_space<vmem>>, vector<1x16xf32>,
        %mul3A_484 = arith.mulf %get3A_310, %gather3A_180 : vector<16xf32>
        %mul3A_485 = arith.constant 16 : i32
        %mul3A_486 = arith.muli %scan3A_153, %mul3A_485 : i32
        %add3A_487 = arith.constant 0 : i32
        %add3A_488 = arith.addi %mul3A_486, %add3A_487 : i32
        %add3A_489 = arith.constant 3 : i32
        %add3A_490 = arith.addi %add3A_488, %add3A_489 : i32
        %swap3A_491 = arith.index_cast %add3A_490 : i32 to index
        %swap3A_492 = arith.constant 0 : index
        %swap3A_493 = tpu.vector_load %arg12[%swap3A_491, %swap3A_492] {strides = array<i32>} : memref<80x64xf32, #tpu.memory_space<vmem>>, vector<1x16xf32>,
        %swap3A_494 = vector.shape_cast %swap3A_493 : vector<1x16xf32> to vector<16xf32>
        %swap3A_495 = vector.shape_cast %mul3A_484 : vector<16xf32> to vector<1x16xf32>
        tpu.vector_store %arg12[%swap3A_491, %swap3A_492], %swap3A_495 {strides = array<i32>} : memref<80x64xf32, #tpu.memory_space<vmem>>, vector<1x16xf32>,
        %mul3A_496 = arith.mulf %get3A_320, %gather3A_180 : vector<16xf32>
        %mul3A_497 = arith.constant 16 : i32
        %mul3A_498 = arith.muli %scan3A_153, %mul3A_497 : i32
        %add3A_499 = arith.constant 0 : i32
        %add3A_500 = arith.addi %mul3A_498, %add3A_499 : i32
        %add3A_501 = arith.constant 3 : i32
        %add3A_502 = arith.addi %add3A_500, %add3A_501 : i32
        %swap3A_503 = arith.index_cast %add3A_502 : i32 to index
        %swap3A_504 = arith.constant 16 : index
        %swap3A_505 = tpu.vector_load %arg12[%swap3A_503, %swap3A_504] {strides = array<i32>} : memref<80x64xf32, #tpu.memory_space<vmem>>, vector<1x16xf32>,
        %swap3A_506 = vector.shape_cast %swap3A_505 : vector<1x16xf32> to vector<16xf32>
        %swap3A_507 = vector.shape_cast %mul3A_496 : vector<16xf32> to vector<1x16xf32>
        tpu.vector_store %arg12[%swap3A_503, %swap3A_504], %swap3A_507 {strides = array<i32>} : memref<80x64xf32, #tpu.memory_space<vmem>>, vector<1x16xf32>,
        %mul3A_508 = arith.mulf %get3A_330, %gather3A_180 : vector<16xf32>
        %mul3A_509 = arith.constant 16 : i32
        %mul3A_510 = arith.muli %scan3A_153, %mul3A_509 : i32
        %add3A_511 = arith.constant 0 : i32
        %add3A_512 = arith.addi %mul3A_510, %add3A_511 : i32
        %add3A_513 = arith.constant 3 : i32
        %add3A_514 = arith.addi %add3A_512, %add3A_513 : i32
        %swap3A_515 = arith.index_cast %add3A_514 : i32 to index
        %swap3A_516 = arith.constant 32 : index
        %swap3A_517 = tpu.vector_load %arg12[%swap3A_515, %swap3A_516] {strides = array<i32>} : memref<80x64xf32, #tpu.memory_space<vmem>>, vector<1x16xf32>,
        %swap3A_518 = vector.shape_cast %swap3A_517 : vector<1x16xf32> to vector<16xf32>
        %swap3A_519 = vector.shape_cast %mul3A_508 : vector<16xf32> to vector<1x16xf32>
        tpu.vector_store %arg12[%swap3A_515, %swap3A_516], %swap3A_519 {strides = array<i32>} : memref<80x64xf32, #tpu.memory_space<vmem>>, vector<1x16xf32>,
        %mul3A_520 = arith.mulf %get3A_340, %gather3A_180 : vector<16xf32>
        %mul3A_521 = arith.constant 16 : i32
        %mul3A_522 = arith.muli %scan3A_153, %mul3A_521 : i32
        %add3A_523 = arith.constant 0 : i32
        %add3A_524 = arith.addi %mul3A_522, %add3A_523 : i32
        %add3A_525 = arith.constant 3 : i32
        %add3A_526 = arith.addi %add3A_524, %add3A_525 : i32
        %swap3A_527 = arith.index_cast %add3A_526 : i32 to index
        %swap3A_528 = arith.constant 48 : index
        %swap3A_529 = tpu.vector_load %arg12[%swap3A_527, %swap3A_528] {strides = array<i32>} : memref<80x64xf32, #tpu.memory_space<vmem>>, vector<1x16xf32>,
        %swap3A_530 = vector.shape_cast %swap3A_529 : vector<1x16xf32> to vector<16xf32>
        %swap3A_531 = vector.shape_cast %mul3A_520 : vector<16xf32> to vector<1x16xf32>
        tpu.vector_store %arg12[%swap3A_527, %swap3A_528], %swap3A_531 {strides = array<i32>} : memref<80x64xf32, #tpu.memory_space<vmem>>, vector<1x16xf32>,
        %broadcast_in_dim3A_532 = arith.constant 4 : i32
        %broadcast_in_dim3A_533 = vector.broadcast %broadcast_in_dim3A_532 : i32 to vector<16xi32>
        %broadcast_in_dim3A_534 = vector.shape_cast %broadcast_in_dim3A_533 : vector<16xi32> to vector<16x1xi32>
        %gather3A_535 = vector.shape_cast %broadcast_in_dim3A_534 : vector<16x1xi32> to vector<16xi32>
        %gather3A_536 = tpu.dynamic_gather %get3A_161[%gather3A_535] in [0] : vector<16xf32>, vector<16xi32> -> vector<16xf32>
        %broadcast_in_dim3A_537 = arith.constant 5 : i32
        %broadcast_in_dim3A_538 = vector.broadcast %broadcast_in_dim3A_537 : i32 to vector<16xi32>
        %broadcast_in_dim3A_539 = vector.shape_cast %broadcast_in_dim3A_538 : vector<16xi32> to vector<16x1xi32>
        %gather3A_540 = vector.shape_cast %broadcast_in_dim3A_539 : vector<16x1xi32> to vector<16xi32>
        %gather3A_541 = tpu.dynamic_gather %get3A_161[%gather3A_540] in [0] : vector<16xf32>, vector<16xi32> -> vector<16xf32>
        %broadcast_in_dim3A_542 = arith.constant 6 : i32
        %broadcast_in_dim3A_543 = vector.broadcast %broadcast_in_dim3A_542 : i32 to vector<16xi32>
        %broadcast_in_dim3A_544 = vector.shape_cast %broadcast_in_dim3A_543 : vector<16xi32> to vector<16x1xi32>
        %gather3A_545 = vector.shape_cast %broadcast_in_dim3A_544 : vector<16x1xi32> to vector<16xi32>
        %gather3A_546 = tpu.dynamic_gather %get3A_161[%gather3A_545] in [0] : vector<16xf32>, vector<16xi32> -> vector<16xf32>
        %broadcast_in_dim3A_547 = arith.constant 7 : i32
        %broadcast_in_dim3A_548 = vector.broadcast %broadcast_in_dim3A_547 : i32 to vector<16xi32>
        %broadcast_in_dim3A_549 = vector.shape_cast %broadcast_in_dim3A_548 : vector<16xi32> to vector<16x1xi32>
        %gather3A_550 = vector.shape_cast %broadcast_in_dim3A_549 : vector<16x1xi32> to vector<16xi32>
        %gather3A_551 = tpu.dynamic_gather %get3A_161[%gather3A_550] in [0] : vector<16xf32>, vector<16xi32> -> vector<16xf32>
        %mul3A_552 = arith.constant 16 : i32
        %mul3A_553 = arith.muli %scan3A_153, %mul3A_552 : i32
        %add3A_554 = arith.constant 4 : i32
        %add3A_555 = arith.addi %mul3A_553, %add3A_554 : i32
        %add3A_556 = arith.constant 0 : i32
        %add3A_557 = arith.addi %add3A_555, %add3A_556 : i32
        %get3A_558 = arith.index_cast %add3A_557 : i32 to index
        %get3A_559 = arith.constant 0 : index
        %get3A_560 = tpu.vector_load %arg10[%get3A_558, %get3A_559] {strides = array<i32>} : memref<80x64xf32, #tpu.memory_space<vmem>>, vector<1x16xf32>,
        %get3A_561 = vector.shape_cast %get3A_560 : vector<1x16xf32> to vector<16xf32>
        %mul3A_562 = arith.constant 16 : i32
        %mul3A_563 = arith.muli %scan3A_153, %mul3A_562 : i32
        %add3A_564 = arith.constant 4 : i32
        %add3A_565 = arith.addi %mul3A_563, %add3A_564 : i32
        %add3A_566 = arith.constant 0 : i32
        %add3A_567 = arith.addi %add3A_565, %add3A_566 : i32
        %get3A_568 = arith.index_cast %add3A_567 : i32 to index
        %get3A_569 = arith.constant 16 : index
        %get3A_570 = tpu.vector_load %arg10[%get3A_568, %get3A_569] {strides = array<i32>} : memref<80x64xf32, #tpu.memory_space<vmem>>, vector<1x16xf32>,
        %get3A_571 = vector.shape_cast %get3A_570 : vector<1x16xf32> to vector<16xf32>
        %mul3A_572 = arith.constant 16 : i32
        %mul3A_573 = arith.muli %scan3A_153, %mul3A_572 : i32
        %add3A_574 = arith.constant 4 : i32
        %add3A_575 = arith.addi %mul3A_573, %add3A_574 : i32
        %add3A_576 = arith.constant 0 : i32
        %add3A_577 = arith.addi %add3A_575, %add3A_576 : i32
        %get3A_578 = arith.index_cast %add3A_577 : i32 to index
        %get3A_579 = arith.constant 32 : index
        %get3A_580 = tpu.vector_load %arg10[%get3A_578, %get3A_579] {strides = array<i32>} : memref<80x64xf32, #tpu.memory_space<vmem>>, vector<1x16xf32>,
        %get3A_581 = vector.shape_cast %get3A_580 : vector<1x16xf32> to vector<16xf32>
        %mul3A_582 = arith.constant 16 : i32
        %mul3A_583 = arith.muli %scan3A_153, %mul3A_582 : i32
        %add3A_584 = arith.constant 4 : i32
        %add3A_585 = arith.addi %mul3A_583, %add3A_584 : i32
        %add3A_586 = arith.constant 0 : i32
        %add3A_587 = arith.addi %add3A_585, %add3A_586 : i32
        %get3A_588 = arith.index_cast %add3A_587 : i32 to index
        %get3A_589 = arith.constant 48 : index
        %get3A_590 = tpu.vector_load %arg10[%get3A_588, %get3A_589] {strides = array<i32>} : memref<80x64xf32, #tpu.memory_space<vmem>>, vector<1x16xf32>,
        %get3A_591 = vector.shape_cast %get3A_590 : vector<1x16xf32> to vector<16xf32>
        %mul3A_592 = arith.constant 16 : i32
        %mul3A_593 = arith.muli %scan3A_153, %mul3A_592 : i32
        %add3A_594 = arith.constant 4 : i32
        %add3A_595 = arith.addi %mul3A_593, %add3A_594 : i32
        %add3A_596 = arith.constant 1 : i32
        %add3A_597 = arith.addi %add3A_595, %add3A_596 : i32
        %get3A_598 = arith.index_cast %add3A_597 : i32 to index
        %get3A_599 = arith.constant 0 : index
        %get3A_600 = tpu.vector_load %arg10[%get3A_598, %get3A_599] {strides = array<i32>} : memref<80x64xf32, #tpu.memory_space<vmem>>, vector<1x16xf32>,
        %get3A_601 = vector.shape_cast %get3A_600 : vector<1x16xf32> to vector<16xf32>
        %mul3A_602 = arith.constant 16 : i32
        %mul3A_603 = arith.muli %scan3A_153, %mul3A_602 : i32
        %add3A_604 = arith.constant 4 : i32
        %add3A_605 = arith.addi %mul3A_603, %add3A_604 : i32
        %add3A_606 = arith.constant 1 : i32
        %add3A_607 = arith.addi %add3A_605, %add3A_606 : i32
        %get3A_608 = arith.index_cast %add3A_607 : i32 to index
        %get3A_609 = arith.constant 16 : index
        %get3A_610 = tpu.vector_load %arg10[%get3A_608, %get3A_609] {strides = array<i32>} : memref<80x64xf32, #tpu.memory_space<vmem>>, vector<1x16xf32>,
        %get3A_611 = vector.shape_cast %get3A_610 : vector<1x16xf32> to vector<16xf32>
        %mul3A_612 = arith.constant 16 : i32
        %mul3A_613 = arith.muli %scan3A_153, %mul3A_612 : i32
        %add3A_614 = arith.constant 4 : i32
        %add3A_615 = arith.addi %mul3A_613, %add3A_614 : i32
        %add3A_616 = arith.constant 1 : i32
        %add3A_617 = arith.addi %add3A_615, %add3A_616 : i32
        %get3A_618 = arith.index_cast %add3A_617 : i32 to index
        %get3A_619 = arith.constant 32 : index
        %get3A_620 = tpu.vector_load %arg10[%get3A_618, %get3A_619] {strides = array<i32>} : memref<80x64xf32, #tpu.memory_space<vmem>>, vector<1x16xf32>,
        %get3A_621 = vector.shape_cast %get3A_620 : vector<1x16xf32> to vector<16xf32>
        %mul3A_622 = arith.constant 16 : i32
        %mul3A_623 = arith.muli %scan3A_153, %mul3A_622 : i32
        %add3A_624 = arith.constant 4 : i32
        %add3A_625 = arith.addi %mul3A_623, %add3A_624 : i32
        %add3A_626 = arith.constant 1 : i32
        %add3A_627 = arith.addi %add3A_625, %add3A_626 : i32
        %get3A_628 = arith.index_cast %add3A_627 : i32 to index
        %get3A_629 = arith.constant 48 : index
        %get3A_630 = tpu.vector_load %arg10[%get3A_628, %get3A_629] {strides = array<i32>} : memref<80x64xf32, #tpu.memory_space<vmem>>, vector<1x16xf32>,
        %get3A_631 = vector.shape_cast %get3A_630 : vector<1x16xf32> to vector<16xf32>
        %mul3A_632 = arith.constant 16 : i32
        %mul3A_633 = arith.muli %scan3A_153, %mul3A_632 : i32
        %add3A_634 = arith.constant 4 : i32
        %add3A_635 = arith.addi %mul3A_633, %add3A_634 : i32
        %add3A_636 = arith.constant 2 : i32
        %add3A_637 = arith.addi %add3A_635, %add3A_636 : i32
        %get3A_638 = arith.index_cast %add3A_637 : i32 to index
        %get3A_639 = arith.constant 0 : index
        %get3A_640 = tpu.vector_load %arg10[%get3A_638, %get3A_639] {strides = array<i32>} : memref<80x64xf32, #tpu.memory_space<vmem>>, vector<1x16xf32>,
        %get3A_641 = vector.shape_cast %get3A_640 : vector<1x16xf32> to vector<16xf32>
        %mul3A_642 = arith.constant 16 : i32
        %mul3A_643 = arith.muli %scan3A_153, %mul3A_642 : i32
        %add3A_644 = arith.constant 4 : i32
        %add3A_645 = arith.addi %mul3A_643, %add3A_644 : i32
        %add3A_646 = arith.constant 2 : i32
        %add3A_647 = arith.addi %add3A_645, %add3A_646 : i32
        %get3A_648 = arith.index_cast %add3A_647 : i32 to index
        %get3A_649 = arith.constant 16 : index
        %get3A_650 = tpu.vector_load %arg10[%get3A_648, %get3A_649] {strides = array<i32>} : memref<80x64xf32, #tpu.memory_space<vmem>>, vector<1x16xf32>,
        %get3A_651 = vector.shape_cast %get3A_650 : vector<1x16xf32> to vector<16xf32>
        %mul3A_652 = arith.constant 16 : i32
        %mul3A_653 = arith.muli %scan3A_153, %mul3A_652 : i32
        %add3A_654 = arith.constant 4 : i32
        %add3A_655 = arith.addi %mul3A_653, %add3A_654 : i32
        %add3A_656 = arith.constant 2 : i32
        %add3A_657 = arith.addi %add3A_655, %add3A_656 : i32
        %get3A_658 = arith.index_cast %add3A_657 : i32 to index
        %get3A_659 = arith.constant 32 : index
        %get3A_660 = tpu.vector_load %arg10[%get3A_658, %get3A_659] {strides = array<i32>} : memref<80x64xf32, #tpu.memory_space<vmem>>, vector<1x16xf32>,
        %get3A_661 = vector.shape_cast %get3A_660 : vector<1x16xf32> to vector<16xf32>
        %mul3A_662 = arith.constant 16 : i32
        %mul3A_663 = arith.muli %scan3A_153, %mul3A_662 : i32
        %add3A_664 = arith.constant 4 : i32
        %add3A_665 = arith.addi %mul3A_663, %add3A_664 : i32
        %add3A_666 = arith.constant 2 : i32
        %add3A_667 = arith.addi %add3A_665, %add3A_666 : i32
        %get3A_668 = arith.index_cast %add3A_667 : i32 to index
        %get3A_669 = arith.constant 48 : index
        %get3A_670 = tpu.vector_load %arg10[%get3A_668, %get3A_669] {strides = array<i32>} : memref<80x64xf32, #tpu.memory_space<vmem>>, vector<1x16xf32>,
        %get3A_671 = vector.shape_cast %get3A_670 : vector<1x16xf32> to vector<16xf32>
        %mul3A_672 = arith.constant 16 : i32
        %mul3A_673 = arith.muli %scan3A_153, %mul3A_672 : i32
        %add3A_674 = arith.constant 4 : i32
        %add3A_675 = arith.addi %mul3A_673, %add3A_674 : i32
        %add3A_676 = arith.constant 3 : i32
        %add3A_677 = arith.addi %add3A_675, %add3A_676 : i32
        %get3A_678 = arith.index_cast %add3A_677 : i32 to index
        %get3A_679 = arith.constant 0 : index
        %get3A_680 = tpu.vector_load %arg10[%get3A_678, %get3A_679] {strides = array<i32>} : memref<80x64xf32, #tpu.memory_space<vmem>>, vector<1x16xf32>,
        %get3A_681 = vector.shape_cast %get3A_680 : vector<1x16xf32> to vector<16xf32>
        %mul3A_682 = arith.constant 16 : i32
        %mul3A_683 = arith.muli %scan3A_153, %mul3A_682 : i32
        %add3A_684 = arith.constant 4 : i32
        %add3A_685 = arith.addi %mul3A_683, %add3A_684 : i32
        %add3A_686 = arith.constant 3 : i32
        %add3A_687 = arith.addi %add3A_685, %add3A_686 : i32
        %get3A_688 = arith.index_cast %add3A_687 : i32 to index
        %get3A_689 = arith.constant 16 : index
        %get3A_690 = tpu.vector_load %arg10[%get3A_688, %get3A_689] {strides = array<i32>} : memref<80x64xf32, #tpu.memory_space<vmem>>, vector<1x16xf32>,
        %get3A_691 = vector.shape_cast %get3A_690 : vector<1x16xf32> to vector<16xf32>
        %mul3A_692 = arith.constant 16 : i32
        %mul3A_693 = arith.muli %scan3A_153, %mul3A_692 : i32
        %add3A_694 = arith.constant 4 : i32
        %add3A_695 = arith.addi %mul3A_693, %add3A_694 : i32
        %add3A_696 = arith.constant 3 : i32
        %add3A_697 = arith.addi %add3A_695, %add3A_696 : i32
        %get3A_698 = arith.index_cast %add3A_697 : i32 to index
        %get3A_699 = arith.constant 32 : index
        %get3A_700 = tpu.vector_load %arg10[%get3A_698, %get3A_699] {strides = array<i32>} : memref<80x64xf32, #tpu.memory_space<vmem>>, vector<1x16xf32>,
        %get3A_701 = vector.shape_cast %get3A_700 : vector<1x16xf32> to vector<16xf32>
        %mul3A_702 = arith.constant 16 : i32
        %mul3A_703 = arith.muli %scan3A_153, %mul3A_702 : i32
        %add3A_704 = arith.constant 4 : i32
        %add3A_705 = arith.addi %mul3A_703, %add3A_704 : i32
        %add3A_706 = arith.constant 3 : i32
        %add3A_707 = arith.addi %add3A_705, %add3A_706 : i32
        %get3A_708 = arith.index_cast %add3A_707 : i32 to index
        %get3A_709 = arith.constant 48 : index
        %get3A_710 = tpu.vector_load %arg10[%get3A_708, %get3A_709] {strides = array<i32>} : memref<80x64xf32, #tpu.memory_space<vmem>>, vector<1x16xf32>,
        %get3A_711 = vector.shape_cast %get3A_710 : vector<1x16xf32> to vector<16xf32>
        %mul3A_712 = arith.mulf %get3A_561, %gather3A_536 : vector<16xf32>
        %mul3A_713 = arith.constant 16 : i32
        %mul3A_714 = arith.muli %scan3A_153, %mul3A_713 : i32
        %add3A_715 = arith.constant 4 : i32
        %add3A_716 = arith.addi %mul3A_714, %add3A_715 : i32
        %add3A_717 = arith.constant 0 : i32
        %add3A_718 = arith.addi %add3A_716, %add3A_717 : i32
        %swap3A_719 = arith.index_cast %add3A_718 : i32 to index
        %swap3A_720 = arith.constant 0 : index
        %swap3A_721 = tpu.vector_load %arg12[%swap3A_719, %swap3A_720] {strides = array<i32>} : memref<80x64xf32, #tpu.memory_space<vmem>>, vector<1x16xf32>,
        %swap3A_722 = vector.shape_cast %swap3A_721 : vector<1x16xf32> to vector<16xf32>
        %swap3A_723 = vector.shape_cast %mul3A_712 : vector<16xf32> to vector<1x16xf32>
        tpu.vector_store %arg12[%swap3A_719, %swap3A_720], %swap3A_723 {strides = array<i32>} : memref<80x64xf32, #tpu.memory_space<vmem>>, vector<1x16xf32>,
        %mul3A_724 = arith.mulf %get3A_571, %gather3A_536 : vector<16xf32>
        %mul3A_725 = arith.constant 16 : i32
        %mul3A_726 = arith.muli %scan3A_153, %mul3A_725 : i32
        %add3A_727 = arith.constant 4 : i32
        %add3A_728 = arith.addi %mul3A_726, %add3A_727 : i32
        %add3A_729 = arith.constant 0 : i32
        %add3A_730 = arith.addi %add3A_728, %add3A_729 : i32
        %swap3A_731 = arith.index_cast %add3A_730 : i32 to index
        %swap3A_732 = arith.constant 16 : index
        %swap3A_733 = tpu.vector_load %arg12[%swap3A_731, %swap3A_732] {strides = array<i32>} : memref<80x64xf32, #tpu.memory_space<vmem>>, vector<1x16xf32>,
        %swap3A_734 = vector.shape_cast %swap3A_733 : vector<1x16xf32> to vector<16xf32>
        %swap3A_735 = vector.shape_cast %mul3A_724 : vector<16xf32> to vector<1x16xf32>
        tpu.vector_store %arg12[%swap3A_731, %swap3A_732], %swap3A_735 {strides = array<i32>} : memref<80x64xf32, #tpu.memory_space<vmem>>, vector<1x16xf32>,
        %mul3A_736 = arith.mulf %get3A_581, %gather3A_536 : vector<16xf32>
        %mul3A_737 = arith.constant 16 : i32
        %mul3A_738 = arith.muli %scan3A_153, %mul3A_737 : i32
        %add3A_739 = arith.constant 4 : i32
        %add3A_740 = arith.addi %mul3A_738, %add3A_739 : i32
        %add3A_741 = arith.constant 0 : i32
        %add3A_742 = arith.addi %add3A_740, %add3A_741 : i32
        %swap3A_743 = arith.index_cast %add3A_742 : i32 to index
        %swap3A_744 = arith.constant 32 : index
        %swap3A_745 = tpu.vector_load %arg12[%swap3A_743, %swap3A_744] {strides = array<i32>} : memref<80x64xf32, #tpu.memory_space<vmem>>, vector<1x16xf32>,
        %swap3A_746 = vector.shape_cast %swap3A_745 : vector<1x16xf32> to vector<16xf32>
        %swap3A_747 = vector.shape_cast %mul3A_736 : vector<16xf32> to vector<1x16xf32>
        tpu.vector_store %arg12[%swap3A_743, %swap3A_744], %swap3A_747 {strides = array<i32>} : memref<80x64xf32, #tpu.memory_space<vmem>>, vector<1x16xf32>,
        %mul3A_748 = arith.mulf %get3A_591, %gather3A_536 : vector<16xf32>
        %mul3A_749 = arith.constant 16 : i32
        %mul3A_750 = arith.muli %scan3A_153, %mul3A_749 : i32
        %add3A_751 = arith.constant 4 : i32
        %add3A_752 = arith.addi %mul3A_750, %add3A_751 : i32
        %add3A_753 = arith.constant 0 : i32
        %add3A_754 = arith.addi %add3A_752, %add3A_753 : i32
        %swap3A_755 = arith.index_cast %add3A_754 : i32 to index
        %swap3A_756 = arith.constant 48 : index
        %swap3A_757 = tpu.vector_load %arg12[%swap3A_755, %swap3A_756] {strides = array<i32>} : memref<80x64xf32, #tpu.memory_space<vmem>>, vector<1x16xf32>,
        %swap3A_758 = vector.shape_cast %swap3A_757 : vector<1x16xf32> to vector<16xf32>
        %swap3A_759 = vector.shape_cast %mul3A_748 : vector<16xf32> to vector<1x16xf32>
        tpu.vector_store %arg12[%swap3A_755, %swap3A_756], %swap3A_759 {strides = array<i32>} : memref<80x64xf32, #tpu.memory_space<vmem>>, vector<1x16xf32>,
        %mul3A_760 = arith.mulf %get3A_601, %gather3A_541 : vector<16xf32>
        %mul3A_761 = arith.constant 16 : i32
        %mul3A_762 = arith.muli %scan3A_153, %mul3A_761 : i32
        %add3A_763 = arith.constant 4 : i32
        %add3A_764 = arith.addi %mul3A_762, %add3A_763 : i32
        %add3A_765 = arith.constant 1 : i32
        %add3A_766 = arith.addi %add3A_764, %add3A_765 : i32
        %swap3A_767 = arith.index_cast %add3A_766 : i32 to index
        %swap3A_768 = arith.constant 0 : index
        %swap3A_769 = tpu.vector_load %arg12[%swap3A_767, %swap3A_768] {strides = array<i32>} : memref<80x64xf32, #tpu.memory_space<vmem>>, vector<1x16xf32>,
        %swap3A_770 = vector.shape_cast %swap3A_769 : vector<1x16xf32> to vector<16xf32>
        %swap3A_771 = vector.shape_cast %mul3A_760 : vector<16xf32> to vector<1x16xf32>
        tpu.vector_store %arg12[%swap3A_767, %swap3A_768], %swap3A_771 {strides = array<i32>} : memref<80x64xf32, #tpu.memory_space<vmem>>, vector<1x16xf32>,
        %mul3A_772 = arith.mulf %get3A_611, %gather3A_541 : vector<16xf32>
        %mul3A_773 = arith.constant 16 : i32
        %mul3A_774 = arith.muli %scan3A_153, %mul3A_773 : i32
        %add3A_775 = arith.constant 4 : i32
        %add3A_776 = arith.addi %mul3A_774, %add3A_775 : i32
        %add3A_777 = arith.constant 1 : i32
        %add3A_778 = arith.addi %add3A_776, %add3A_777 : i32
        %swap3A_779 = arith.index_cast %add3A_778 : i32 to index
        %swap3A_780 = arith.constant 16 : index
        %swap3A_781 = tpu.vector_load %arg12[%swap3A_779, %swap3A_780] {strides = array<i32>} : memref<80x64xf32, #tpu.memory_space<vmem>>, vector<1x16xf32>,
        %swap3A_782 = vector.shape_cast %swap3A_781 : vector<1x16xf32> to vector<16xf32>
        %swap3A_783 = vector.shape_cast %mul3A_772 : vector<16xf32> to vector<1x16xf32>
        tpu.vector_store %arg12[%swap3A_779, %swap3A_780], %swap3A_783 {strides = array<i32>} : memref<80x64xf32, #tpu.memory_space<vmem>>, vector<1x16xf32>,
        %mul3A_784 = arith.mulf %get3A_621, %gather3A_541 : vector<16xf32>
        %mul3A_785 = arith.constant 16 : i32
        %mul3A_786 = arith.muli %scan3A_153, %mul3A_785 : i32
        %add3A_787 = arith.constant 4 : i32
        %add3A_788 = arith.addi %mul3A_786, %add3A_787 : i32
        %add3A_789 = arith.constant 1 : i32
        %add3A_790 = arith.addi %add3A_788, %add3A_789 : i32
        %swap3A_791 = arith.index_cast %add3A_790 : i32 to index
        %swap3A_792 = arith.constant 32 : index
        %swap3A_793 = tpu.vector_load %arg12[%swap3A_791, %swap3A_792] {strides = array<i32>} : memref<80x64xf32, #tpu.memory_space<vmem>>, vector<1x16xf32>,
        %swap3A_794 = vector.shape_cast %swap3A_793 : vector<1x16xf32> to vector<16xf32>
        %swap3A_795 = vector.shape_cast %mul3A_784 : vector<16xf32> to vector<1x16xf32>
        tpu.vector_store %arg12[%swap3A_791, %swap3A_792], %swap3A_795 {strides = array<i32>} : memref<80x64xf32, #tpu.memory_space<vmem>>, vector<1x16xf32>,
        %mul3A_796 = arith.mulf %get3A_631, %gather3A_541 : vector<16xf32>
        %mul3A_797 = arith.constant 16 : i32
        %mul3A_798 = arith.muli %scan3A_153, %mul3A_797 : i32
        %add3A_799 = arith.constant 4 : i32
        %add3A_800 = arith.addi %mul3A_798, %add3A_799 : i32
        %add3A_801 = arith.constant 1 : i32
        %add3A_802 = arith.addi %add3A_800, %add3A_801 : i32
        %swap3A_803 = arith.index_cast %add3A_802 : i32 to index
        %swap3A_804 = arith.constant 48 : index
        %swap3A_805 = tpu.vector_load %arg12[%swap3A_803, %swap3A_804] {strides = array<i32>} : memref<80x64xf32, #tpu.memory_space<vmem>>, vector<1x16xf32>,
        %swap3A_806 = vector.shape_cast %swap3A_805 : vector<1x16xf32> to vector<16xf32>
        %swap3A_807 = vector.shape_cast %mul3A_796 : vector<16xf32> to vector<1x16xf32>
        tpu.vector_store %arg12[%swap3A_803, %swap3A_804], %swap3A_807 {strides = array<i32>} : memref<80x64xf32, #tpu.memory_space<vmem>>, vector<1x16xf32>,
        %mul3A_808 = arith.mulf %get3A_641, %gather3A_546 : vector<16xf32>
        %mul3A_809 = arith.constant 16 : i32
        %mul3A_810 = arith.muli %scan3A_153, %mul3A_809 : i32
        %add3A_811 = arith.constant 4 : i32
        %add3A_812 = arith.addi %mul3A_810, %add3A_811 : i32
        %add3A_813 = arith.constant 2 : i32
        %add3A_814 = arith.addi %add3A_812, %add3A_813 : i32
        %swap3A_815 = arith.index_cast %add3A_814 : i32 to index
        %swap3A_816 = arith.constant 0 : index
        %swap3A_817 = tpu.vector_load %arg12[%swap3A_815, %swap3A_816] {strides = array<i32>} : memref<80x64xf32, #tpu.memory_space<vmem>>, vector<1x16xf32>,
        %swap3A_818 = vector.shape_cast %swap3A_817 : vector<1x16xf32> to vector<16xf32>
        %swap3A_819 = vector.shape_cast %mul3A_808 : vector<16xf32> to vector<1x16xf32>
        tpu.vector_store %arg12[%swap3A_815, %swap3A_816], %swap3A_819 {strides = array<i32>} : memref<80x64xf32, #tpu.memory_space<vmem>>, vector<1x16xf32>,
        %mul3A_820 = arith.mulf %get3A_651, %gather3A_546 : vector<16xf32>
        %mul3A_821 = arith.constant 16 : i32
        %mul3A_822 = arith.muli %scan3A_153, %mul3A_821 : i32
        %add3A_823 = arith.constant 4 : i32
        %add3A_824 = arith.addi %mul3A_822, %add3A_823 : i32
        %add3A_825 = arith.constant 2 : i32
        %add3A_826 = arith.addi %add3A_824, %add3A_825 : i32
        %swap3A_827 = arith.index_cast %add3A_826 : i32 to index
        %swap3A_828 = arith.constant 16 : index
        %swap3A_829 = tpu.vector_load %arg12[%swap3A_827, %swap3A_828] {strides = array<i32>} : memref<80x64xf32, #tpu.memory_space<vmem>>, vector<1x16xf32>,
        %swap3A_830 = vector.shape_cast %swap3A_829 : vector<1x16xf32> to vector<16xf32>
        %swap3A_831 = vector.shape_cast %mul3A_820 : vector<16xf32> to vector<1x16xf32>
        tpu.vector_store %arg12[%swap3A_827, %swap3A_828], %swap3A_831 {strides = array<i32>} : memref<80x64xf32, #tpu.memory_space<vmem>>, vector<1x16xf32>,
        %mul3A_832 = arith.mulf %get3A_661, %gather3A_546 : vector<16xf32>
        %mul3A_833 = arith.constant 16 : i32
        %mul3A_834 = arith.muli %scan3A_153, %mul3A_833 : i32
        %add3A_835 = arith.constant 4 : i32
        %add3A_836 = arith.addi %mul3A_834, %add3A_835 : i32
        %add3A_837 = arith.constant 2 : i32
        %add3A_838 = arith.addi %add3A_836, %add3A_837 : i32
        %swap3A_839 = arith.index_cast %add3A_838 : i32 to index
        %swap3A_840 = arith.constant 32 : index
        %swap3A_841 = tpu.vector_load %arg12[%swap3A_839, %swap3A_840] {strides = array<i32>} : memref<80x64xf32, #tpu.memory_space<vmem>>, vector<1x16xf32>,
        %swap3A_842 = vector.shape_cast %swap3A_841 : vector<1x16xf32> to vector<16xf32>
        %swap3A_843 = vector.shape_cast %mul3A_832 : vector<16xf32> to vector<1x16xf32>
        tpu.vector_store %arg12[%swap3A_839, %swap3A_840], %swap3A_843 {strides = array<i32>} : memref<80x64xf32, #tpu.memory_space<vmem>>, vector<1x16xf32>,
        %mul3A_844 = arith.mulf %get3A_671, %gather3A_546 : vector<16xf32>
        %mul3A_845 = arith.constant 16 : i32
        %mul3A_846 = arith.muli %scan3A_153, %mul3A_845 : i32
        %add3A_847 = arith.constant 4 : i32
        %add3A_848 = arith.addi %mul3A_846, %add3A_847 : i32
        %add3A_849 = arith.constant 2 : i32
        %add3A_850 = arith.addi %add3A_848, %add3A_849 : i32
        %swap3A_851 = arith.index_cast %add3A_850 : i32 to index
        %swap3A_852 = arith.constant 48 : index
        %swap3A_853 = tpu.vector_load %arg12[%swap3A_851, %swap3A_852] {strides = array<i32>} : memref<80x64xf32, #tpu.memory_space<vmem>>, vector<1x16xf32>,
        %swap3A_854 = vector.shape_cast %swap3A_853 : vector<1x16xf32> to vector<16xf32>
        %swap3A_855 = vector.shape_cast %mul3A_844 : vector<16xf32> to vector<1x16xf32>
        tpu.vector_store %arg12[%swap3A_851, %swap3A_852], %swap3A_855 {strides = array<i32>} : memref<80x64xf32, #tpu.memory_space<vmem>>, vector<1x16xf32>,
        %mul3A_856 = arith.mulf %get3A_681, %gather3A_551 : vector<16xf32>
        %mul3A_857 = arith.constant 16 : i32
        %mul3A_858 = arith.muli %scan3A_153, %mul3A_857 : i32
        %add3A_859 = arith.constant 4 : i32
        %add3A_860 = arith.addi %mul3A_858, %add3A_859 : i32
        %add3A_861 = arith.constant 3 : i32
        %add3A_862 = arith.addi %add3A_860, %add3A_861 : i32
        %swap3A_863 = arith.index_cast %add3A_862 : i32 to index
        %swap3A_864 = arith.constant 0 : index
        %swap3A_865 = tpu.vector_load %arg12[%swap3A_863, %swap3A_864] {strides = array<i32>} : memref<80x64xf32, #tpu.memory_space<vmem>>, vector<1x16xf32>,
        %swap3A_866 = vector.shape_cast %swap3A_865 : vector<1x16xf32> to vector<16xf32>
        %swap3A_867 = vector.shape_cast %mul3A_856 : vector<16xf32> to vector<1x16xf32>
        tpu.vector_store %arg12[%swap3A_863, %swap3A_864], %swap3A_867 {strides = array<i32>} : memref<80x64xf32, #tpu.memory_space<vmem>>, vector<1x16xf32>,
        %mul3A_868 = arith.mulf %get3A_691, %gather3A_551 : vector<16xf32>
        %mul3A_869 = arith.constant 16 : i32
        %mul3A_870 = arith.muli %scan3A_153, %mul3A_869 : i32
        %add3A_871 = arith.constant 4 : i32
        %add3A_872 = arith.addi %mul3A_870, %add3A_871 : i32
        %add3A_873 = arith.constant 3 : i32
        %add3A_874 = arith.addi %add3A_872, %add3A_873 : i32
        %swap3A_875 = arith.index_cast %add3A_874 : i32 to index
        %swap3A_876 = arith.constant 16 : index
        %swap3A_877 = tpu.vector_load %arg12[%swap3A_875, %swap3A_876] {strides = array<i32>} : memref<80x64xf32, #tpu.memory_space<vmem>>, vector<1x16xf32>,
        %swap3A_878 = vector.shape_cast %swap3A_877 : vector<1x16xf32> to vector<16xf32>
        %swap3A_879 = vector.shape_cast %mul3A_868 : vector<16xf32> to vector<1x16xf32>
        tpu.vector_store %arg12[%swap3A_875, %swap3A_876], %swap3A_879 {strides = array<i32>} : memref<80x64xf32, #tpu.memory_space<vmem>>, vector<1x16xf32>,
        %mul3A_880 = arith.mulf %get3A_701, %gather3A_551 : vector<16xf32>
        %mul3A_881 = arith.constant 16 : i32
        %mul3A_882 = arith.muli %scan3A_153, %mul3A_881 : i32
        %add3A_883 = arith.constant 4 : i32
        %add3A_884 = arith.addi %mul3A_882, %add3A_883 : i32
        %add3A_885 = arith.constant 3 : i32
        %add3A_886 = arith.addi %add3A_884, %add3A_885 : i32
        %swap3A_887 = arith.index_cast %add3A_886 : i32 to index
        %swap3A_888 = arith.constant 32 : index
        %swap3A_889 = tpu.vector_load %arg12[%swap3A_887, %swap3A_888] {strides = array<i32>} : memref<80x64xf32, #tpu.memory_space<vmem>>, vector<1x16xf32>,
        %swap3A_890 = vector.shape_cast %swap3A_889 : vector<1x16xf32> to vector<16xf32>
        %swap3A_891 = vector.shape_cast %mul3A_880 : vector<16xf32> to vector<1x16xf32>
        tpu.vector_store %arg12[%swap3A_887, %swap3A_888], %swap3A_891 {strides = array<i32>} : memref<80x64xf32, #tpu.memory_space<vmem>>, vector<1x16xf32>,
        %mul3A_892 = arith.mulf %get3A_711, %gather3A_551 : vector<16xf32>
        %mul3A_893 = arith.constant 16 : i32
        %mul3A_894 = arith.muli %scan3A_153, %mul3A_893 : i32
        %add3A_895 = arith.constant 4 : i32
        %add3A_896 = arith.addi %mul3A_894, %add3A_895 : i32
        %add3A_897 = arith.constant 3 : i32
        %add3A_898 = arith.addi %add3A_896, %add3A_897 : i32
        %swap3A_899 = arith.index_cast %add3A_898 : i32 to index
        %swap3A_900 = arith.constant 48 : index
        %swap3A_901 = tpu.vector_load %arg12[%swap3A_899, %swap3A_900] {strides = array<i32>} : memref<80x64xf32, #tpu.memory_space<vmem>>, vector<1x16xf32>,
        %swap3A_902 = vector.shape_cast %swap3A_901 : vector<1x16xf32> to vector<16xf32>
        %swap3A_903 = vector.shape_cast %mul3A_892 : vector<16xf32> to vector<1x16xf32>
        tpu.vector_store %arg12[%swap3A_899, %swap3A_900], %swap3A_903 {strides = array<i32>} : memref<80x64xf32, #tpu.memory_space<vmem>>, vector<1x16xf32>,
        %broadcast_in_dim3A_904 = arith.constant 8 : i32
        %broadcast_in_dim3A_905 = vector.broadcast %broadcast_in_dim3A_904 : i32 to vector<16xi32>
        %broadcast_in_dim3A_906 = vector.shape_cast %broadcast_in_dim3A_905 : vector<16xi32> to vector<16x1xi32>
        %gather3A_907 = vector.shape_cast %broadcast_in_dim3A_906 : vector<16x1xi32> to vector<16xi32>
        %gather3A_908 = tpu.dynamic_gather %get3A_161[%gather3A_907] in [0] : vector<16xf32>, vector<16xi32> -> vector<16xf32>
        %broadcast_in_dim3A_909 = arith.constant 9 : i32
        %broadcast_in_dim3A_910 = vector.broadcast %broadcast_in_dim3A_909 : i32 to vector<16xi32>
        %broadcast_in_dim3A_911 = vector.shape_cast %broadcast_in_dim3A_910 : vector<16xi32> to vector<16x1xi32>
        %gather3A_912 = vector.shape_cast %broadcast_in_dim3A_911 : vector<16x1xi32> to vector<16xi32>
        %gather3A_913 = tpu.dynamic_gather %get3A_161[%gather3A_912] in [0] : vector<16xf32>, vector<16xi32> -> vector<16xf32>
        %broadcast_in_dim3A_914 = arith.constant 10 : i32
        %broadcast_in_dim3A_915 = vector.broadcast %broadcast_in_dim3A_914 : i32 to vector<16xi32>
        %broadcast_in_dim3A_916 = vector.shape_cast %broadcast_in_dim3A_915 : vector<16xi32> to vector<16x1xi32>
        %gather3A_917 = vector.shape_cast %broadcast_in_dim3A_916 : vector<16x1xi32> to vector<16xi32>
        %gather3A_918 = tpu.dynamic_gather %get3A_161[%gather3A_917] in [0] : vector<16xf32>, vector<16xi32> -> vector<16xf32>
        %broadcast_in_dim3A_919 = arith.constant 11 : i32
        %broadcast_in_dim3A_920 = vector.broadcast %broadcast_in_dim3A_919 : i32 to vector<16xi32>
        %broadcast_in_dim3A_921 = vector.shape_cast %broadcast_in_dim3A_920 : vector<16xi32> to vector<16x1xi32>
        %gather3A_922 = vector.shape_cast %broadcast_in_dim3A_921 : vector<16x1xi32> to vector<16xi32>
        %gather3A_923 = tpu.dynamic_gather %get3A_161[%gather3A_922] in [0] : vector<16xf32>, vector<16xi32> -> vector<16xf32>
        %mul3A_924 = arith.constant 16 : i32
        %mul3A_925 = arith.muli %scan3A_153, %mul3A_924 : i32
        %add3A_926 = arith.constant 8 : i32
        %add3A_927 = arith.addi %mul3A_925, %add3A_926 : i32
        %add3A_928 = arith.constant 0 : i32
        %add3A_929 = arith.addi %add3A_927, %add3A_928 : i32
        %get3A_930 = arith.index_cast %add3A_929 : i32 to index
        %get3A_931 = arith.constant 0 : index
        %get3A_932 = tpu.vector_load %arg10[%get3A_930, %get3A_931] {strides = array<i32>} : memref<80x64xf32, #tpu.memory_space<vmem>>, vector<1x16xf32>,
        %get3A_933 = vector.shape_cast %get3A_932 : vector<1x16xf32> to vector<16xf32>
        %mul3A_934 = arith.constant 16 : i32
        %mul3A_935 = arith.muli %scan3A_153, %mul3A_934 : i32
        %add3A_936 = arith.constant 8 : i32
        %add3A_937 = arith.addi %mul3A_935, %add3A_936 : i32
        %add3A_938 = arith.constant 0 : i32
        %add3A_939 = arith.addi %add3A_937, %add3A_938 : i32
        %get3A_940 = arith.index_cast %add3A_939 : i32 to index
        %get3A_941 = arith.constant 16 : index
        %get3A_942 = tpu.vector_load %arg10[%get3A_940, %get3A_941] {strides = array<i32>} : memref<80x64xf32, #tpu.memory_space<vmem>>, vector<1x16xf32>,
        %get3A_943 = vector.shape_cast %get3A_942 : vector<1x16xf32> to vector<16xf32>
        %mul3A_944 = arith.constant 16 : i32
        %mul3A_945 = arith.muli %scan3A_153, %mul3A_944 : i32
        %add3A_946 = arith.constant 8 : i32
        %add3A_947 = arith.addi %mul3A_945, %add3A_946 : i32
        %add3A_948 = arith.constant 0 : i32
        %add3A_949 = arith.addi %add3A_947, %add3A_948 : i32
        %get3A_950 = arith.index_cast %add3A_949 : i32 to index
        %get3A_951 = arith.constant 32 : index
        %get3A_952 = tpu.vector_load %arg10[%get3A_950, %get3A_951] {strides = array<i32>} : memref<80x64xf32, #tpu.memory_space<vmem>>, vector<1x16xf32>,
        %get3A_953 = vector.shape_cast %get3A_952 : vector<1x16xf32> to vector<16xf32>
        %mul3A_954 = arith.constant 16 : i32
        %mul3A_955 = arith.muli %scan3A_153, %mul3A_954 : i32
        %add3A_956 = arith.constant 8 : i32
        %add3A_957 = arith.addi %mul3A_955, %add3A_956 : i32
        %add3A_958 = arith.constant 0 : i32
        %add3A_959 = arith.addi %add3A_957, %add3A_958 : i32
        %get3A_960 = arith.index_cast %add3A_959 : i32 to index
        %get3A_961 = arith.constant 48 : index
        %get3A_962 = tpu.vector_load %arg10[%get3A_960, %get3A_961] {strides = array<i32>} : memref<80x64xf32, #tpu.memory_space<vmem>>, vector<1x16xf32>,
        %get3A_963 = vector.shape_cast %get3A_962 : vector<1x16xf32> to vector<16xf32>
        %mul3A_964 = arith.constant 16 : i32
        %mul3A_965 = arith.muli %scan3A_153, %mul3A_964 : i32
        %add3A_966 = arith.constant 8 : i32
        %add3A_967 = arith.addi %mul3A_965, %add3A_966 : i32
        %add3A_968 = arith.constant 1 : i32
        %add3A_969 = arith.addi %add3A_967, %add3A_968 : i32
        %get3A_970 = arith.index_cast %add3A_969 : i32 to index
        %get3A_971 = arith.constant 0 : index
        %get3A_972 = tpu.vector_load %arg10[%get3A_970, %get3A_971] {strides = array<i32>} : memref<80x64xf32, #tpu.memory_space<vmem>>, vector<1x16xf32>,
        %get3A_973 = vector.shape_cast %get3A_972 : vector<1x16xf32> to vector<16xf32>
        %mul3A_974 = arith.constant 16 : i32
        %mul3A_975 = arith.muli %scan3A_153, %mul3A_974 : i32
        %add3A_976 = arith.constant 8 : i32
        %add3A_977 = arith.addi %mul3A_975, %add3A_976 : i32
        %add3A_978 = arith.constant 1 : i32
        %add3A_979 = arith.addi %add3A_977, %add3A_978 : i32
        %get3A_980 = arith.index_cast %add3A_979 : i32 to index
        %get3A_981 = arith.constant 16 : index
        %get3A_982 = tpu.vector_load %arg10[%get3A_980, %get3A_981] {strides = array<i32>} : memref<80x64xf32, #tpu.memory_space<vmem>>, vector<1x16xf32>,
        %get3A_983 = vector.shape_cast %get3A_982 : vector<1x16xf32> to vector<16xf32>
        %mul3A_984 = arith.constant 16 : i32
        %mul3A_985 = arith.muli %scan3A_153, %mul3A_984 : i32
        %add3A_986 = arith.constant 8 : i32
        %add3A_987 = arith.addi %mul3A_985, %add3A_986 : i32
        %add3A_988 = arith.constant 1 : i32
        %add3A_989 = arith.addi %add3A_987, %add3A_988 : i32
        %get3A_990 = arith.index_cast %add3A_989 : i32 to index
        %get3A_991 = arith.constant 32 : index
        %get3A_992 = tpu.vector_load %arg10[%get3A_990, %get3A_991] {strides = array<i32>} : memref<80x64xf32, #tpu.memory_space<vmem>>, vector<1x16xf32>,
        %get3A_993 = vector.shape_cast %get3A_992 : vector<1x16xf32> to vector<16xf32>
        %mul3A_994 = arith.constant 16 : i32
        %mul3A_995 = arith.muli %scan3A_153, %mul3A_994 : i32
        %add3A_996 = arith.constant 8 : i32
        %add3A_997 = arith.addi %mul3A_995, %add3A_996 : i32
        %add3A_998 = arith.constant 1 : i32
        %add3A_999 = arith.addi %add3A_997, %add3A_998 : i32
        %get3A_1000 = arith.index_cast %add3A_999 : i32 to index
        %get3A_1001 = arith.constant 48 : index
        %get3A_1002 = tpu.vector_load %arg10[%get3A_1000, %get3A_1001] {strides = array<i32>} : memref<80x64xf32, #tpu.memory_space<vmem>>, vector<1x16xf32>,
        %get3A_1003 = vector.shape_cast %get3A_1002 : vector<1x16xf32> to vector<16xf32>
        %mul3A_1004 = arith.constant 16 : i32
        %mul3A_1005 = arith.muli %scan3A_153, %mul3A_1004 : i32
        %add3A_1006 = arith.constant 8 : i32
        %add3A_1007 = arith.addi %mul3A_1005, %add3A_1006 : i32
        %add3A_1008 = arith.constant 2 : i32
        %add3A_1009 = arith.addi %add3A_1007, %add3A_1008 : i32
        %get3A_1010 = arith.index_cast %add3A_1009 : i32 to index
        %get3A_1011 = arith.constant 0 : index
        %get3A_1012 = tpu.vector_load %arg10[%get3A_1010, %get3A_1011] {strides = array<i32>} : memref<80x64xf32, #tpu.memory_space<vmem>>, vector<1x16xf32>,
        %get3A_1013 = vector.shape_cast %get3A_1012 : vector<1x16xf32> to vector<16xf32>
        %mul3A_1014 = arith.constant 16 : i32
        %mul3A_1015 = arith.muli %scan3A_153, %mul3A_1014 : i32
        %add3A_1016 = arith.constant 8 : i32
        %add3A_1017 = arith.addi %mul3A_1015, %add3A_1016 : i32
        %add3A_1018 = arith.constant 2 : i32
        %add3A_1019 = arith.addi %add3A_1017, %add3A_1018 : i32
        %get3A_1020 = arith.index_cast %add3A_1019 : i32 to index
        %get3A_1021 = arith.constant 16 : index
        %get3A_1022 = tpu.vector_load %arg10[%get3A_1020, %get3A_1021] {strides = array<i32>} : memref<80x64xf32, #tpu.memory_space<vmem>>, vector<1x16xf32>,
        %get3A_1023 = vector.shape_cast %get3A_1022 : vector<1x16xf32> to vector<16xf32>
        %mul3A_1024 = arith.constant 16 : i32
        %mul3A_1025 = arith.muli %scan3A_153, %mul3A_1024 : i32
        %add3A_1026 = arith.constant 8 : i32
        %add3A_1027 = arith.addi %mul3A_1025, %add3A_1026 : i32
        %add3A_1028 = arith.constant 2 : i32
        %add3A_1029 = arith.addi %add3A_1027, %add3A_1028 : i32
        %get3A_1030 = arith.index_cast %add3A_1029 : i32 to index
        %get3A_1031 = arith.constant 32 : index
        %get3A_1032 = tpu.vector_load %arg10[%get3A_1030, %get3A_1031] {strides = array<i32>} : memref<80x64xf32, #tpu.memory_space<vmem>>, vector<1x16xf32>,
        %get3A_1033 = vector.shape_cast %get3A_1032 : vector<1x16xf32> to vector<16xf32>
        %mul3A_1034 = arith.constant 16 : i32
        %mul3A_1035 = arith.muli %scan3A_153, %mul3A_1034 : i32
        %add3A_1036 = arith.constant 8 : i32
        %add3A_1037 = arith.addi %mul3A_1035, %add3A_1036 : i32
        %add3A_1038 = arith.constant 2 : i32
        %add3A_1039 = arith.addi %add3A_1037, %add3A_1038 : i32
        %get3A_1040 = arith.index_cast %add3A_1039 : i32 to index
        %get3A_1041 = arith.constant 48 : index
        %get3A_1042 = tpu.vector_load %arg10[%get3A_1040, %get3A_1041] {strides = array<i32>} : memref<80x64xf32, #tpu.memory_space<vmem>>, vector<1x16xf32>,
        %get3A_1043 = vector.shape_cast %get3A_1042 : vector<1x16xf32> to vector<16xf32>
        %mul3A_1044 = arith.constant 16 : i32
        %mul3A_1045 = arith.muli %scan3A_153, %mul3A_1044 : i32
        %add3A_1046 = arith.constant 8 : i32
        %add3A_1047 = arith.addi %mul3A_1045, %add3A_1046 : i32
        %add3A_1048 = arith.constant 3 : i32
        %add3A_1049 = arith.addi %add3A_1047, %add3A_1048 : i32
        %get3A_1050 = arith.index_cast %add3A_1049 : i32 to index
        %get3A_1051 = arith.constant 0 : index
        %get3A_1052 = tpu.vector_load %arg10[%get3A_1050, %get3A_1051] {strides = array<i32>} : memref<80x64xf32, #tpu.memory_space<vmem>>, vector<1x16xf32>,
        %get3A_1053 = vector.shape_cast %get3A_1052 : vector<1x16xf32> to vector<16xf32>
        %mul3A_1054 = arith.constant 16 : i32
        %mul3A_1055 = arith.muli %scan3A_153, %mul3A_1054 : i32
        %add3A_1056 = arith.constant 8 : i32
        %add3A_1057 = arith.addi %mul3A_1055, %add3A_1056 : i32
        %add3A_1058 = arith.constant 3 : i32
        %add3A_1059 = arith.addi %add3A_1057, %add3A_1058 : i32
        %get3A_1060 = arith.index_cast %add3A_1059 : i32 to index
        %get3A_1061 = arith.constant 16 : index
        %get3A_1062 = tpu.vector_load %arg10[%get3A_1060, %get3A_1061] {strides = array<i32>} : memref<80x64xf32, #tpu.memory_space<vmem>>, vector<1x16xf32>,
        %get3A_1063 = vector.shape_cast %get3A_1062 : vector<1x16xf32> to vector<16xf32>
        %mul3A_1064 = arith.constant 16 : i32
        %mul3A_1065 = arith.muli %scan3A_153, %mul3A_1064 : i32
        %add3A_1066 = arith.constant 8 : i32
        %add3A_1067 = arith.addi %mul3A_1065, %add3A_1066 : i32
        %add3A_1068 = arith.constant 3 : i32
        %add3A_1069 = arith.addi %add3A_1067, %add3A_1068 : i32
        %get3A_1070 = arith.index_cast %add3A_1069 : i32 to index
        %get3A_1071 = arith.constant 32 : index
        %get3A_1072 = tpu.vector_load %arg10[%get3A_1070, %get3A_1071] {strides = array<i32>} : memref<80x64xf32, #tpu.memory_space<vmem>>, vector<1x16xf32>,
        %get3A_1073 = vector.shape_cast %get3A_1072 : vector<1x16xf32> to vector<16xf32>
        %mul3A_1074 = arith.constant 16 : i32
        %mul3A_1075 = arith.muli %scan3A_153, %mul3A_1074 : i32
        %add3A_1076 = arith.constant 8 : i32
        %add3A_1077 = arith.addi %mul3A_1075, %add3A_1076 : i32
        %add3A_1078 = arith.constant 3 : i32
        %add3A_1079 = arith.addi %add3A_1077, %add3A_1078 : i32
        %get3A_1080 = arith.index_cast %add3A_1079 : i32 to index
        %get3A_1081 = arith.constant 48 : index
        %get3A_1082 = tpu.vector_load %arg10[%get3A_1080, %get3A_1081] {strides = array<i32>} : memref<80x64xf32, #tpu.memory_space<vmem>>, vector<1x16xf32>,
        %get3A_1083 = vector.shape_cast %get3A_1082 : vector<1x16xf32> to vector<16xf32>
        %mul3A_1084 = arith.mulf %get3A_933, %gather3A_908 : vector<16xf32>
        %mul3A_1085 = arith.constant 16 : i32
        %mul3A_1086 = arith.muli %scan3A_153, %mul3A_1085 : i32
        %add3A_1087 = arith.constant 8 : i32
        %add3A_1088 = arith.addi %mul3A_1086, %add3A_1087 : i32
        %add3A_1089 = arith.constant 0 : i32
        %add3A_1090 = arith.addi %add3A_1088, %add3A_1089 : i32
        %swap3A_1091 = arith.index_cast %add3A_1090 : i32 to index
        %swap3A_1092 = arith.constant 0 : index
        %swap3A_1093 = tpu.vector_load %arg12[%swap3A_1091, %swap3A_1092] {strides = array<i32>} : memref<80x64xf32, #tpu.memory_space<vmem>>, vector<1x16xf32>,
        %swap3A_1094 = vector.shape_cast %swap3A_1093 : vector<1x16xf32> to vector<16xf32>
        %swap3A_1095 = vector.shape_cast %mul3A_1084 : vector<16xf32> to vector<1x16xf32>
        tpu.vector_store %arg12[%swap3A_1091, %swap3A_1092], %swap3A_1095 {strides = array<i32>} : memref<80x64xf32, #tpu.memory_space<vmem>>, vector<1x16xf32>,
        %mul3A_1096 = arith.mulf %get3A_943, %gather3A_908 : vector<16xf32>
        %mul3A_1097 = arith.constant 16 : i32
        %mul3A_1098 = arith.muli %scan3A_153, %mul3A_1097 : i32
        %add3A_1099 = arith.constant 8 : i32
        %add3A_1100 = arith.addi %mul3A_1098, %add3A_1099 : i32
        %add3A_1101 = arith.constant 0 : i32
        %add3A_1102 = arith.addi %add3A_1100, %add3A_1101 : i32
        %swap3A_1103 = arith.index_cast %add3A_1102 : i32 to index
        %swap3A_1104 = arith.constant 16 : index
        %swap3A_1105 = tpu.vector_load %arg12[%swap3A_1103, %swap3A_1104] {strides = array<i32>} : memref<80x64xf32, #tpu.memory_space<vmem>>, vector<1x16xf32>,
        %swap3A_1106 = vector.shape_cast %swap3A_1105 : vector<1x16xf32> to vector<16xf32>
        %swap3A_1107 = vector.shape_cast %mul3A_1096 : vector<16xf32> to vector<1x16xf32>
        tpu.vector_store %arg12[%swap3A_1103, %swap3A_1104], %swap3A_1107 {strides = array<i32>} : memref<80x64xf32, #tpu.memory_space<vmem>>, vector<1x16xf32>,
        %mul3A_1108 = arith.mulf %get3A_953, %gather3A_908 : vector<16xf32>
        %mul3A_1109 = arith.constant 16 : i32
        %mul3A_1110 = arith.muli %scan3A_153, %mul3A_1109 : i32
        %add3A_1111 = arith.constant 8 : i32
        %add3A_1112 = arith.addi %mul3A_1110, %add3A_1111 : i32
        %add3A_1113 = arith.constant 0 : i32
        %add3A_1114 = arith.addi %add3A_1112, %add3A_1113 : i32
        %swap3A_1115 = arith.index_cast %add3A_1114 : i32 to index
        %swap3A_1116 = arith.constant 32 : index
        %swap3A_1117 = tpu.vector_load %arg12[%swap3A_1115, %swap3A_1116] {strides = array<i32>} : memref<80x64xf32, #tpu.memory_space<vmem>>, vector<1x16xf32>,
        %swap3A_1118 = vector.shape_cast %swap3A_1117 : vector<1x16xf32> to vector<16xf32>
        %swap3A_1119 = vector.shape_cast %mul3A_1108 : vector<16xf32> to vector<1x16xf32>
        tpu.vector_store %arg12[%swap3A_1115, %swap3A_1116], %swap3A_1119 {strides = array<i32>} : memref<80x64xf32, #tpu.memory_space<vmem>>, vector<1x16xf32>,
        %mul3A_1120 = arith.mulf %get3A_963, %gather3A_908 : vector<16xf32>
        %mul3A_1121 = arith.constant 16 : i32
        %mul3A_1122 = arith.muli %scan3A_153, %mul3A_1121 : i32
        %add3A_1123 = arith.constant 8 : i32
        %add3A_1124 = arith.addi %mul3A_1122, %add3A_1123 : i32
        %add3A_1125 = arith.constant 0 : i32
        %add3A_1126 = arith.addi %add3A_1124, %add3A_1125 : i32
        %swap3A_1127 = arith.index_cast %add3A_1126 : i32 to index
        %swap3A_1128 = arith.constant 48 : index
        %swap3A_1129 = tpu.vector_load %arg12[%swap3A_1127, %swap3A_1128] {strides = array<i32>} : memref<80x64xf32, #tpu.memory_space<vmem>>, vector<1x16xf32>,
        %swap3A_1130 = vector.shape_cast %swap3A_1129 : vector<1x16xf32> to vector<16xf32>
        %swap3A_1131 = vector.shape_cast %mul3A_1120 : vector<16xf32> to vector<1x16xf32>
        tpu.vector_store %arg12[%swap3A_1127, %swap3A_1128], %swap3A_1131 {strides = array<i32>} : memref<80x64xf32, #tpu.memory_space<vmem>>, vector<1x16xf32>,
        %mul3A_1132 = arith.mulf %get3A_973, %gather3A_913 : vector<16xf32>
        %mul3A_1133 = arith.constant 16 : i32
        %mul3A_1134 = arith.muli %scan3A_153, %mul3A_1133 : i32
        %add3A_1135 = arith.constant 8 : i32
        %add3A_1136 = arith.addi %mul3A_1134, %add3A_1135 : i32
        %add3A_1137 = arith.constant 1 : i32
        %add3A_1138 = arith.addi %add3A_1136, %add3A_1137 : i32
        %swap3A_1139 = arith.index_cast %add3A_1138 : i32 to index
        %swap3A_1140 = arith.constant 0 : index
        %swap3A_1141 = tpu.vector_load %arg12[%swap3A_1139, %swap3A_1140] {strides = array<i32>} : memref<80x64xf32, #tpu.memory_space<vmem>>, vector<1x16xf32>,
        %swap3A_1142 = vector.shape_cast %swap3A_1141 : vector<1x16xf32> to vector<16xf32>
        %swap3A_1143 = vector.shape_cast %mul3A_1132 : vector<16xf32> to vector<1x16xf32>
        tpu.vector_store %arg12[%swap3A_1139, %swap3A_1140], %swap3A_1143 {strides = array<i32>} : memref<80x64xf32, #tpu.memory_space<vmem>>, vector<1x16xf32>,
        %mul3A_1144 = arith.mulf %get3A_983, %gather3A_913 : vector<16xf32>
        %mul3A_1145 = arith.constant 16 : i32
        %mul3A_1146 = arith.muli %scan3A_153, %mul3A_1145 : i32
        %add3A_1147 = arith.constant 8 : i32
        %add3A_1148 = arith.addi %mul3A_1146, %add3A_1147 : i32
        %add3A_1149 = arith.constant 1 : i32
        %add3A_1150 = arith.addi %add3A_1148, %add3A_1149 : i32
        %swap3A_1151 = arith.index_cast %add3A_1150 : i32 to index
        %swap3A_1152 = arith.constant 16 : index
        %swap3A_1153 = tpu.vector_load %arg12[%swap3A_1151, %swap3A_1152] {strides = array<i32>} : memref<80x64xf32, #tpu.memory_space<vmem>>, vector<1x16xf32>,
        %swap3A_1154 = vector.shape_cast %swap3A_1153 : vector<1x16xf32> to vector<16xf32>
        %swap3A_1155 = vector.shape_cast %mul3A_1144 : vector<16xf32> to vector<1x16xf32>
        tpu.vector_store %arg12[%swap3A_1151, %swap3A_1152], %swap3A_1155 {strides = array<i32>} : memref<80x64xf32, #tpu.memory_space<vmem>>, vector<1x16xf32>,
        %mul3A_1156 = arith.mulf %get3A_993, %gather3A_913 : vector<16xf32>
        %mul3A_1157 = arith.constant 16 : i32
        %mul3A_1158 = arith.muli %scan3A_153, %mul3A_1157 : i32
        %add3A_1159 = arith.constant 8 : i32
        %add3A_1160 = arith.addi %mul3A_1158, %add3A_1159 : i32
        %add3A_1161 = arith.constant 1 : i32
        %add3A_1162 = arith.addi %add3A_1160, %add3A_1161 : i32
        %swap3A_1163 = arith.index_cast %add3A_1162 : i32 to index
        %swap3A_1164 = arith.constant 32 : index
        %swap3A_1165 = tpu.vector_load %arg12[%swap3A_1163, %swap3A_1164] {strides = array<i32>} : memref<80x64xf32, #tpu.memory_space<vmem>>, vector<1x16xf32>,
        %swap3A_1166 = vector.shape_cast %swap3A_1165 : vector<1x16xf32> to vector<16xf32>
        %swap3A_1167 = vector.shape_cast %mul3A_1156 : vector<16xf32> to vector<1x16xf32>
        tpu.vector_store %arg12[%swap3A_1163, %swap3A_1164], %swap3A_1167 {strides = array<i32>} : memref<80x64xf32, #tpu.memory_space<vmem>>, vector<1x16xf32>,
        %mul3A_1168 = arith.mulf %get3A_1003, %gather3A_913 : vector<16xf32>
        %mul3A_1169 = arith.constant 16 : i32
        %mul3A_1170 = arith.muli %scan3A_153, %mul3A_1169 : i32
        %add3A_1171 = arith.constant 8 : i32
        %add3A_1172 = arith.addi %mul3A_1170, %add3A_1171 : i32
        %add3A_1173 = arith.constant 1 : i32
        %add3A_1174 = arith.addi %add3A_1172, %add3A_1173 : i32
        %swap3A_1175 = arith.index_cast %add3A_1174 : i32 to index
        %swap3A_1176 = arith.constant 48 : index
        %swap3A_1177 = tpu.vector_load %arg12[%swap3A_1175, %swap3A_1176] {strides = array<i32>} : memref<80x64xf32, #tpu.memory_space<vmem>>, vector<1x16xf32>,
        %swap3A_1178 = vector.shape_cast %swap3A_1177 : vector<1x16xf32> to vector<16xf32>
        %swap3A_1179 = vector.shape_cast %mul3A_1168 : vector<16xf32> to vector<1x16xf32>
        tpu.vector_store %arg12[%swap3A_1175, %swap3A_1176], %swap3A_1179 {strides = array<i32>} : memref<80x64xf32, #tpu.memory_space<vmem>>, vector<1x16xf32>,
        %mul3A_1180 = arith.mulf %get3A_1013, %gather3A_918 : vector<16xf32>
        %mul3A_1181 = arith.constant 16 : i32
        %mul3A_1182 = arith.muli %scan3A_153, %mul3A_1181 : i32
        %add3A_1183 = arith.constant 8 : i32
        %add3A_1184 = arith.addi %mul3A_1182, %add3A_1183 : i32
        %add3A_1185 = arith.constant 2 : i32
        %add3A_1186 = arith.addi %add3A_1184, %add3A_1185 : i32
        %swap3A_1187 = arith.index_cast %add3A_1186 : i32 to index
        %swap3A_1188 = arith.constant 0 : index
        %swap3A_1189 = tpu.vector_load %arg12[%swap3A_1187, %swap3A_1188] {strides = array<i32>} : memref<80x64xf32, #tpu.memory_space<vmem>>, vector<1x16xf32>,
        %swap3A_1190 = vector.shape_cast %swap3A_1189 : vector<1x16xf32> to vector<16xf32>
        %swap3A_1191 = vector.shape_cast %mul3A_1180 : vector<16xf32> to vector<1x16xf32>
        tpu.vector_store %arg12[%swap3A_1187, %swap3A_1188], %swap3A_1191 {strides = array<i32>} : memref<80x64xf32, #tpu.memory_space<vmem>>, vector<1x16xf32>,
        %mul3A_1192 = arith.mulf %get3A_1023, %gather3A_918 : vector<16xf32>
        %mul3A_1193 = arith.constant 16 : i32
        %mul3A_1194 = arith.muli %scan3A_153, %mul3A_1193 : i32
        %add3A_1195 = arith.constant 8 : i32
        %add3A_1196 = arith.addi %mul3A_1194, %add3A_1195 : i32
        %add3A_1197 = arith.constant 2 : i32
        %add3A_1198 = arith.addi %add3A_1196, %add3A_1197 : i32
        %swap3A_1199 = arith.index_cast %add3A_1198 : i32 to index
        %swap3A_1200 = arith.constant 16 : index
        %swap3A_1201 = tpu.vector_load %arg12[%swap3A_1199, %swap3A_1200] {strides = array<i32>} : memref<80x64xf32, #tpu.memory_space<vmem>>, vector<1x16xf32>,
        %swap3A_1202 = vector.shape_cast %swap3A_1201 : vector<1x16xf32> to vector<16xf32>
        %swap3A_1203 = vector.shape_cast %mul3A_1192 : vector<16xf32> to vector<1x16xf32>
        tpu.vector_store %arg12[%swap3A_1199, %swap3A_1200], %swap3A_1203 {strides = array<i32>} : memref<80x64xf32, #tpu.memory_space<vmem>>, vector<1x16xf32>,
        %mul3A_1204 = arith.mulf %get3A_1033, %gather3A_918 : vector<16xf32>
        %mul3A_1205 = arith.constant 16 : i32
        %mul3A_1206 = arith.muli %scan3A_153, %mul3A_1205 : i32
        %add3A_1207 = arith.constant 8 : i32
        %add3A_1208 = arith.addi %mul3A_1206, %add3A_1207 : i32
        %add3A_1209 = arith.constant 2 : i32
        %add3A_1210 = arith.addi %add3A_1208, %add3A_1209 : i32
        %swap3A_1211 = arith.index_cast %add3A_1210 : i32 to index
        %swap3A_1212 = arith.constant 32 : index
        %swap3A_1213 = tpu.vector_load %arg12[%swap3A_1211, %swap3A_1212] {strides = array<i32>} : memref<80x64xf32, #tpu.memory_space<vmem>>, vector<1x16xf32>,
        %swap3A_1214 = vector.shape_cast %swap3A_1213 : vector<1x16xf32> to vector<16xf32>
        %swap3A_1215 = vector.shape_cast %mul3A_1204 : vector<16xf32> to vector<1x16xf32>
        tpu.vector_store %arg12[%swap3A_1211, %swap3A_1212], %swap3A_1215 {strides = array<i32>} : memref<80x64xf32, #tpu.memory_space<vmem>>, vector<1x16xf32>,
        %mul3A_1216 = arith.mulf %get3A_1043, %gather3A_918 : vector<16xf32>
        %mul3A_1217 = arith.constant 16 : i32
        %mul3A_1218 = arith.muli %scan3A_153, %mul3A_1217 : i32
        %add3A_1219 = arith.constant 8 : i32
        %add3A_1220 = arith.addi %mul3A_1218, %add3A_1219 : i32
        %add3A_1221 = arith.constant 2 : i32
        %add3A_1222 = arith.addi %add3A_1220, %add3A_1221 : i32
        %swap3A_1223 = arith.index_cast %add3A_1222 : i32 to index
        %swap3A_1224 = arith.constant 48 : index
        %swap3A_1225 = tpu.vector_load %arg12[%swap3A_1223, %swap3A_1224] {strides = array<i32>} : memref<80x64xf32, #tpu.memory_space<vmem>>, vector<1x16xf32>,
        %swap3A_1226 = vector.shape_cast %swap3A_1225 : vector<1x16xf32> to vector<16xf32>
        %swap3A_1227 = vector.shape_cast %mul3A_1216 : vector<16xf32> to vector<1x16xf32>
        tpu.vector_store %arg12[%swap3A_1223, %swap3A_1224], %swap3A_1227 {strides = array<i32>} : memref<80x64xf32, #tpu.memory_space<vmem>>, vector<1x16xf32>,
        %mul3A_1228 = arith.mulf %get3A_1053, %gather3A_923 : vector<16xf32>
        %mul3A_1229 = arith.constant 16 : i32
        %mul3A_1230 = arith.muli %scan3A_153, %mul3A_1229 : i32
        %add3A_1231 = arith.constant 8 : i32
        %add3A_1232 = arith.addi %mul3A_1230, %add3A_1231 : i32
        %add3A_1233 = arith.constant 3 : i32
        %add3A_1234 = arith.addi %add3A_1232, %add3A_1233 : i32
        %swap3A_1235 = arith.index_cast %add3A_1234 : i32 to index
        %swap3A_1236 = arith.constant 0 : index
        %swap3A_1237 = tpu.vector_load %arg12[%swap3A_1235, %swap3A_1236] {strides = array<i32>} : memref<80x64xf32, #tpu.memory_space<vmem>>, vector<1x16xf32>,
        %swap3A_1238 = vector.shape_cast %swap3A_1237 : vector<1x16xf32> to vector<16xf32>
        %swap3A_1239 = vector.shape_cast %mul3A_1228 : vector<16xf32> to vector<1x16xf32>
        tpu.vector_store %arg12[%swap3A_1235, %swap3A_1236], %swap3A_1239 {strides = array<i32>} : memref<80x64xf32, #tpu.memory_space<vmem>>, vector<1x16xf32>,
        %mul3A_1240 = arith.mulf %get3A_1063, %gather3A_923 : vector<16xf32>
        %mul3A_1241 = arith.constant 16 : i32
        %mul3A_1242 = arith.muli %scan3A_153, %mul3A_1241 : i32
        %add3A_1243 = arith.constant 8 : i32
        %add3A_1244 = arith.addi %mul3A_1242, %add3A_1243 : i32
        %add3A_1245 = arith.constant 3 : i32
        %add3A_1246 = arith.addi %add3A_1244, %add3A_1245 : i32
        %swap3A_1247 = arith.index_cast %add3A_1246 : i32 to index
        %swap3A_1248 = arith.constant 16 : index
        %swap3A_1249 = tpu.vector_load %arg12[%swap3A_1247, %swap3A_1248] {strides = array<i32>} : memref<80x64xf32, #tpu.memory_space<vmem>>, vector<1x16xf32>,
        %swap3A_1250 = vector.shape_cast %swap3A_1249 : vector<1x16xf32> to vector<16xf32>
        %swap3A_1251 = vector.shape_cast %mul3A_1240 : vector<16xf32> to vector<1x16xf32>
        tpu.vector_store %arg12[%swap3A_1247, %swap3A_1248], %swap3A_1251 {strides = array<i32>} : memref<80x64xf32, #tpu.memory_space<vmem>>, vector<1x16xf32>,
        %mul3A_1252 = arith.mulf %get3A_1073, %gather3A_923 : vector<16xf32>
        %mul3A_1253 = arith.constant 16 : i32
        %mul3A_1254 = arith.muli %scan3A_153, %mul3A_1253 : i32
        %add3A_1255 = arith.constant 8 : i32
        %add3A_1256 = arith.addi %mul3A_1254, %add3A_1255 : i32
        %add3A_1257 = arith.constant 3 : i32
        %add3A_1258 = arith.addi %add3A_1256, %add3A_1257 : i32
        %swap3A_1259 = arith.index_cast %add3A_1258 : i32 to index
        %swap3A_1260 = arith.constant 32 : index
        %swap3A_1261 = tpu.vector_load %arg12[%swap3A_1259, %swap3A_1260] {strides = array<i32>} : memref<80x64xf32, #tpu.memory_space<vmem>>, vector<1x16xf32>,
        %swap3A_1262 = vector.shape_cast %swap3A_1261 : vector<1x16xf32> to vector<16xf32>
        %swap3A_1263 = vector.shape_cast %mul3A_1252 : vector<16xf32> to vector<1x16xf32>
        tpu.vector_store %arg12[%swap3A_1259, %swap3A_1260], %swap3A_1263 {strides = array<i32>} : memref<80x64xf32, #tpu.memory_space<vmem>>, vector<1x16xf32>,
        %mul3A_1264 = arith.mulf %get3A_1083, %gather3A_923 : vector<16xf32>
        %mul3A_1265 = arith.constant 16 : i32
        %mul3A_1266 = arith.muli %scan3A_153, %mul3A_1265 : i32
        %add3A_1267 = arith.constant 8 : i32
        %add3A_1268 = arith.addi %mul3A_1266, %add3A_1267 : i32
        %add3A_1269 = arith.constant 3 : i32
        %add3A_1270 = arith.addi %add3A_1268, %add3A_1269 : i32
        %swap3A_1271 = arith.index_cast %add3A_1270 : i32 to index
        %swap3A_1272 = arith.constant 48 : index
        %swap3A_1273 = tpu.vector_load %arg12[%swap3A_1271, %swap3A_1272] {strides = array<i32>} : memref<80x64xf32, #tpu.memory_space<vmem>>, vector<1x16xf32>,
        %swap3A_1274 = vector.shape_cast %swap3A_1273 : vector<1x16xf32> to vector<16xf32>
        %swap3A_1275 = vector.shape_cast %mul3A_1264 : vector<16xf32> to vector<1x16xf32>
        tpu.vector_store %arg12[%swap3A_1271, %swap3A_1272], %swap3A_1275 {strides = array<i32>} : memref<80x64xf32, #tpu.memory_space<vmem>>, vector<1x16xf32>,
        %broadcast_in_dim3A_1276 = arith.constant 12 : i32
        %broadcast_in_dim3A_1277 = vector.broadcast %broadcast_in_dim3A_1276 : i32 to vector<16xi32>
        %broadcast_in_dim3A_1278 = vector.shape_cast %broadcast_in_dim3A_1277 : vector<16xi32> to vector<16x1xi32>
        %gather3A_1279 = vector.shape_cast %broadcast_in_dim3A_1278 : vector<16x1xi32> to vector<16xi32>
        %gather3A_1280 = tpu.dynamic_gather %get3A_161[%gather3A_1279] in [0] : vector<16xf32>, vector<16xi32> -> vector<16xf32>
        %broadcast_in_dim3A_1281 = arith.constant 13 : i32
        %broadcast_in_dim3A_1282 = vector.broadcast %broadcast_in_dim3A_1281 : i32 to vector<16xi32>
        %broadcast_in_dim3A_1283 = vector.shape_cast %broadcast_in_dim3A_1282 : vector<16xi32> to vector<16x1xi32>
        %gather3A_1284 = vector.shape_cast %broadcast_in_dim3A_1283 : vector<16x1xi32> to vector<16xi32>
        %gather3A_1285 = tpu.dynamic_gather %get3A_161[%gather3A_1284] in [0] : vector<16xf32>, vector<16xi32> -> vector<16xf32>
        %broadcast_in_dim3A_1286 = arith.constant 14 : i32
        %broadcast_in_dim3A_1287 = vector.broadcast %broadcast_in_dim3A_1286 : i32 to vector<16xi32>
        %broadcast_in_dim3A_1288 = vector.shape_cast %broadcast_in_dim3A_1287 : vector<16xi32> to vector<16x1xi32>
        %gather3A_1289 = vector.shape_cast %broadcast_in_dim3A_1288 : vector<16x1xi32> to vector<16xi32>
        %gather3A_1290 = tpu.dynamic_gather %get3A_161[%gather3A_1289] in [0] : vector<16xf32>, vector<16xi32> -> vector<16xf32>
        %broadcast_in_dim3A_1291 = arith.constant 15 : i32
        %broadcast_in_dim3A_1292 = vector.broadcast %broadcast_in_dim3A_1291 : i32 to vector<16xi32>
        %broadcast_in_dim3A_1293 = vector.shape_cast %broadcast_in_dim3A_1292 : vector<16xi32> to vector<16x1xi32>
        %gather3A_1294 = vector.shape_cast %broadcast_in_dim3A_1293 : vector<16x1xi32> to vector<16xi32>
        %gather3A_1295 = tpu.dynamic_gather %get3A_161[%gather3A_1294] in [0] : vector<16xf32>, vector<16xi32> -> vector<16xf32>
        %mul3A_1296 = arith.constant 16 : i32
        %mul3A_1297 = arith.muli %scan3A_153, %mul3A_1296 : i32
        %add3A_1298 = arith.constant 12 : i32
        %add3A_1299 = arith.addi %mul3A_1297, %add3A_1298 : i32
        %add3A_1300 = arith.constant 0 : i32
        %add3A_1301 = arith.addi %add3A_1299, %add3A_1300 : i32
        %get3A_1302 = arith.index_cast %add3A_1301 : i32 to index
        %get3A_1303 = arith.constant 0 : index
        %get3A_1304 = tpu.vector_load %arg10[%get3A_1302, %get3A_1303] {strides = array<i32>} : memref<80x64xf32, #tpu.memory_space<vmem>>, vector<1x16xf32>,
        %get3A_1305 = vector.shape_cast %get3A_1304 : vector<1x16xf32> to vector<16xf32>
        %mul3A_1306 = arith.constant 16 : i32
        %mul3A_1307 = arith.muli %scan3A_153, %mul3A_1306 : i32
        %add3A_1308 = arith.constant 12 : i32
        %add3A_1309 = arith.addi %mul3A_1307, %add3A_1308 : i32
        %add3A_1310 = arith.constant 0 : i32
        %add3A_1311 = arith.addi %add3A_1309, %add3A_1310 : i32
        %get3A_1312 = arith.index_cast %add3A_1311 : i32 to index
        %get3A_1313 = arith.constant 16 : index
        %get3A_1314 = tpu.vector_load %arg10[%get3A_1312, %get3A_1313] {strides = array<i32>} : memref<80x64xf32, #tpu.memory_space<vmem>>, vector<1x16xf32>,
        %get3A_1315 = vector.shape_cast %get3A_1314 : vector<1x16xf32> to vector<16xf32>
        %mul3A_1316 = arith.constant 16 : i32
        %mul3A_1317 = arith.muli %scan3A_153, %mul3A_1316 : i32
        %add3A_1318 = arith.constant 12 : i32
        %add3A_1319 = arith.addi %mul3A_1317, %add3A_1318 : i32
        %add3A_1320 = arith.constant 0 : i32
        %add3A_1321 = arith.addi %add3A_1319, %add3A_1320 : i32
        %get3A_1322 = arith.index_cast %add3A_1321 : i32 to index
        %get3A_1323 = arith.constant 32 : index
        %get3A_1324 = tpu.vector_load %arg10[%get3A_1322, %get3A_1323] {strides = array<i32>} : memref<80x64xf32, #tpu.memory_space<vmem>>, vector<1x16xf32>,
        %get3A_1325 = vector.shape_cast %get3A_1324 : vector<1x16xf32> to vector<16xf32>
        %mul3A_1326 = arith.constant 16 : i32
        %mul3A_1327 = arith.muli %scan3A_153, %mul3A_1326 : i32
        %add3A_1328 = arith.constant 12 : i32
        %add3A_1329 = arith.addi %mul3A_1327, %add3A_1328 : i32
        %add3A_1330 = arith.constant 0 : i32
        %add3A_1331 = arith.addi %add3A_1329, %add3A_1330 : i32
        %get3A_1332 = arith.index_cast %add3A_1331 : i32 to index
        %get3A_1333 = arith.constant 48 : index
        %get3A_1334 = tpu.vector_load %arg10[%get3A_1332, %get3A_1333] {strides = array<i32>} : memref<80x64xf32, #tpu.memory_space<vmem>>, vector<1x16xf32>,
        %get3A_1335 = vector.shape_cast %get3A_1334 : vector<1x16xf32> to vector<16xf32>
        %mul3A_1336 = arith.constant 16 : i32
        %mul3A_1337 = arith.muli %scan3A_153, %mul3A_1336 : i32
        %add3A_1338 = arith.constant 12 : i32
        %add3A_1339 = arith.addi %mul3A_1337, %add3A_1338 : i32
        %add3A_1340 = arith.constant 1 : i32
        %add3A_1341 = arith.addi %add3A_1339, %add3A_1340 : i32
        %get3A_1342 = arith.index_cast %add3A_1341 : i32 to index
        %get3A_1343 = arith.constant 0 : index
        %get3A_1344 = tpu.vector_load %arg10[%get3A_1342, %get3A_1343] {strides = array<i32>} : memref<80x64xf32, #tpu.memory_space<vmem>>, vector<1x16xf32>,
        %get3A_1345 = vector.shape_cast %get3A_1344 : vector<1x16xf32> to vector<16xf32>
        %mul3A_1346 = arith.constant 16 : i32
        %mul3A_1347 = arith.muli %scan3A_153, %mul3A_1346 : i32
        %add3A_1348 = arith.constant 12 : i32
        %add3A_1349 = arith.addi %mul3A_1347, %add3A_1348 : i32
        %add3A_1350 = arith.constant 1 : i32
        %add3A_1351 = arith.addi %add3A_1349, %add3A_1350 : i32
        %get3A_1352 = arith.index_cast %add3A_1351 : i32 to index
        %get3A_1353 = arith.constant 16 : index
        %get3A_1354 = tpu.vector_load %arg10[%get3A_1352, %get3A_1353] {strides = array<i32>} : memref<80x64xf32, #tpu.memory_space<vmem>>, vector<1x16xf32>,
        %get3A_1355 = vector.shape_cast %get3A_1354 : vector<1x16xf32> to vector<16xf32>
        %mul3A_1356 = arith.constant 16 : i32
        %mul3A_1357 = arith.muli %scan3A_153, %mul3A_1356 : i32
        %add3A_1358 = arith.constant 12 : i32
        %add3A_1359 = arith.addi %mul3A_1357, %add3A_1358 : i32
        %add3A_1360 = arith.constant 1 : i32
        %add3A_1361 = arith.addi %add3A_1359, %add3A_1360 : i32
        %get3A_1362 = arith.index_cast %add3A_1361 : i32 to index
        %get3A_1363 = arith.constant 32 : index
        %get3A_1364 = tpu.vector_load %arg10[%get3A_1362, %get3A_1363] {strides = array<i32>} : memref<80x64xf32, #tpu.memory_space<vmem>>, vector<1x16xf32>,
        %get3A_1365 = vector.shape_cast %get3A_1364 : vector<1x16xf32> to vector<16xf32>
        %mul3A_1366 = arith.constant 16 : i32
        %mul3A_1367 = arith.muli %scan3A_153, %mul3A_1366 : i32
        %add3A_1368 = arith.constant 12 : i32
        %add3A_1369 = arith.addi %mul3A_1367, %add3A_1368 : i32
        %add3A_1370 = arith.constant 1 : i32
        %add3A_1371 = arith.addi %add3A_1369, %add3A_1370 : i32
        %get3A_1372 = arith.index_cast %add3A_1371 : i32 to index
        %get3A_1373 = arith.constant 48 : index
        %get3A_1374 = tpu.vector_load %arg10[%get3A_1372, %get3A_1373] {strides = array<i32>} : memref<80x64xf32, #tpu.memory_space<vmem>>, vector<1x16xf32>,
        %get3A_1375 = vector.shape_cast %get3A_1374 : vector<1x16xf32> to vector<16xf32>
        %mul3A_1376 = arith.constant 16 : i32
        %mul3A_1377 = arith.muli %scan3A_153, %mul3A_1376 : i32
        %add3A_1378 = arith.constant 12 : i32
        %add3A_1379 = arith.addi %mul3A_1377, %add3A_1378 : i32
        %add3A_1380 = arith.constant 2 : i32
        %add3A_1381 = arith.addi %add3A_1379, %add3A_1380 : i32
        %get3A_1382 = arith.index_cast %add3A_1381 : i32 to index
        %get3A_1383 = arith.constant 0 : index
        %get3A_1384 = tpu.vector_load %arg10[%get3A_1382, %get3A_1383] {strides = array<i32>} : memref<80x64xf32, #tpu.memory_space<vmem>>, vector<1x16xf32>,
        %get3A_1385 = vector.shape_cast %get3A_1384 : vector<1x16xf32> to vector<16xf32>
        %mul3A_1386 = arith.constant 16 : i32
        %mul3A_1387 = arith.muli %scan3A_153, %mul3A_1386 : i32
        %add3A_1388 = arith.constant 12 : i32
        %add3A_1389 = arith.addi %mul3A_1387, %add3A_1388 : i32
        %add3A_1390 = arith.constant 2 : i32
        %add3A_1391 = arith.addi %add3A_1389, %add3A_1390 : i32
        %get3A_1392 = arith.index_cast %add3A_1391 : i32 to index
        %get3A_1393 = arith.constant 16 : index
        %get3A_1394 = tpu.vector_load %arg10[%get3A_1392, %get3A_1393] {strides = array<i32>} : memref<80x64xf32, #tpu.memory_space<vmem>>, vector<1x16xf32>,
        %get3A_1395 = vector.shape_cast %get3A_1394 : vector<1x16xf32> to vector<16xf32>
        %mul3A_1396 = arith.constant 16 : i32
        %mul3A_1397 = arith.muli %scan3A_153, %mul3A_1396 : i32
        %add3A_1398 = arith.constant 12 : i32
        %add3A_1399 = arith.addi %mul3A_1397, %add3A_1398 : i32
        %add3A_1400 = arith.constant 2 : i32
        %add3A_1401 = arith.addi %add3A_1399, %add3A_1400 : i32
        %get3A_1402 = arith.index_cast %add3A_1401 : i32 to index
        %get3A_1403 = arith.constant 32 : index
        %get3A_1404 = tpu.vector_load %arg10[%get3A_1402, %get3A_1403] {strides = array<i32>} : memref<80x64xf32, #tpu.memory_space<vmem>>, vector<1x16xf32>,
        %get3A_1405 = vector.shape_cast %get3A_1404 : vector<1x16xf32> to vector<16xf32>
        %mul3A_1406 = arith.constant 16 : i32
        %mul3A_1407 = arith.muli %scan3A_153, %mul3A_1406 : i32
        %add3A_1408 = arith.constant 12 : i32
        %add3A_1409 = arith.addi %mul3A_1407, %add3A_1408 : i32
        %add3A_1410 = arith.constant 2 : i32
        %add3A_1411 = arith.addi %add3A_1409, %add3A_1410 : i32
        %get3A_1412 = arith.index_cast %add3A_1411 : i32 to index
        %get3A_1413 = arith.constant 48 : index
        %get3A_1414 = tpu.vector_load %arg10[%get3A_1412, %get3A_1413] {strides = array<i32>} : memref<80x64xf32, #tpu.memory_space<vmem>>, vector<1x16xf32>,
        %get3A_1415 = vector.shape_cast %get3A_1414 : vector<1x16xf32> to vector<16xf32>
        %mul3A_1416 = arith.constant 16 : i32
        %mul3A_1417 = arith.muli %scan3A_153, %mul3A_1416 : i32
        %add3A_1418 = arith.constant 12 : i32
        %add3A_1419 = arith.addi %mul3A_1417, %add3A_1418 : i32
        %add3A_1420 = arith.constant 3 : i32
        %add3A_1421 = arith.addi %add3A_1419, %add3A_1420 : i32
        %get3A_1422 = arith.index_cast %add3A_1421 : i32 to index
        %get3A_1423 = arith.constant 0 : index
        %get3A_1424 = tpu.vector_load %arg10[%get3A_1422, %get3A_1423] {strides = array<i32>} : memref<80x64xf32, #tpu.memory_space<vmem>>, vector<1x16xf32>,
        %get3A_1425 = vector.shape_cast %get3A_1424 : vector<1x16xf32> to vector<16xf32>
        %mul3A_1426 = arith.constant 16 : i32
        %mul3A_1427 = arith.muli %scan3A_153, %mul3A_1426 : i32
        %add3A_1428 = arith.constant 12 : i32
        %add3A_1429 = arith.addi %mul3A_1427, %add3A_1428 : i32
        %add3A_1430 = arith.constant 3 : i32
        %add3A_1431 = arith.addi %add3A_1429, %add3A_1430 : i32
        %get3A_1432 = arith.index_cast %add3A_1431 : i32 to index
        %get3A_1433 = arith.constant 16 : index
        %get3A_1434 = tpu.vector_load %arg10[%get3A_1432, %get3A_1433] {strides = array<i32>} : memref<80x64xf32, #tpu.memory_space<vmem>>, vector<1x16xf32>,
        %get3A_1435 = vector.shape_cast %get3A_1434 : vector<1x16xf32> to vector<16xf32>
        %mul3A_1436 = arith.constant 16 : i32
        %mul3A_1437 = arith.muli %scan3A_153, %mul3A_1436 : i32
        %add3A_1438 = arith.constant 12 : i32
        %add3A_1439 = arith.addi %mul3A_1437, %add3A_1438 : i32
        %add3A_1440 = arith.constant 3 : i32
        %add3A_1441 = arith.addi %add3A_1439, %add3A_1440 : i32
        %get3A_1442 = arith.index_cast %add3A_1441 : i32 to index
        %get3A_1443 = arith.constant 32 : index
        %get3A_1444 = tpu.vector_load %arg10[%get3A_1442, %get3A_1443] {strides = array<i32>} : memref<80x64xf32, #tpu.memory_space<vmem>>, vector<1x16xf32>,
        %get3A_1445 = vector.shape_cast %get3A_1444 : vector<1x16xf32> to vector<16xf32>
        %mul3A_1446 = arith.constant 16 : i32
        %mul3A_1447 = arith.muli %scan3A_153, %mul3A_1446 : i32
        %add3A_1448 = arith.constant 12 : i32
        %add3A_1449 = arith.addi %mul3A_1447, %add3A_1448 : i32
        %add3A_1450 = arith.constant 3 : i32
        %add3A_1451 = arith.addi %add3A_1449, %add3A_1450 : i32
        %get3A_1452 = arith.index_cast %add3A_1451 : i32 to index
        %get3A_1453 = arith.constant 48 : index
        %get3A_1454 = tpu.vector_load %arg10[%get3A_1452, %get3A_1453] {strides = array<i32>} : memref<80x64xf32, #tpu.memory_space<vmem>>, vector<1x16xf32>,
        %get3A_1455 = vector.shape_cast %get3A_1454 : vector<1x16xf32> to vector<16xf32>
        %mul3A_1456 = arith.mulf %get3A_1305, %gather3A_1280 : vector<16xf32>
        %mul3A_1457 = arith.constant 16 : i32
        %mul3A_1458 = arith.muli %scan3A_153, %mul3A_1457 : i32
        %add3A_1459 = arith.constant 12 : i32
        %add3A_1460 = arith.addi %mul3A_1458, %add3A_1459 : i32
        %add3A_1461 = arith.constant 0 : i32
        %add3A_1462 = arith.addi %add3A_1460, %add3A_1461 : i32
        %swap3A_1463 = arith.index_cast %add3A_1462 : i32 to index
        %swap3A_1464 = arith.constant 0 : index
        %swap3A_1465 = tpu.vector_load %arg12[%swap3A_1463, %swap3A_1464] {strides = array<i32>} : memref<80x64xf32, #tpu.memory_space<vmem>>, vector<1x16xf32>,
        %swap3A_1466 = vector.shape_cast %swap3A_1465 : vector<1x16xf32> to vector<16xf32>
        %swap3A_1467 = vector.shape_cast %mul3A_1456 : vector<16xf32> to vector<1x16xf32>
        tpu.vector_store %arg12[%swap3A_1463, %swap3A_1464], %swap3A_1467 {strides = array<i32>} : memref<80x64xf32, #tpu.memory_space<vmem>>, vector<1x16xf32>,
        %mul3A_1468 = arith.mulf %get3A_1315, %gather3A_1280 : vector<16xf32>
        %mul3A_1469 = arith.constant 16 : i32
        %mul3A_1470 = arith.muli %scan3A_153, %mul3A_1469 : i32
        %add3A_1471 = arith.constant 12 : i32
        %add3A_1472 = arith.addi %mul3A_1470, %add3A_1471 : i32
        %add3A_1473 = arith.constant 0 : i32
        %add3A_1474 = arith.addi %add3A_1472, %add3A_1473 : i32
        %swap3A_1475 = arith.index_cast %add3A_1474 : i32 to index
        %swap3A_1476 = arith.constant 16 : index
        %swap3A_1477 = tpu.vector_load %arg12[%swap3A_1475, %swap3A_1476] {strides = array<i32>} : memref<80x64xf32, #tpu.memory_space<vmem>>, vector<1x16xf32>,
        %swap3A_1478 = vector.shape_cast %swap3A_1477 : vector<1x16xf32> to vector<16xf32>
        %swap3A_1479 = vector.shape_cast %mul3A_1468 : vector<16xf32> to vector<1x16xf32>
        tpu.vector_store %arg12[%swap3A_1475, %swap3A_1476], %swap3A_1479 {strides = array<i32>} : memref<80x64xf32, #tpu.memory_space<vmem>>, vector<1x16xf32>,
        %mul3A_1480 = arith.mulf %get3A_1325, %gather3A_1280 : vector<16xf32>
        %mul3A_1481 = arith.constant 16 : i32
        %mul3A_1482 = arith.muli %scan3A_153, %mul3A_1481 : i32
        %add3A_1483 = arith.constant 12 : i32
        %add3A_1484 = arith.addi %mul3A_1482, %add3A_1483 : i32
        %add3A_1485 = arith.constant 0 : i32
        %add3A_1486 = arith.addi %add3A_1484, %add3A_1485 : i32
        %swap3A_1487 = arith.index_cast %add3A_1486 : i32 to index
        %swap3A_1488 = arith.constant 32 : index
        %swap3A_1489 = tpu.vector_load %arg12[%swap3A_1487, %swap3A_1488] {strides = array<i32>} : memref<80x64xf32, #tpu.memory_space<vmem>>, vector<1x16xf32>,
        %swap3A_1490 = vector.shape_cast %swap3A_1489 : vector<1x16xf32> to vector<16xf32>
        %swap3A_1491 = vector.shape_cast %mul3A_1480 : vector<16xf32> to vector<1x16xf32>
        tpu.vector_store %arg12[%swap3A_1487, %swap3A_1488], %swap3A_1491 {strides = array<i32>} : memref<80x64xf32, #tpu.memory_space<vmem>>, vector<1x16xf32>,
        %mul3A_1492 = arith.mulf %get3A_1335, %gather3A_1280 : vector<16xf32>
        %mul3A_1493 = arith.constant 16 : i32
        %mul3A_1494 = arith.muli %scan3A_153, %mul3A_1493 : i32
        %add3A_1495 = arith.constant 12 : i32
        %add3A_1496 = arith.addi %mul3A_1494, %add3A_1495 : i32
        %add3A_1497 = arith.constant 0 : i32
        %add3A_1498 = arith.addi %add3A_1496, %add3A_1497 : i32
        %swap3A_1499 = arith.index_cast %add3A_1498 : i32 to index
        %swap3A_1500 = arith.constant 48 : index
        %swap3A_1501 = tpu.vector_load %arg12[%swap3A_1499, %swap3A_1500] {strides = array<i32>} : memref<80x64xf32, #tpu.memory_space<vmem>>, vector<1x16xf32>,
        %swap3A_1502 = vector.shape_cast %swap3A_1501 : vector<1x16xf32> to vector<16xf32>
        %swap3A_1503 = vector.shape_cast %mul3A_1492 : vector<16xf32> to vector<1x16xf32>
        tpu.vector_store %arg12[%swap3A_1499, %swap3A_1500], %swap3A_1503 {strides = array<i32>} : memref<80x64xf32, #tpu.memory_space<vmem>>, vector<1x16xf32>,
        %mul3A_1504 = arith.mulf %get3A_1345, %gather3A_1285 : vector<16xf32>
        %mul3A_1505 = arith.constant 16 : i32
        %mul3A_1506 = arith.muli %scan3A_153, %mul3A_1505 : i32
        %add3A_1507 = arith.constant 12 : i32
        %add3A_1508 = arith.addi %mul3A_1506, %add3A_1507 : i32
        %add3A_1509 = arith.constant 1 : i32
        %add3A_1510 = arith.addi %add3A_1508, %add3A_1509 : i32
        %swap3A_1511 = arith.index_cast %add3A_1510 : i32 to index
        %swap3A_1512 = arith.constant 0 : index
        %swap3A_1513 = tpu.vector_load %arg12[%swap3A_1511, %swap3A_1512] {strides = array<i32>} : memref<80x64xf32, #tpu.memory_space<vmem>>, vector<1x16xf32>,
        %swap3A_1514 = vector.shape_cast %swap3A_1513 : vector<1x16xf32> to vector<16xf32>
        %swap3A_1515 = vector.shape_cast %mul3A_1504 : vector<16xf32> to vector<1x16xf32>
        tpu.vector_store %arg12[%swap3A_1511, %swap3A_1512], %swap3A_1515 {strides = array<i32>} : memref<80x64xf32, #tpu.memory_space<vmem>>, vector<1x16xf32>,
        %mul3A_1516 = arith.mulf %get3A_1355, %gather3A_1285 : vector<16xf32>
        %mul3A_1517 = arith.constant 16 : i32
        %mul3A_1518 = arith.muli %scan3A_153, %mul3A_1517 : i32
        %add3A_1519 = arith.constant 12 : i32
        %add3A_1520 = arith.addi %mul3A_1518, %add3A_1519 : i32
        %add3A_1521 = arith.constant 1 : i32
        %add3A_1522 = arith.addi %add3A_1520, %add3A_1521 : i32
        %swap3A_1523 = arith.index_cast %add3A_1522 : i32 to index
        %swap3A_1524 = arith.constant 16 : index
        %swap3A_1525 = tpu.vector_load %arg12[%swap3A_1523, %swap3A_1524] {strides = array<i32>} : memref<80x64xf32, #tpu.memory_space<vmem>>, vector<1x16xf32>,
        %swap3A_1526 = vector.shape_cast %swap3A_1525 : vector<1x16xf32> to vector<16xf32>
        %swap3A_1527 = vector.shape_cast %mul3A_1516 : vector<16xf32> to vector<1x16xf32>
        tpu.vector_store %arg12[%swap3A_1523, %swap3A_1524], %swap3A_1527 {strides = array<i32>} : memref<80x64xf32, #tpu.memory_space<vmem>>, vector<1x16xf32>,
        %mul3A_1528 = arith.mulf %get3A_1365, %gather3A_1285 : vector<16xf32>
        %mul3A_1529 = arith.constant 16 : i32
        %mul3A_1530 = arith.muli %scan3A_153, %mul3A_1529 : i32
        %add3A_1531 = arith.constant 12 : i32
        %add3A_1532 = arith.addi %mul3A_1530, %add3A_1531 : i32
        %add3A_1533 = arith.constant 1 : i32
        %add3A_1534 = arith.addi %add3A_1532, %add3A_1533 : i32
        %swap3A_1535 = arith.index_cast %add3A_1534 : i32 to index
        %swap3A_1536 = arith.constant 32 : index
        %swap3A_1537 = tpu.vector_load %arg12[%swap3A_1535, %swap3A_1536] {strides = array<i32>} : memref<80x64xf32, #tpu.memory_space<vmem>>, vector<1x16xf32>,
        %swap3A_1538 = vector.shape_cast %swap3A_1537 : vector<1x16xf32> to vector<16xf32>
        %swap3A_1539 = vector.shape_cast %mul3A_1528 : vector<16xf32> to vector<1x16xf32>
        tpu.vector_store %arg12[%swap3A_1535, %swap3A_1536], %swap3A_1539 {strides = array<i32>} : memref<80x64xf32, #tpu.memory_space<vmem>>, vector<1x16xf32>,
        %mul3A_1540 = arith.mulf %get3A_1375, %gather3A_1285 : vector<16xf32>
        %mul3A_1541 = arith.constant 16 : i32
        %mul3A_1542 = arith.muli %scan3A_153, %mul3A_1541 : i32
        %add3A_1543 = arith.constant 12 : i32
        %add3A_1544 = arith.addi %mul3A_1542, %add3A_1543 : i32
        %add3A_1545 = arith.constant 1 : i32
        %add3A_1546 = arith.addi %add3A_1544, %add3A_1545 : i32
        %swap3A_1547 = arith.index_cast %add3A_1546 : i32 to index
        %swap3A_1548 = arith.constant 48 : index
        %swap3A_1549 = tpu.vector_load %arg12[%swap3A_1547, %swap3A_1548] {strides = array<i32>} : memref<80x64xf32, #tpu.memory_space<vmem>>, vector<1x16xf32>,
        %swap3A_1550 = vector.shape_cast %swap3A_1549 : vector<1x16xf32> to vector<16xf32>
        %swap3A_1551 = vector.shape_cast %mul3A_1540 : vector<16xf32> to vector<1x16xf32>
        tpu.vector_store %arg12[%swap3A_1547, %swap3A_1548], %swap3A_1551 {strides = array<i32>} : memref<80x64xf32, #tpu.memory_space<vmem>>, vector<1x16xf32>,
        %mul3A_1552 = arith.mulf %get3A_1385, %gather3A_1290 : vector<16xf32>
        %mul3A_1553 = arith.constant 16 : i32
        %mul3A_1554 = arith.muli %scan3A_153, %mul3A_1553 : i32
        %add3A_1555 = arith.constant 12 : i32
        %add3A_1556 = arith.addi %mul3A_1554, %add3A_1555 : i32
        %add3A_1557 = arith.constant 2 : i32
        %add3A_1558 = arith.addi %add3A_1556, %add3A_1557 : i32
        %swap3A_1559 = arith.index_cast %add3A_1558 : i32 to index
        %swap3A_1560 = arith.constant 0 : index
        %swap3A_1561 = tpu.vector_load %arg12[%swap3A_1559, %swap3A_1560] {strides = array<i32>} : memref<80x64xf32, #tpu.memory_space<vmem>>, vector<1x16xf32>,
        %swap3A_1562 = vector.shape_cast %swap3A_1561 : vector<1x16xf32> to vector<16xf32>
        %swap3A_1563 = vector.shape_cast %mul3A_1552 : vector<16xf32> to vector<1x16xf32>
        tpu.vector_store %arg12[%swap3A_1559, %swap3A_1560], %swap3A_1563 {strides = array<i32>} : memref<80x64xf32, #tpu.memory_space<vmem>>, vector<1x16xf32>,
        %mul3A_1564 = arith.mulf %get3A_1395, %gather3A_1290 : vector<16xf32>
        %mul3A_1565 = arith.constant 16 : i32
        %mul3A_1566 = arith.muli %scan3A_153, %mul3A_1565 : i32
        %add3A_1567 = arith.constant 12 : i32
        %add3A_1568 = arith.addi %mul3A_1566, %add3A_1567 : i32
        %add3A_1569 = arith.constant 2 : i32
        %add3A_1570 = arith.addi %add3A_1568, %add3A_1569 : i32
        %swap3A_1571 = arith.index_cast %add3A_1570 : i32 to index
        %swap3A_1572 = arith.constant 16 : index
        %swap3A_1573 = tpu.vector_load %arg12[%swap3A_1571, %swap3A_1572] {strides = array<i32>} : memref<80x64xf32, #tpu.memory_space<vmem>>, vector<1x16xf32>,
        %swap3A_1574 = vector.shape_cast %swap3A_1573 : vector<1x16xf32> to vector<16xf32>
        %swap3A_1575 = vector.shape_cast %mul3A_1564 : vector<16xf32> to vector<1x16xf32>
        tpu.vector_store %arg12[%swap3A_1571, %swap3A_1572], %swap3A_1575 {strides = array<i32>} : memref<80x64xf32, #tpu.memory_space<vmem>>, vector<1x16xf32>,
        %mul3A_1576 = arith.mulf %get3A_1405, %gather3A_1290 : vector<16xf32>
        %mul3A_1577 = arith.constant 16 : i32
        %mul3A_1578 = arith.muli %scan3A_153, %mul3A_1577 : i32
        %add3A_1579 = arith.constant 12 : i32
        %add3A_1580 = arith.addi %mul3A_1578, %add3A_1579 : i32
        %add3A_1581 = arith.constant 2 : i32
        %add3A_1582 = arith.addi %add3A_1580, %add3A_1581 : i32
        %swap3A_1583 = arith.index_cast %add3A_1582 : i32 to index
        %swap3A_1584 = arith.constant 32 : index
        %swap3A_1585 = tpu.vector_load %arg12[%swap3A_1583, %swap3A_1584] {strides = array<i32>} : memref<80x64xf32, #tpu.memory_space<vmem>>, vector<1x16xf32>,
        %swap3A_1586 = vector.shape_cast %swap3A_1585 : vector<1x16xf32> to vector<16xf32>
        %swap3A_1587 = vector.shape_cast %mul3A_1576 : vector<16xf32> to vector<1x16xf32>
        tpu.vector_store %arg12[%swap3A_1583, %swap3A_1584], %swap3A_1587 {strides = array<i32>} : memref<80x64xf32, #tpu.memory_space<vmem>>, vector<1x16xf32>,
        %mul3A_1588 = arith.mulf %get3A_1415, %gather3A_1290 : vector<16xf32>
        %mul3A_1589 = arith.constant 16 : i32
        %mul3A_1590 = arith.muli %scan3A_153, %mul3A_1589 : i32
        %add3A_1591 = arith.constant 12 : i32
        %add3A_1592 = arith.addi %mul3A_1590, %add3A_1591 : i32
        %add3A_1593 = arith.constant 2 : i32
        %add3A_1594 = arith.addi %add3A_1592, %add3A_1593 : i32
        %swap3A_1595 = arith.index_cast %add3A_1594 : i32 to index
        %swap3A_1596 = arith.constant 48 : index
        %swap3A_1597 = tpu.vector_load %arg12[%swap3A_1595, %swap3A_1596] {strides = array<i32>} : memref<80x64xf32, #tpu.memory_space<vmem>>, vector<1x16xf32>,
        %swap3A_1598 = vector.shape_cast %swap3A_1597 : vector<1x16xf32> to vector<16xf32>
        %swap3A_1599 = vector.shape_cast %mul3A_1588 : vector<16xf32> to vector<1x16xf32>
        tpu.vector_store %arg12[%swap3A_1595, %swap3A_1596], %swap3A_1599 {strides = array<i32>} : memref<80x64xf32, #tpu.memory_space<vmem>>, vector<1x16xf32>,
        %mul3A_1600 = arith.mulf %get3A_1425, %gather3A_1295 : vector<16xf32>
        %mul3A_1601 = arith.constant 16 : i32
        %mul3A_1602 = arith.muli %scan3A_153, %mul3A_1601 : i32
        %add3A_1603 = arith.constant 12 : i32
        %add3A_1604 = arith.addi %mul3A_1602, %add3A_1603 : i32
        %add3A_1605 = arith.constant 3 : i32
        %add3A_1606 = arith.addi %add3A_1604, %add3A_1605 : i32
        %swap3A_1607 = arith.index_cast %add3A_1606 : i32 to index
        %swap3A_1608 = arith.constant 0 : index
        %swap3A_1609 = tpu.vector_load %arg12[%swap3A_1607, %swap3A_1608] {strides = array<i32>} : memref<80x64xf32, #tpu.memory_space<vmem>>, vector<1x16xf32>,
        %swap3A_1610 = vector.shape_cast %swap3A_1609 : vector<1x16xf32> to vector<16xf32>
        %swap3A_1611 = vector.shape_cast %mul3A_1600 : vector<16xf32> to vector<1x16xf32>
        tpu.vector_store %arg12[%swap3A_1607, %swap3A_1608], %swap3A_1611 {strides = array<i32>} : memref<80x64xf32, #tpu.memory_space<vmem>>, vector<1x16xf32>,
        %mul3A_1612 = arith.mulf %get3A_1435, %gather3A_1295 : vector<16xf32>
        %mul3A_1613 = arith.constant 16 : i32
        %mul3A_1614 = arith.muli %scan3A_153, %mul3A_1613 : i32
        %add3A_1615 = arith.constant 12 : i32
        %add3A_1616 = arith.addi %mul3A_1614, %add3A_1615 : i32
        %add3A_1617 = arith.constant 3 : i32
        %add3A_1618 = arith.addi %add3A_1616, %add3A_1617 : i32
        %swap3A_1619 = arith.index_cast %add3A_1618 : i32 to index
        %swap3A_1620 = arith.constant 16 : index
        %swap3A_1621 = tpu.vector_load %arg12[%swap3A_1619, %swap3A_1620] {strides = array<i32>} : memref<80x64xf32, #tpu.memory_space<vmem>>, vector<1x16xf32>,
        %swap3A_1622 = vector.shape_cast %swap3A_1621 : vector<1x16xf32> to vector<16xf32>
        %swap3A_1623 = vector.shape_cast %mul3A_1612 : vector<16xf32> to vector<1x16xf32>
        tpu.vector_store %arg12[%swap3A_1619, %swap3A_1620], %swap3A_1623 {strides = array<i32>} : memref<80x64xf32, #tpu.memory_space<vmem>>, vector<1x16xf32>,
        %mul3A_1624 = arith.mulf %get3A_1445, %gather3A_1295 : vector<16xf32>
        %mul3A_1625 = arith.constant 16 : i32
        %mul3A_1626 = arith.muli %scan3A_153, %mul3A_1625 : i32
        %add3A_1627 = arith.constant 12 : i32
        %add3A_1628 = arith.addi %mul3A_1626, %add3A_1627 : i32
        %add3A_1629 = arith.constant 3 : i32
        %add3A_1630 = arith.addi %add3A_1628, %add3A_1629 : i32
        %swap3A_1631 = arith.index_cast %add3A_1630 : i32 to index
        %swap3A_1632 = arith.constant 32 : index
        %swap3A_1633 = tpu.vector_load %arg12[%swap3A_1631, %swap3A_1632] {strides = array<i32>} : memref<80x64xf32, #tpu.memory_space<vmem>>, vector<1x16xf32>,
        %swap3A_1634 = vector.shape_cast %swap3A_1633 : vector<1x16xf32> to vector<16xf32>
        %swap3A_1635 = vector.shape_cast %mul3A_1624 : vector<16xf32> to vector<1x16xf32>
        tpu.vector_store %arg12[%swap3A_1631, %swap3A_1632], %swap3A_1635 {strides = array<i32>} : memref<80x64xf32, #tpu.memory_space<vmem>>, vector<1x16xf32>,
        %mul3A_1636 = arith.mulf %get3A_1455, %gather3A_1295 : vector<16xf32>
        %mul3A_1637 = arith.constant 16 : i32
        %mul3A_1638 = arith.muli %scan3A_153, %mul3A_1637 : i32
        %add3A_1639 = arith.constant 12 : i32
        %add3A_1640 = arith.addi %mul3A_1638, %add3A_1639 : i32
        %add3A_1641 = arith.constant 3 : i32
        %add3A_1642 = arith.addi %add3A_1640, %add3A_1641 : i32
        %swap3A_1643 = arith.index_cast %add3A_1642 : i32 to index
        %swap3A_1644 = arith.constant 48 : index
        %swap3A_1645 = tpu.vector_load %arg12[%swap3A_1643, %swap3A_1644] {strides = array<i32>} : memref<80x64xf32, #tpu.memory_space<vmem>>, vector<1x16xf32>,
        %swap3A_1646 = vector.shape_cast %swap3A_1645 : vector<1x16xf32> to vector<16xf32>
        %swap3A_1647 = vector.shape_cast %mul3A_1636 : vector<16xf32> to vector<1x16xf32>
        tpu.vector_store %arg12[%swap3A_1643, %swap3A_1644], %swap3A_1647 {strides = array<i32>} : memref<80x64xf32, #tpu.memory_space<vmem>>, vector<1x16xf32>,
        %scan3A_1648 = arith.constant 0 : i32
        scf.yield %scan3A_1648 : i32
      }
      %scan3A_104 = arith.constant 5 : i32
      %dma_start3A_105 = arith.constant 0 : i32
      %dma_start3A_106 = tpu.memref_slice %arg7[%add3A_87, %dma_start3A_105] : memref<250x80xi32, #tpu.memory_space<vmem>> -> memref<1x80xi32, #tpu.memory_space<vmem>>
      %dma_start3A_107 = tpu.memref_squeeze %dma_start3A_106 : memref<1x80xi32, #tpu.memory_space<vmem>> -> memref<80xi32, #tpu.memory_space<vmem>>
      %dma_start3A_108 = arith.constant 0 : i32
      %dma_start3A_109 = arith.constant 0 : i32
      %dma_start3A_110 = tpu.memref_slice %arg14[%dma_start3A_108, %dma_start3A_109] : memref<10000x64xf32, #tpu.memory_space<vmem_shared>> -> memref<10000x64xf32, #tpu.memory_space<vmem_shared>>
      tpu.enqueue_indirect_dma source(%arg12 : memref<80x64xf32, #tpu.memory_space<vmem>>) target(%dma_start3A_110 : memref<10000x64xf32, #tpu.memory_space<vmem_shared>>) offsets(%dma_start3A_107 : memref<80xi32, #tpu.memory_space<vmem>>) semaphore(%arg17 : memref<!tpu.dma_semaphore, #tpu.memory_space<semaphore_mem>>) {add = true}
      %add3A_111 = arith.constant 2 : i32
      %add3A_112 = arith.addi %add3A_87, %add3A_111 : i32
      %lt3A = arith.constant 250 : i32
      %lt3A_113 = arith.cmpi slt, %add3A_112, %lt3A : i32
      %convert_element_type3A_114 = arith.extui %lt3A_113 : i1 to i32
      %cond3A_115 = arith.constant 0 : i32
      %cond3A_116 = arith.cmpi ne, %convert_element_type3A_114, %cond3A_115 : i32
      scf.if %cond3A_116 {
        %add3A_153 = arith.constant 2 : i32
        %add3A_154 = arith.addi %add3A_87, %add3A_153 : i32
        %dma_start3A_155 = arith.constant 0 : i32
        %dma_start3A_156 = tpu.memref_slice %arg8[%add3A_154, %dma_start3A_155] : memref<250x80xi32, #tpu.memory_space<vmem>> -> memref<1x80xi32, #tpu.memory_space<vmem>>
        %dma_start3A_157 = tpu.memref_squeeze %dma_start3A_156 : memref<1x80xi32, #tpu.memory_space<vmem>> -> memref<80xi32, #tpu.memory_space<vmem>>
        %dma_start3A_158 = arith.constant 0 : i32
        %dma_start3A_159 = arith.constant 0 : i32
        %dma_start3A_160 = tpu.memref_slice %arg2[%dma_start3A_158, %dma_start3A_159] : memref<20000x64xf32, #tpu.memory_space<hbm>> -> memref<20000x64xf32, #tpu.memory_space<hbm>>
        tpu.enqueue_indirect_dma source(%dma_start3A_160 : memref<20000x64xf32, #tpu.memory_space<hbm>>) target(%arg10 : memref<80x64xf32, #tpu.memory_space<vmem>>) offsets(%dma_start3A_157 : memref<80xi32, #tpu.memory_space<vmem>>) semaphore(%arg15 : memref<!tpu.dma_semaphore, #tpu.memory_space<semaphore_mem>>)
      } else {
      }
      %mul3A_117 = arith.constant 2 : i32
      %mul3A_118 = arith.muli %scan3A_82, %mul3A_117 : i32
      %add3A_119 = arith.constant 1 : i32
      %add3A_120 = arith.addi %mul3A_118, %add3A_119 : i32
      %dma_wait3A_121 = arith.constant 0 : i32
      %dma_wait3A_122 = tpu.memref_slice %arg8[%add3A_120, %dma_wait3A_121] : memref<250x80xi32, #tpu.memory_space<vmem>> -> memref<1x80xi32, #tpu.memory_space<vmem>>
      %dma_wait3A_123 = tpu.memref_squeeze %dma_wait3A_122 : memref<1x80xi32, #tpu.memory_space<vmem>> -> memref<80xi32, #tpu.memory_space<vmem>>
      %dma_wait3A_124 = arith.constant 0 : i32
      %dma_wait3A_125 = arith.constant 0 : i32
      %dma_wait3A_126 = tpu.memref_slice %arg2[%dma_wait3A_124, %dma_wait3A_125] : memref<20000x64xf32, #tpu.memory_space<hbm>> -> memref<20000x64xf32, #tpu.memory_space<hbm>>
      tpu.wait_indirect_dma semaphore(%arg16 : memref<!tpu.dma_semaphore, #tpu.memory_space<semaphore_mem>>) src(%dma_wait3A_126 : memref<20000x64xf32, #tpu.memory_space<hbm>>) dst(%arg11 : memref<80x64xf32, #tpu.memory_space<vmem>>)
      %ge3A_127 = arith.constant 1 : i32
      %ge3A_128 = arith.cmpi sge, %scan3A_82, %ge3A_127 : i32
      %convert_element_type3A_129 = arith.extui %ge3A_128 : i1 to i32
      %cond3A_130 = arith.constant 0 : i32
      %cond3A_131 = arith.cmpi ne, %convert_element_type3A_129, %cond3A_130 : i32
      scf.if %cond3A_131 {
        %sub3A = arith.constant 2 : i32
        %sub3A_153 = arith.subi %add3A_120, %sub3A : i32
        %dma_wait3A_154 = arith.constant 0 : i32
        %dma_wait3A_155 = tpu.memref_slice %arg7[%sub3A_153, %dma_wait3A_154] : memref<250x80xi32, #tpu.memory_space<vmem>> -> memref<1x80xi32, #tpu.memory_space<vmem>>
        %dma_wait3A_156 = tpu.memref_squeeze %dma_wait3A_155 : memref<1x80xi32, #tpu.memory_space<vmem>> -> memref<80xi32, #tpu.memory_space<vmem>>
        %dma_wait3A_157 = arith.constant 0 : i32
        %dma_wait3A_158 = arith.constant 0 : i32
        %dma_wait3A_159 = tpu.memref_slice %arg14[%dma_wait3A_157, %dma_wait3A_158] : memref<10000x64xf32, #tpu.memory_space<vmem_shared>> -> memref<10000x64xf32, #tpu.memory_space<vmem_shared>>
        tpu.wait_indirect_dma semaphore(%arg18 : memref<!tpu.dma_semaphore, #tpu.memory_space<semaphore_mem>>) src(%arg13 : memref<80x64xf32, #tpu.memory_space<vmem>>) dst(%dma_wait3A_159 : memref<10000x64xf32, #tpu.memory_space<vmem_shared>>)
      } else {
      }
      %scan3A_132 = arith.constant 0 : i32
      %scan3A_133 = arith.constant 0 : i32
      %scan3A_134 = arith.constant 5 : i32
      %scan3A_135 = arith.addi %scan3A_133, %scan3A_134 : i32
      %scan3A_136 = arith.constant 1 : i32
      %scan3A_137 = scf.for %scan3A_153 = %scan3A_133 to %scan3A_135 step %scan3A_136 iter_args(%scan3A_154 = %scan3A_132) -> (i32)  : i32 {
        %mul3A_155 = arith.constant 80 : i32
        %mul3A_156 = arith.muli %add3A_120, %mul3A_155 : i32
        %mul3A_157 = arith.constant 16 : i32
        %mul3A_158 = arith.muli %scan3A_153, %mul3A_157 : i32
        %add3A_159 = arith.addi %mul3A_156, %mul3A_158 : i32
        %get3A = arith.index_cast %add3A_159 : i32 to index
        %get3A_160 = tpu.vector_load %arg9[%get3A] {strides = array<i32>} : memref<20000xf32, #tpu.memory_space<vmem>>, vector<16xf32>,
        %get3A_161 = vector.shape_cast %get3A_160 : vector<16xf32> to vector<16xf32>
        %broadcast_in_dim3A_162 = arith.constant 0 : i32
        %broadcast_in_dim3A_163 = vector.broadcast %broadcast_in_dim3A_162 : i32 to vector<16xi32>
        %broadcast_in_dim3A_164 = vector.shape_cast %broadcast_in_dim3A_163 : vector<16xi32> to vector<16x1xi32>
        %gather3A = vector.shape_cast %broadcast_in_dim3A_164 : vector<16x1xi32> to vector<16xi32>
        %gather3A_165 = tpu.dynamic_gather %get3A_161[%gather3A] in [0] : vector<16xf32>, vector<16xi32> -> vector<16xf32>
        %broadcast_in_dim3A_166 = arith.constant 1 : i32
        %broadcast_in_dim3A_167 = vector.broadcast %broadcast_in_dim3A_166 : i32 to vector<16xi32>
        %broadcast_in_dim3A_168 = vector.shape_cast %broadcast_in_dim3A_167 : vector<16xi32> to vector<16x1xi32>
        %gather3A_169 = vector.shape_cast %broadcast_in_dim3A_168 : vector<16x1xi32> to vector<16xi32>
        %gather3A_170 = tpu.dynamic_gather %get3A_161[%gather3A_169] in [0] : vector<16xf32>, vector<16xi32> -> vector<16xf32>
        %broadcast_in_dim3A_171 = arith.constant 2 : i32
        %broadcast_in_dim3A_172 = vector.broadcast %broadcast_in_dim3A_171 : i32 to vector<16xi32>
        %broadcast_in_dim3A_173 = vector.shape_cast %broadcast_in_dim3A_172 : vector<16xi32> to vector<16x1xi32>
        %gather3A_174 = vector.shape_cast %broadcast_in_dim3A_173 : vector<16x1xi32> to vector<16xi32>
        %gather3A_175 = tpu.dynamic_gather %get3A_161[%gather3A_174] in [0] : vector<16xf32>, vector<16xi32> -> vector<16xf32>
        %broadcast_in_dim3A_176 = arith.constant 3 : i32
        %broadcast_in_dim3A_177 = vector.broadcast %broadcast_in_dim3A_176 : i32 to vector<16xi32>
        %broadcast_in_dim3A_178 = vector.shape_cast %broadcast_in_dim3A_177 : vector<16xi32> to vector<16x1xi32>
        %gather3A_179 = vector.shape_cast %broadcast_in_dim3A_178 : vector<16x1xi32> to vector<16xi32>
        %gather3A_180 = tpu.dynamic_gather %get3A_161[%gather3A_179] in [0] : vector<16xf32>, vector<16xi32> -> vector<16xf32>
        %mul3A_181 = arith.constant 16 : i32
        %mul3A_182 = arith.muli %scan3A_153, %mul3A_181 : i32
        %add3A_183 = arith.constant 0 : i32
        %add3A_184 = arith.addi %mul3A_182, %add3A_183 : i32
        %add3A_185 = arith.constant 0 : i32
        %add3A_186 = arith.addi %add3A_184, %add3A_185 : i32
        %get3A_187 = arith.index_cast %add3A_186 : i32 to index
        %get3A_188 = arith.constant 0 : index
        %get3A_189 = tpu.vector_load %arg11[%get3A_187, %get3A_188] {strides = array<i32>} : memref<80x64xf32, #tpu.memory_space<vmem>>, vector<1x16xf32>,
        %get3A_190 = vector.shape_cast %get3A_189 : vector<1x16xf32> to vector<16xf32>
        %mul3A_191 = arith.constant 16 : i32
        %mul3A_192 = arith.muli %scan3A_153, %mul3A_191 : i32
        %add3A_193 = arith.constant 0 : i32
        %add3A_194 = arith.addi %mul3A_192, %add3A_193 : i32
        %add3A_195 = arith.constant 0 : i32
        %add3A_196 = arith.addi %add3A_194, %add3A_195 : i32
        %get3A_197 = arith.index_cast %add3A_196 : i32 to index
        %get3A_198 = arith.constant 16 : index
        %get3A_199 = tpu.vector_load %arg11[%get3A_197, %get3A_198] {strides = array<i32>} : memref<80x64xf32, #tpu.memory_space<vmem>>, vector<1x16xf32>,
        %get3A_200 = vector.shape_cast %get3A_199 : vector<1x16xf32> to vector<16xf32>
        %mul3A_201 = arith.constant 16 : i32
        %mul3A_202 = arith.muli %scan3A_153, %mul3A_201 : i32
        %add3A_203 = arith.constant 0 : i32
        %add3A_204 = arith.addi %mul3A_202, %add3A_203 : i32
        %add3A_205 = arith.constant 0 : i32
        %add3A_206 = arith.addi %add3A_204, %add3A_205 : i32
        %get3A_207 = arith.index_cast %add3A_206 : i32 to index
        %get3A_208 = arith.constant 32 : index
        %get3A_209 = tpu.vector_load %arg11[%get3A_207, %get3A_208] {strides = array<i32>} : memref<80x64xf32, #tpu.memory_space<vmem>>, vector<1x16xf32>,
        %get3A_210 = vector.shape_cast %get3A_209 : vector<1x16xf32> to vector<16xf32>
        %mul3A_211 = arith.constant 16 : i32
        %mul3A_212 = arith.muli %scan3A_153, %mul3A_211 : i32
        %add3A_213 = arith.constant 0 : i32
        %add3A_214 = arith.addi %mul3A_212, %add3A_213 : i32
        %add3A_215 = arith.constant 0 : i32
        %add3A_216 = arith.addi %add3A_214, %add3A_215 : i32
        %get3A_217 = arith.index_cast %add3A_216 : i32 to index
        %get3A_218 = arith.constant 48 : index
        %get3A_219 = tpu.vector_load %arg11[%get3A_217, %get3A_218] {strides = array<i32>} : memref<80x64xf32, #tpu.memory_space<vmem>>, vector<1x16xf32>,
        %get3A_220 = vector.shape_cast %get3A_219 : vector<1x16xf32> to vector<16xf32>
        %mul3A_221 = arith.constant 16 : i32
        %mul3A_222 = arith.muli %scan3A_153, %mul3A_221 : i32
        %add3A_223 = arith.constant 0 : i32
        %add3A_224 = arith.addi %mul3A_222, %add3A_223 : i32
        %add3A_225 = arith.constant 1 : i32
        %add3A_226 = arith.addi %add3A_224, %add3A_225 : i32
        %get3A_227 = arith.index_cast %add3A_226 : i32 to index
        %get3A_228 = arith.constant 0 : index
        %get3A_229 = tpu.vector_load %arg11[%get3A_227, %get3A_228] {strides = array<i32>} : memref<80x64xf32, #tpu.memory_space<vmem>>, vector<1x16xf32>,
        %get3A_230 = vector.shape_cast %get3A_229 : vector<1x16xf32> to vector<16xf32>
        %mul3A_231 = arith.constant 16 : i32
        %mul3A_232 = arith.muli %scan3A_153, %mul3A_231 : i32
        %add3A_233 = arith.constant 0 : i32
        %add3A_234 = arith.addi %mul3A_232, %add3A_233 : i32
        %add3A_235 = arith.constant 1 : i32
        %add3A_236 = arith.addi %add3A_234, %add3A_235 : i32
        %get3A_237 = arith.index_cast %add3A_236 : i32 to index
        %get3A_238 = arith.constant 16 : index
        %get3A_239 = tpu.vector_load %arg11[%get3A_237, %get3A_238] {strides = array<i32>} : memref<80x64xf32, #tpu.memory_space<vmem>>, vector<1x16xf32>,
        %get3A_240 = vector.shape_cast %get3A_239 : vector<1x16xf32> to vector<16xf32>
        %mul3A_241 = arith.constant 16 : i32
        %mul3A_242 = arith.muli %scan3A_153, %mul3A_241 : i32
        %add3A_243 = arith.constant 0 : i32
        %add3A_244 = arith.addi %mul3A_242, %add3A_243 : i32
        %add3A_245 = arith.constant 1 : i32
        %add3A_246 = arith.addi %add3A_244, %add3A_245 : i32
        %get3A_247 = arith.index_cast %add3A_246 : i32 to index
        %get3A_248 = arith.constant 32 : index
        %get3A_249 = tpu.vector_load %arg11[%get3A_247, %get3A_248] {strides = array<i32>} : memref<80x64xf32, #tpu.memory_space<vmem>>, vector<1x16xf32>,
        %get3A_250 = vector.shape_cast %get3A_249 : vector<1x16xf32> to vector<16xf32>
        %mul3A_251 = arith.constant 16 : i32
        %mul3A_252 = arith.muli %scan3A_153, %mul3A_251 : i32
        %add3A_253 = arith.constant 0 : i32
        %add3A_254 = arith.addi %mul3A_252, %add3A_253 : i32
        %add3A_255 = arith.constant 1 : i32
        %add3A_256 = arith.addi %add3A_254, %add3A_255 : i32
        %get3A_257 = arith.index_cast %add3A_256 : i32 to index
        %get3A_258 = arith.constant 48 : index
        %get3A_259 = tpu.vector_load %arg11[%get3A_257, %get3A_258] {strides = array<i32>} : memref<80x64xf32, #tpu.memory_space<vmem>>, vector<1x16xf32>,
        %get3A_260 = vector.shape_cast %get3A_259 : vector<1x16xf32> to vector<16xf32>
        %mul3A_261 = arith.constant 16 : i32
        %mul3A_262 = arith.muli %scan3A_153, %mul3A_261 : i32
        %add3A_263 = arith.constant 0 : i32
        %add3A_264 = arith.addi %mul3A_262, %add3A_263 : i32
        %add3A_265 = arith.constant 2 : i32
        %add3A_266 = arith.addi %add3A_264, %add3A_265 : i32
        %get3A_267 = arith.index_cast %add3A_266 : i32 to index
        %get3A_268 = arith.constant 0 : index
        %get3A_269 = tpu.vector_load %arg11[%get3A_267, %get3A_268] {strides = array<i32>} : memref<80x64xf32, #tpu.memory_space<vmem>>, vector<1x16xf32>,
        %get3A_270 = vector.shape_cast %get3A_269 : vector<1x16xf32> to vector<16xf32>
        %mul3A_271 = arith.constant 16 : i32
        %mul3A_272 = arith.muli %scan3A_153, %mul3A_271 : i32
        %add3A_273 = arith.constant 0 : i32
        %add3A_274 = arith.addi %mul3A_272, %add3A_273 : i32
        %add3A_275 = arith.constant 2 : i32
        %add3A_276 = arith.addi %add3A_274, %add3A_275 : i32
        %get3A_277 = arith.index_cast %add3A_276 : i32 to index
        %get3A_278 = arith.constant 16 : index
        %get3A_279 = tpu.vector_load %arg11[%get3A_277, %get3A_278] {strides = array<i32>} : memref<80x64xf32, #tpu.memory_space<vmem>>, vector<1x16xf32>,
        %get3A_280 = vector.shape_cast %get3A_279 : vector<1x16xf32> to vector<16xf32>
        %mul3A_281 = arith.constant 16 : i32
        %mul3A_282 = arith.muli %scan3A_153, %mul3A_281 : i32
        %add3A_283 = arith.constant 0 : i32
        %add3A_284 = arith.addi %mul3A_282, %add3A_283 : i32
        %add3A_285 = arith.constant 2 : i32
        %add3A_286 = arith.addi %add3A_284, %add3A_285 : i32
        %get3A_287 = arith.index_cast %add3A_286 : i32 to index
        %get3A_288 = arith.constant 32 : index
        %get3A_289 = tpu.vector_load %arg11[%get3A_287, %get3A_288] {strides = array<i32>} : memref<80x64xf32, #tpu.memory_space<vmem>>, vector<1x16xf32>,
        %get3A_290 = vector.shape_cast %get3A_289 : vector<1x16xf32> to vector<16xf32>
        %mul3A_291 = arith.constant 16 : i32
        %mul3A_292 = arith.muli %scan3A_153, %mul3A_291 : i32
        %add3A_293 = arith.constant 0 : i32
        %add3A_294 = arith.addi %mul3A_292, %add3A_293 : i32
        %add3A_295 = arith.constant 2 : i32
        %add3A_296 = arith.addi %add3A_294, %add3A_295 : i32
        %get3A_297 = arith.index_cast %add3A_296 : i32 to index
        %get3A_298 = arith.constant 48 : index
        %get3A_299 = tpu.vector_load %arg11[%get3A_297, %get3A_298] {strides = array<i32>} : memref<80x64xf32, #tpu.memory_space<vmem>>, vector<1x16xf32>,
        %get3A_300 = vector.shape_cast %get3A_299 : vector<1x16xf32> to vector<16xf32>
        %mul3A_301 = arith.constant 16 : i32
        %mul3A_302 = arith.muli %scan3A_153, %mul3A_301 : i32
        %add3A_303 = arith.constant 0 : i32
        %add3A_304 = arith.addi %mul3A_302, %add3A_303 : i32
        %add3A_305 = arith.constant 3 : i32
        %add3A_306 = arith.addi %add3A_304, %add3A_305 : i32
        %get3A_307 = arith.index_cast %add3A_306 : i32 to index
        %get3A_308 = arith.constant 0 : index
        %get3A_309 = tpu.vector_load %arg11[%get3A_307, %get3A_308] {strides = array<i32>} : memref<80x64xf32, #tpu.memory_space<vmem>>, vector<1x16xf32>,
        %get3A_310 = vector.shape_cast %get3A_309 : vector<1x16xf32> to vector<16xf32>
        %mul3A_311 = arith.constant 16 : i32
        %mul3A_312 = arith.muli %scan3A_153, %mul3A_311 : i32
        %add3A_313 = arith.constant 0 : i32
        %add3A_314 = arith.addi %mul3A_312, %add3A_313 : i32
        %add3A_315 = arith.constant 3 : i32
        %add3A_316 = arith.addi %add3A_314, %add3A_315 : i32
        %get3A_317 = arith.index_cast %add3A_316 : i32 to index
        %get3A_318 = arith.constant 16 : index
        %get3A_319 = tpu.vector_load %arg11[%get3A_317, %get3A_318] {strides = array<i32>} : memref<80x64xf32, #tpu.memory_space<vmem>>, vector<1x16xf32>,
        %get3A_320 = vector.shape_cast %get3A_319 : vector<1x16xf32> to vector<16xf32>
        %mul3A_321 = arith.constant 16 : i32
        %mul3A_322 = arith.muli %scan3A_153, %mul3A_321 : i32
        %add3A_323 = arith.constant 0 : i32
        %add3A_324 = arith.addi %mul3A_322, %add3A_323 : i32
        %add3A_325 = arith.constant 3 : i32
        %add3A_326 = arith.addi %add3A_324, %add3A_325 : i32
        %get3A_327 = arith.index_cast %add3A_326 : i32 to index
        %get3A_328 = arith.constant 32 : index
        %get3A_329 = tpu.vector_load %arg11[%get3A_327, %get3A_328] {strides = array<i32>} : memref<80x64xf32, #tpu.memory_space<vmem>>, vector<1x16xf32>,
        %get3A_330 = vector.shape_cast %get3A_329 : vector<1x16xf32> to vector<16xf32>
        %mul3A_331 = arith.constant 16 : i32
        %mul3A_332 = arith.muli %scan3A_153, %mul3A_331 : i32
        %add3A_333 = arith.constant 0 : i32
        %add3A_334 = arith.addi %mul3A_332, %add3A_333 : i32
        %add3A_335 = arith.constant 3 : i32
        %add3A_336 = arith.addi %add3A_334, %add3A_335 : i32
        %get3A_337 = arith.index_cast %add3A_336 : i32 to index
        %get3A_338 = arith.constant 48 : index
        %get3A_339 = tpu.vector_load %arg11[%get3A_337, %get3A_338] {strides = array<i32>} : memref<80x64xf32, #tpu.memory_space<vmem>>, vector<1x16xf32>,
        %get3A_340 = vector.shape_cast %get3A_339 : vector<1x16xf32> to vector<16xf32>
        %mul3A_341 = arith.mulf %get3A_190, %gather3A_165 : vector<16xf32>
        %mul3A_342 = arith.constant 16 : i32
        %mul3A_343 = arith.muli %scan3A_153, %mul3A_342 : i32
        %add3A_344 = arith.constant 0 : i32
        %add3A_345 = arith.addi %mul3A_343, %add3A_344 : i32
        %add3A_346 = arith.constant 0 : i32
        %add3A_347 = arith.addi %add3A_345, %add3A_346 : i32
        %swap3A = arith.index_cast %add3A_347 : i32 to index
        %swap3A_348 = arith.constant 0 : index
        %swap3A_349 = tpu.vector_load %arg13[%swap3A, %swap3A_348] {strides = array<i32>} : memref<80x64xf32, #tpu.memory_space<vmem>>, vector<1x16xf32>,
        %swap3A_350 = vector.shape_cast %swap3A_349 : vector<1x16xf32> to vector<16xf32>
        %swap3A_351 = vector.shape_cast %mul3A_341 : vector<16xf32> to vector<1x16xf32>
        tpu.vector_store %arg13[%swap3A, %swap3A_348], %swap3A_351 {strides = array<i32>} : memref<80x64xf32, #tpu.memory_space<vmem>>, vector<1x16xf32>,
        %mul3A_352 = arith.mulf %get3A_200, %gather3A_165 : vector<16xf32>
        %mul3A_353 = arith.constant 16 : i32
        %mul3A_354 = arith.muli %scan3A_153, %mul3A_353 : i32
        %add3A_355 = arith.constant 0 : i32
        %add3A_356 = arith.addi %mul3A_354, %add3A_355 : i32
        %add3A_357 = arith.constant 0 : i32
        %add3A_358 = arith.addi %add3A_356, %add3A_357 : i32
        %swap3A_359 = arith.index_cast %add3A_358 : i32 to index
        %swap3A_360 = arith.constant 16 : index
        %swap3A_361 = tpu.vector_load %arg13[%swap3A_359, %swap3A_360] {strides = array<i32>} : memref<80x64xf32, #tpu.memory_space<vmem>>, vector<1x16xf32>,
        %swap3A_362 = vector.shape_cast %swap3A_361 : vector<1x16xf32> to vector<16xf32>
        %swap3A_363 = vector.shape_cast %mul3A_352 : vector<16xf32> to vector<1x16xf32>
        tpu.vector_store %arg13[%swap3A_359, %swap3A_360], %swap3A_363 {strides = array<i32>} : memref<80x64xf32, #tpu.memory_space<vmem>>, vector<1x16xf32>,
        %mul3A_364 = arith.mulf %get3A_210, %gather3A_165 : vector<16xf32>
        %mul3A_365 = arith.constant 16 : i32
        %mul3A_366 = arith.muli %scan3A_153, %mul3A_365 : i32
        %add3A_367 = arith.constant 0 : i32
        %add3A_368 = arith.addi %mul3A_366, %add3A_367 : i32
        %add3A_369 = arith.constant 0 : i32
        %add3A_370 = arith.addi %add3A_368, %add3A_369 : i32
        %swap3A_371 = arith.index_cast %add3A_370 : i32 to index
        %swap3A_372 = arith.constant 32 : index
        %swap3A_373 = tpu.vector_load %arg13[%swap3A_371, %swap3A_372] {strides = array<i32>} : memref<80x64xf32, #tpu.memory_space<vmem>>, vector<1x16xf32>,
        %swap3A_374 = vector.shape_cast %swap3A_373 : vector<1x16xf32> to vector<16xf32>
        %swap3A_375 = vector.shape_cast %mul3A_364 : vector<16xf32> to vector<1x16xf32>
        tpu.vector_store %arg13[%swap3A_371, %swap3A_372], %swap3A_375 {strides = array<i32>} : memref<80x64xf32, #tpu.memory_space<vmem>>, vector<1x16xf32>,
        %mul3A_376 = arith.mulf %get3A_220, %gather3A_165 : vector<16xf32>
        %mul3A_377 = arith.constant 16 : i32
        %mul3A_378 = arith.muli %scan3A_153, %mul3A_377 : i32
        %add3A_379 = arith.constant 0 : i32
        %add3A_380 = arith.addi %mul3A_378, %add3A_379 : i32
        %add3A_381 = arith.constant 0 : i32
        %add3A_382 = arith.addi %add3A_380, %add3A_381 : i32
        %swap3A_383 = arith.index_cast %add3A_382 : i32 to index
        %swap3A_384 = arith.constant 48 : index
        %swap3A_385 = tpu.vector_load %arg13[%swap3A_383, %swap3A_384] {strides = array<i32>} : memref<80x64xf32, #tpu.memory_space<vmem>>, vector<1x16xf32>,
        %swap3A_386 = vector.shape_cast %swap3A_385 : vector<1x16xf32> to vector<16xf32>
        %swap3A_387 = vector.shape_cast %mul3A_376 : vector<16xf32> to vector<1x16xf32>
        tpu.vector_store %arg13[%swap3A_383, %swap3A_384], %swap3A_387 {strides = array<i32>} : memref<80x64xf32, #tpu.memory_space<vmem>>, vector<1x16xf32>,
        %mul3A_388 = arith.mulf %get3A_230, %gather3A_170 : vector<16xf32>
        %mul3A_389 = arith.constant 16 : i32
        %mul3A_390 = arith.muli %scan3A_153, %mul3A_389 : i32
        %add3A_391 = arith.constant 0 : i32
        %add3A_392 = arith.addi %mul3A_390, %add3A_391 : i32
        %add3A_393 = arith.constant 1 : i32
        %add3A_394 = arith.addi %add3A_392, %add3A_393 : i32
        %swap3A_395 = arith.index_cast %add3A_394 : i32 to index
        %swap3A_396 = arith.constant 0 : index
        %swap3A_397 = tpu.vector_load %arg13[%swap3A_395, %swap3A_396] {strides = array<i32>} : memref<80x64xf32, #tpu.memory_space<vmem>>, vector<1x16xf32>,
        %swap3A_398 = vector.shape_cast %swap3A_397 : vector<1x16xf32> to vector<16xf32>
        %swap3A_399 = vector.shape_cast %mul3A_388 : vector<16xf32> to vector<1x16xf32>
        tpu.vector_store %arg13[%swap3A_395, %swap3A_396], %swap3A_399 {strides = array<i32>} : memref<80x64xf32, #tpu.memory_space<vmem>>, vector<1x16xf32>,
        %mul3A_400 = arith.mulf %get3A_240, %gather3A_170 : vector<16xf32>
        %mul3A_401 = arith.constant 16 : i32
        %mul3A_402 = arith.muli %scan3A_153, %mul3A_401 : i32
        %add3A_403 = arith.constant 0 : i32
        %add3A_404 = arith.addi %mul3A_402, %add3A_403 : i32
        %add3A_405 = arith.constant 1 : i32
        %add3A_406 = arith.addi %add3A_404, %add3A_405 : i32
        %swap3A_407 = arith.index_cast %add3A_406 : i32 to index
        %swap3A_408 = arith.constant 16 : index
        %swap3A_409 = tpu.vector_load %arg13[%swap3A_407, %swap3A_408] {strides = array<i32>} : memref<80x64xf32, #tpu.memory_space<vmem>>, vector<1x16xf32>,
        %swap3A_410 = vector.shape_cast %swap3A_409 : vector<1x16xf32> to vector<16xf32>
        %swap3A_411 = vector.shape_cast %mul3A_400 : vector<16xf32> to vector<1x16xf32>
        tpu.vector_store %arg13[%swap3A_407, %swap3A_408], %swap3A_411 {strides = array<i32>} : memref<80x64xf32, #tpu.memory_space<vmem>>, vector<1x16xf32>,
        %mul3A_412 = arith.mulf %get3A_250, %gather3A_170 : vector<16xf32>
        %mul3A_413 = arith.constant 16 : i32
        %mul3A_414 = arith.muli %scan3A_153, %mul3A_413 : i32
        %add3A_415 = arith.constant 0 : i32
        %add3A_416 = arith.addi %mul3A_414, %add3A_415 : i32
        %add3A_417 = arith.constant 1 : i32
        %add3A_418 = arith.addi %add3A_416, %add3A_417 : i32
        %swap3A_419 = arith.index_cast %add3A_418 : i32 to index
        %swap3A_420 = arith.constant 32 : index
        %swap3A_421 = tpu.vector_load %arg13[%swap3A_419, %swap3A_420] {strides = array<i32>} : memref<80x64xf32, #tpu.memory_space<vmem>>, vector<1x16xf32>,
        %swap3A_422 = vector.shape_cast %swap3A_421 : vector<1x16xf32> to vector<16xf32>
        %swap3A_423 = vector.shape_cast %mul3A_412 : vector<16xf32> to vector<1x16xf32>
        tpu.vector_store %arg13[%swap3A_419, %swap3A_420], %swap3A_423 {strides = array<i32>} : memref<80x64xf32, #tpu.memory_space<vmem>>, vector<1x16xf32>,
        %mul3A_424 = arith.mulf %get3A_260, %gather3A_170 : vector<16xf32>
        %mul3A_425 = arith.constant 16 : i32
        %mul3A_426 = arith.muli %scan3A_153, %mul3A_425 : i32
        %add3A_427 = arith.constant 0 : i32
        %add3A_428 = arith.addi %mul3A_426, %add3A_427 : i32
        %add3A_429 = arith.constant 1 : i32
        %add3A_430 = arith.addi %add3A_428, %add3A_429 : i32
        %swap3A_431 = arith.index_cast %add3A_430 : i32 to index
        %swap3A_432 = arith.constant 48 : index
        %swap3A_433 = tpu.vector_load %arg13[%swap3A_431, %swap3A_432] {strides = array<i32>} : memref<80x64xf32, #tpu.memory_space<vmem>>, vector<1x16xf32>,
        %swap3A_434 = vector.shape_cast %swap3A_433 : vector<1x16xf32> to vector<16xf32>
        %swap3A_435 = vector.shape_cast %mul3A_424 : vector<16xf32> to vector<1x16xf32>
        tpu.vector_store %arg13[%swap3A_431, %swap3A_432], %swap3A_435 {strides = array<i32>} : memref<80x64xf32, #tpu.memory_space<vmem>>, vector<1x16xf32>,
        %mul3A_436 = arith.mulf %get3A_270, %gather3A_175 : vector<16xf32>
        %mul3A_437 = arith.constant 16 : i32
        %mul3A_438 = arith.muli %scan3A_153, %mul3A_437 : i32
        %add3A_439 = arith.constant 0 : i32
        %add3A_440 = arith.addi %mul3A_438, %add3A_439 : i32
        %add3A_441 = arith.constant 2 : i32
        %add3A_442 = arith.addi %add3A_440, %add3A_441 : i32
        %swap3A_443 = arith.index_cast %add3A_442 : i32 to index
        %swap3A_444 = arith.constant 0 : index
        %swap3A_445 = tpu.vector_load %arg13[%swap3A_443, %swap3A_444] {strides = array<i32>} : memref<80x64xf32, #tpu.memory_space<vmem>>, vector<1x16xf32>,
        %swap3A_446 = vector.shape_cast %swap3A_445 : vector<1x16xf32> to vector<16xf32>
        %swap3A_447 = vector.shape_cast %mul3A_436 : vector<16xf32> to vector<1x16xf32>
        tpu.vector_store %arg13[%swap3A_443, %swap3A_444], %swap3A_447 {strides = array<i32>} : memref<80x64xf32, #tpu.memory_space<vmem>>, vector<1x16xf32>,
        %mul3A_448 = arith.mulf %get3A_280, %gather3A_175 : vector<16xf32>
        %mul3A_449 = arith.constant 16 : i32
        %mul3A_450 = arith.muli %scan3A_153, %mul3A_449 : i32
        %add3A_451 = arith.constant 0 : i32
        %add3A_452 = arith.addi %mul3A_450, %add3A_451 : i32
        %add3A_453 = arith.constant 2 : i32
        %add3A_454 = arith.addi %add3A_452, %add3A_453 : i32
        %swap3A_455 = arith.index_cast %add3A_454 : i32 to index
        %swap3A_456 = arith.constant 16 : index
        %swap3A_457 = tpu.vector_load %arg13[%swap3A_455, %swap3A_456] {strides = array<i32>} : memref<80x64xf32, #tpu.memory_space<vmem>>, vector<1x16xf32>,
        %swap3A_458 = vector.shape_cast %swap3A_457 : vector<1x16xf32> to vector<16xf32>
        %swap3A_459 = vector.shape_cast %mul3A_448 : vector<16xf32> to vector<1x16xf32>
        tpu.vector_store %arg13[%swap3A_455, %swap3A_456], %swap3A_459 {strides = array<i32>} : memref<80x64xf32, #tpu.memory_space<vmem>>, vector<1x16xf32>,
        %mul3A_460 = arith.mulf %get3A_290, %gather3A_175 : vector<16xf32>
        %mul3A_461 = arith.constant 16 : i32
        %mul3A_462 = arith.muli %scan3A_153, %mul3A_461 : i32
        %add3A_463 = arith.constant 0 : i32
        %add3A_464 = arith.addi %mul3A_462, %add3A_463 : i32
        %add3A_465 = arith.constant 2 : i32
        %add3A_466 = arith.addi %add3A_464, %add3A_465 : i32
        %swap3A_467 = arith.index_cast %add3A_466 : i32 to index
        %swap3A_468 = arith.constant 32 : index
        %swap3A_469 = tpu.vector_load %arg13[%swap3A_467, %swap3A_468] {strides = array<i32>} : memref<80x64xf32, #tpu.memory_space<vmem>>, vector<1x16xf32>,
        %swap3A_470 = vector.shape_cast %swap3A_469 : vector<1x16xf32> to vector<16xf32>
        %swap3A_471 = vector.shape_cast %mul3A_460 : vector<16xf32> to vector<1x16xf32>
        tpu.vector_store %arg13[%swap3A_467, %swap3A_468], %swap3A_471 {strides = array<i32>} : memref<80x64xf32, #tpu.memory_space<vmem>>, vector<1x16xf32>,
        %mul3A_472 = arith.mulf %get3A_300, %gather3A_175 : vector<16xf32>
        %mul3A_473 = arith.constant 16 : i32
        %mul3A_474 = arith.muli %scan3A_153, %mul3A_473 : i32
        %add3A_475 = arith.constant 0 : i32
        %add3A_476 = arith.addi %mul3A_474, %add3A_475 : i32
        %add3A_477 = arith.constant 2 : i32
        %add3A_478 = arith.addi %add3A_476, %add3A_477 : i32
        %swap3A_479 = arith.index_cast %add3A_478 : i32 to index
        %swap3A_480 = arith.constant 48 : index
        %swap3A_481 = tpu.vector_load %arg13[%swap3A_479, %swap3A_480] {strides = array<i32>} : memref<80x64xf32, #tpu.memory_space<vmem>>, vector<1x16xf32>,
        %swap3A_482 = vector.shape_cast %swap3A_481 : vector<1x16xf32> to vector<16xf32>
        %swap3A_483 = vector.shape_cast %mul3A_472 : vector<16xf32> to vector<1x16xf32>
        tpu.vector_store %arg13[%swap3A_479, %swap3A_480], %swap3A_483 {strides = array<i32>} : memref<80x64xf32, #tpu.memory_space<vmem>>, vector<1x16xf32>,
        %mul3A_484 = arith.mulf %get3A_310, %gather3A_180 : vector<16xf32>
        %mul3A_485 = arith.constant 16 : i32
        %mul3A_486 = arith.muli %scan3A_153, %mul3A_485 : i32
        %add3A_487 = arith.constant 0 : i32
        %add3A_488 = arith.addi %mul3A_486, %add3A_487 : i32
        %add3A_489 = arith.constant 3 : i32
        %add3A_490 = arith.addi %add3A_488, %add3A_489 : i32
        %swap3A_491 = arith.index_cast %add3A_490 : i32 to index
        %swap3A_492 = arith.constant 0 : index
        %swap3A_493 = tpu.vector_load %arg13[%swap3A_491, %swap3A_492] {strides = array<i32>} : memref<80x64xf32, #tpu.memory_space<vmem>>, vector<1x16xf32>,
        %swap3A_494 = vector.shape_cast %swap3A_493 : vector<1x16xf32> to vector<16xf32>
        %swap3A_495 = vector.shape_cast %mul3A_484 : vector<16xf32> to vector<1x16xf32>
        tpu.vector_store %arg13[%swap3A_491, %swap3A_492], %swap3A_495 {strides = array<i32>} : memref<80x64xf32, #tpu.memory_space<vmem>>, vector<1x16xf32>,
        %mul3A_496 = arith.mulf %get3A_320, %gather3A_180 : vector<16xf32>
        %mul3A_497 = arith.constant 16 : i32
        %mul3A_498 = arith.muli %scan3A_153, %mul3A_497 : i32
        %add3A_499 = arith.constant 0 : i32
        %add3A_500 = arith.addi %mul3A_498, %add3A_499 : i32
        %add3A_501 = arith.constant 3 : i32
        %add3A_502 = arith.addi %add3A_500, %add3A_501 : i32
        %swap3A_503 = arith.index_cast %add3A_502 : i32 to index
        %swap3A_504 = arith.constant 16 : index
        %swap3A_505 = tpu.vector_load %arg13[%swap3A_503, %swap3A_504] {strides = array<i32>} : memref<80x64xf32, #tpu.memory_space<vmem>>, vector<1x16xf32>,
        %swap3A_506 = vector.shape_cast %swap3A_505 : vector<1x16xf32> to vector<16xf32>
        %swap3A_507 = vector.shape_cast %mul3A_496 : vector<16xf32> to vector<1x16xf32>
        tpu.vector_store %arg13[%swap3A_503, %swap3A_504], %swap3A_507 {strides = array<i32>} : memref<80x64xf32, #tpu.memory_space<vmem>>, vector<1x16xf32>,
        %mul3A_508 = arith.mulf %get3A_330, %gather3A_180 : vector<16xf32>
        %mul3A_509 = arith.constant 16 : i32
        %mul3A_510 = arith.muli %scan3A_153, %mul3A_509 : i32
        %add3A_511 = arith.constant 0 : i32
        %add3A_512 = arith.addi %mul3A_510, %add3A_511 : i32
        %add3A_513 = arith.constant 3 : i32
        %add3A_514 = arith.addi %add3A_512, %add3A_513 : i32
        %swap3A_515 = arith.index_cast %add3A_514 : i32 to index
        %swap3A_516 = arith.constant 32 : index
        %swap3A_517 = tpu.vector_load %arg13[%swap3A_515, %swap3A_516] {strides = array<i32>} : memref<80x64xf32, #tpu.memory_space<vmem>>, vector<1x16xf32>,
        %swap3A_518 = vector.shape_cast %swap3A_517 : vector<1x16xf32> to vector<16xf32>
        %swap3A_519 = vector.shape_cast %mul3A_508 : vector<16xf32> to vector<1x16xf32>
        tpu.vector_store %arg13[%swap3A_515, %swap3A_516], %swap3A_519 {strides = array<i32>} : memref<80x64xf32, #tpu.memory_space<vmem>>, vector<1x16xf32>,
        %mul3A_520 = arith.mulf %get3A_340, %gather3A_180 : vector<16xf32>
        %mul3A_521 = arith.constant 16 : i32
        %mul3A_522 = arith.muli %scan3A_153, %mul3A_521 : i32
        %add3A_523 = arith.constant 0 : i32
        %add3A_524 = arith.addi %mul3A_522, %add3A_523 : i32
        %add3A_525 = arith.constant 3 : i32
        %add3A_526 = arith.addi %add3A_524, %add3A_525 : i32
        %swap3A_527 = arith.index_cast %add3A_526 : i32 to index
        %swap3A_528 = arith.constant 48 : index
        %swap3A_529 = tpu.vector_load %arg13[%swap3A_527, %swap3A_528] {strides = array<i32>} : memref<80x64xf32, #tpu.memory_space<vmem>>, vector<1x16xf32>,
        %swap3A_530 = vector.shape_cast %swap3A_529 : vector<1x16xf32> to vector<16xf32>
        %swap3A_531 = vector.shape_cast %mul3A_520 : vector<16xf32> to vector<1x16xf32>
        tpu.vector_store %arg13[%swap3A_527, %swap3A_528], %swap3A_531 {strides = array<i32>} : memref<80x64xf32, #tpu.memory_space<vmem>>, vector<1x16xf32>,
        %broadcast_in_dim3A_532 = arith.constant 4 : i32
        %broadcast_in_dim3A_533 = vector.broadcast %broadcast_in_dim3A_532 : i32 to vector<16xi32>
        %broadcast_in_dim3A_534 = vector.shape_cast %broadcast_in_dim3A_533 : vector<16xi32> to vector<16x1xi32>
        %gather3A_535 = vector.shape_cast %broadcast_in_dim3A_534 : vector<16x1xi32> to vector<16xi32>
        %gather3A_536 = tpu.dynamic_gather %get3A_161[%gather3A_535] in [0] : vector<16xf32>, vector<16xi32> -> vector<16xf32>
        %broadcast_in_dim3A_537 = arith.constant 5 : i32
        %broadcast_in_dim3A_538 = vector.broadcast %broadcast_in_dim3A_537 : i32 to vector<16xi32>
        %broadcast_in_dim3A_539 = vector.shape_cast %broadcast_in_dim3A_538 : vector<16xi32> to vector<16x1xi32>
        %gather3A_540 = vector.shape_cast %broadcast_in_dim3A_539 : vector<16x1xi32> to vector<16xi32>
        %gather3A_541 = tpu.dynamic_gather %get3A_161[%gather3A_540] in [0] : vector<16xf32>, vector<16xi32> -> vector<16xf32>
        %broadcast_in_dim3A_542 = arith.constant 6 : i32
        %broadcast_in_dim3A_543 = vector.broadcast %broadcast_in_dim3A_542 : i32 to vector<16xi32>
        %broadcast_in_dim3A_544 = vector.shape_cast %broadcast_in_dim3A_543 : vector<16xi32> to vector<16x1xi32>
        %gather3A_545 = vector.shape_cast %broadcast_in_dim3A_544 : vector<16x1xi32> to vector<16xi32>
        %gather3A_546 = tpu.dynamic_gather %get3A_161[%gather3A_545] in [0] : vector<16xf32>, vector<16xi32> -> vector<16xf32>
        %broadcast_in_dim3A_547 = arith.constant 7 : i32
        %broadcast_in_dim3A_548 = vector.broadcast %broadcast_in_dim3A_547 : i32 to vector<16xi32>
        %broadcast_in_dim3A_549 = vector.shape_cast %broadcast_in_dim3A_548 : vector<16xi32> to vector<16x1xi32>
        %gather3A_550 = vector.shape_cast %broadcast_in_dim3A_549 : vector<16x1xi32> to vector<16xi32>
        %gather3A_551 = tpu.dynamic_gather %get3A_161[%gather3A_550] in [0] : vector<16xf32>, vector<16xi32> -> vector<16xf32>
        %mul3A_552 = arith.constant 16 : i32
        %mul3A_553 = arith.muli %scan3A_153, %mul3A_552 : i32
        %add3A_554 = arith.constant 4 : i32
        %add3A_555 = arith.addi %mul3A_553, %add3A_554 : i32
        %add3A_556 = arith.constant 0 : i32
        %add3A_557 = arith.addi %add3A_555, %add3A_556 : i32
        %get3A_558 = arith.index_cast %add3A_557 : i32 to index
        %get3A_559 = arith.constant 0 : index
        %get3A_560 = tpu.vector_load %arg11[%get3A_558, %get3A_559] {strides = array<i32>} : memref<80x64xf32, #tpu.memory_space<vmem>>, vector<1x16xf32>,
        %get3A_561 = vector.shape_cast %get3A_560 : vector<1x16xf32> to vector<16xf32>
        %mul3A_562 = arith.constant 16 : i32
        %mul3A_563 = arith.muli %scan3A_153, %mul3A_562 : i32
        %add3A_564 = arith.constant 4 : i32
        %add3A_565 = arith.addi %mul3A_563, %add3A_564 : i32
        %add3A_566 = arith.constant 0 : i32
        %add3A_567 = arith.addi %add3A_565, %add3A_566 : i32
        %get3A_568 = arith.index_cast %add3A_567 : i32 to index
        %get3A_569 = arith.constant 16 : index
        %get3A_570 = tpu.vector_load %arg11[%get3A_568, %get3A_569] {strides = array<i32>} : memref<80x64xf32, #tpu.memory_space<vmem>>, vector<1x16xf32>,
        %get3A_571 = vector.shape_cast %get3A_570 : vector<1x16xf32> to vector<16xf32>
        %mul3A_572 = arith.constant 16 : i32
        %mul3A_573 = arith.muli %scan3A_153, %mul3A_572 : i32
        %add3A_574 = arith.constant 4 : i32
        %add3A_575 = arith.addi %mul3A_573, %add3A_574 : i32
        %add3A_576 = arith.constant 0 : i32
        %add3A_577 = arith.addi %add3A_575, %add3A_576 : i32
        %get3A_578 = arith.index_cast %add3A_577 : i32 to index
        %get3A_579 = arith.constant 32 : index
        %get3A_580 = tpu.vector_load %arg11[%get3A_578, %get3A_579] {strides = array<i32>} : memref<80x64xf32, #tpu.memory_space<vmem>>, vector<1x16xf32>,
        %get3A_581 = vector.shape_cast %get3A_580 : vector<1x16xf32> to vector<16xf32>
        %mul3A_582 = arith.constant 16 : i32
        %mul3A_583 = arith.muli %scan3A_153, %mul3A_582 : i32
        %add3A_584 = arith.constant 4 : i32
        %add3A_585 = arith.addi %mul3A_583, %add3A_584 : i32
        %add3A_586 = arith.constant 0 : i32
        %add3A_587 = arith.addi %add3A_585, %add3A_586 : i32
        %get3A_588 = arith.index_cast %add3A_587 : i32 to index
        %get3A_589 = arith.constant 48 : index
        %get3A_590 = tpu.vector_load %arg11[%get3A_588, %get3A_589] {strides = array<i32>} : memref<80x64xf32, #tpu.memory_space<vmem>>, vector<1x16xf32>,
        %get3A_591 = vector.shape_cast %get3A_590 : vector<1x16xf32> to vector<16xf32>
        %mul3A_592 = arith.constant 16 : i32
        %mul3A_593 = arith.muli %scan3A_153, %mul3A_592 : i32
        %add3A_594 = arith.constant 4 : i32
        %add3A_595 = arith.addi %mul3A_593, %add3A_594 : i32
        %add3A_596 = arith.constant 1 : i32
        %add3A_597 = arith.addi %add3A_595, %add3A_596 : i32
        %get3A_598 = arith.index_cast %add3A_597 : i32 to index
        %get3A_599 = arith.constant 0 : index
        %get3A_600 = tpu.vector_load %arg11[%get3A_598, %get3A_599] {strides = array<i32>} : memref<80x64xf32, #tpu.memory_space<vmem>>, vector<1x16xf32>,
        %get3A_601 = vector.shape_cast %get3A_600 : vector<1x16xf32> to vector<16xf32>
        %mul3A_602 = arith.constant 16 : i32
        %mul3A_603 = arith.muli %scan3A_153, %mul3A_602 : i32
        %add3A_604 = arith.constant 4 : i32
        %add3A_605 = arith.addi %mul3A_603, %add3A_604 : i32
        %add3A_606 = arith.constant 1 : i32
        %add3A_607 = arith.addi %add3A_605, %add3A_606 : i32
        %get3A_608 = arith.index_cast %add3A_607 : i32 to index
        %get3A_609 = arith.constant 16 : index
        %get3A_610 = tpu.vector_load %arg11[%get3A_608, %get3A_609] {strides = array<i32>} : memref<80x64xf32, #tpu.memory_space<vmem>>, vector<1x16xf32>,
        %get3A_611 = vector.shape_cast %get3A_610 : vector<1x16xf32> to vector<16xf32>
        %mul3A_612 = arith.constant 16 : i32
        %mul3A_613 = arith.muli %scan3A_153, %mul3A_612 : i32
        %add3A_614 = arith.constant 4 : i32
        %add3A_615 = arith.addi %mul3A_613, %add3A_614 : i32
        %add3A_616 = arith.constant 1 : i32
        %add3A_617 = arith.addi %add3A_615, %add3A_616 : i32
        %get3A_618 = arith.index_cast %add3A_617 : i32 to index
        %get3A_619 = arith.constant 32 : index
        %get3A_620 = tpu.vector_load %arg11[%get3A_618, %get3A_619] {strides = array<i32>} : memref<80x64xf32, #tpu.memory_space<vmem>>, vector<1x16xf32>,
        %get3A_621 = vector.shape_cast %get3A_620 : vector<1x16xf32> to vector<16xf32>
        %mul3A_622 = arith.constant 16 : i32
        %mul3A_623 = arith.muli %scan3A_153, %mul3A_622 : i32
        %add3A_624 = arith.constant 4 : i32
        %add3A_625 = arith.addi %mul3A_623, %add3A_624 : i32
        %add3A_626 = arith.constant 1 : i32
        %add3A_627 = arith.addi %add3A_625, %add3A_626 : i32
        %get3A_628 = arith.index_cast %add3A_627 : i32 to index
        %get3A_629 = arith.constant 48 : index
        %get3A_630 = tpu.vector_load %arg11[%get3A_628, %get3A_629] {strides = array<i32>} : memref<80x64xf32, #tpu.memory_space<vmem>>, vector<1x16xf32>,
        %get3A_631 = vector.shape_cast %get3A_630 : vector<1x16xf32> to vector<16xf32>
        %mul3A_632 = arith.constant 16 : i32
        %mul3A_633 = arith.muli %scan3A_153, %mul3A_632 : i32
        %add3A_634 = arith.constant 4 : i32
        %add3A_635 = arith.addi %mul3A_633, %add3A_634 : i32
        %add3A_636 = arith.constant 2 : i32
        %add3A_637 = arith.addi %add3A_635, %add3A_636 : i32
        %get3A_638 = arith.index_cast %add3A_637 : i32 to index
        %get3A_639 = arith.constant 0 : index
        %get3A_640 = tpu.vector_load %arg11[%get3A_638, %get3A_639] {strides = array<i32>} : memref<80x64xf32, #tpu.memory_space<vmem>>, vector<1x16xf32>,
        %get3A_641 = vector.shape_cast %get3A_640 : vector<1x16xf32> to vector<16xf32>
        %mul3A_642 = arith.constant 16 : i32
        %mul3A_643 = arith.muli %scan3A_153, %mul3A_642 : i32
        %add3A_644 = arith.constant 4 : i32
        %add3A_645 = arith.addi %mul3A_643, %add3A_644 : i32
        %add3A_646 = arith.constant 2 : i32
        %add3A_647 = arith.addi %add3A_645, %add3A_646 : i32
        %get3A_648 = arith.index_cast %add3A_647 : i32 to index
        %get3A_649 = arith.constant 16 : index
        %get3A_650 = tpu.vector_load %arg11[%get3A_648, %get3A_649] {strides = array<i32>} : memref<80x64xf32, #tpu.memory_space<vmem>>, vector<1x16xf32>,
        %get3A_651 = vector.shape_cast %get3A_650 : vector<1x16xf32> to vector<16xf32>
        %mul3A_652 = arith.constant 16 : i32
        %mul3A_653 = arith.muli %scan3A_153, %mul3A_652 : i32
        %add3A_654 = arith.constant 4 : i32
        %add3A_655 = arith.addi %mul3A_653, %add3A_654 : i32
        %add3A_656 = arith.constant 2 : i32
        %add3A_657 = arith.addi %add3A_655, %add3A_656 : i32
        %get3A_658 = arith.index_cast %add3A_657 : i32 to index
        %get3A_659 = arith.constant 32 : index
        %get3A_660 = tpu.vector_load %arg11[%get3A_658, %get3A_659] {strides = array<i32>} : memref<80x64xf32, #tpu.memory_space<vmem>>, vector<1x16xf32>,
        %get3A_661 = vector.shape_cast %get3A_660 : vector<1x16xf32> to vector<16xf32>
        %mul3A_662 = arith.constant 16 : i32
        %mul3A_663 = arith.muli %scan3A_153, %mul3A_662 : i32
        %add3A_664 = arith.constant 4 : i32
        %add3A_665 = arith.addi %mul3A_663, %add3A_664 : i32
        %add3A_666 = arith.constant 2 : i32
        %add3A_667 = arith.addi %add3A_665, %add3A_666 : i32
        %get3A_668 = arith.index_cast %add3A_667 : i32 to index
        %get3A_669 = arith.constant 48 : index
        %get3A_670 = tpu.vector_load %arg11[%get3A_668, %get3A_669] {strides = array<i32>} : memref<80x64xf32, #tpu.memory_space<vmem>>, vector<1x16xf32>,
        %get3A_671 = vector.shape_cast %get3A_670 : vector<1x16xf32> to vector<16xf32>
        %mul3A_672 = arith.constant 16 : i32
        %mul3A_673 = arith.muli %scan3A_153, %mul3A_672 : i32
        %add3A_674 = arith.constant 4 : i32
        %add3A_675 = arith.addi %mul3A_673, %add3A_674 : i32
        %add3A_676 = arith.constant 3 : i32
        %add3A_677 = arith.addi %add3A_675, %add3A_676 : i32
        %get3A_678 = arith.index_cast %add3A_677 : i32 to index
        %get3A_679 = arith.constant 0 : index
        %get3A_680 = tpu.vector_load %arg11[%get3A_678, %get3A_679] {strides = array<i32>} : memref<80x64xf32, #tpu.memory_space<vmem>>, vector<1x16xf32>,
        %get3A_681 = vector.shape_cast %get3A_680 : vector<1x16xf32> to vector<16xf32>
        %mul3A_682 = arith.constant 16 : i32
        %mul3A_683 = arith.muli %scan3A_153, %mul3A_682 : i32
        %add3A_684 = arith.constant 4 : i32
        %add3A_685 = arith.addi %mul3A_683, %add3A_684 : i32
        %add3A_686 = arith.constant 3 : i32
        %add3A_687 = arith.addi %add3A_685, %add3A_686 : i32
        %get3A_688 = arith.index_cast %add3A_687 : i32 to index
        %get3A_689 = arith.constant 16 : index
        %get3A_690 = tpu.vector_load %arg11[%get3A_688, %get3A_689] {strides = array<i32>} : memref<80x64xf32, #tpu.memory_space<vmem>>, vector<1x16xf32>,
        %get3A_691 = vector.shape_cast %get3A_690 : vector<1x16xf32> to vector<16xf32>
        %mul3A_692 = arith.constant 16 : i32
        %mul3A_693 = arith.muli %scan3A_153, %mul3A_692 : i32
        %add3A_694 = arith.constant 4 : i32
        %add3A_695 = arith.addi %mul3A_693, %add3A_694 : i32
        %add3A_696 = arith.constant 3 : i32
        %add3A_697 = arith.addi %add3A_695, %add3A_696 : i32
        %get3A_698 = arith.index_cast %add3A_697 : i32 to index
        %get3A_699 = arith.constant 32 : index
        %get3A_700 = tpu.vector_load %arg11[%get3A_698, %get3A_699] {strides = array<i32>} : memref<80x64xf32, #tpu.memory_space<vmem>>, vector<1x16xf32>,
        %get3A_701 = vector.shape_cast %get3A_700 : vector<1x16xf32> to vector<16xf32>
        %mul3A_702 = arith.constant 16 : i32
        %mul3A_703 = arith.muli %scan3A_153, %mul3A_702 : i32
        %add3A_704 = arith.constant 4 : i32
        %add3A_705 = arith.addi %mul3A_703, %add3A_704 : i32
        %add3A_706 = arith.constant 3 : i32
        %add3A_707 = arith.addi %add3A_705, %add3A_706 : i32
        %get3A_708 = arith.index_cast %add3A_707 : i32 to index
        %get3A_709 = arith.constant 48 : index
        %get3A_710 = tpu.vector_load %arg11[%get3A_708, %get3A_709] {strides = array<i32>} : memref<80x64xf32, #tpu.memory_space<vmem>>, vector<1x16xf32>,
        %get3A_711 = vector.shape_cast %get3A_710 : vector<1x16xf32> to vector<16xf32>
        %mul3A_712 = arith.mulf %get3A_561, %gather3A_536 : vector<16xf32>
        %mul3A_713 = arith.constant 16 : i32
        %mul3A_714 = arith.muli %scan3A_153, %mul3A_713 : i32
        %add3A_715 = arith.constant 4 : i32
        %add3A_716 = arith.addi %mul3A_714, %add3A_715 : i32
        %add3A_717 = arith.constant 0 : i32
        %add3A_718 = arith.addi %add3A_716, %add3A_717 : i32
        %swap3A_719 = arith.index_cast %add3A_718 : i32 to index
        %swap3A_720 = arith.constant 0 : index
        %swap3A_721 = tpu.vector_load %arg13[%swap3A_719, %swap3A_720] {strides = array<i32>} : memref<80x64xf32, #tpu.memory_space<vmem>>, vector<1x16xf32>,
        %swap3A_722 = vector.shape_cast %swap3A_721 : vector<1x16xf32> to vector<16xf32>
        %swap3A_723 = vector.shape_cast %mul3A_712 : vector<16xf32> to vector<1x16xf32>
        tpu.vector_store %arg13[%swap3A_719, %swap3A_720], %swap3A_723 {strides = array<i32>} : memref<80x64xf32, #tpu.memory_space<vmem>>, vector<1x16xf32>,
        %mul3A_724 = arith.mulf %get3A_571, %gather3A_536 : vector<16xf32>
        %mul3A_725 = arith.constant 16 : i32
        %mul3A_726 = arith.muli %scan3A_153, %mul3A_725 : i32
        %add3A_727 = arith.constant 4 : i32
        %add3A_728 = arith.addi %mul3A_726, %add3A_727 : i32
        %add3A_729 = arith.constant 0 : i32
        %add3A_730 = arith.addi %add3A_728, %add3A_729 : i32
        %swap3A_731 = arith.index_cast %add3A_730 : i32 to index
        %swap3A_732 = arith.constant 16 : index
        %swap3A_733 = tpu.vector_load %arg13[%swap3A_731, %swap3A_732] {strides = array<i32>} : memref<80x64xf32, #tpu.memory_space<vmem>>, vector<1x16xf32>,
        %swap3A_734 = vector.shape_cast %swap3A_733 : vector<1x16xf32> to vector<16xf32>
        %swap3A_735 = vector.shape_cast %mul3A_724 : vector<16xf32> to vector<1x16xf32>
        tpu.vector_store %arg13[%swap3A_731, %swap3A_732], %swap3A_735 {strides = array<i32>} : memref<80x64xf32, #tpu.memory_space<vmem>>, vector<1x16xf32>,
        %mul3A_736 = arith.mulf %get3A_581, %gather3A_536 : vector<16xf32>
        %mul3A_737 = arith.constant 16 : i32
        %mul3A_738 = arith.muli %scan3A_153, %mul3A_737 : i32
        %add3A_739 = arith.constant 4 : i32
        %add3A_740 = arith.addi %mul3A_738, %add3A_739 : i32
        %add3A_741 = arith.constant 0 : i32
        %add3A_742 = arith.addi %add3A_740, %add3A_741 : i32
        %swap3A_743 = arith.index_cast %add3A_742 : i32 to index
        %swap3A_744 = arith.constant 32 : index
        %swap3A_745 = tpu.vector_load %arg13[%swap3A_743, %swap3A_744] {strides = array<i32>} : memref<80x64xf32, #tpu.memory_space<vmem>>, vector<1x16xf32>,
        %swap3A_746 = vector.shape_cast %swap3A_745 : vector<1x16xf32> to vector<16xf32>
        %swap3A_747 = vector.shape_cast %mul3A_736 : vector<16xf32> to vector<1x16xf32>
        tpu.vector_store %arg13[%swap3A_743, %swap3A_744], %swap3A_747 {strides = array<i32>} : memref<80x64xf32, #tpu.memory_space<vmem>>, vector<1x16xf32>,
        %mul3A_748 = arith.mulf %get3A_591, %gather3A_536 : vector<16xf32>
        %mul3A_749 = arith.constant 16 : i32
        %mul3A_750 = arith.muli %scan3A_153, %mul3A_749 : i32
        %add3A_751 = arith.constant 4 : i32
        %add3A_752 = arith.addi %mul3A_750, %add3A_751 : i32
        %add3A_753 = arith.constant 0 : i32
        %add3A_754 = arith.addi %add3A_752, %add3A_753 : i32
        %swap3A_755 = arith.index_cast %add3A_754 : i32 to index
        %swap3A_756 = arith.constant 48 : index
        %swap3A_757 = tpu.vector_load %arg13[%swap3A_755, %swap3A_756] {strides = array<i32>} : memref<80x64xf32, #tpu.memory_space<vmem>>, vector<1x16xf32>,
        %swap3A_758 = vector.shape_cast %swap3A_757 : vector<1x16xf32> to vector<16xf32>
        %swap3A_759 = vector.shape_cast %mul3A_748 : vector<16xf32> to vector<1x16xf32>
        tpu.vector_store %arg13[%swap3A_755, %swap3A_756], %swap3A_759 {strides = array<i32>} : memref<80x64xf32, #tpu.memory_space<vmem>>, vector<1x16xf32>,
        %mul3A_760 = arith.mulf %get3A_601, %gather3A_541 : vector<16xf32>
        %mul3A_761 = arith.constant 16 : i32
        %mul3A_762 = arith.muli %scan3A_153, %mul3A_761 : i32
        %add3A_763 = arith.constant 4 : i32
        %add3A_764 = arith.addi %mul3A_762, %add3A_763 : i32
        %add3A_765 = arith.constant 1 : i32
        %add3A_766 = arith.addi %add3A_764, %add3A_765 : i32
        %swap3A_767 = arith.index_cast %add3A_766 : i32 to index
        %swap3A_768 = arith.constant 0 : index
        %swap3A_769 = tpu.vector_load %arg13[%swap3A_767, %swap3A_768] {strides = array<i32>} : memref<80x64xf32, #tpu.memory_space<vmem>>, vector<1x16xf32>,
        %swap3A_770 = vector.shape_cast %swap3A_769 : vector<1x16xf32> to vector<16xf32>
        %swap3A_771 = vector.shape_cast %mul3A_760 : vector<16xf32> to vector<1x16xf32>
        tpu.vector_store %arg13[%swap3A_767, %swap3A_768], %swap3A_771 {strides = array<i32>} : memref<80x64xf32, #tpu.memory_space<vmem>>, vector<1x16xf32>,
        %mul3A_772 = arith.mulf %get3A_611, %gather3A_541 : vector<16xf32>
        %mul3A_773 = arith.constant 16 : i32
        %mul3A_774 = arith.muli %scan3A_153, %mul3A_773 : i32
        %add3A_775 = arith.constant 4 : i32
        %add3A_776 = arith.addi %mul3A_774, %add3A_775 : i32
        %add3A_777 = arith.constant 1 : i32
        %add3A_778 = arith.addi %add3A_776, %add3A_777 : i32
        %swap3A_779 = arith.index_cast %add3A_778 : i32 to index
        %swap3A_780 = arith.constant 16 : index
        %swap3A_781 = tpu.vector_load %arg13[%swap3A_779, %swap3A_780] {strides = array<i32>} : memref<80x64xf32, #tpu.memory_space<vmem>>, vector<1x16xf32>,
        %swap3A_782 = vector.shape_cast %swap3A_781 : vector<1x16xf32> to vector<16xf32>
        %swap3A_783 = vector.shape_cast %mul3A_772 : vector<16xf32> to vector<1x16xf32>
        tpu.vector_store %arg13[%swap3A_779, %swap3A_780], %swap3A_783 {strides = array<i32>} : memref<80x64xf32, #tpu.memory_space<vmem>>, vector<1x16xf32>,
        %mul3A_784 = arith.mulf %get3A_621, %gather3A_541 : vector<16xf32>
        %mul3A_785 = arith.constant 16 : i32
        %mul3A_786 = arith.muli %scan3A_153, %mul3A_785 : i32
        %add3A_787 = arith.constant 4 : i32
        %add3A_788 = arith.addi %mul3A_786, %add3A_787 : i32
        %add3A_789 = arith.constant 1 : i32
        %add3A_790 = arith.addi %add3A_788, %add3A_789 : i32
        %swap3A_791 = arith.index_cast %add3A_790 : i32 to index
        %swap3A_792 = arith.constant 32 : index
        %swap3A_793 = tpu.vector_load %arg13[%swap3A_791, %swap3A_792] {strides = array<i32>} : memref<80x64xf32, #tpu.memory_space<vmem>>, vector<1x16xf32>,
        %swap3A_794 = vector.shape_cast %swap3A_793 : vector<1x16xf32> to vector<16xf32>
        %swap3A_795 = vector.shape_cast %mul3A_784 : vector<16xf32> to vector<1x16xf32>
        tpu.vector_store %arg13[%swap3A_791, %swap3A_792], %swap3A_795 {strides = array<i32>} : memref<80x64xf32, #tpu.memory_space<vmem>>, vector<1x16xf32>,
        %mul3A_796 = arith.mulf %get3A_631, %gather3A_541 : vector<16xf32>
        %mul3A_797 = arith.constant 16 : i32
        %mul3A_798 = arith.muli %scan3A_153, %mul3A_797 : i32
        %add3A_799 = arith.constant 4 : i32
        %add3A_800 = arith.addi %mul3A_798, %add3A_799 : i32
        %add3A_801 = arith.constant 1 : i32
        %add3A_802 = arith.addi %add3A_800, %add3A_801 : i32
        %swap3A_803 = arith.index_cast %add3A_802 : i32 to index
        %swap3A_804 = arith.constant 48 : index
        %swap3A_805 = tpu.vector_load %arg13[%swap3A_803, %swap3A_804] {strides = array<i32>} : memref<80x64xf32, #tpu.memory_space<vmem>>, vector<1x16xf32>,
        %swap3A_806 = vector.shape_cast %swap3A_805 : vector<1x16xf32> to vector<16xf32>
        %swap3A_807 = vector.shape_cast %mul3A_796 : vector<16xf32> to vector<1x16xf32>
        tpu.vector_store %arg13[%swap3A_803, %swap3A_804], %swap3A_807 {strides = array<i32>} : memref<80x64xf32, #tpu.memory_space<vmem>>, vector<1x16xf32>,
        %mul3A_808 = arith.mulf %get3A_641, %gather3A_546 : vector<16xf32>
        %mul3A_809 = arith.constant 16 : i32
        %mul3A_810 = arith.muli %scan3A_153, %mul3A_809 : i32
        %add3A_811 = arith.constant 4 : i32
        %add3A_812 = arith.addi %mul3A_810, %add3A_811 : i32
        %add3A_813 = arith.constant 2 : i32
        %add3A_814 = arith.addi %add3A_812, %add3A_813 : i32
        %swap3A_815 = arith.index_cast %add3A_814 : i32 to index
        %swap3A_816 = arith.constant 0 : index
        %swap3A_817 = tpu.vector_load %arg13[%swap3A_815, %swap3A_816] {strides = array<i32>} : memref<80x64xf32, #tpu.memory_space<vmem>>, vector<1x16xf32>,
        %swap3A_818 = vector.shape_cast %swap3A_817 : vector<1x16xf32> to vector<16xf32>
        %swap3A_819 = vector.shape_cast %mul3A_808 : vector<16xf32> to vector<1x16xf32>
        tpu.vector_store %arg13[%swap3A_815, %swap3A_816], %swap3A_819 {strides = array<i32>} : memref<80x64xf32, #tpu.memory_space<vmem>>, vector<1x16xf32>,
        %mul3A_820 = arith.mulf %get3A_651, %gather3A_546 : vector<16xf32>
        %mul3A_821 = arith.constant 16 : i32
        %mul3A_822 = arith.muli %scan3A_153, %mul3A_821 : i32
        %add3A_823 = arith.constant 4 : i32
        %add3A_824 = arith.addi %mul3A_822, %add3A_823 : i32
        %add3A_825 = arith.constant 2 : i32
        %add3A_826 = arith.addi %add3A_824, %add3A_825 : i32
        %swap3A_827 = arith.index_cast %add3A_826 : i32 to index
        %swap3A_828 = arith.constant 16 : index
        %swap3A_829 = tpu.vector_load %arg13[%swap3A_827, %swap3A_828] {strides = array<i32>} : memref<80x64xf32, #tpu.memory_space<vmem>>, vector<1x16xf32>,
        %swap3A_830 = vector.shape_cast %swap3A_829 : vector<1x16xf32> to vector<16xf32>
        %swap3A_831 = vector.shape_cast %mul3A_820 : vector<16xf32> to vector<1x16xf32>
        tpu.vector_store %arg13[%swap3A_827, %swap3A_828], %swap3A_831 {strides = array<i32>} : memref<80x64xf32, #tpu.memory_space<vmem>>, vector<1x16xf32>,
        %mul3A_832 = arith.mulf %get3A_661, %gather3A_546 : vector<16xf32>
        %mul3A_833 = arith.constant 16 : i32
        %mul3A_834 = arith.muli %scan3A_153, %mul3A_833 : i32
        %add3A_835 = arith.constant 4 : i32
        %add3A_836 = arith.addi %mul3A_834, %add3A_835 : i32
        %add3A_837 = arith.constant 2 : i32
        %add3A_838 = arith.addi %add3A_836, %add3A_837 : i32
        %swap3A_839 = arith.index_cast %add3A_838 : i32 to index
        %swap3A_840 = arith.constant 32 : index
        %swap3A_841 = tpu.vector_load %arg13[%swap3A_839, %swap3A_840] {strides = array<i32>} : memref<80x64xf32, #tpu.memory_space<vmem>>, vector<1x16xf32>,
        %swap3A_842 = vector.shape_cast %swap3A_841 : vector<1x16xf32> to vector<16xf32>
        %swap3A_843 = vector.shape_cast %mul3A_832 : vector<16xf32> to vector<1x16xf32>
        tpu.vector_store %arg13[%swap3A_839, %swap3A_840], %swap3A_843 {strides = array<i32>} : memref<80x64xf32, #tpu.memory_space<vmem>>, vector<1x16xf32>,
        %mul3A_844 = arith.mulf %get3A_671, %gather3A_546 : vector<16xf32>
        %mul3A_845 = arith.constant 16 : i32
        %mul3A_846 = arith.muli %scan3A_153, %mul3A_845 : i32
        %add3A_847 = arith.constant 4 : i32
        %add3A_848 = arith.addi %mul3A_846, %add3A_847 : i32
        %add3A_849 = arith.constant 2 : i32
        %add3A_850 = arith.addi %add3A_848, %add3A_849 : i32
        %swap3A_851 = arith.index_cast %add3A_850 : i32 to index
        %swap3A_852 = arith.constant 48 : index
        %swap3A_853 = tpu.vector_load %arg13[%swap3A_851, %swap3A_852] {strides = array<i32>} : memref<80x64xf32, #tpu.memory_space<vmem>>, vector<1x16xf32>,
        %swap3A_854 = vector.shape_cast %swap3A_853 : vector<1x16xf32> to vector<16xf32>
        %swap3A_855 = vector.shape_cast %mul3A_844 : vector<16xf32> to vector<1x16xf32>
        tpu.vector_store %arg13[%swap3A_851, %swap3A_852], %swap3A_855 {strides = array<i32>} : memref<80x64xf32, #tpu.memory_space<vmem>>, vector<1x16xf32>,
        %mul3A_856 = arith.mulf %get3A_681, %gather3A_551 : vector<16xf32>
        %mul3A_857 = arith.constant 16 : i32
        %mul3A_858 = arith.muli %scan3A_153, %mul3A_857 : i32
        %add3A_859 = arith.constant 4 : i32
        %add3A_860 = arith.addi %mul3A_858, %add3A_859 : i32
        %add3A_861 = arith.constant 3 : i32
        %add3A_862 = arith.addi %add3A_860, %add3A_861 : i32
        %swap3A_863 = arith.index_cast %add3A_862 : i32 to index
        %swap3A_864 = arith.constant 0 : index
        %swap3A_865 = tpu.vector_load %arg13[%swap3A_863, %swap3A_864] {strides = array<i32>} : memref<80x64xf32, #tpu.memory_space<vmem>>, vector<1x16xf32>,
        %swap3A_866 = vector.shape_cast %swap3A_865 : vector<1x16xf32> to vector<16xf32>
        %swap3A_867 = vector.shape_cast %mul3A_856 : vector<16xf32> to vector<1x16xf32>
        tpu.vector_store %arg13[%swap3A_863, %swap3A_864], %swap3A_867 {strides = array<i32>} : memref<80x64xf32, #tpu.memory_space<vmem>>, vector<1x16xf32>,
        %mul3A_868 = arith.mulf %get3A_691, %gather3A_551 : vector<16xf32>
        %mul3A_869 = arith.constant 16 : i32
        %mul3A_870 = arith.muli %scan3A_153, %mul3A_869 : i32
        %add3A_871 = arith.constant 4 : i32
        %add3A_872 = arith.addi %mul3A_870, %add3A_871 : i32
        %add3A_873 = arith.constant 3 : i32
        %add3A_874 = arith.addi %add3A_872, %add3A_873 : i32
        %swap3A_875 = arith.index_cast %add3A_874 : i32 to index
        %swap3A_876 = arith.constant 16 : index
        %swap3A_877 = tpu.vector_load %arg13[%swap3A_875, %swap3A_876] {strides = array<i32>} : memref<80x64xf32, #tpu.memory_space<vmem>>, vector<1x16xf32>,
        %swap3A_878 = vector.shape_cast %swap3A_877 : vector<1x16xf32> to vector<16xf32>
        %swap3A_879 = vector.shape_cast %mul3A_868 : vector<16xf32> to vector<1x16xf32>
        tpu.vector_store %arg13[%swap3A_875, %swap3A_876], %swap3A_879 {strides = array<i32>} : memref<80x64xf32, #tpu.memory_space<vmem>>, vector<1x16xf32>,
        %mul3A_880 = arith.mulf %get3A_701, %gather3A_551 : vector<16xf32>
        %mul3A_881 = arith.constant 16 : i32
        %mul3A_882 = arith.muli %scan3A_153, %mul3A_881 : i32
        %add3A_883 = arith.constant 4 : i32
        %add3A_884 = arith.addi %mul3A_882, %add3A_883 : i32
        %add3A_885 = arith.constant 3 : i32
        %add3A_886 = arith.addi %add3A_884, %add3A_885 : i32
        %swap3A_887 = arith.index_cast %add3A_886 : i32 to index
        %swap3A_888 = arith.constant 32 : index
        %swap3A_889 = tpu.vector_load %arg13[%swap3A_887, %swap3A_888] {strides = array<i32>} : memref<80x64xf32, #tpu.memory_space<vmem>>, vector<1x16xf32>,
        %swap3A_890 = vector.shape_cast %swap3A_889 : vector<1x16xf32> to vector<16xf32>
        %swap3A_891 = vector.shape_cast %mul3A_880 : vector<16xf32> to vector<1x16xf32>
        tpu.vector_store %arg13[%swap3A_887, %swap3A_888], %swap3A_891 {strides = array<i32>} : memref<80x64xf32, #tpu.memory_space<vmem>>, vector<1x16xf32>,
        %mul3A_892 = arith.mulf %get3A_711, %gather3A_551 : vector<16xf32>
        %mul3A_893 = arith.constant 16 : i32
        %mul3A_894 = arith.muli %scan3A_153, %mul3A_893 : i32
        %add3A_895 = arith.constant 4 : i32
        %add3A_896 = arith.addi %mul3A_894, %add3A_895 : i32
        %add3A_897 = arith.constant 3 : i32
        %add3A_898 = arith.addi %add3A_896, %add3A_897 : i32
        %swap3A_899 = arith.index_cast %add3A_898 : i32 to index
        %swap3A_900 = arith.constant 48 : index
        %swap3A_901 = tpu.vector_load %arg13[%swap3A_899, %swap3A_900] {strides = array<i32>} : memref<80x64xf32, #tpu.memory_space<vmem>>, vector<1x16xf32>,
        %swap3A_902 = vector.shape_cast %swap3A_901 : vector<1x16xf32> to vector<16xf32>
        %swap3A_903 = vector.shape_cast %mul3A_892 : vector<16xf32> to vector<1x16xf32>
        tpu.vector_store %arg13[%swap3A_899, %swap3A_900], %swap3A_903 {strides = array<i32>} : memref<80x64xf32, #tpu.memory_space<vmem>>, vector<1x16xf32>,
        %broadcast_in_dim3A_904 = arith.constant 8 : i32
        %broadcast_in_dim3A_905 = vector.broadcast %broadcast_in_dim3A_904 : i32 to vector<16xi32>
        %broadcast_in_dim3A_906 = vector.shape_cast %broadcast_in_dim3A_905 : vector<16xi32> to vector<16x1xi32>
        %gather3A_907 = vector.shape_cast %broadcast_in_dim3A_906 : vector<16x1xi32> to vector<16xi32>
        %gather3A_908 = tpu.dynamic_gather %get3A_161[%gather3A_907] in [0] : vector<16xf32>, vector<16xi32> -> vector<16xf32>
        %broadcast_in_dim3A_909 = arith.constant 9 : i32
        %broadcast_in_dim3A_910 = vector.broadcast %broadcast_in_dim3A_909 : i32 to vector<16xi32>
        %broadcast_in_dim3A_911 = vector.shape_cast %broadcast_in_dim3A_910 : vector<16xi32> to vector<16x1xi32>
        %gather3A_912 = vector.shape_cast %broadcast_in_dim3A_911 : vector<16x1xi32> to vector<16xi32>
        %gather3A_913 = tpu.dynamic_gather %get3A_161[%gather3A_912] in [0] : vector<16xf32>, vector<16xi32> -> vector<16xf32>
        %broadcast_in_dim3A_914 = arith.constant 10 : i32
        %broadcast_in_dim3A_915 = vector.broadcast %broadcast_in_dim3A_914 : i32 to vector<16xi32>
        %broadcast_in_dim3A_916 = vector.shape_cast %broadcast_in_dim3A_915 : vector<16xi32> to vector<16x1xi32>
        %gather3A_917 = vector.shape_cast %broadcast_in_dim3A_916 : vector<16x1xi32> to vector<16xi32>
        %gather3A_918 = tpu.dynamic_gather %get3A_161[%gather3A_917] in [0] : vector<16xf32>, vector<16xi32> -> vector<16xf32>
        %broadcast_in_dim3A_919 = arith.constant 11 : i32
        %broadcast_in_dim3A_920 = vector.broadcast %broadcast_in_dim3A_919 : i32 to vector<16xi32>
        %broadcast_in_dim3A_921 = vector.shape_cast %broadcast_in_dim3A_920 : vector<16xi32> to vector<16x1xi32>
        %gather3A_922 = vector.shape_cast %broadcast_in_dim3A_921 : vector<16x1xi32> to vector<16xi32>
        %gather3A_923 = tpu.dynamic_gather %get3A_161[%gather3A_922] in [0] : vector<16xf32>, vector<16xi32> -> vector<16xf32>
        %mul3A_924 = arith.constant 16 : i32
        %mul3A_925 = arith.muli %scan3A_153, %mul3A_924 : i32
        %add3A_926 = arith.constant 8 : i32
        %add3A_927 = arith.addi %mul3A_925, %add3A_926 : i32
        %add3A_928 = arith.constant 0 : i32
        %add3A_929 = arith.addi %add3A_927, %add3A_928 : i32
        %get3A_930 = arith.index_cast %add3A_929 : i32 to index
        %get3A_931 = arith.constant 0 : index
        %get3A_932 = tpu.vector_load %arg11[%get3A_930, %get3A_931] {strides = array<i32>} : memref<80x64xf32, #tpu.memory_space<vmem>>, vector<1x16xf32>,
        %get3A_933 = vector.shape_cast %get3A_932 : vector<1x16xf32> to vector<16xf32>
        %mul3A_934 = arith.constant 16 : i32
        %mul3A_935 = arith.muli %scan3A_153, %mul3A_934 : i32
        %add3A_936 = arith.constant 8 : i32
        %add3A_937 = arith.addi %mul3A_935, %add3A_936 : i32
        %add3A_938 = arith.constant 0 : i32
        %add3A_939 = arith.addi %add3A_937, %add3A_938 : i32
        %get3A_940 = arith.index_cast %add3A_939 : i32 to index
        %get3A_941 = arith.constant 16 : index
        %get3A_942 = tpu.vector_load %arg11[%get3A_940, %get3A_941] {strides = array<i32>} : memref<80x64xf32, #tpu.memory_space<vmem>>, vector<1x16xf32>,
        %get3A_943 = vector.shape_cast %get3A_942 : vector<1x16xf32> to vector<16xf32>
        %mul3A_944 = arith.constant 16 : i32
        %mul3A_945 = arith.muli %scan3A_153, %mul3A_944 : i32
        %add3A_946 = arith.constant 8 : i32
        %add3A_947 = arith.addi %mul3A_945, %add3A_946 : i32
        %add3A_948 = arith.constant 0 : i32
        %add3A_949 = arith.addi %add3A_947, %add3A_948 : i32
        %get3A_950 = arith.index_cast %add3A_949 : i32 to index
        %get3A_951 = arith.constant 32 : index
        %get3A_952 = tpu.vector_load %arg11[%get3A_950, %get3A_951] {strides = array<i32>} : memref<80x64xf32, #tpu.memory_space<vmem>>, vector<1x16xf32>,
        %get3A_953 = vector.shape_cast %get3A_952 : vector<1x16xf32> to vector<16xf32>
        %mul3A_954 = arith.constant 16 : i32
        %mul3A_955 = arith.muli %scan3A_153, %mul3A_954 : i32
        %add3A_956 = arith.constant 8 : i32
        %add3A_957 = arith.addi %mul3A_955, %add3A_956 : i32
        %add3A_958 = arith.constant 0 : i32
        %add3A_959 = arith.addi %add3A_957, %add3A_958 : i32
        %get3A_960 = arith.index_cast %add3A_959 : i32 to index
        %get3A_961 = arith.constant 48 : index
        %get3A_962 = tpu.vector_load %arg11[%get3A_960, %get3A_961] {strides = array<i32>} : memref<80x64xf32, #tpu.memory_space<vmem>>, vector<1x16xf32>,
        %get3A_963 = vector.shape_cast %get3A_962 : vector<1x16xf32> to vector<16xf32>
        %mul3A_964 = arith.constant 16 : i32
        %mul3A_965 = arith.muli %scan3A_153, %mul3A_964 : i32
        %add3A_966 = arith.constant 8 : i32
        %add3A_967 = arith.addi %mul3A_965, %add3A_966 : i32
        %add3A_968 = arith.constant 1 : i32
        %add3A_969 = arith.addi %add3A_967, %add3A_968 : i32
        %get3A_970 = arith.index_cast %add3A_969 : i32 to index
        %get3A_971 = arith.constant 0 : index
        %get3A_972 = tpu.vector_load %arg11[%get3A_970, %get3A_971] {strides = array<i32>} : memref<80x64xf32, #tpu.memory_space<vmem>>, vector<1x16xf32>,
        %get3A_973 = vector.shape_cast %get3A_972 : vector<1x16xf32> to vector<16xf32>
        %mul3A_974 = arith.constant 16 : i32
        %mul3A_975 = arith.muli %scan3A_153, %mul3A_974 : i32
        %add3A_976 = arith.constant 8 : i32
        %add3A_977 = arith.addi %mul3A_975, %add3A_976 : i32
        %add3A_978 = arith.constant 1 : i32
        %add3A_979 = arith.addi %add3A_977, %add3A_978 : i32
        %get3A_980 = arith.index_cast %add3A_979 : i32 to index
        %get3A_981 = arith.constant 16 : index
        %get3A_982 = tpu.vector_load %arg11[%get3A_980, %get3A_981] {strides = array<i32>} : memref<80x64xf32, #tpu.memory_space<vmem>>, vector<1x16xf32>,
        %get3A_983 = vector.shape_cast %get3A_982 : vector<1x16xf32> to vector<16xf32>
        %mul3A_984 = arith.constant 16 : i32
        %mul3A_985 = arith.muli %scan3A_153, %mul3A_984 : i32
        %add3A_986 = arith.constant 8 : i32
        %add3A_987 = arith.addi %mul3A_985, %add3A_986 : i32
        %add3A_988 = arith.constant 1 : i32
        %add3A_989 = arith.addi %add3A_987, %add3A_988 : i32
        %get3A_990 = arith.index_cast %add3A_989 : i32 to index
        %get3A_991 = arith.constant 32 : index
        %get3A_992 = tpu.vector_load %arg11[%get3A_990, %get3A_991] {strides = array<i32>} : memref<80x64xf32, #tpu.memory_space<vmem>>, vector<1x16xf32>,
        %get3A_993 = vector.shape_cast %get3A_992 : vector<1x16xf32> to vector<16xf32>
        %mul3A_994 = arith.constant 16 : i32
        %mul3A_995 = arith.muli %scan3A_153, %mul3A_994 : i32
        %add3A_996 = arith.constant 8 : i32
        %add3A_997 = arith.addi %mul3A_995, %add3A_996 : i32
        %add3A_998 = arith.constant 1 : i32
        %add3A_999 = arith.addi %add3A_997, %add3A_998 : i32
        %get3A_1000 = arith.index_cast %add3A_999 : i32 to index
        %get3A_1001 = arith.constant 48 : index
        %get3A_1002 = tpu.vector_load %arg11[%get3A_1000, %get3A_1001] {strides = array<i32>} : memref<80x64xf32, #tpu.memory_space<vmem>>, vector<1x16xf32>,
        %get3A_1003 = vector.shape_cast %get3A_1002 : vector<1x16xf32> to vector<16xf32>
        %mul3A_1004 = arith.constant 16 : i32
        %mul3A_1005 = arith.muli %scan3A_153, %mul3A_1004 : i32
        %add3A_1006 = arith.constant 8 : i32
        %add3A_1007 = arith.addi %mul3A_1005, %add3A_1006 : i32
        %add3A_1008 = arith.constant 2 : i32
        %add3A_1009 = arith.addi %add3A_1007, %add3A_1008 : i32
        %get3A_1010 = arith.index_cast %add3A_1009 : i32 to index
        %get3A_1011 = arith.constant 0 : index
        %get3A_1012 = tpu.vector_load %arg11[%get3A_1010, %get3A_1011] {strides = array<i32>} : memref<80x64xf32, #tpu.memory_space<vmem>>, vector<1x16xf32>,
        %get3A_1013 = vector.shape_cast %get3A_1012 : vector<1x16xf32> to vector<16xf32>
        %mul3A_1014 = arith.constant 16 : i32
        %mul3A_1015 = arith.muli %scan3A_153, %mul3A_1014 : i32
        %add3A_1016 = arith.constant 8 : i32
        %add3A_1017 = arith.addi %mul3A_1015, %add3A_1016 : i32
        %add3A_1018 = arith.constant 2 : i32
        %add3A_1019 = arith.addi %add3A_1017, %add3A_1018 : i32
        %get3A_1020 = arith.index_cast %add3A_1019 : i32 to index
        %get3A_1021 = arith.constant 16 : index
        %get3A_1022 = tpu.vector_load %arg11[%get3A_1020, %get3A_1021] {strides = array<i32>} : memref<80x64xf32, #tpu.memory_space<vmem>>, vector<1x16xf32>,
        %get3A_1023 = vector.shape_cast %get3A_1022 : vector<1x16xf32> to vector<16xf32>
        %mul3A_1024 = arith.constant 16 : i32
        %mul3A_1025 = arith.muli %scan3A_153, %mul3A_1024 : i32
        %add3A_1026 = arith.constant 8 : i32
        %add3A_1027 = arith.addi %mul3A_1025, %add3A_1026 : i32
        %add3A_1028 = arith.constant 2 : i32
        %add3A_1029 = arith.addi %add3A_1027, %add3A_1028 : i32
        %get3A_1030 = arith.index_cast %add3A_1029 : i32 to index
        %get3A_1031 = arith.constant 32 : index
        %get3A_1032 = tpu.vector_load %arg11[%get3A_1030, %get3A_1031] {strides = array<i32>} : memref<80x64xf32, #tpu.memory_space<vmem>>, vector<1x16xf32>,
        %get3A_1033 = vector.shape_cast %get3A_1032 : vector<1x16xf32> to vector<16xf32>
        %mul3A_1034 = arith.constant 16 : i32
        %mul3A_1035 = arith.muli %scan3A_153, %mul3A_1034 : i32
        %add3A_1036 = arith.constant 8 : i32
        %add3A_1037 = arith.addi %mul3A_1035, %add3A_1036 : i32
        %add3A_1038 = arith.constant 2 : i32
        %add3A_1039 = arith.addi %add3A_1037, %add3A_1038 : i32
        %get3A_1040 = arith.index_cast %add3A_1039 : i32 to index
        %get3A_1041 = arith.constant 48 : index
        %get3A_1042 = tpu.vector_load %arg11[%get3A_1040, %get3A_1041] {strides = array<i32>} : memref<80x64xf32, #tpu.memory_space<vmem>>, vector<1x16xf32>,
        %get3A_1043 = vector.shape_cast %get3A_1042 : vector<1x16xf32> to vector<16xf32>
        %mul3A_1044 = arith.constant 16 : i32
        %mul3A_1045 = arith.muli %scan3A_153, %mul3A_1044 : i32
        %add3A_1046 = arith.constant 8 : i32
        %add3A_1047 = arith.addi %mul3A_1045, %add3A_1046 : i32
        %add3A_1048 = arith.constant 3 : i32
        %add3A_1049 = arith.addi %add3A_1047, %add3A_1048 : i32
        %get3A_1050 = arith.index_cast %add3A_1049 : i32 to index
        %get3A_1051 = arith.constant 0 : index
        %get3A_1052 = tpu.vector_load %arg11[%get3A_1050, %get3A_1051] {strides = array<i32>} : memref<80x64xf32, #tpu.memory_space<vmem>>, vector<1x16xf32>,
        %get3A_1053 = vector.shape_cast %get3A_1052 : vector<1x16xf32> to vector<16xf32>
        %mul3A_1054 = arith.constant 16 : i32
        %mul3A_1055 = arith.muli %scan3A_153, %mul3A_1054 : i32
        %add3A_1056 = arith.constant 8 : i32
        %add3A_1057 = arith.addi %mul3A_1055, %add3A_1056 : i32
        %add3A_1058 = arith.constant 3 : i32
        %add3A_1059 = arith.addi %add3A_1057, %add3A_1058 : i32
        %get3A_1060 = arith.index_cast %add3A_1059 : i32 to index
        %get3A_1061 = arith.constant 16 : index
        %get3A_1062 = tpu.vector_load %arg11[%get3A_1060, %get3A_1061] {strides = array<i32>} : memref<80x64xf32, #tpu.memory_space<vmem>>, vector<1x16xf32>,
        %get3A_1063 = vector.shape_cast %get3A_1062 : vector<1x16xf32> to vector<16xf32>
        %mul3A_1064 = arith.constant 16 : i32
        %mul3A_1065 = arith.muli %scan3A_153, %mul3A_1064 : i32
        %add3A_1066 = arith.constant 8 : i32
        %add3A_1067 = arith.addi %mul3A_1065, %add3A_1066 : i32
        %add3A_1068 = arith.constant 3 : i32
        %add3A_1069 = arith.addi %add3A_1067, %add3A_1068 : i32
        %get3A_1070 = arith.index_cast %add3A_1069 : i32 to index
        %get3A_1071 = arith.constant 32 : index
        %get3A_1072 = tpu.vector_load %arg11[%get3A_1070, %get3A_1071] {strides = array<i32>} : memref<80x64xf32, #tpu.memory_space<vmem>>, vector<1x16xf32>,
        %get3A_1073 = vector.shape_cast %get3A_1072 : vector<1x16xf32> to vector<16xf32>
        %mul3A_1074 = arith.constant 16 : i32
        %mul3A_1075 = arith.muli %scan3A_153, %mul3A_1074 : i32
        %add3A_1076 = arith.constant 8 : i32
        %add3A_1077 = arith.addi %mul3A_1075, %add3A_1076 : i32
        %add3A_1078 = arith.constant 3 : i32
        %add3A_1079 = arith.addi %add3A_1077, %add3A_1078 : i32
        %get3A_1080 = arith.index_cast %add3A_1079 : i32 to index
        %get3A_1081 = arith.constant 48 : index
        %get3A_1082 = tpu.vector_load %arg11[%get3A_1080, %get3A_1081] {strides = array<i32>} : memref<80x64xf32, #tpu.memory_space<vmem>>, vector<1x16xf32>,
        %get3A_1083 = vector.shape_cast %get3A_1082 : vector<1x16xf32> to vector<16xf32>
        %mul3A_1084 = arith.mulf %get3A_933, %gather3A_908 : vector<16xf32>
        %mul3A_1085 = arith.constant 16 : i32
        %mul3A_1086 = arith.muli %scan3A_153, %mul3A_1085 : i32
        %add3A_1087 = arith.constant 8 : i32
        %add3A_1088 = arith.addi %mul3A_1086, %add3A_1087 : i32
        %add3A_1089 = arith.constant 0 : i32
        %add3A_1090 = arith.addi %add3A_1088, %add3A_1089 : i32
        %swap3A_1091 = arith.index_cast %add3A_1090 : i32 to index
        %swap3A_1092 = arith.constant 0 : index
        %swap3A_1093 = tpu.vector_load %arg13[%swap3A_1091, %swap3A_1092] {strides = array<i32>} : memref<80x64xf32, #tpu.memory_space<vmem>>, vector<1x16xf32>,
        %swap3A_1094 = vector.shape_cast %swap3A_1093 : vector<1x16xf32> to vector<16xf32>
        %swap3A_1095 = vector.shape_cast %mul3A_1084 : vector<16xf32> to vector<1x16xf32>
        tpu.vector_store %arg13[%swap3A_1091, %swap3A_1092], %swap3A_1095 {strides = array<i32>} : memref<80x64xf32, #tpu.memory_space<vmem>>, vector<1x16xf32>,
        %mul3A_1096 = arith.mulf %get3A_943, %gather3A_908 : vector<16xf32>
        %mul3A_1097 = arith.constant 16 : i32
        %mul3A_1098 = arith.muli %scan3A_153, %mul3A_1097 : i32
        %add3A_1099 = arith.constant 8 : i32
        %add3A_1100 = arith.addi %mul3A_1098, %add3A_1099 : i32
        %add3A_1101 = arith.constant 0 : i32
        %add3A_1102 = arith.addi %add3A_1100, %add3A_1101 : i32
        %swap3A_1103 = arith.index_cast %add3A_1102 : i32 to index
        %swap3A_1104 = arith.constant 16 : index
        %swap3A_1105 = tpu.vector_load %arg13[%swap3A_1103, %swap3A_1104] {strides = array<i32>} : memref<80x64xf32, #tpu.memory_space<vmem>>, vector<1x16xf32>,
        %swap3A_1106 = vector.shape_cast %swap3A_1105 : vector<1x16xf32> to vector<16xf32>
        %swap3A_1107 = vector.shape_cast %mul3A_1096 : vector<16xf32> to vector<1x16xf32>
        tpu.vector_store %arg13[%swap3A_1103, %swap3A_1104], %swap3A_1107 {strides = array<i32>} : memref<80x64xf32, #tpu.memory_space<vmem>>, vector<1x16xf32>,
        %mul3A_1108 = arith.mulf %get3A_953, %gather3A_908 : vector<16xf32>
        %mul3A_1109 = arith.constant 16 : i32
        %mul3A_1110 = arith.muli %scan3A_153, %mul3A_1109 : i32
        %add3A_1111 = arith.constant 8 : i32
        %add3A_1112 = arith.addi %mul3A_1110, %add3A_1111 : i32
        %add3A_1113 = arith.constant 0 : i32
        %add3A_1114 = arith.addi %add3A_1112, %add3A_1113 : i32
        %swap3A_1115 = arith.index_cast %add3A_1114 : i32 to index
        %swap3A_1116 = arith.constant 32 : index
        %swap3A_1117 = tpu.vector_load %arg13[%swap3A_1115, %swap3A_1116] {strides = array<i32>} : memref<80x64xf32, #tpu.memory_space<vmem>>, vector<1x16xf32>,
        %swap3A_1118 = vector.shape_cast %swap3A_1117 : vector<1x16xf32> to vector<16xf32>
        %swap3A_1119 = vector.shape_cast %mul3A_1108 : vector<16xf32> to vector<1x16xf32>
        tpu.vector_store %arg13[%swap3A_1115, %swap3A_1116], %swap3A_1119 {strides = array<i32>} : memref<80x64xf32, #tpu.memory_space<vmem>>, vector<1x16xf32>,
        %mul3A_1120 = arith.mulf %get3A_963, %gather3A_908 : vector<16xf32>
        %mul3A_1121 = arith.constant 16 : i32
        %mul3A_1122 = arith.muli %scan3A_153, %mul3A_1121 : i32
        %add3A_1123 = arith.constant 8 : i32
        %add3A_1124 = arith.addi %mul3A_1122, %add3A_1123 : i32
        %add3A_1125 = arith.constant 0 : i32
        %add3A_1126 = arith.addi %add3A_1124, %add3A_1125 : i32
        %swap3A_1127 = arith.index_cast %add3A_1126 : i32 to index
        %swap3A_1128 = arith.constant 48 : index
        %swap3A_1129 = tpu.vector_load %arg13[%swap3A_1127, %swap3A_1128] {strides = array<i32>} : memref<80x64xf32, #tpu.memory_space<vmem>>, vector<1x16xf32>,
        %swap3A_1130 = vector.shape_cast %swap3A_1129 : vector<1x16xf32> to vector<16xf32>
        %swap3A_1131 = vector.shape_cast %mul3A_1120 : vector<16xf32> to vector<1x16xf32>
        tpu.vector_store %arg13[%swap3A_1127, %swap3A_1128], %swap3A_1131 {strides = array<i32>} : memref<80x64xf32, #tpu.memory_space<vmem>>, vector<1x16xf32>,
        %mul3A_1132 = arith.mulf %get3A_973, %gather3A_913 : vector<16xf32>
        %mul3A_1133 = arith.constant 16 : i32
        %mul3A_1134 = arith.muli %scan3A_153, %mul3A_1133 : i32
        %add3A_1135 = arith.constant 8 : i32
        %add3A_1136 = arith.addi %mul3A_1134, %add3A_1135 : i32
        %add3A_1137 = arith.constant 1 : i32
        %add3A_1138 = arith.addi %add3A_1136, %add3A_1137 : i32
        %swap3A_1139 = arith.index_cast %add3A_1138 : i32 to index
        %swap3A_1140 = arith.constant 0 : index
        %swap3A_1141 = tpu.vector_load %arg13[%swap3A_1139, %swap3A_1140] {strides = array<i32>} : memref<80x64xf32, #tpu.memory_space<vmem>>, vector<1x16xf32>,
        %swap3A_1142 = vector.shape_cast %swap3A_1141 : vector<1x16xf32> to vector<16xf32>
        %swap3A_1143 = vector.shape_cast %mul3A_1132 : vector<16xf32> to vector<1x16xf32>
        tpu.vector_store %arg13[%swap3A_1139, %swap3A_1140], %swap3A_1143 {strides = array<i32>} : memref<80x64xf32, #tpu.memory_space<vmem>>, vector<1x16xf32>,
        %mul3A_1144 = arith.mulf %get3A_983, %gather3A_913 : vector<16xf32>
        %mul3A_1145 = arith.constant 16 : i32
        %mul3A_1146 = arith.muli %scan3A_153, %mul3A_1145 : i32
        %add3A_1147 = arith.constant 8 : i32
        %add3A_1148 = arith.addi %mul3A_1146, %add3A_1147 : i32
        %add3A_1149 = arith.constant 1 : i32
        %add3A_1150 = arith.addi %add3A_1148, %add3A_1149 : i32
        %swap3A_1151 = arith.index_cast %add3A_1150 : i32 to index
        %swap3A_1152 = arith.constant 16 : index
        %swap3A_1153 = tpu.vector_load %arg13[%swap3A_1151, %swap3A_1152] {strides = array<i32>} : memref<80x64xf32, #tpu.memory_space<vmem>>, vector<1x16xf32>,
        %swap3A_1154 = vector.shape_cast %swap3A_1153 : vector<1x16xf32> to vector<16xf32>
        %swap3A_1155 = vector.shape_cast %mul3A_1144 : vector<16xf32> to vector<1x16xf32>
        tpu.vector_store %arg13[%swap3A_1151, %swap3A_1152], %swap3A_1155 {strides = array<i32>} : memref<80x64xf32, #tpu.memory_space<vmem>>, vector<1x16xf32>,
        %mul3A_1156 = arith.mulf %get3A_993, %gather3A_913 : vector<16xf32>
        %mul3A_1157 = arith.constant 16 : i32
        %mul3A_1158 = arith.muli %scan3A_153, %mul3A_1157 : i32
        %add3A_1159 = arith.constant 8 : i32
        %add3A_1160 = arith.addi %mul3A_1158, %add3A_1159 : i32
        %add3A_1161 = arith.constant 1 : i32
        %add3A_1162 = arith.addi %add3A_1160, %add3A_1161 : i32
        %swap3A_1163 = arith.index_cast %add3A_1162 : i32 to index
        %swap3A_1164 = arith.constant 32 : index
        %swap3A_1165 = tpu.vector_load %arg13[%swap3A_1163, %swap3A_1164] {strides = array<i32>} : memref<80x64xf32, #tpu.memory_space<vmem>>, vector<1x16xf32>,
        %swap3A_1166 = vector.shape_cast %swap3A_1165 : vector<1x16xf32> to vector<16xf32>
        %swap3A_1167 = vector.shape_cast %mul3A_1156 : vector<16xf32> to vector<1x16xf32>
        tpu.vector_store %arg13[%swap3A_1163, %swap3A_1164], %swap3A_1167 {strides = array<i32>} : memref<80x64xf32, #tpu.memory_space<vmem>>, vector<1x16xf32>,
        %mul3A_1168 = arith.mulf %get3A_1003, %gather3A_913 : vector<16xf32>
        %mul3A_1169 = arith.constant 16 : i32
        %mul3A_1170 = arith.muli %scan3A_153, %mul3A_1169 : i32
        %add3A_1171 = arith.constant 8 : i32
        %add3A_1172 = arith.addi %mul3A_1170, %add3A_1171 : i32
        %add3A_1173 = arith.constant 1 : i32
        %add3A_1174 = arith.addi %add3A_1172, %add3A_1173 : i32
        %swap3A_1175 = arith.index_cast %add3A_1174 : i32 to index
        %swap3A_1176 = arith.constant 48 : index
        %swap3A_1177 = tpu.vector_load %arg13[%swap3A_1175, %swap3A_1176] {strides = array<i32>} : memref<80x64xf32, #tpu.memory_space<vmem>>, vector<1x16xf32>,
        %swap3A_1178 = vector.shape_cast %swap3A_1177 : vector<1x16xf32> to vector<16xf32>
        %swap3A_1179 = vector.shape_cast %mul3A_1168 : vector<16xf32> to vector<1x16xf32>
        tpu.vector_store %arg13[%swap3A_1175, %swap3A_1176], %swap3A_1179 {strides = array<i32>} : memref<80x64xf32, #tpu.memory_space<vmem>>, vector<1x16xf32>,
        %mul3A_1180 = arith.mulf %get3A_1013, %gather3A_918 : vector<16xf32>
        %mul3A_1181 = arith.constant 16 : i32
        %mul3A_1182 = arith.muli %scan3A_153, %mul3A_1181 : i32
        %add3A_1183 = arith.constant 8 : i32
        %add3A_1184 = arith.addi %mul3A_1182, %add3A_1183 : i32
        %add3A_1185 = arith.constant 2 : i32
        %add3A_1186 = arith.addi %add3A_1184, %add3A_1185 : i32
        %swap3A_1187 = arith.index_cast %add3A_1186 : i32 to index
        %swap3A_1188 = arith.constant 0 : index
        %swap3A_1189 = tpu.vector_load %arg13[%swap3A_1187, %swap3A_1188] {strides = array<i32>} : memref<80x64xf32, #tpu.memory_space<vmem>>, vector<1x16xf32>,
        %swap3A_1190 = vector.shape_cast %swap3A_1189 : vector<1x16xf32> to vector<16xf32>
        %swap3A_1191 = vector.shape_cast %mul3A_1180 : vector<16xf32> to vector<1x16xf32>
        tpu.vector_store %arg13[%swap3A_1187, %swap3A_1188], %swap3A_1191 {strides = array<i32>} : memref<80x64xf32, #tpu.memory_space<vmem>>, vector<1x16xf32>,
        %mul3A_1192 = arith.mulf %get3A_1023, %gather3A_918 : vector<16xf32>
        %mul3A_1193 = arith.constant 16 : i32
        %mul3A_1194 = arith.muli %scan3A_153, %mul3A_1193 : i32
        %add3A_1195 = arith.constant 8 : i32
        %add3A_1196 = arith.addi %mul3A_1194, %add3A_1195 : i32
        %add3A_1197 = arith.constant 2 : i32
        %add3A_1198 = arith.addi %add3A_1196, %add3A_1197 : i32
        %swap3A_1199 = arith.index_cast %add3A_1198 : i32 to index
        %swap3A_1200 = arith.constant 16 : index
        %swap3A_1201 = tpu.vector_load %arg13[%swap3A_1199, %swap3A_1200] {strides = array<i32>} : memref<80x64xf32, #tpu.memory_space<vmem>>, vector<1x16xf32>,
        %swap3A_1202 = vector.shape_cast %swap3A_1201 : vector<1x16xf32> to vector<16xf32>
        %swap3A_1203 = vector.shape_cast %mul3A_1192 : vector<16xf32> to vector<1x16xf32>
        tpu.vector_store %arg13[%swap3A_1199, %swap3A_1200], %swap3A_1203 {strides = array<i32>} : memref<80x64xf32, #tpu.memory_space<vmem>>, vector<1x16xf32>,
        %mul3A_1204 = arith.mulf %get3A_1033, %gather3A_918 : vector<16xf32>
        %mul3A_1205 = arith.constant 16 : i32
        %mul3A_1206 = arith.muli %scan3A_153, %mul3A_1205 : i32
        %add3A_1207 = arith.constant 8 : i32
        %add3A_1208 = arith.addi %mul3A_1206, %add3A_1207 : i32
        %add3A_1209 = arith.constant 2 : i32
        %add3A_1210 = arith.addi %add3A_1208, %add3A_1209 : i32
        %swap3A_1211 = arith.index_cast %add3A_1210 : i32 to index
        %swap3A_1212 = arith.constant 32 : index
        %swap3A_1213 = tpu.vector_load %arg13[%swap3A_1211, %swap3A_1212] {strides = array<i32>} : memref<80x64xf32, #tpu.memory_space<vmem>>, vector<1x16xf32>,
        %swap3A_1214 = vector.shape_cast %swap3A_1213 : vector<1x16xf32> to vector<16xf32>
        %swap3A_1215 = vector.shape_cast %mul3A_1204 : vector<16xf32> to vector<1x16xf32>
        tpu.vector_store %arg13[%swap3A_1211, %swap3A_1212], %swap3A_1215 {strides = array<i32>} : memref<80x64xf32, #tpu.memory_space<vmem>>, vector<1x16xf32>,
        %mul3A_1216 = arith.mulf %get3A_1043, %gather3A_918 : vector<16xf32>
        %mul3A_1217 = arith.constant 16 : i32
        %mul3A_1218 = arith.muli %scan3A_153, %mul3A_1217 : i32
        %add3A_1219 = arith.constant 8 : i32
        %add3A_1220 = arith.addi %mul3A_1218, %add3A_1219 : i32
        %add3A_1221 = arith.constant 2 : i32
        %add3A_1222 = arith.addi %add3A_1220, %add3A_1221 : i32
        %swap3A_1223 = arith.index_cast %add3A_1222 : i32 to index
        %swap3A_1224 = arith.constant 48 : index
        %swap3A_1225 = tpu.vector_load %arg13[%swap3A_1223, %swap3A_1224] {strides = array<i32>} : memref<80x64xf32, #tpu.memory_space<vmem>>, vector<1x16xf32>,
        %swap3A_1226 = vector.shape_cast %swap3A_1225 : vector<1x16xf32> to vector<16xf32>
        %swap3A_1227 = vector.shape_cast %mul3A_1216 : vector<16xf32> to vector<1x16xf32>
        tpu.vector_store %arg13[%swap3A_1223, %swap3A_1224], %swap3A_1227 {strides = array<i32>} : memref<80x64xf32, #tpu.memory_space<vmem>>, vector<1x16xf32>,
        %mul3A_1228 = arith.mulf %get3A_1053, %gather3A_923 : vector<16xf32>
        %mul3A_1229 = arith.constant 16 : i32
        %mul3A_1230 = arith.muli %scan3A_153, %mul3A_1229 : i32
        %add3A_1231 = arith.constant 8 : i32
        %add3A_1232 = arith.addi %mul3A_1230, %add3A_1231 : i32
        %add3A_1233 = arith.constant 3 : i32
        %add3A_1234 = arith.addi %add3A_1232, %add3A_1233 : i32
        %swap3A_1235 = arith.index_cast %add3A_1234 : i32 to index
        %swap3A_1236 = arith.constant 0 : index
        %swap3A_1237 = tpu.vector_load %arg13[%swap3A_1235, %swap3A_1236] {strides = array<i32>} : memref<80x64xf32, #tpu.memory_space<vmem>>, vector<1x16xf32>,
        %swap3A_1238 = vector.shape_cast %swap3A_1237 : vector<1x16xf32> to vector<16xf32>
        %swap3A_1239 = vector.shape_cast %mul3A_1228 : vector<16xf32> to vector<1x16xf32>
        tpu.vector_store %arg13[%swap3A_1235, %swap3A_1236], %swap3A_1239 {strides = array<i32>} : memref<80x64xf32, #tpu.memory_space<vmem>>, vector<1x16xf32>,
        %mul3A_1240 = arith.mulf %get3A_1063, %gather3A_923 : vector<16xf32>
        %mul3A_1241 = arith.constant 16 : i32
        %mul3A_1242 = arith.muli %scan3A_153, %mul3A_1241 : i32
        %add3A_1243 = arith.constant 8 : i32
        %add3A_1244 = arith.addi %mul3A_1242, %add3A_1243 : i32
        %add3A_1245 = arith.constant 3 : i32
        %add3A_1246 = arith.addi %add3A_1244, %add3A_1245 : i32
        %swap3A_1247 = arith.index_cast %add3A_1246 : i32 to index
        %swap3A_1248 = arith.constant 16 : index
        %swap3A_1249 = tpu.vector_load %arg13[%swap3A_1247, %swap3A_1248] {strides = array<i32>} : memref<80x64xf32, #tpu.memory_space<vmem>>, vector<1x16xf32>,
        %swap3A_1250 = vector.shape_cast %swap3A_1249 : vector<1x16xf32> to vector<16xf32>
        %swap3A_1251 = vector.shape_cast %mul3A_1240 : vector<16xf32> to vector<1x16xf32>
        tpu.vector_store %arg13[%swap3A_1247, %swap3A_1248], %swap3A_1251 {strides = array<i32>} : memref<80x64xf32, #tpu.memory_space<vmem>>, vector<1x16xf32>,
        %mul3A_1252 = arith.mulf %get3A_1073, %gather3A_923 : vector<16xf32>
        %mul3A_1253 = arith.constant 16 : i32
        %mul3A_1254 = arith.muli %scan3A_153, %mul3A_1253 : i32
        %add3A_1255 = arith.constant 8 : i32
        %add3A_1256 = arith.addi %mul3A_1254, %add3A_1255 : i32
        %add3A_1257 = arith.constant 3 : i32
        %add3A_1258 = arith.addi %add3A_1256, %add3A_1257 : i32
        %swap3A_1259 = arith.index_cast %add3A_1258 : i32 to index
        %swap3A_1260 = arith.constant 32 : index
        %swap3A_1261 = tpu.vector_load %arg13[%swap3A_1259, %swap3A_1260] {strides = array<i32>} : memref<80x64xf32, #tpu.memory_space<vmem>>, vector<1x16xf32>,
        %swap3A_1262 = vector.shape_cast %swap3A_1261 : vector<1x16xf32> to vector<16xf32>
        %swap3A_1263 = vector.shape_cast %mul3A_1252 : vector<16xf32> to vector<1x16xf32>
        tpu.vector_store %arg13[%swap3A_1259, %swap3A_1260], %swap3A_1263 {strides = array<i32>} : memref<80x64xf32, #tpu.memory_space<vmem>>, vector<1x16xf32>,
        %mul3A_1264 = arith.mulf %get3A_1083, %gather3A_923 : vector<16xf32>
        %mul3A_1265 = arith.constant 16 : i32
        %mul3A_1266 = arith.muli %scan3A_153, %mul3A_1265 : i32
        %add3A_1267 = arith.constant 8 : i32
        %add3A_1268 = arith.addi %mul3A_1266, %add3A_1267 : i32
        %add3A_1269 = arith.constant 3 : i32
        %add3A_1270 = arith.addi %add3A_1268, %add3A_1269 : i32
        %swap3A_1271 = arith.index_cast %add3A_1270 : i32 to index
        %swap3A_1272 = arith.constant 48 : index
        %swap3A_1273 = tpu.vector_load %arg13[%swap3A_1271, %swap3A_1272] {strides = array<i32>} : memref<80x64xf32, #tpu.memory_space<vmem>>, vector<1x16xf32>,
        %swap3A_1274 = vector.shape_cast %swap3A_1273 : vector<1x16xf32> to vector<16xf32>
        %swap3A_1275 = vector.shape_cast %mul3A_1264 : vector<16xf32> to vector<1x16xf32>
        tpu.vector_store %arg13[%swap3A_1271, %swap3A_1272], %swap3A_1275 {strides = array<i32>} : memref<80x64xf32, #tpu.memory_space<vmem>>, vector<1x16xf32>,
        %broadcast_in_dim3A_1276 = arith.constant 12 : i32
        %broadcast_in_dim3A_1277 = vector.broadcast %broadcast_in_dim3A_1276 : i32 to vector<16xi32>
        %broadcast_in_dim3A_1278 = vector.shape_cast %broadcast_in_dim3A_1277 : vector<16xi32> to vector<16x1xi32>
        %gather3A_1279 = vector.shape_cast %broadcast_in_dim3A_1278 : vector<16x1xi32> to vector<16xi32>
        %gather3A_1280 = tpu.dynamic_gather %get3A_161[%gather3A_1279] in [0] : vector<16xf32>, vector<16xi32> -> vector<16xf32>
        %broadcast_in_dim3A_1281 = arith.constant 13 : i32
        %broadcast_in_dim3A_1282 = vector.broadcast %broadcast_in_dim3A_1281 : i32 to vector<16xi32>
        %broadcast_in_dim3A_1283 = vector.shape_cast %broadcast_in_dim3A_1282 : vector<16xi32> to vector<16x1xi32>
        %gather3A_1284 = vector.shape_cast %broadcast_in_dim3A_1283 : vector<16x1xi32> to vector<16xi32>
        %gather3A_1285 = tpu.dynamic_gather %get3A_161[%gather3A_1284] in [0] : vector<16xf32>, vector<16xi32> -> vector<16xf32>
        %broadcast_in_dim3A_1286 = arith.constant 14 : i32
        %broadcast_in_dim3A_1287 = vector.broadcast %broadcast_in_dim3A_1286 : i32 to vector<16xi32>
        %broadcast_in_dim3A_1288 = vector.shape_cast %broadcast_in_dim3A_1287 : vector<16xi32> to vector<16x1xi32>
        %gather3A_1289 = vector.shape_cast %broadcast_in_dim3A_1288 : vector<16x1xi32> to vector<16xi32>
        %gather3A_1290 = tpu.dynamic_gather %get3A_161[%gather3A_1289] in [0] : vector<16xf32>, vector<16xi32> -> vector<16xf32>
        %broadcast_in_dim3A_1291 = arith.constant 15 : i32
        %broadcast_in_dim3A_1292 = vector.broadcast %broadcast_in_dim3A_1291 : i32 to vector<16xi32>
        %broadcast_in_dim3A_1293 = vector.shape_cast %broadcast_in_dim3A_1292 : vector<16xi32> to vector<16x1xi32>
        %gather3A_1294 = vector.shape_cast %broadcast_in_dim3A_1293 : vector<16x1xi32> to vector<16xi32>
        %gather3A_1295 = tpu.dynamic_gather %get3A_161[%gather3A_1294] in [0] : vector<16xf32>, vector<16xi32> -> vector<16xf32>
        %mul3A_1296 = arith.constant 16 : i32
        %mul3A_1297 = arith.muli %scan3A_153, %mul3A_1296 : i32
        %add3A_1298 = arith.constant 12 : i32
        %add3A_1299 = arith.addi %mul3A_1297, %add3A_1298 : i32
        %add3A_1300 = arith.constant 0 : i32
        %add3A_1301 = arith.addi %add3A_1299, %add3A_1300 : i32
        %get3A_1302 = arith.index_cast %add3A_1301 : i32 to index
        %get3A_1303 = arith.constant 0 : index
        %get3A_1304 = tpu.vector_load %arg11[%get3A_1302, %get3A_1303] {strides = array<i32>} : memref<80x64xf32, #tpu.memory_space<vmem>>, vector<1x16xf32>,
        %get3A_1305 = vector.shape_cast %get3A_1304 : vector<1x16xf32> to vector<16xf32>
        %mul3A_1306 = arith.constant 16 : i32
        %mul3A_1307 = arith.muli %scan3A_153, %mul3A_1306 : i32
        %add3A_1308 = arith.constant 12 : i32
        %add3A_1309 = arith.addi %mul3A_1307, %add3A_1308 : i32
        %add3A_1310 = arith.constant 0 : i32
        %add3A_1311 = arith.addi %add3A_1309, %add3A_1310 : i32
        %get3A_1312 = arith.index_cast %add3A_1311 : i32 to index
        %get3A_1313 = arith.constant 16 : index
        %get3A_1314 = tpu.vector_load %arg11[%get3A_1312, %get3A_1313] {strides = array<i32>} : memref<80x64xf32, #tpu.memory_space<vmem>>, vector<1x16xf32>,
        %get3A_1315 = vector.shape_cast %get3A_1314 : vector<1x16xf32> to vector<16xf32>
        %mul3A_1316 = arith.constant 16 : i32
        %mul3A_1317 = arith.muli %scan3A_153, %mul3A_1316 : i32
        %add3A_1318 = arith.constant 12 : i32
        %add3A_1319 = arith.addi %mul3A_1317, %add3A_1318 : i32
        %add3A_1320 = arith.constant 0 : i32
        %add3A_1321 = arith.addi %add3A_1319, %add3A_1320 : i32
        %get3A_1322 = arith.index_cast %add3A_1321 : i32 to index
        %get3A_1323 = arith.constant 32 : index
        %get3A_1324 = tpu.vector_load %arg11[%get3A_1322, %get3A_1323] {strides = array<i32>} : memref<80x64xf32, #tpu.memory_space<vmem>>, vector<1x16xf32>,
        %get3A_1325 = vector.shape_cast %get3A_1324 : vector<1x16xf32> to vector<16xf32>
        %mul3A_1326 = arith.constant 16 : i32
        %mul3A_1327 = arith.muli %scan3A_153, %mul3A_1326 : i32
        %add3A_1328 = arith.constant 12 : i32
        %add3A_1329 = arith.addi %mul3A_1327, %add3A_1328 : i32
        %add3A_1330 = arith.constant 0 : i32
        %add3A_1331 = arith.addi %add3A_1329, %add3A_1330 : i32
        %get3A_1332 = arith.index_cast %add3A_1331 : i32 to index
        %get3A_1333 = arith.constant 48 : index
        %get3A_1334 = tpu.vector_load %arg11[%get3A_1332, %get3A_1333] {strides = array<i32>} : memref<80x64xf32, #tpu.memory_space<vmem>>, vector<1x16xf32>,
        %get3A_1335 = vector.shape_cast %get3A_1334 : vector<1x16xf32> to vector<16xf32>
        %mul3A_1336 = arith.constant 16 : i32
        %mul3A_1337 = arith.muli %scan3A_153, %mul3A_1336 : i32
        %add3A_1338 = arith.constant 12 : i32
        %add3A_1339 = arith.addi %mul3A_1337, %add3A_1338 : i32
        %add3A_1340 = arith.constant 1 : i32
        %add3A_1341 = arith.addi %add3A_1339, %add3A_1340 : i32
        %get3A_1342 = arith.index_cast %add3A_1341 : i32 to index
        %get3A_1343 = arith.constant 0 : index
        %get3A_1344 = tpu.vector_load %arg11[%get3A_1342, %get3A_1343] {strides = array<i32>} : memref<80x64xf32, #tpu.memory_space<vmem>>, vector<1x16xf32>,
        %get3A_1345 = vector.shape_cast %get3A_1344 : vector<1x16xf32> to vector<16xf32>
        %mul3A_1346 = arith.constant 16 : i32
        %mul3A_1347 = arith.muli %scan3A_153, %mul3A_1346 : i32
        %add3A_1348 = arith.constant 12 : i32
        %add3A_1349 = arith.addi %mul3A_1347, %add3A_1348 : i32
        %add3A_1350 = arith.constant 1 : i32
        %add3A_1351 = arith.addi %add3A_1349, %add3A_1350 : i32
        %get3A_1352 = arith.index_cast %add3A_1351 : i32 to index
        %get3A_1353 = arith.constant 16 : index
        %get3A_1354 = tpu.vector_load %arg11[%get3A_1352, %get3A_1353] {strides = array<i32>} : memref<80x64xf32, #tpu.memory_space<vmem>>, vector<1x16xf32>,
        %get3A_1355 = vector.shape_cast %get3A_1354 : vector<1x16xf32> to vector<16xf32>
        %mul3A_1356 = arith.constant 16 : i32
        %mul3A_1357 = arith.muli %scan3A_153, %mul3A_1356 : i32
        %add3A_1358 = arith.constant 12 : i32
        %add3A_1359 = arith.addi %mul3A_1357, %add3A_1358 : i32
        %add3A_1360 = arith.constant 1 : i32
        %add3A_1361 = arith.addi %add3A_1359, %add3A_1360 : i32
        %get3A_1362 = arith.index_cast %add3A_1361 : i32 to index
        %get3A_1363 = arith.constant 32 : index
        %get3A_1364 = tpu.vector_load %arg11[%get3A_1362, %get3A_1363] {strides = array<i32>} : memref<80x64xf32, #tpu.memory_space<vmem>>, vector<1x16xf32>,
        %get3A_1365 = vector.shape_cast %get3A_1364 : vector<1x16xf32> to vector<16xf32>
        %mul3A_1366 = arith.constant 16 : i32
        %mul3A_1367 = arith.muli %scan3A_153, %mul3A_1366 : i32
        %add3A_1368 = arith.constant 12 : i32
        %add3A_1369 = arith.addi %mul3A_1367, %add3A_1368 : i32
        %add3A_1370 = arith.constant 1 : i32
        %add3A_1371 = arith.addi %add3A_1369, %add3A_1370 : i32
        %get3A_1372 = arith.index_cast %add3A_1371 : i32 to index
        %get3A_1373 = arith.constant 48 : index
        %get3A_1374 = tpu.vector_load %arg11[%get3A_1372, %get3A_1373] {strides = array<i32>} : memref<80x64xf32, #tpu.memory_space<vmem>>, vector<1x16xf32>,
        %get3A_1375 = vector.shape_cast %get3A_1374 : vector<1x16xf32> to vector<16xf32>
        %mul3A_1376 = arith.constant 16 : i32
        %mul3A_1377 = arith.muli %scan3A_153, %mul3A_1376 : i32
        %add3A_1378 = arith.constant 12 : i32
        %add3A_1379 = arith.addi %mul3A_1377, %add3A_1378 : i32
        %add3A_1380 = arith.constant 2 : i32
        %add3A_1381 = arith.addi %add3A_1379, %add3A_1380 : i32
        %get3A_1382 = arith.index_cast %add3A_1381 : i32 to index
        %get3A_1383 = arith.constant 0 : index
        %get3A_1384 = tpu.vector_load %arg11[%get3A_1382, %get3A_1383] {strides = array<i32>} : memref<80x64xf32, #tpu.memory_space<vmem>>, vector<1x16xf32>,
        %get3A_1385 = vector.shape_cast %get3A_1384 : vector<1x16xf32> to vector<16xf32>
        %mul3A_1386 = arith.constant 16 : i32
        %mul3A_1387 = arith.muli %scan3A_153, %mul3A_1386 : i32
        %add3A_1388 = arith.constant 12 : i32
        %add3A_1389 = arith.addi %mul3A_1387, %add3A_1388 : i32
        %add3A_1390 = arith.constant 2 : i32
        %add3A_1391 = arith.addi %add3A_1389, %add3A_1390 : i32
        %get3A_1392 = arith.index_cast %add3A_1391 : i32 to index
        %get3A_1393 = arith.constant 16 : index
        %get3A_1394 = tpu.vector_load %arg11[%get3A_1392, %get3A_1393] {strides = array<i32>} : memref<80x64xf32, #tpu.memory_space<vmem>>, vector<1x16xf32>,
        %get3A_1395 = vector.shape_cast %get3A_1394 : vector<1x16xf32> to vector<16xf32>
        %mul3A_1396 = arith.constant 16 : i32
        %mul3A_1397 = arith.muli %scan3A_153, %mul3A_1396 : i32
        %add3A_1398 = arith.constant 12 : i32
        %add3A_1399 = arith.addi %mul3A_1397, %add3A_1398 : i32
        %add3A_1400 = arith.constant 2 : i32
        %add3A_1401 = arith.addi %add3A_1399, %add3A_1400 : i32
        %get3A_1402 = arith.index_cast %add3A_1401 : i32 to index
        %get3A_1403 = arith.constant 32 : index
        %get3A_1404 = tpu.vector_load %arg11[%get3A_1402, %get3A_1403] {strides = array<i32>} : memref<80x64xf32, #tpu.memory_space<vmem>>, vector<1x16xf32>,
        %get3A_1405 = vector.shape_cast %get3A_1404 : vector<1x16xf32> to vector<16xf32>
        %mul3A_1406 = arith.constant 16 : i32
        %mul3A_1407 = arith.muli %scan3A_153, %mul3A_1406 : i32
        %add3A_1408 = arith.constant 12 : i32
        %add3A_1409 = arith.addi %mul3A_1407, %add3A_1408 : i32
        %add3A_1410 = arith.constant 2 : i32
        %add3A_1411 = arith.addi %add3A_1409, %add3A_1410 : i32
        %get3A_1412 = arith.index_cast %add3A_1411 : i32 to index
        %get3A_1413 = arith.constant 48 : index
        %get3A_1414 = tpu.vector_load %arg11[%get3A_1412, %get3A_1413] {strides = array<i32>} : memref<80x64xf32, #tpu.memory_space<vmem>>, vector<1x16xf32>,
        %get3A_1415 = vector.shape_cast %get3A_1414 : vector<1x16xf32> to vector<16xf32>
        %mul3A_1416 = arith.constant 16 : i32
        %mul3A_1417 = arith.muli %scan3A_153, %mul3A_1416 : i32
        %add3A_1418 = arith.constant 12 : i32
        %add3A_1419 = arith.addi %mul3A_1417, %add3A_1418 : i32
        %add3A_1420 = arith.constant 3 : i32
        %add3A_1421 = arith.addi %add3A_1419, %add3A_1420 : i32
        %get3A_1422 = arith.index_cast %add3A_1421 : i32 to index
        %get3A_1423 = arith.constant 0 : index
        %get3A_1424 = tpu.vector_load %arg11[%get3A_1422, %get3A_1423] {strides = array<i32>} : memref<80x64xf32, #tpu.memory_space<vmem>>, vector<1x16xf32>,
        %get3A_1425 = vector.shape_cast %get3A_1424 : vector<1x16xf32> to vector<16xf32>
        %mul3A_1426 = arith.constant 16 : i32
        %mul3A_1427 = arith.muli %scan3A_153, %mul3A_1426 : i32
        %add3A_1428 = arith.constant 12 : i32
        %add3A_1429 = arith.addi %mul3A_1427, %add3A_1428 : i32
        %add3A_1430 = arith.constant 3 : i32
        %add3A_1431 = arith.addi %add3A_1429, %add3A_1430 : i32
        %get3A_1432 = arith.index_cast %add3A_1431 : i32 to index
        %get3A_1433 = arith.constant 16 : index
        %get3A_1434 = tpu.vector_load %arg11[%get3A_1432, %get3A_1433] {strides = array<i32>} : memref<80x64xf32, #tpu.memory_space<vmem>>, vector<1x16xf32>,
        %get3A_1435 = vector.shape_cast %get3A_1434 : vector<1x16xf32> to vector<16xf32>
        %mul3A_1436 = arith.constant 16 : i32
        %mul3A_1437 = arith.muli %scan3A_153, %mul3A_1436 : i32
        %add3A_1438 = arith.constant 12 : i32
        %add3A_1439 = arith.addi %mul3A_1437, %add3A_1438 : i32
        %add3A_1440 = arith.constant 3 : i32
        %add3A_1441 = arith.addi %add3A_1439, %add3A_1440 : i32
        %get3A_1442 = arith.index_cast %add3A_1441 : i32 to index
        %get3A_1443 = arith.constant 32 : index
        %get3A_1444 = tpu.vector_load %arg11[%get3A_1442, %get3A_1443] {strides = array<i32>} : memref<80x64xf32, #tpu.memory_space<vmem>>, vector<1x16xf32>,
        %get3A_1445 = vector.shape_cast %get3A_1444 : vector<1x16xf32> to vector<16xf32>
        %mul3A_1446 = arith.constant 16 : i32
        %mul3A_1447 = arith.muli %scan3A_153, %mul3A_1446 : i32
        %add3A_1448 = arith.constant 12 : i32
        %add3A_1449 = arith.addi %mul3A_1447, %add3A_1448 : i32
        %add3A_1450 = arith.constant 3 : i32
        %add3A_1451 = arith.addi %add3A_1449, %add3A_1450 : i32
        %get3A_1452 = arith.index_cast %add3A_1451 : i32 to index
        %get3A_1453 = arith.constant 48 : index
        %get3A_1454 = tpu.vector_load %arg11[%get3A_1452, %get3A_1453] {strides = array<i32>} : memref<80x64xf32, #tpu.memory_space<vmem>>, vector<1x16xf32>,
        %get3A_1455 = vector.shape_cast %get3A_1454 : vector<1x16xf32> to vector<16xf32>
        %mul3A_1456 = arith.mulf %get3A_1305, %gather3A_1280 : vector<16xf32>
        %mul3A_1457 = arith.constant 16 : i32
        %mul3A_1458 = arith.muli %scan3A_153, %mul3A_1457 : i32
        %add3A_1459 = arith.constant 12 : i32
        %add3A_1460 = arith.addi %mul3A_1458, %add3A_1459 : i32
        %add3A_1461 = arith.constant 0 : i32
        %add3A_1462 = arith.addi %add3A_1460, %add3A_1461 : i32
        %swap3A_1463 = arith.index_cast %add3A_1462 : i32 to index
        %swap3A_1464 = arith.constant 0 : index
        %swap3A_1465 = tpu.vector_load %arg13[%swap3A_1463, %swap3A_1464] {strides = array<i32>} : memref<80x64xf32, #tpu.memory_space<vmem>>, vector<1x16xf32>,
        %swap3A_1466 = vector.shape_cast %swap3A_1465 : vector<1x16xf32> to vector<16xf32>
        %swap3A_1467 = vector.shape_cast %mul3A_1456 : vector<16xf32> to vector<1x16xf32>
        tpu.vector_store %arg13[%swap3A_1463, %swap3A_1464], %swap3A_1467 {strides = array<i32>} : memref<80x64xf32, #tpu.memory_space<vmem>>, vector<1x16xf32>,
        %mul3A_1468 = arith.mulf %get3A_1315, %gather3A_1280 : vector<16xf32>
        %mul3A_1469 = arith.constant 16 : i32
        %mul3A_1470 = arith.muli %scan3A_153, %mul3A_1469 : i32
        %add3A_1471 = arith.constant 12 : i32
        %add3A_1472 = arith.addi %mul3A_1470, %add3A_1471 : i32
        %add3A_1473 = arith.constant 0 : i32
        %add3A_1474 = arith.addi %add3A_1472, %add3A_1473 : i32
        %swap3A_1475 = arith.index_cast %add3A_1474 : i32 to index
        %swap3A_1476 = arith.constant 16 : index
        %swap3A_1477 = tpu.vector_load %arg13[%swap3A_1475, %swap3A_1476] {strides = array<i32>} : memref<80x64xf32, #tpu.memory_space<vmem>>, vector<1x16xf32>,
        %swap3A_1478 = vector.shape_cast %swap3A_1477 : vector<1x16xf32> to vector<16xf32>
        %swap3A_1479 = vector.shape_cast %mul3A_1468 : vector<16xf32> to vector<1x16xf32>
        tpu.vector_store %arg13[%swap3A_1475, %swap3A_1476], %swap3A_1479 {strides = array<i32>} : memref<80x64xf32, #tpu.memory_space<vmem>>, vector<1x16xf32>,
        %mul3A_1480 = arith.mulf %get3A_1325, %gather3A_1280 : vector<16xf32>
        %mul3A_1481 = arith.constant 16 : i32
        %mul3A_1482 = arith.muli %scan3A_153, %mul3A_1481 : i32
        %add3A_1483 = arith.constant 12 : i32
        %add3A_1484 = arith.addi %mul3A_1482, %add3A_1483 : i32
        %add3A_1485 = arith.constant 0 : i32
        %add3A_1486 = arith.addi %add3A_1484, %add3A_1485 : i32
        %swap3A_1487 = arith.index_cast %add3A_1486 : i32 to index
        %swap3A_1488 = arith.constant 32 : index
        %swap3A_1489 = tpu.vector_load %arg13[%swap3A_1487, %swap3A_1488] {strides = array<i32>} : memref<80x64xf32, #tpu.memory_space<vmem>>, vector<1x16xf32>,
        %swap3A_1490 = vector.shape_cast %swap3A_1489 : vector<1x16xf32> to vector<16xf32>
        %swap3A_1491 = vector.shape_cast %mul3A_1480 : vector<16xf32> to vector<1x16xf32>
        tpu.vector_store %arg13[%swap3A_1487, %swap3A_1488], %swap3A_1491 {strides = array<i32>} : memref<80x64xf32, #tpu.memory_space<vmem>>, vector<1x16xf32>,
        %mul3A_1492 = arith.mulf %get3A_1335, %gather3A_1280 : vector<16xf32>
        %mul3A_1493 = arith.constant 16 : i32
        %mul3A_1494 = arith.muli %scan3A_153, %mul3A_1493 : i32
        %add3A_1495 = arith.constant 12 : i32
        %add3A_1496 = arith.addi %mul3A_1494, %add3A_1495 : i32
        %add3A_1497 = arith.constant 0 : i32
        %add3A_1498 = arith.addi %add3A_1496, %add3A_1497 : i32
        %swap3A_1499 = arith.index_cast %add3A_1498 : i32 to index
        %swap3A_1500 = arith.constant 48 : index
        %swap3A_1501 = tpu.vector_load %arg13[%swap3A_1499, %swap3A_1500] {strides = array<i32>} : memref<80x64xf32, #tpu.memory_space<vmem>>, vector<1x16xf32>,
        %swap3A_1502 = vector.shape_cast %swap3A_1501 : vector<1x16xf32> to vector<16xf32>
        %swap3A_1503 = vector.shape_cast %mul3A_1492 : vector<16xf32> to vector<1x16xf32>
        tpu.vector_store %arg13[%swap3A_1499, %swap3A_1500], %swap3A_1503 {strides = array<i32>} : memref<80x64xf32, #tpu.memory_space<vmem>>, vector<1x16xf32>,
        %mul3A_1504 = arith.mulf %get3A_1345, %gather3A_1285 : vector<16xf32>
        %mul3A_1505 = arith.constant 16 : i32
        %mul3A_1506 = arith.muli %scan3A_153, %mul3A_1505 : i32
        %add3A_1507 = arith.constant 12 : i32
        %add3A_1508 = arith.addi %mul3A_1506, %add3A_1507 : i32
        %add3A_1509 = arith.constant 1 : i32
        %add3A_1510 = arith.addi %add3A_1508, %add3A_1509 : i32
        %swap3A_1511 = arith.index_cast %add3A_1510 : i32 to index
        %swap3A_1512 = arith.constant 0 : index
        %swap3A_1513 = tpu.vector_load %arg13[%swap3A_1511, %swap3A_1512] {strides = array<i32>} : memref<80x64xf32, #tpu.memory_space<vmem>>, vector<1x16xf32>,
        %swap3A_1514 = vector.shape_cast %swap3A_1513 : vector<1x16xf32> to vector<16xf32>
        %swap3A_1515 = vector.shape_cast %mul3A_1504 : vector<16xf32> to vector<1x16xf32>
        tpu.vector_store %arg13[%swap3A_1511, %swap3A_1512], %swap3A_1515 {strides = array<i32>} : memref<80x64xf32, #tpu.memory_space<vmem>>, vector<1x16xf32>,
        %mul3A_1516 = arith.mulf %get3A_1355, %gather3A_1285 : vector<16xf32>
        %mul3A_1517 = arith.constant 16 : i32
        %mul3A_1518 = arith.muli %scan3A_153, %mul3A_1517 : i32
        %add3A_1519 = arith.constant 12 : i32
        %add3A_1520 = arith.addi %mul3A_1518, %add3A_1519 : i32
        %add3A_1521 = arith.constant 1 : i32
        %add3A_1522 = arith.addi %add3A_1520, %add3A_1521 : i32
        %swap3A_1523 = arith.index_cast %add3A_1522 : i32 to index
        %swap3A_1524 = arith.constant 16 : index
        %swap3A_1525 = tpu.vector_load %arg13[%swap3A_1523, %swap3A_1524] {strides = array<i32>} : memref<80x64xf32, #tpu.memory_space<vmem>>, vector<1x16xf32>,
        %swap3A_1526 = vector.shape_cast %swap3A_1525 : vector<1x16xf32> to vector<16xf32>
        %swap3A_1527 = vector.shape_cast %mul3A_1516 : vector<16xf32> to vector<1x16xf32>
        tpu.vector_store %arg13[%swap3A_1523, %swap3A_1524], %swap3A_1527 {strides = array<i32>} : memref<80x64xf32, #tpu.memory_space<vmem>>, vector<1x16xf32>,
        %mul3A_1528 = arith.mulf %get3A_1365, %gather3A_1285 : vector<16xf32>
        %mul3A_1529 = arith.constant 16 : i32
        %mul3A_1530 = arith.muli %scan3A_153, %mul3A_1529 : i32
        %add3A_1531 = arith.constant 12 : i32
        %add3A_1532 = arith.addi %mul3A_1530, %add3A_1531 : i32
        %add3A_1533 = arith.constant 1 : i32
        %add3A_1534 = arith.addi %add3A_1532, %add3A_1533 : i32
        %swap3A_1535 = arith.index_cast %add3A_1534 : i32 to index
        %swap3A_1536 = arith.constant 32 : index
        %swap3A_1537 = tpu.vector_load %arg13[%swap3A_1535, %swap3A_1536] {strides = array<i32>} : memref<80x64xf32, #tpu.memory_space<vmem>>, vector<1x16xf32>,
        %swap3A_1538 = vector.shape_cast %swap3A_1537 : vector<1x16xf32> to vector<16xf32>
        %swap3A_1539 = vector.shape_cast %mul3A_1528 : vector<16xf32> to vector<1x16xf32>
        tpu.vector_store %arg13[%swap3A_1535, %swap3A_1536], %swap3A_1539 {strides = array<i32>} : memref<80x64xf32, #tpu.memory_space<vmem>>, vector<1x16xf32>,
        %mul3A_1540 = arith.mulf %get3A_1375, %gather3A_1285 : vector<16xf32>
        %mul3A_1541 = arith.constant 16 : i32
        %mul3A_1542 = arith.muli %scan3A_153, %mul3A_1541 : i32
        %add3A_1543 = arith.constant 12 : i32
        %add3A_1544 = arith.addi %mul3A_1542, %add3A_1543 : i32
        %add3A_1545 = arith.constant 1 : i32
        %add3A_1546 = arith.addi %add3A_1544, %add3A_1545 : i32
        %swap3A_1547 = arith.index_cast %add3A_1546 : i32 to index
        %swap3A_1548 = arith.constant 48 : index
        %swap3A_1549 = tpu.vector_load %arg13[%swap3A_1547, %swap3A_1548] {strides = array<i32>} : memref<80x64xf32, #tpu.memory_space<vmem>>, vector<1x16xf32>,
        %swap3A_1550 = vector.shape_cast %swap3A_1549 : vector<1x16xf32> to vector<16xf32>
        %swap3A_1551 = vector.shape_cast %mul3A_1540 : vector<16xf32> to vector<1x16xf32>
        tpu.vector_store %arg13[%swap3A_1547, %swap3A_1548], %swap3A_1551 {strides = array<i32>} : memref<80x64xf32, #tpu.memory_space<vmem>>, vector<1x16xf32>,
        %mul3A_1552 = arith.mulf %get3A_1385, %gather3A_1290 : vector<16xf32>
        %mul3A_1553 = arith.constant 16 : i32
        %mul3A_1554 = arith.muli %scan3A_153, %mul3A_1553 : i32
        %add3A_1555 = arith.constant 12 : i32
        %add3A_1556 = arith.addi %mul3A_1554, %add3A_1555 : i32
        %add3A_1557 = arith.constant 2 : i32
        %add3A_1558 = arith.addi %add3A_1556, %add3A_1557 : i32
        %swap3A_1559 = arith.index_cast %add3A_1558 : i32 to index
        %swap3A_1560 = arith.constant 0 : index
        %swap3A_1561 = tpu.vector_load %arg13[%swap3A_1559, %swap3A_1560] {strides = array<i32>} : memref<80x64xf32, #tpu.memory_space<vmem>>, vector<1x16xf32>,
        %swap3A_1562 = vector.shape_cast %swap3A_1561 : vector<1x16xf32> to vector<16xf32>
        %swap3A_1563 = vector.shape_cast %mul3A_1552 : vector<16xf32> to vector<1x16xf32>
        tpu.vector_store %arg13[%swap3A_1559, %swap3A_1560], %swap3A_1563 {strides = array<i32>} : memref<80x64xf32, #tpu.memory_space<vmem>>, vector<1x16xf32>,
        %mul3A_1564 = arith.mulf %get3A_1395, %gather3A_1290 : vector<16xf32>
        %mul3A_1565 = arith.constant 16 : i32
        %mul3A_1566 = arith.muli %scan3A_153, %mul3A_1565 : i32
        %add3A_1567 = arith.constant 12 : i32
        %add3A_1568 = arith.addi %mul3A_1566, %add3A_1567 : i32
        %add3A_1569 = arith.constant 2 : i32
        %add3A_1570 = arith.addi %add3A_1568, %add3A_1569 : i32
        %swap3A_1571 = arith.index_cast %add3A_1570 : i32 to index
        %swap3A_1572 = arith.constant 16 : index
        %swap3A_1573 = tpu.vector_load %arg13[%swap3A_1571, %swap3A_1572] {strides = array<i32>} : memref<80x64xf32, #tpu.memory_space<vmem>>, vector<1x16xf32>,
        %swap3A_1574 = vector.shape_cast %swap3A_1573 : vector<1x16xf32> to vector<16xf32>
        %swap3A_1575 = vector.shape_cast %mul3A_1564 : vector<16xf32> to vector<1x16xf32>
        tpu.vector_store %arg13[%swap3A_1571, %swap3A_1572], %swap3A_1575 {strides = array<i32>} : memref<80x64xf32, #tpu.memory_space<vmem>>, vector<1x16xf32>,
        %mul3A_1576 = arith.mulf %get3A_1405, %gather3A_1290 : vector<16xf32>
        %mul3A_1577 = arith.constant 16 : i32
        %mul3A_1578 = arith.muli %scan3A_153, %mul3A_1577 : i32
        %add3A_1579 = arith.constant 12 : i32
        %add3A_1580 = arith.addi %mul3A_1578, %add3A_1579 : i32
        %add3A_1581 = arith.constant 2 : i32
        %add3A_1582 = arith.addi %add3A_1580, %add3A_1581 : i32
        %swap3A_1583 = arith.index_cast %add3A_1582 : i32 to index
        %swap3A_1584 = arith.constant 32 : index
        %swap3A_1585 = tpu.vector_load %arg13[%swap3A_1583, %swap3A_1584] {strides = array<i32>} : memref<80x64xf32, #tpu.memory_space<vmem>>, vector<1x16xf32>,
        %swap3A_1586 = vector.shape_cast %swap3A_1585 : vector<1x16xf32> to vector<16xf32>
        %swap3A_1587 = vector.shape_cast %mul3A_1576 : vector<16xf32> to vector<1x16xf32>
        tpu.vector_store %arg13[%swap3A_1583, %swap3A_1584], %swap3A_1587 {strides = array<i32>} : memref<80x64xf32, #tpu.memory_space<vmem>>, vector<1x16xf32>,
        %mul3A_1588 = arith.mulf %get3A_1415, %gather3A_1290 : vector<16xf32>
        %mul3A_1589 = arith.constant 16 : i32
        %mul3A_1590 = arith.muli %scan3A_153, %mul3A_1589 : i32
        %add3A_1591 = arith.constant 12 : i32
        %add3A_1592 = arith.addi %mul3A_1590, %add3A_1591 : i32
        %add3A_1593 = arith.constant 2 : i32
        %add3A_1594 = arith.addi %add3A_1592, %add3A_1593 : i32
        %swap3A_1595 = arith.index_cast %add3A_1594 : i32 to index
        %swap3A_1596 = arith.constant 48 : index
        %swap3A_1597 = tpu.vector_load %arg13[%swap3A_1595, %swap3A_1596] {strides = array<i32>} : memref<80x64xf32, #tpu.memory_space<vmem>>, vector<1x16xf32>,
        %swap3A_1598 = vector.shape_cast %swap3A_1597 : vector<1x16xf32> to vector<16xf32>
        %swap3A_1599 = vector.shape_cast %mul3A_1588 : vector<16xf32> to vector<1x16xf32>
        tpu.vector_store %arg13[%swap3A_1595, %swap3A_1596], %swap3A_1599 {strides = array<i32>} : memref<80x64xf32, #tpu.memory_space<vmem>>, vector<1x16xf32>,
        %mul3A_1600 = arith.mulf %get3A_1425, %gather3A_1295 : vector<16xf32>
        %mul3A_1601 = arith.constant 16 : i32
        %mul3A_1602 = arith.muli %scan3A_153, %mul3A_1601 : i32
        %add3A_1603 = arith.constant 12 : i32
        %add3A_1604 = arith.addi %mul3A_1602, %add3A_1603 : i32
        %add3A_1605 = arith.constant 3 : i32
        %add3A_1606 = arith.addi %add3A_1604, %add3A_1605 : i32
        %swap3A_1607 = arith.index_cast %add3A_1606 : i32 to index
        %swap3A_1608 = arith.constant 0 : index
        %swap3A_1609 = tpu.vector_load %arg13[%swap3A_1607, %swap3A_1608] {strides = array<i32>} : memref<80x64xf32, #tpu.memory_space<vmem>>, vector<1x16xf32>,
        %swap3A_1610 = vector.shape_cast %swap3A_1609 : vector<1x16xf32> to vector<16xf32>
        %swap3A_1611 = vector.shape_cast %mul3A_1600 : vector<16xf32> to vector<1x16xf32>
        tpu.vector_store %arg13[%swap3A_1607, %swap3A_1608], %swap3A_1611 {strides = array<i32>} : memref<80x64xf32, #tpu.memory_space<vmem>>, vector<1x16xf32>,
        %mul3A_1612 = arith.mulf %get3A_1435, %gather3A_1295 : vector<16xf32>
        %mul3A_1613 = arith.constant 16 : i32
        %mul3A_1614 = arith.muli %scan3A_153, %mul3A_1613 : i32
        %add3A_1615 = arith.constant 12 : i32
        %add3A_1616 = arith.addi %mul3A_1614, %add3A_1615 : i32
        %add3A_1617 = arith.constant 3 : i32
        %add3A_1618 = arith.addi %add3A_1616, %add3A_1617 : i32
        %swap3A_1619 = arith.index_cast %add3A_1618 : i32 to index
        %swap3A_1620 = arith.constant 16 : index
        %swap3A_1621 = tpu.vector_load %arg13[%swap3A_1619, %swap3A_1620] {strides = array<i32>} : memref<80x64xf32, #tpu.memory_space<vmem>>, vector<1x16xf32>,
        %swap3A_1622 = vector.shape_cast %swap3A_1621 : vector<1x16xf32> to vector<16xf32>
        %swap3A_1623 = vector.shape_cast %mul3A_1612 : vector<16xf32> to vector<1x16xf32>
        tpu.vector_store %arg13[%swap3A_1619, %swap3A_1620], %swap3A_1623 {strides = array<i32>} : memref<80x64xf32, #tpu.memory_space<vmem>>, vector<1x16xf32>,
        %mul3A_1624 = arith.mulf %get3A_1445, %gather3A_1295 : vector<16xf32>
        %mul3A_1625 = arith.constant 16 : i32
        %mul3A_1626 = arith.muli %scan3A_153, %mul3A_1625 : i32
        %add3A_1627 = arith.constant 12 : i32
        %add3A_1628 = arith.addi %mul3A_1626, %add3A_1627 : i32
        %add3A_1629 = arith.constant 3 : i32
        %add3A_1630 = arith.addi %add3A_1628, %add3A_1629 : i32
        %swap3A_1631 = arith.index_cast %add3A_1630 : i32 to index
        %swap3A_1632 = arith.constant 32 : index
        %swap3A_1633 = tpu.vector_load %arg13[%swap3A_1631, %swap3A_1632] {strides = array<i32>} : memref<80x64xf32, #tpu.memory_space<vmem>>, vector<1x16xf32>,
        %swap3A_1634 = vector.shape_cast %swap3A_1633 : vector<1x16xf32> to vector<16xf32>
        %swap3A_1635 = vector.shape_cast %mul3A_1624 : vector<16xf32> to vector<1x16xf32>
        tpu.vector_store %arg13[%swap3A_1631, %swap3A_1632], %swap3A_1635 {strides = array<i32>} : memref<80x64xf32, #tpu.memory_space<vmem>>, vector<1x16xf32>,
        %mul3A_1636 = arith.mulf %get3A_1455, %gather3A_1295 : vector<16xf32>
        %mul3A_1637 = arith.constant 16 : i32
        %mul3A_1638 = arith.muli %scan3A_153, %mul3A_1637 : i32
        %add3A_1639 = arith.constant 12 : i32
        %add3A_1640 = arith.addi %mul3A_1638, %add3A_1639 : i32
        %add3A_1641 = arith.constant 3 : i32
        %add3A_1642 = arith.addi %add3A_1640, %add3A_1641 : i32
        %swap3A_1643 = arith.index_cast %add3A_1642 : i32 to index
        %swap3A_1644 = arith.constant 48 : index
        %swap3A_1645 = tpu.vector_load %arg13[%swap3A_1643, %swap3A_1644] {strides = array<i32>} : memref<80x64xf32, #tpu.memory_space<vmem>>, vector<1x16xf32>,
        %swap3A_1646 = vector.shape_cast %swap3A_1645 : vector<1x16xf32> to vector<16xf32>
        %swap3A_1647 = vector.shape_cast %mul3A_1636 : vector<16xf32> to vector<1x16xf32>
        tpu.vector_store %arg13[%swap3A_1643, %swap3A_1644], %swap3A_1647 {strides = array<i32>} : memref<80x64xf32, #tpu.memory_space<vmem>>, vector<1x16xf32>,
        %scan3A_1648 = arith.constant 0 : i32
        scf.yield %scan3A_1648 : i32
      }
      %scan3A_138 = arith.constant 5 : i32
      %dma_start3A_139 = arith.constant 0 : i32
      %dma_start3A_140 = tpu.memref_slice %arg7[%add3A_120, %dma_start3A_139] : memref<250x80xi32, #tpu.memory_space<vmem>> -> memref<1x80xi32, #tpu.memory_space<vmem>>
      %dma_start3A_141 = tpu.memref_squeeze %dma_start3A_140 : memref<1x80xi32, #tpu.memory_space<vmem>> -> memref<80xi32, #tpu.memory_space<vmem>>
      %dma_start3A_142 = arith.constant 0 : i32
      %dma_start3A_143 = arith.constant 0 : i32
      %dma_start3A_144 = tpu.memref_slice %arg14[%dma_start3A_142, %dma_start3A_143] : memref<10000x64xf32, #tpu.memory_space<vmem_shared>> -> memref<10000x64xf32, #tpu.memory_space<vmem_shared>>
      tpu.enqueue_indirect_dma source(%arg13 : memref<80x64xf32, #tpu.memory_space<vmem>>) target(%dma_start3A_144 : memref<10000x64xf32, #tpu.memory_space<vmem_shared>>) offsets(%dma_start3A_141 : memref<80xi32, #tpu.memory_space<vmem>>) semaphore(%arg18 : memref<!tpu.dma_semaphore, #tpu.memory_space<semaphore_mem>>) {add = true}
      %add3A_145 = arith.constant 2 : i32
      %add3A_146 = arith.addi %add3A_120, %add3A_145 : i32
      %lt3A_147 = arith.constant 250 : i32
      %lt3A_148 = arith.cmpi slt, %add3A_146, %lt3A_147 : i32
      %convert_element_type3A_149 = arith.extui %lt3A_148 : i1 to i32
      %cond3A_150 = arith.constant 0 : i32
      %cond3A_151 = arith.cmpi ne, %convert_element_type3A_149, %cond3A_150 : i32
      scf.if %cond3A_151 {
        %add3A_153 = arith.constant 2 : i32
        %add3A_154 = arith.addi %add3A_120, %add3A_153 : i32
        %dma_start3A_155 = arith.constant 0 : i32
        %dma_start3A_156 = tpu.memref_slice %arg8[%add3A_154, %dma_start3A_155] : memref<250x80xi32, #tpu.memory_space<vmem>> -> memref<1x80xi32, #tpu.memory_space<vmem>>
        %dma_start3A_157 = tpu.memref_squeeze %dma_start3A_156 : memref<1x80xi32, #tpu.memory_space<vmem>> -> memref<80xi32, #tpu.memory_space<vmem>>
        %dma_start3A_158 = arith.constant 0 : i32
        %dma_start3A_159 = arith.constant 0 : i32
        %dma_start3A_160 = tpu.memref_slice %arg2[%dma_start3A_158, %dma_start3A_159] : memref<20000x64xf32, #tpu.memory_space<hbm>> -> memref<20000x64xf32, #tpu.memory_space<hbm>>
        tpu.enqueue_indirect_dma source(%dma_start3A_160 : memref<20000x64xf32, #tpu.memory_space<hbm>>) target(%arg11 : memref<80x64xf32, #tpu.memory_space<vmem>>) offsets(%dma_start3A_157 : memref<80xi32, #tpu.memory_space<vmem>>) semaphore(%arg16 : memref<!tpu.dma_semaphore, #tpu.memory_space<semaphore_mem>>)
      } else {
      }
      %scan3A_152 = arith.constant 0 : i32
      scf.yield %scan3A_152 : i32
    }
    %scan3A_58 = arith.constant 125 : i32
    %dma_wait3A = arith.constant 248 : i32
    %dma_wait3A_59 = arith.constant 0 : i32
    %dma_wait3A_60 = tpu.memref_slice %arg7[%dma_wait3A, %dma_wait3A_59] : memref<250x80xi32, #tpu.memory_space<vmem>> -> memref<1x80xi32, #tpu.memory_space<vmem>>
    %dma_wait3A_61 = tpu.memref_squeeze %dma_wait3A_60 : memref<1x80xi32, #tpu.memory_space<vmem>> -> memref<80xi32, #tpu.memory_space<vmem>>
    %dma_wait3A_62 = arith.constant 0 : i32
    %dma_wait3A_63 = arith.constant 0 : i32
    %dma_wait3A_64 = tpu.memref_slice %arg14[%dma_wait3A_62, %dma_wait3A_63] : memref<10000x64xf32, #tpu.memory_space<vmem_shared>> -> memref<10000x64xf32, #tpu.memory_space<vmem_shared>>
    tpu.wait_indirect_dma semaphore(%arg17 : memref<!tpu.dma_semaphore, #tpu.memory_space<semaphore_mem>>) src(%arg12 : memref<80x64xf32, #tpu.memory_space<vmem>>) dst(%dma_wait3A_64 : memref<10000x64xf32, #tpu.memory_space<vmem_shared>>)
    %dma_wait3A_65 = arith.constant 249 : i32
    %dma_wait3A_66 = arith.constant 0 : i32
    %dma_wait3A_67 = tpu.memref_slice %arg7[%dma_wait3A_65, %dma_wait3A_66] : memref<250x80xi32, #tpu.memory_space<vmem>> -> memref<1x80xi32, #tpu.memory_space<vmem>>
    %dma_wait3A_68 = tpu.memref_squeeze %dma_wait3A_67 : memref<1x80xi32, #tpu.memory_space<vmem>> -> memref<80xi32, #tpu.memory_space<vmem>>
    %dma_wait3A_69 = arith.constant 0 : i32
    %dma_wait3A_70 = arith.constant 0 : i32
    %dma_wait3A_71 = tpu.memref_slice %arg14[%dma_wait3A_69, %dma_wait3A_70] : memref<10000x64xf32, #tpu.memory_space<vmem_shared>> -> memref<10000x64xf32, #tpu.memory_space<vmem_shared>>
    tpu.wait_indirect_dma semaphore(%arg18 : memref<!tpu.dma_semaphore, #tpu.memory_space<semaphore_mem>>) src(%arg13 : memref<80x64xf32, #tpu.memory_space<vmem>>) dst(%dma_wait3A_71 : memref<10000x64xf32, #tpu.memory_space<vmem_shared>>)
    %barrier3A_72 = arith.constant 0 : index
    tpu.barrier barrier_id(%barrier3A_72)
    %mul3A_73 = arith.constant 624 : i32
    %mul3A_74 = arith.muli %arg1, %mul3A_73 : i32
    %mul3A_75 = arith.constant 624 : i32
    %mul3A_76 = arith.muli %arg1, %mul3A_75 : i32
    "tpu.region"() ({
      %run_scoped3A = tpu.sem_alloc : memref<!tpu.dma_semaphore, #tpu.memory_space<semaphore_mem>>
      %dma_start3A_82 = arith.constant 0 : i32
      %dma_start3A_83 = tpu.memref_slice %arg6[%arg0, %mul3A_76, %dma_start3A_82] : memref<2x10000x64xf32, #tpu.memory_space<hbm>> -> memref<1x624x64xf32, #tpu.memory_space<hbm>>
      %dma_start3A_84 = tpu.memref_squeeze %dma_start3A_83 : memref<1x624x64xf32, #tpu.memory_space<hbm>> -> memref<624x64xf32, #tpu.memory_space<hbm>>
      %dma_start3A_85 = arith.constant 0 : i32
      %dma_start3A_86 = tpu.memref_slice %arg14[%mul3A_74, %dma_start3A_85] : memref<10000x64xf32, #tpu.memory_space<vmem_shared>> -> memref<624x64xf32, #tpu.memory_space<vmem_shared>>
      tpu.enqueue_dma source(%dma_start3A_86 : memref<624x64xf32, #tpu.memory_space<vmem_shared>>) target(%dma_start3A_84 : memref<624x64xf32, #tpu.memory_space<hbm>>) target_semaphore(%run_scoped3A : memref<!tpu.dma_semaphore, #tpu.memory_space<semaphore_mem>>)
      %dma_wait3A_87 = arith.constant 0 : i32
      %dma_wait3A_88 = tpu.memref_slice %arg6[%arg0, %mul3A_76, %dma_wait3A_87] : memref<2x10000x64xf32, #tpu.memory_space<hbm>> -> memref<1x624x64xf32, #tpu.memory_space<hbm>>
      %dma_wait3A_89 = tpu.memref_squeeze %dma_wait3A_88 : memref<1x624x64xf32, #tpu.memory_space<hbm>> -> memref<624x64xf32, #tpu.memory_space<hbm>>
      %dma_wait3A_90 = arith.constant 0 : i32
      %dma_wait3A_91 = tpu.memref_slice %arg14[%mul3A_74, %dma_wait3A_90] : memref<10000x64xf32, #tpu.memory_space<vmem_shared>> -> memref<624x64xf32, #tpu.memory_space<vmem_shared>>
      tpu.wait_dma2 semaphore(%run_scoped3A : memref<!tpu.dma_semaphore, #tpu.memory_space<semaphore_mem>>) src(%dma_wait3A_91 : memref<624x64xf32, #tpu.memory_space<vmem_shared>>) dst(%dma_wait3A_89 : memref<624x64xf32, #tpu.memory_space<hbm>>)
      tpu.yield
    }) : () -> ()
    %eq3A_77 = arith.constant 15 : i32
    %eq3A_78 = arith.cmpi eq, %arg1, %eq3A_77 : i32
    %convert_element_type3A_79 = arith.extui %eq3A_78 : i1 to i32
    %cond3A_80 = arith.constant 0 : i32
    %cond3A_81 = arith.cmpi ne, %convert_element_type3A_79, %cond3A_80 : i32
    scf.if %cond3A_81 {
      "tpu.region"() ({
        %run_scoped3A = tpu.sem_alloc : memref<!tpu.dma_semaphore, #tpu.memory_space<semaphore_mem>>
        %dma_start3A_82 = arith.constant 9984 : i32
        %dma_start3A_83 = arith.constant 0 : i32
        %dma_start3A_84 = tpu.memref_slice %arg6[%arg0, %dma_start3A_82, %dma_start3A_83] : memref<2x10000x64xf32, #tpu.memory_space<hbm>> -> memref<1x16x64xf32, #tpu.memory_space<hbm>>
        %dma_start3A_85 = tpu.memref_squeeze %dma_start3A_84 : memref<1x16x64xf32, #tpu.memory_space<hbm>> -> memref<16x64xf32, #tpu.memory_space<hbm>>
        %dma_start3A_86 = arith.constant 9984 : i32
        %dma_start3A_87 = arith.constant 0 : i32
        %dma_start3A_88 = tpu.memref_slice %arg14[%dma_start3A_86, %dma_start3A_87] : memref<10000x64xf32, #tpu.memory_space<vmem_shared>> -> memref<16x64xf32, #tpu.memory_space<vmem_shared>>
        tpu.enqueue_dma source(%dma_start3A_88 : memref<16x64xf32, #tpu.memory_space<vmem_shared>>) target(%dma_start3A_85 : memref<16x64xf32, #tpu.memory_space<hbm>>) target_semaphore(%run_scoped3A : memref<!tpu.dma_semaphore, #tpu.memory_space<semaphore_mem>>)
        %dma_wait3A_89 = arith.constant 9984 : i32
        %dma_wait3A_90 = arith.constant 0 : i32
        %dma_wait3A_91 = tpu.memref_slice %arg6[%arg0, %dma_wait3A_89, %dma_wait3A_90] : memref<2x10000x64xf32, #tpu.memory_space<hbm>> -> memref<1x16x64xf32, #tpu.memory_space<hbm>>
        %dma_wait3A_92 = tpu.memref_squeeze %dma_wait3A_91 : memref<1x16x64xf32, #tpu.memory_space<hbm>> -> memref<16x64xf32, #tpu.memory_space<hbm>>
        %dma_wait3A_93 = arith.constant 9984 : i32
        %dma_wait3A_94 = arith.constant 0 : i32
        %dma_wait3A_95 = tpu.memref_slice %arg14[%dma_wait3A_93, %dma_wait3A_94] : memref<10000x64xf32, #tpu.memory_space<vmem_shared>> -> memref<16x64xf32, #tpu.memory_space<vmem_shared>>
        tpu.wait_dma2 semaphore(%run_scoped3A : memref<!tpu.dma_semaphore, #tpu.memory_space<semaphore_mem>>) src(%dma_wait3A_95 : memref<16x64xf32, #tpu.memory_space<vmem_shared>>) dst(%dma_wait3A_92 : memref<16x64xf32, #tpu.memory_space<hbm>>)
        tpu.yield
      }) : () -> ()
    } else {
    }
    return
  }
}

</mosaic_0001>

<sc_bundles>
// kernel: _spmm.3.cloned.1.call-start
scs
__scs_entry_jumppad:
0x0: {  	(pc) =	sbr.rel $0x88, $3  }
0x1: {  	(tag) =	ssettag $0x0;
	lr =	simm.s32 $0x1  }
0x2: {  	[smem:$0x3F9D] =	sst lr;
	_ =	strace $0xD0000000  }
0x3: {  	_ = 	snop  }
0x4: {  	_ = 	snop  }
0x5: {  	_ = 	snop  }
0x6: {  	_ = 	snop  }
0x7: {  	_ = 	snop  }
__scs_overlays_trampoline_lowered:
0x8: {  	[smem:$0x3FAC] =	sst s0  }
0x9: {  	[smem:$0x3FAD] =	sst s1  }
0xa: {  	[smem:$0x3FAE] =	sst s2  }
0xb: {  	[smem:$0x3FAF] =	sst s3  }
0xc: {  	[smem:$0x3FB0] =	sst s4  }
0xd: {  	[smem:$0x3FB1] =	sst s5  }
0xe: {  	[smem:$0x3FB2] =	sst s6  }
0xf: {  	[smem:$0x3FB3] =	sst s7  }
0x10: {  	[smem:$0x3FB4] =	sst s8  }
0x11: {  	[smem:$0x3FB5] =	sst s9;
	s0 =	simm.s32 @!p0 $0x0  }
0x12: {  	s1 =	sld [smem:$0x3F9B];
	s0 =	simm.s32 @p0 $0x1  }
0x13: {  	[smem:$0x3FB6] =	sst s0;
	s0 =	simm.s32 @!p1 $0x0  }
0x14: {  	s2 =	sld [smem:$0x3F9A];
	s0 =	simm.s32 @p1 $0x1  }
0x15: {  	[smem:$0x3FB7] =	sst s0;
	s0 =	simm.s32 @!p2 $0x0  }
0x16: {  	s3 =	sld [smem:$0x3FDB];
	s0 =	simm.s32 @p2 $0x1  }
0x17: {  	s4 =	simm.s32 $0x1BF5;
	[smem:$0x3FB9] =	sst s0  }
0x18: {  	s0 =	sld [smem:$0x3F9C];
	_ =	swait.ge [sflag:s4], $0x0  }
0x19: {  	s7 =	sld [smem:$0x3F9D]  }
0x1a: {  	s8 =	sadd.s32 $0xFFFFE003, lr  }
0x1b: {  	s9 =	sadd.s32 $0xFFFFFEF7, lr;
	s5 =	simm.s32 $0xFFFFFFFF;
	p2 =	slt.u32 s8, $0xFFFFF086  }
0x1c: {  	p1 =	slt.u32 s9, $0xF7A;
	s5 =	simm.s32 @!p2 $0x0  }
0x1d: {  	s5 =	simm.s32 @p1 $0x1;
	p0 =	seq.s32 s7, s2  }
0x1e: {  	s7 =	smul.u32 @!p0 $0xF7A, s2;
	p2 =	seq.s32 @!p0 s5, $0x0  }
0x1f: {  	s9 =	smul.u32 $0xF7A, s1;
	s8 =	simm.s32 @!p0 $0x1BF5;
	p2 =	por !p2, p0  }
0x20: {  	[sflag:s8] =	ssyncset.s32 @!p0 $0xFFFFF086;
	s6 =	sadd.s32 @!p0 s3, s7;
	s7 =	simm.s32 @!p0 $0x108  }
0x21: {  	s3 =	sadd.s32 s3, s9;
	s6 =	sadd.s32 @!p0 $0x88, s6;
	s7 =	simm.s32 @p2 $0x1082  }
0x22: {  	[simem:s7], [sflag:s8] =	dma.local @!p0 [hbm:s6], $0xF7A  }
0x23: {  	s9 =	sor.u32 $0xD0000000, s2;
	s6 =	simm.s32 $0x108;
	_ =	swait.ge @!p0 [sflag:s8], $0x0  }
0x24: {  	s3 =	sadd.s32 $0x88, s3;
	s6 =	simm.s32 @!p1 $0x1082;
	[sflag:s4] =	ssyncset.s32 $0xFFFFF086  }
0x25: {  	[simem:s6], [sflag:s4] =	dma.local [hbm:s3], $0xF7A  }
0x26: {  	[smem:$0x3F9D] =	sst s1;
	(tag) =	ssettag s2;
	_ =	strace s9  }
0x27: {  	s1 =	sld [smem:$0x3FAD]  }
0x28: {  	s2 =	sld [smem:$0x3FAE]  }
0x29: {  	s4 =	sld [smem:$0x3FB0]  }
0x2a: {  	p0 =	seq.s32 s5, $0x0;
	s5 =	sld [smem:$0x3FB1]  }
0x2b: {  	s6 =	sld [smem:$0x3FB2]  }
0x2c: {  	s7 =	sld [smem:$0x3FB3]  }
0x2d: {  	s3 =	simm.s32 $0x108;
	s8 =	sld [smem:$0x3FB4]  }
0x2e: {  	s3 =	simm.s32 @!p0 $0x1082;
	s9 =	sld [smem:$0x3FB5]  }
0x2f: {  	lr =	sadd.s32 s0, s3;
	s0 =	sld [smem:$0x3FAC]  }
0x30: {  	s3 =	sld [smem:$0x3FAF]  }
0x31: {  	[smem:$0x3FB8] =	sst s10  }
0x32: {  	s10 =	sld [smem:$0x3FB6];
	_ =	sdelay $0x3  }
0x33: {  	p0 =	seq.s32 s10, $0x1;
	s10 =	sld [smem:$0x3FB8];
	_ =	sdelay $0x3  }
0x34: {  	[smem:$0x3FB8] =	sst s10  }
0x35: {  	s10 =	sld [smem:$0x3FB7];
	_ =	sdelay $0x3  }
0x36: {  	p1 =	seq.s32 s10, $0x1;
	s10 =	sld [smem:$0x3FB8];
	_ =	sdelay $0x3  }
0x37: {  	[smem:$0x3FB8] =	sst s10  }
0x38: {  	s10 =	sld [smem:$0x3FB9]  }
0x39: {  	_ = 	snop;
	(pc) =	sbr.ind lr, $3  }
0x3a: {  	_ = 	snop  }
0x3b: {  	_ = 	snop  }
0x3c: {  	p2 =	seq.s32 s10, $0x1;
	s10 =	sld [smem:$0x3FB8]  }
0x3d: {  	_ =	shalt  }
0x3e: {  	_ =	shalt  }
0x3f: {  	_ =	shalt  }
0x40: {  	_ =	shalt  }
0x41: {  	_ =	shalt  }
0x42: {  	_ =	shalt  }
0x43: {  	_ =	shalt  }
0x44: {  	_ =	shalt  }
0x45: {  	_ =	shalt  }
0x46: {  	_ =	shalt  }
0x47: {  	_ =	shalt  }
0x48: {  	_ =	shalt  }
0x49: {  	_ =	shalt  }
0x4a: {  	_ =	shalt  }
0x4b: {  	_ =	shalt  }
0x4c: {  	_ =	shalt  }
0x4d: {  	_ =	shalt  }
0x4e: {  	_ =	shalt  }
0x4f: {  	_ =	shalt  }
0x50: {  	_ =	shalt  }
0x51: {  	_ =	shalt  }
0x52: {  	_ =	shalt  }
0x53: {  	_ =	shalt  }
0x54: {  	_ =	shalt  }
0x55: {  	_ =	shalt  }
0x56: {  	_ =	shalt  }
0x57: {  	_ =	shalt  }
0x58: {  	_ =	shalt  }
0x59: {  	_ =	shalt  }
0x5a: {  	_ =	shalt  }
0x5b: {  	_ =	shalt  }
0x5c: {  	_ =	shalt  }
0x5d: {  	_ =	shalt  }
0x5e: {  	_ =	shalt  }
0x5f: {  	_ =	shalt  }
0x60: {  	_ =	shalt  }
0x61: {  	_ =	shalt  }
0x62: {  	_ =	shalt  }
0x63: {  	_ =	shalt  }
0x64: {  	_ =	shalt  }
0x65: {  	_ =	shalt  }
0x66: {  	_ =	shalt  }
0x67: {  	_ =	shalt  }
0x68: {  	_ =	shalt  }
0x69: {  	_ =	shalt  }
0x6a: {  	_ =	shalt  }
0x6b: {  	_ =	shalt  }
0x6c: {  	_ =	shalt  }
0x6d: {  	_ =	shalt  }
0x6e: {  	_ =	shalt  }
0x6f: {  	_ =	shalt  }
0x70: {  	_ =	shalt  }
0x71: {  	_ =	shalt  }
0x72: {  	_ =	shalt  }
0x73: {  	_ =	shalt  }
0x74: {  	_ =	shalt  }
0x75: {  	_ =	shalt  }
0x76: {  	_ =	shalt  }
0x77: {  	_ =	shalt  }
0x78: {  	_ =	shalt  }
0x79: {  	_ =	shalt  }
0x7a: {  	_ =	shalt  }
0x7b: {  	_ =	shalt  }
0x7c: {  	_ =	shalt  }
0x7d: {  	_ =	shalt  }
0x7e: {  	_ =	shalt  }
0x7f: {  	_ =	shalt  }
0x80: {  	_ =	shalt  }
0x81: {  	_ =	shalt  }
0x82: {  	_ =	shalt  }
0x83: {  	_ =	shalt  }
0x84: {  	_ =	shalt  }
0x85: {  	_ =	shalt  }
0x86: {  	_ =	shalt  }
0x87: {  	_ =	shalt  }
.Lfunc_end0:
.L_simem_size_0:
called_computation_lowered:
.L_overlay_start_0:
0x88: {  	s2 =	sld [smem:$0x3FD9]  }
0x89: {  	s3 =	sld [smem:$0x3FFE];
	_ =	sdelay $0x1  }
0x8a: {  	s1 =	srdreg.scid  }
0x8b: {  	s0 =	sand.u32 $0x1, s1  }
0x8c: {  	s17 =	sshll.u32 s0, $0xA;
	s2 =	sadd.s32 s3, s2  }
0x8d: {  	s2 =	sadd.s32 s2, s17  }
0x8e: {  	[smem:$0x3FC4] =	sst s2  }
0x8f: {  	_ = 	snop  }
0x90: {  	s2 =	sld [smem:$0x3FD0];
	(tm) =	ssettm $0x1  }
0x91: {  	s18 =	sld [smem:$0x3FFB];
	_ =	sdelay $0x3  }
0x92: {  	_ =	strace s18  }
0x93: {  	s3 =	sld [smem:$0x3FFC];
	_ =	sdelay $0x3  }
0x94: {  	_ =	strace s3  }
0x95: {  	s3 =	sld [smem:$0x3FFD];
	_ =	sdelay $0x3  }
0x96: {  	_ =	strace s3  }
0x97: {  	_ =	strace $0x8FFFFFFF  }
0x98: {  	s19 =	sld [smem:$0x3FDB];
	_ =	sdelay $0x1  }
0x99: {  	s4 =	simm.s32 $_scs_section_size  }
0x9a: {  	s5 =	simm.s32 $_size__tile_overlayer_lowered;
	s6 =	simm.s32 $_tile_overlayer_lowered  }
0x9b: {  	s22 =	simm.s32 $0x1BFF;
	s21 =	sshll.u32 s6, $0x1;
	s3 =	sadd.s32 s4, s19  }
0x9c: {  	s7 =	simm.s32 $0x0;
	s20 =	sshll.u32 s5, $0x1;
	s5 =	sadd.s32 s21, s3  }
0x9d: {  	[timem:s7], [sflag:s22] =	dma.local [hbm:s5], s20  }
0x9e: {  	_ =	swait.ge [sflag:s22], s20  }
0x9f: {  	s4 =	ssub.s32 $0x0, s20;
	[sflag:s22] =	ssyncset.done $0x0  }
0xa0: {  	[sflag:s22] =	ssyncadd.s32 s4;
	_ =	sdelay $0x1  }
0xa1: {  	s23 =	simm.s32 $0x1B8B  }
0xa2: {  	_ =	swait.ge [sflag:s23], $0x1  }
0xa3: {  	[sflag:s23] =	ssyncset.done $0x0  }
0xa4: {  	s25 =	simm.s32 $0x1B8E;
	s24 =	sld [smem:$0x3FFE];
	[sflag:s23] =	ssyncadd.s32 $0xFFFFFFFF  }
0xa5: {  	s26 =	simm.s32 $execute0_lowered;
	[smem:$0x3FD2] =	sst s25  }
0xa6: {  	s5 =	sshll.u32 s26, $0x1;
	_ =	strace $0x80000046;
	[dreg:$0x1] =	wrdreg $0xFFFFFFFF  }
0xa7: {  	s28 =	simm.s32 $_size_execute0_lowered;
	s3 =	sadd.s32 s3, s5;
	[dreg:$0x0] =	wrdreg $0x0  }
0xa8: {  	s5 =	sshll.u32 s28, $0x1;
	[dreg:$0x2] =	wrdreg s3  }
0xa9: {  	[dreg:$0x3] =	wrdreg s5  }
0xaa: {  	[dreg:$0x4] =	wrdreg $0xC0  }
0xab: {  	_ =	task [dreg:s7], $0x5FFFF  }
0xac: {  	[dreg:$0x1] =	wrdreg $0xFFFFFFFF  }
0xad: {  	[dreg:$0x0] =	wrdreg $0x60  }
0xae: {  	[dreg:$0x2] =	wrdreg s2  }
0xaf: {  	[dreg:$0x3] =	wrdreg s24  }
0xb0: {  	[dreg:$0x4] =	wrdreg $0x13A600  }
0xb1: {  	[dreg:$0x5] =	wrdreg $0x9  }
0xb2: {  	_ =	task.clear_ibuf [dreg:s7], $0x6FFFF;
	_ =	strace $0x90000046  }
0xb3: {  	s29 =	simm.s32 $0x9;
	_ =	strace $0x80000048  }
0xb4: {  	_ =	swait.ge [sflag:s29], $0x1  }
0xb5: {  	[sflag:s29] =	ssyncadd.s32 $0xFFFFFFFF  }
0xb6: {  	_ =	strace $0x90000048  }
0xb7: {  	_ =	sfence  }
0xb8: {  	s30 =	sld [smem:$0x0];
	_ =	sdelay $0x2  }
0xb9: {  	s31 =	sshll.u32 s1, $0xD;
	s1 =	sshrl.u32 s1, $0x2  }
0xba: {  	s3 =	sand.u32 $0x4000, s31;
	s1 =	sadd.s32 s1, s30  }
0xbb: {  	s0 =	sor.u32 s3, s0;
	s1 =	sshll.u32 s1, $0x11  }
0xbc: {  	s0 =	sor.u32 s1, s0  }
0xbd: {  	s0 =	sadd.s32 $0x8F2B, s0  }
0xbe: {  	[sflag:s0] =	ssyncadd.remote.s32 $0x1  }
0xbf: {  	_ =	sfence.sel $0xFFFF  }
0xc0: {  	[dreg:$0x0] =	wrdreg $0xFFFFFFFF;
	(pc) =	sbr.abs _section_cstart, $3  }
0xc1: {  	[dreg:$0x1] =	wrdreg $0xFFFFFFFF  }
0xc2: {  	_ =	task.clear_ibuf [dreg:s7], $0x2FFFF;
	_ =	strace $0x9FFFFFFF  }
0xc3: {  	(tm) =	ssettm $0x7FFFFFFF  }
tec
execute0_lowered:
.L_overlay_start_1:
0x0: {  	(tag) =	ssettag $0x1  }
0x1: {  	s1 =	rddreg [dreg:$0x0]  }
0x2: {  	s0 =	rddreg [dreg:$0x1]  }
0x3: {  	s2 =	srdreg.scid;
	s11 =	stileid.u32  }
0x4: {  	s3 =	rddreg [dreg:$0x2];
	s4 =	simm.s32 $0x0;
	s28 =	simm.s32 $0x11260  }
0x5: {  	s29 =	simm.s32 $0x2;
	s30 =	simm.s32 $0x4;
	s5 =	smul.u32 $0x4E20, s11  }
0x6: {  	s31 =	simm.s32 $0x12660;
	s2 =	sand.u32 $0x1, s2;
	s7 =	smul.u32 $0x27000, s11  }
0x7: {  	[smem:$0x7FF] =	sst s4;
	s10 =	smul.u32 $0x9C00, s11;
	s13 =	sadd.s32 $0x9C000, s3  }
0x8: {  	p0 =	sne.s32 s11, $0xF;
	s6 =	smul.u32 $0x4E200, s2;
	s19 =	ssub.s32 $0x2, s2  }
0x9: {  	_ =	strace $0x80000047;
	s2 =	smul.u32 $0x9C400, s2;
	s9 =	sshrl.u32 s19, $0x1  }
0xa: {  	s7 =	sshrl.u32 s7, $0x2;
	s6 =	sadd.s32 s5, s6;
	s5 =	sshrl.u32 s5, $0x3  }
0xb: {  	s9 =	ssub.s32 s19, s9;
	s7 =	sadd.s32 s7, s3;
	s25 =	sadd.s32 s10, s2  }
0xc: {  	s2 =	sshrl.u32 s2, $0x3;
	s6 =	sshrl.u32 s6, $0x3;
	s12 =	sadd.s32 $0x1400, s7  }
0xd: {  	s8 =	sadd.s32 s5, s0;
	s20 =	sadd.s32 $0x2800, s7;
	[dreg:$0x4] =	wrdreg s12  }
0xe: {  	s5 =	sadd.s32 s10, s3;
	s21 =	sadd.s32 $0x3C00, s7;
	[dreg:$0x5] =	wrdreg s20  }
0xf: {  	s22 =	sadd.s32 $0x5000, s7;
	s23 =	sadd.s32 $0x6400, s7;
	[dreg:$0x6] =	wrdreg s21  }
0x10: {  	s24 =	sadd.s32 $0x7800, s7;
	s7 =	sadd.s32 $0x8C00, s7;
	[dreg:$0x7] =	wrdreg s22  }
0x11: {  	s26 =	sshrl.u32 s25, $0x3;
	s19 =	smax.u32 s9, $0x1;
	[dreg:$0x8] =	wrdreg s23  }
0x12: {  	v0 =	vimm.f32 $0.0e+00;
	v1 =	vimm.s32 $0x0;
	s25 =	simm.s32 $0xFE60;
	s6 =	sadd.s32 s6, s0;
	[dreg:$0x9] =	wrdreg s24  }
.Ltmp0:
0x13: {  	v2 =	vimm.s32 $0x1;
	v3 =	vimm.s32 $0x2;
	v4 =	vimm.s32 $0x3;
	s0 =	sadd.s32 $0x28000, s0;
	[dreg:$0xa] =	wrdreg s7;
	(pc) =	sbr.rel .LBB2_1-.Ltmp0, $4  }
0x14: {  	v5 =	vimm.s32 $0x4;
	v6 =	vimm.s32 $0x5;
	v7 =	vimm.s32 $0x6;
	s14 =	sadd.s32 $0x14400, s8;
	s16 =	sadd.s32 $0x1E200, s8;
	s20 =	simm.s32 $0xEA60  }
0x15: {  	v8 =	vimm.s32 $0x7;
	v9 =	vimm.s32 $0x8;
	v10 =	vimm.s32 $0x9;
	s21 =	simm.s32 $0x5;
	s22 =	simm.s32 $0x4E20;
	s23 =	simm.s32 $0x50  }
0x16: {  	v11 =	vimm.s32 $0xA;
	v12 =	vimm.s32 $0xB;
	v13 =	vimm.s32 $0xC;
	s15 =	sadd.s32 $0xA00, s6;
	s17 =	sadd.s32 s0, s26;
	s0 =	sadd.s32 s0, s2  }
0x17: {  	v14 =	vimm.s32 $0xD;
	v15 =	vimm.s32 $0xE;
	v16 =	vimm.s32 $0xF;
	s26 =	simm.s32 $0x1;
	s2 =	simm.s32 $0x3;
	s18 =	sadd.s32 $0x13800, s0  }
.LBB2_14:
0x18: {  	_ =	swait.ge [sflag:s2], $0x1400  }
0x19: {  	[sflag:s2] =	ssyncset.done $0x0  }
0x1a: {  	[sflag:s2] =	ssyncadd.s32 $0xFFFFEC00  }
0x1b: {  	_ =	swait.ge [sflag:s30], $0x1400  }
0x1c: {  	s0 =	stileid.u32;
	[sflag:s30] =	ssyncset.done $0x0  }
0x1d: {  	s0 =	sshll.u32 s0, $0x6;
	[sflag:s30] =	ssyncadd.s32 $0xFFFFEC00  }
0x1e: {  	s6 =	sshrl.u32 s5, $0x3;
	s0 =	sor.u32 $0x1C05, s0;
	[bflag:$0x0] =	sbarrier.arrive $0xFFFF  }
0x1f: {  	[hbm:s17], [sflag:s0] =	dma.local [spmem:s6], $0x1380  }
0x20: {  	_ =	swait.ge [sflag:s21], $0x1380  }
0x21: {  	s4 =	sadd.s32 $0x1, s4;
	[sflag:s21] =	ssyncset.done $0x0  }
0x22: {  	p1 =	sne.s32 s4, s19;
	s6 =	sshrl.u32 @!p0 s13, $0x3;
	[sflag:s21] =	ssyncadd.s32 $0xFFFFEC80  }
0x23: {  	[hbm:s18], [sflag:s0] =	dma.local @!p0 [spmem:s6], $0x80  }
.Ltmp1:
0x24: {  	_ = 	snop;
	(pc) =	sbr.rel @!p1 .LBB2_15-.Ltmp1, $4  }
0x25: {  	s0 =	simm.s32 @!p0 $0x5  }
0x26: {  	_ =	swait.ge @!p0 [sflag:s0], $0x80  }
0x27: {  	[sflag:s0] =	ssyncset.done @!p0 $0x0  }
0x28: {  	[sflag:s0] =	ssyncadd.s32 @!p0 $0xFFFFFF80  }
.LBB2_1:
0x29: {  	s6 =	simm.s32 $0x100;
	s0 =	simm.s32 $0x0  }
.LBB2_2:
0x2a: {  	p1 =	sne.s32 s6, $0x4F00;
	[tilespmem:s0+$0xEA90] =	vst v0;
	s7 =	smov.u32 s6;
	s6 =	sadd.s32 $0x100, s6  }
.Ltmp2:
0x2b: {  	[tilespmem:s0+$0xEA80] =	vst v0;
	(pc) =	sbr.rel @p1 .LBB2_2-.Ltmp2, $3  }
0x2c: {  	[tilespmem:s0+$0xEA60] =	vst v0  }
0x2d: {  	[tilespmem:s0+$0xEA70] =	vst v0;
	_ =	sdelay $0x1  }
0x2e: {  	s0 =	sshra.s32 s7, $0x2  }
0x2f: {  	[tilespmem:s0+$0xEA90] =	vst v0  }
0x30: {  	[tilespmem:s0+$0xEA80] =	vst v0  }
0x31: {  	[tilespmem:s0+$0xEA60] =	vst v0  }
0x32: {  	[tilespmem:s0+$0xEA70] =	vst v0  }
0x33: {  	[spmem:s5] =	stream.linear.scatter [tilespmem:s20], [sflag:$0x5], $0x1400, $0x38;
	[tilespmem:$0x1D6A0] =	vst v63  }
0x34: {  	_ =	swait.ge [sflag:s21], $0x1400  }
0x35: {  	[sflag:s21] =	ssyncset.done $0x0  }
0x36: {  	s7 =	rddreg [dreg:$0x4];
	[sflag:s21] =	ssyncadd.s32 $0xFFFFEC00  }
0x37: {  	[spmem:s7] =	stream.linear.scatter [tilespmem:s20], [sflag:$0x5], $0x1400, $0x38;
	[tilespmem:$0x1D6A0] =	vst v63  }
0x38: {  	_ =	swait.ge [sflag:s21], $0x1400  }
0x39: {  	[sflag:s21] =	ssyncset.done $0x0  }
0x3a: {  	s8 =	rddreg [dreg:$0x5];
	[sflag:s21] =	ssyncadd.s32 $0xFFFFEC00  }
0x3b: {  	[spmem:s8] =	stream.linear.scatter [tilespmem:s20], [sflag:$0x5], $0x1400, $0x38;
	[tilespmem:$0x1D6A0] =	vst v63  }
0x3c: {  	_ =	swait.ge [sflag:s21], $0x1400  }
0x3d: {  	[sflag:s21] =	ssyncset.done $0x0  }
0x3e: {  	s9 =	rddreg [dreg:$0x6];
	[sflag:s21] =	ssyncadd.s32 $0xFFFFEC00  }
0x3f: {  	[spmem:s9] =	stream.linear.scatter [tilespmem:s20], [sflag:$0x5], $0x1400, $0x38;
	[tilespmem:$0x1D6A0] =	vst v63  }
0x40: {  	_ =	swait.ge [sflag:s21], $0x1400  }
0x41: {  	[sflag:s21] =	ssyncset.done $0x0  }
0x42: {  	s10 =	rddreg [dreg:$0x7];
	[sflag:s21] =	ssyncadd.s32 $0xFFFFEC00  }
0x43: {  	[spmem:s10] =	stream.linear.scatter [tilespmem:s20], [sflag:$0x5], $0x1400, $0x38;
	[tilespmem:$0x1D6A0] =	vst v63  }
0x44: {  	_ =	swait.ge [sflag:s21], $0x1400  }
0x45: {  	[sflag:s21] =	ssyncset.done $0x0  }
0x46: {  	s11 =	rddreg [dreg:$0x8];
	[sflag:s21] =	ssyncadd.s32 $0xFFFFEC00  }
0x47: {  	[spmem:s11] =	stream.linear.scatter [tilespmem:s20], [sflag:$0x5], $0x1400, $0x38;
	[tilespmem:$0x1D6A0] =	vst v63  }
0x48: {  	_ =	swait.ge [sflag:s21], $0x1400  }
0x49: {  	[sflag:s21] =	ssyncset.done $0x0  }
0x4a: {  	s12 =	rddreg [dreg:$0x9];
	[sflag:s21] =	ssyncadd.s32 $0xFFFFEC00  }
0x4b: {  	[spmem:s12] =	stream.linear.scatter [tilespmem:s20], [sflag:$0x5], $0x1400, $0x38;
	[tilespmem:$0x1D6A0] =	vst v63  }
0x4c: {  	_ =	swait.ge [sflag:s21], $0x1400  }
0x4d: {  	[sflag:s21] =	ssyncset.done $0x0  }
0x4e: {  	s24 =	rddreg [dreg:$0xa];
	[sflag:s21] =	ssyncadd.s32 $0xFFFFEC00  }
0x4f: {  	[spmem:s24] =	stream.linear.scatter [tilespmem:s20], [sflag:$0x5], $0x1000, $0x38;
	[tilespmem:$0x1D6A0] =	vst v63  }
0x50: {  	_ =	swait.ge [sflag:s21], $0x1000  }
0x51: {  	[sflag:s21] =	ssyncset.done $0x0  }
0x52: {  	s0 =	simm.s32 @!p0 $0xEA60;
	[sflag:s21] =	ssyncadd.s32 $0xFFFFF000  }
0x53: {  	[spmem:s13] =	stream.linear.scatter @!p0 [tilespmem:s0], [sflag:$0x5], $0x400, $0x38;
	[tilespmem:$0x1D6A0] =	vst v63  }
0x54: {  	s0 =	simm.s32 @!p0 $0x5  }
0x55: {  	_ =	swait.ge @!p0 [sflag:s0], $0x400  }
0x56: {  	[sflag:s0] =	ssyncset.done @!p0 $0x0  }
0x57: {  	s24 =	simm.s32 $0x0;
	[sflag:s0] =	ssyncadd.s32 @!p0 $0xFFFFFC00  }
0x58: {  	[tilespmem:s24], [sflag:$0x5] =	stream.linear.gather [hbm4b:s14+s24], $0x4E20, $0x38;
	[tilespmem:$0x1D6A0] =	vst v63  }
0x59: {  	_ =	swait.ge [sflag:s21], $0x4E20  }
0x5a: {  	[sflag:s21] =	ssyncset.done $0x0  }
0x5b: {  	[sflag:s21] =	ssyncadd.s32 $0xFFFFB1E0  }
0x5c: {  	[tilespmem:s22], [sflag:$0x5] =	stream.linear.gather [hbm4b:s15+s24], $0x4E20, $0x38;
	[tilespmem:$0x1D6A0] =	vst v63  }
0x5d: {  	_ =	swait.ge [sflag:s21], $0x4E20  }
0x5e: {  	[sflag:s21] =	ssyncset.done $0x0  }
0x5f: {  	s0 =	simm.s32 $0x9C40;
	[sflag:s21] =	ssyncadd.s32 $0xFFFFB1E0  }
0x60: {  	[tilespmem:s0], [sflag:$0x5] =	stream.linear.gather [hbm4b:s16+s24], $0x4E20, $0x38;
	[tilespmem:$0x1D6A0] =	vst v63  }
0x61: {  	_ =	swait.ge [sflag:s21], $0x4E20  }
0x62: {  	[sflag:s21] =	ssyncset.done $0x0  }
0x63: {  	[sflag:s21] =	ssyncadd.s32 $0xFFFFB1E0  }
0x64: {  	[bflag:$0x0] =	sbarrier.arrive $0xFFFF  }
0x65: {  	[tilespmem:s20], [sflag:$0x1] =	stream.indirect.gather [hbm4b:s1+s23], $0x40, s22, s23, $0xb8;
	[tilespmem:$0x1D6A0] =	vst v63  }
0x66: {  	s6 =	simm.s32 $0x4E70;
	s11 =	simm.s32 $0x9C90  }
0x67: {  	[tilespmem:s25], [sflag:$0x2] =	stream.indirect.gather [hbm4b:s1+s23], $0x40, s6, s23, $0xb8;
	[tilespmem:$0x1D6A0] =	vst v63  }
.LBB2_4:
0x68: {  	_ =	swait.ge [sflag:s26], $0x1400  }
0x69: {  	p1 =	seq.s32 s24, $0x0;
	[sflag:s26] =	ssyncset.done $0x0  }
0x6a: {  	s6 =	simm.s32 @!p1 $0x3;
	[sflag:s26] =	ssyncadd.s32 $0xFFFFEC00  }
0x6b: {  	_ =	swait.ge @!p1 [sflag:s6], $0x1400  }
0x6c: {  	[sflag:s6] =	ssyncset.done @!p1 $0x0  }
0x6d: {  	s7 =	simm.s32 $0x3F0;
	[sflag:s6] =	ssyncadd.s32 @!p1 $0xFFFFEC00  }
0x6e: {  	v41 =	vld [tilespmem:s7+$0xE670]  }
0x6f: {  	v42 =	vld [tilespmem:s7+$0xE680]  }
0x70: {  	v40 =	vld [tilespmem:s7+$0xE690]  }
0x71: {  	v39 =	vld [tilespmem:s7+$0xE6A0]  }
0x72: {  	v37 =	vld [tilespmem:s7+$0xE6B0]  }
0x73: {  	v38 =	vld [tilespmem:s7+$0xE6C0]  }
0x74: {  	v36 =	vld [tilespmem:s7+$0xE6D0]  }
0x75: {  	v35 =	vld [tilespmem:s7+$0xE6E0]  }
0x76: {  	v33 =	vld [tilespmem:s7+$0xE6F0]  }
0x77: {  	v34 =	vld [tilespmem:s7+$0xE700]  }
0x78: {  	v32 =	vld [tilespmem:s7+$0xE710]  }
0x79: {  	v31 =	vld [tilespmem:s7+$0xE720]  }
0x7a: {  	v29 =	vld [tilespmem:s7+$0xE730]  }
0x7b: {  	v30 =	vld [tilespmem:s7+$0xE740]  }
0x7c: {  	v27 =	vld [tilespmem:s7+$0xE750]  }
0x7d: {  	v28 =	vld [tilespmem:s7+$0xE760]  }
0x7e: {  	v25 =	vld [tilespmem:s7+$0xE770]  }
0x7f: {  	v26 =	vld [tilespmem:s7+$0xE780]  }
0x80: {  	v24 =	vld [tilespmem:s7+$0xE790]  }
0x81: {  	v23 =	vld [tilespmem:s7+$0xE7A0]  }
0x82: {  	v21 =	vld [tilespmem:s7+$0xE7B0]  }
0x83: {  	v22 =	vld [tilespmem:s7+$0xE7C0]  }
0x84: {  	v20 =	vld [tilespmem:s7+$0xE7D0]  }
0x85: {  	v19 =	vld [tilespmem:s7+$0xE7E0]  }
0x86: {  	v18 =	vld [tilespmem:s7+$0xE7F0]  }
0x87: {  	s8 =	smul.u32 $0x280, s24;
	s9 =	simm.s32 $0x1FC0;
	s10 =	smov.u32 s0;
	v17 =	vld [tilespmem:s0+$0x0]  }
.LBB2_5:
0x88: {  	p2 =	sne.s32 s9, $0x4FC0;
	v43 =	vld [tilespmem:s7+$0xE800]  }
0x89: {  	v44 =	vld [tilespmem:s7+$0xE810]  }
0x8a: {  	v45 =	vld [tilespmem:s7+$0xE820]  }
0x8b: {  	v46 =	vld [tilespmem:s7+$0xE830]  }
0x8c: {  	v47 =	vperm.xlane v17, v1;
	v48 =	vperm.xlane v17, v2;
	v49 =	vld [tilespmem:s7+$0xE840]  }
0x8d: {  	v50 =	vperm.xlane v17, v3;
	v51 =	vperm.xlane v17, v4;
	v52 =	vld [tilespmem:s7+$0xE850]  }
0x8e: {  	v41 =	vmul.f32 v41, v47;
	v42 =	vmul.f32 v42, v47;
	v53 =	vld [tilespmem:s7+$0xE860]  }
0x8f: {  	v40 =	vmul.f32 v40, v47;
	v39 =	vmul.f32 v39, v47;
	v47 =	vld [tilespmem:s7+$0xE870]  }
0x90: {  	v37 =	vmul.f32 v37, v48;
	v38 =	vmul.f32 v38, v48;
	[tilespmem:s7+$0x10E70] =	vst v41;
	v41 =	vld [tilespmem:s7+$0xE880]  }
0x91: {  	v36 =	vmul.f32 v36, v48;
	v35 =	vmul.f32 v35, v48;
	[tilespmem:s7+$0x10E80] =	vst v42;
	v42 =	vld [tilespmem:s7+$0xE890]  }
0x92: {  	v33 =	vmul.f32 v33, v50;
	v34 =	vmul.f32 v34, v50;
	[tilespmem:s7+$0x10E90] =	vst v40;
	v40 =	vld [tilespmem:s7+$0xE8A0]  }
0x93: {  	v32 =	vmul.f32 v32, v50;
	v31 =	vmul.f32 v31, v50;
	[tilespmem:s7+$0x10EA0] =	vst v39;
	v39 =	vld [tilespmem:s7+$0xE8B0]  }
0x94: {  	v29 =	vmul.f32 v29, v51;
	v30 =	vmul.f32 v30, v51;
	[tilespmem:s7+$0x10EB0] =	vst v37;
	v37 =	vld [tilespmem:s7+$0xE8C0]  }
0x95: {  	v27 =	vmul.f32 v27, v51;
	v28 =	vmul.f32 v28, v51;
	[tilespmem:s7+$0x10EC0] =	vst v38;
	v38 =	vld [tilespmem:s7+$0xE8D0]  }
0x96: {  	v48 =	vperm.xlane v17, v6;
	[tilespmem:s7+$0x10ED0] =	vst v36;
	v36 =	vperm.xlane v17, v5;
	v50 =	vld [tilespmem:s7+$0xE8E0]  }
0x97: {  	v51 =	vperm.xlane v17, v8;
	[tilespmem:s7+$0x10EE0] =	vst v35;
	v35 =	vperm.xlane v17, v7;
	v54 =	vld [tilespmem:s7+$0xE8F0]  }
0x98: {  	[tilespmem:s7+$0x10EF0] =	vst v33;
	v25 =	vmul.f32 v25, v36;
	v26 =	vmul.f32 v26, v36;
	v33 =	vld [tilespmem:s7+$0xE900]  }
0x99: {  	v24 =	vmul.f32 v24, v36;
	v23 =	vmul.f32 v23, v36;
	[tilespmem:s7+$0x10F00] =	vst v34;
	v34 =	vld [tilespmem:s7+$0xE910]  }
0x9a: {  	v21 =	vmul.f32 v21, v48;
	v22 =	vmul.f32 v22, v48;
	[tilespmem:s7+$0x10F10] =	vst v32;
	v32 =	vld [tilespmem:s7+$0xE920]  }
0x9b: {  	v20 =	vmul.f32 v20, v48;
	v19 =	vmul.f32 v19, v48;
	[tilespmem:s7+$0x10F20] =	vst v31;
	v31 =	vld [tilespmem:s7+$0xE930]  }
0x9c: {  	v18 =	vmul.f32 v18, v35;
	[tilespmem:s7+$0x10F30] =	vst v29;
	v29 =	vmul.f32 v43, v35;
	v36 =	vld [tilespmem:s7+$0xE940]  }
0x9d: {  	[tilespmem:s7+$0x10F40] =	vst v30;
	v30 =	vmul.f32 v44, v35;
	v35 =	vmul.f32 v45, v35;
	v43 =	vld [tilespmem:s7+$0xE950]  }
0x9e: {  	v44 =	vmul.f32 v49, v51;
	[tilespmem:s7+$0x10F50] =	vst v27;
	v27 =	vmul.f32 v46, v51;
	v45 =	vld [tilespmem:s7+$0xE960]  }
0x9f: {  	v46 =	vmul.f32 v53, v51;
	[tilespmem:s7+$0x10F60] =	vst v28;
	v28 =	vmul.f32 v52, v51;
	v48 =	vld [tilespmem:s7+$0xE970]  }
0xa0: {  	v49 =	vperm.xlane v17, v10;
	[tilespmem:s7+$0x10F70] =	vst v25;
	v25 =	vperm.xlane v17, v9;
	v51 =	vld [tilespmem:s7+$0xE980]  }
0xa1: {  	v52 =	vperm.xlane v17, v12;
	[tilespmem:s7+$0x10F80] =	vst v26;
	v26 =	vperm.xlane v17, v11;
	v53 =	vld [tilespmem:s7+$0xE990]  }
0xa2: {  	[tilespmem:s7+$0x10F90] =	vst v24;
	v24 =	vmul.f32 v47, v25;
	v41 =	vmul.f32 v41, v25;
	v47 =	vld [tilespmem:s7+$0xE9A0]  }
0xa3: {  	[tilespmem:s7+$0x10FA0] =	vst v23;
	v23 =	vmul.f32 v42, v25;
	v25 =	vmul.f32 v40, v25;
	v40 =	vld [tilespmem:s7+$0xE9B0]  }
0xa4: {  	v37 =	vmul.f32 v37, v49;
	[tilespmem:s7+$0x10FB0] =	vst v21;
	v21 =	vmul.f32 v39, v49;
	v39 =	vld [tilespmem:s7+$0xE9C0]  }
0xa5: {  	[tilespmem:s7+$0x10FC0] =	vst v22;
	v22 =	vmul.f32 v38, v49;
	v38 =	vmul.f32 v50, v49;
	v42 =	vld [tilespmem:s7+$0xE9D0]  }
0xa6: {  	v33 =	vmul.f32 v33, v26;
	[tilespmem:s7+$0x10FD0] =	vst v20;
	v20 =	vmul.f32 v54, v26;
	v49 =	vld [tilespmem:s7+$0xE9E0]  }
0xa7: {  	[tilespmem:s7+$0x10FE0] =	vst v19;
	v19 =	vmul.f32 v34, v26;
	v26 =	vmul.f32 v32, v26;
	v32 =	vld [tilespmem:s7+$0xE9F0]  }
0xa8: {  	[tilespmem:s7+$0x10FF0] =	vst v18;
	v18 =	vmul.f32 v31, v52;
	v31 =	vmul.f32 v36, v52;
	v34 =	vld [tilespmem:s7+$0xEA00]  }
0xa9: {  	[tilespmem:s7+$0x11000] =	vst v29;
	v29 =	vmul.f32 v43, v52;
	v43 =	vmul.f32 v45, v52;
	v36 =	vld [tilespmem:s7+$0xEA10]  }
0xaa: {  	v45 =	vperm.xlane v17, v14;
	[tilespmem:s7+$0x11010] =	vst v30;
	v30 =	vperm.xlane v17, v13;
	v50 =	vld [tilespmem:s7+$0xEA20]  }
0xab: {  	[tilespmem:s7+$0x11020] =	vst v35;
	v35 =	vperm.xlane v17, v15;
	v17 =	vperm.xlane v17, v16;
	v52 =	vld [tilespmem:s7+$0xEA30]  }
0xac: {  	[tilespmem:s7+$0x11030] =	vst v27;
	v27 =	vld [tilespmem:s7+$0xEA40];
	v48 =	vmul.f32 v48, v30;
	v51 =	vmul.f32 v51, v30  }
0xad: {  	v53 =	vmul.f32 v53, v30;
	v30 =	vmul.f32 v47, v30;
	[tilespmem:s7+$0x11040] =	vst v44;
	v44 =	vld [tilespmem:s7+$0xEA50]  }
0xae: {  	v54 =	vmul.f32 v39, v45;
	v47 =	vmul.f32 v40, v45;
	[tilespmem:s7+$0x11050] =	vst v28;
	v28 =	vld [tilespmem:s7+$0xEA60]  }
0xaf: {  	[tilespmem:s7+$0x11060] =	vst v46;
	v46 =	vmul.f32 v42, v45;
	v45 =	vmul.f32 v49, v45  }
0xb0: {  	v49 =	vmul.f32 v34, v35;
	[tilespmem:s7+$0x11070] =	vst v24;
	v24 =	vmul.f32 v32, v35  }
0xb1: {  	v55 =	vmul.f32 v36, v35;
	v50 =	vmul.f32 v50, v35;
	[tilespmem:s7+$0x11080] =	vst v41  }
0xb2: {  	v52 =	vmul.f32 v52, v17;
	v56 =	vmul.f32 v27, v17;
	[tilespmem:s7+$0x11090] =	vst v23  }
0xb3: {  	v44 =	vmul.f32 v44, v17;
	[tilespmem:s7+$0x110A0] =	vst v25;
	v17 =	vmul.f32 v28, v17  }
0xb4: {  	[tilespmem:s7+$0x110B0] =	vst v21  }
0xb5: {  	[tilespmem:s7+$0x110C0] =	vst v37  }
0xb6: {  	s6 =	sshra.s32 s9, $0x2;
	[tilespmem:s7+$0x110D0] =	vst v22  }
0xb7: {  	v41 =	vld [tilespmem:s6+$0xE670];
	[tilespmem:s7+$0x110E0] =	vst v38  }
0xb8: {  	v42 =	vld [tilespmem:s6+$0xE680];
	[tilespmem:s7+$0x110F0] =	vst v20  }
0xb9: {  	v40 =	vld [tilespmem:s6+$0xE690];
	[tilespmem:s7+$0x11100] =	vst v33  }
0xba: {  	v39 =	vld [tilespmem:s6+$0xE6A0];
	[tilespmem:s7+$0x11110] =	vst v19  }
0xbb: {  	v37 =	vld [tilespmem:s6+$0xE6B0];
	[tilespmem:s7+$0x11120] =	vst v26  }
0xbc: {  	v38 =	vld [tilespmem:s6+$0xE6C0];
	[tilespmem:s7+$0x11130] =	vst v18  }
0xbd: {  	v36 =	vld [tilespmem:s6+$0xE6D0];
	[tilespmem:s7+$0x11140] =	vst v31  }
0xbe: {  	v35 =	vld [tilespmem:s6+$0xE6E0];
	[tilespmem:s7+$0x11150] =	vst v29  }
0xbf: {  	v33 =	vld [tilespmem:s6+$0xE6F0];
	[tilespmem:s7+$0x11160] =	vst v43  }
0xc0: {  	v34 =	vld [tilespmem:s6+$0xE700];
	[tilespmem:s7+$0x11170] =	vst v48  }
0xc1: {  	v32 =	vld [tilespmem:s6+$0xE710];
	[tilespmem:s7+$0x11180] =	vst v51  }
0xc2: {  	v31 =	vld [tilespmem:s6+$0xE720];
	[tilespmem:s7+$0x11190] =	vst v53  }
0xc3: {  	v29 =	vld [tilespmem:s6+$0xE730];
	[tilespmem:s7+$0x111A0] =	vst v30  }
0xc4: {  	v30 =	vld [tilespmem:s6+$0xE740];
	[tilespmem:s7+$0x111B0] =	vst v47  }
0xc5: {  	v27 =	vld [tilespmem:s6+$0xE750];
	[tilespmem:s7+$0x111C0] =	vst v54  }
0xc6: {  	v28 =	vld [tilespmem:s6+$0xE760];
	[tilespmem:s7+$0x111D0] =	vst v46  }
0xc7: {  	v25 =	vld [tilespmem:s6+$0xE770];
	[tilespmem:s7+$0x111E0] =	vst v45  }
0xc8: {  	v26 =	vld [tilespmem:s6+$0xE780];
	[tilespmem:s7+$0x111F0] =	vst v24  }
0xc9: {  	v24 =	vld [tilespmem:s6+$0xE790];
	[tilespmem:s7+$0x11200] =	vst v49  }
0xca: {  	v23 =	vld [tilespmem:s6+$0xE7A0];
	[tilespmem:s7+$0x11210] =	vst v55  }
0xcb: {  	v21 =	vld [tilespmem:s6+$0xE7B0];
	[tilespmem:s7+$0x11220] =	vst v50  }
.Ltmp3:
0xcc: {  	v22 =	vld [tilespmem:s6+$0xE7C0];
	[tilespmem:s7+$0x11230] =	vst v52;
	(pc) =	sbr.rel @p2 .LBB2_5-.Ltmp3, $4  }
0xcd: {  	v20 =	vld [tilespmem:s6+$0xE7D0];
	[tilespmem:s7+$0x11240] =	vst v56  }
0xce: {  	v19 =	vld [tilespmem:s6+$0xE7E0];
	[tilespmem:s7+$0x11250] =	vst v44  }
0xcf: {  	s10 =	sadd.s32 $0x10, s10;
	v18 =	vld [tilespmem:s6+$0xE7F0];
	[tilespmem:s7+$0x11260] =	vst v17;
	s7 =	smov.u32 s6  }
0xd0: {  	s9 =	sadd.s32 $0x1000, s9;
	v17 =	vld [tilespmem:s10+$0x0]  }
0xd1: {  	_ =	sdelay $0x3  }
0xd2: {  	v47 =	vperm.xlane v17, v1;
	_ =	sdelay $0x1  }
0xd3: {  	v41 =	vmul.f32 v41, v47  }
0xd4: {  	v42 =	vmul.f32 v42, v47  }
0xd5: {  	v52 =	vperm.xlane v17, v2;
	v40 =	vmul.f32 v40, v47;
	[tilespmem:s7+$0x10E70] =	vst v41  }
0xd6: {  	v39 =	vmul.f32 v39, v47;
	[tilespmem:s7+$0x10E80] =	vst v42  }
0xd7: {  	v37 =	vmul.f32 v37, v52;
	[tilespmem:s7+$0x10E90] =	vst v40  }
0xd8: {  	v38 =	vmul.f32 v38, v52;
	[tilespmem:s7+$0x10EA0] =	vst v39  }
0xd9: {  	v63 =	vperm.xlane v17, v3;
	v36 =	vmul.f32 v36, v52;
	[tilespmem:s7+$0x10EB0] =	vst v37  }
0xda: {  	v35 =	vmul.f32 v35, v52;
	[tilespmem:s7+$0x10EC0] =	vst v38  }
0xdb: {  	v33 =	vmul.f32 v33, v63;
	[tilespmem:s7+$0x10ED0] =	vst v36  }
0xdc: {  	v34 =	vmul.f32 v34, v63;
	[tilespmem:s7+$0x10EE0] =	vst v35  }
0xdd: {  	v56 =	vperm.xlane v17, v4;
	v32 =	vmul.f32 v32, v63;
	[tilespmem:s7+$0x10EF0] =	vst v33  }
0xde: {  	v31 =	vmul.f32 v31, v63;
	[tilespmem:s7+$0x10F00] =	vst v34  }
0xdf: {  	v29 =	vmul.f32 v29, v56;
	[tilespmem:s7+$0x10F10] =	vst v32  }
0xe0: {  	v30 =	vmul.f32 v30, v56;
	[tilespmem:s7+$0x10F20] =	vst v31  }
0xe1: {  	v57 =	vperm.xlane v17, v5;
	v27 =	vmul.f32 v27, v56;
	[tilespmem:s7+$0x10F30] =	vst v29  }
0xe2: {  	v28 =	vmul.f32 v28, v56;
	[tilespmem:s7+$0x10F40] =	vst v30  }
0xe3: {  	v25 =	vmul.f32 v25, v57;
	[tilespmem:s7+$0x10F50] =	vst v27  }
0xe4: {  	v26 =	vmul.f32 v26, v57;
	[tilespmem:s7+$0x10F60] =	vst v28  }
0xe5: {  	v58 =	vperm.xlane v17, v6;
	v24 =	vmul.f32 v24, v57;
	[tilespmem:s7+$0x10F70] =	vst v25  }
0xe6: {  	v23 =	vmul.f32 v23, v57;
	[tilespmem:s7+$0x10F80] =	vst v26  }
0xe7: {  	v43 =	vld [tilespmem:s7+$0xE800];
	v21 =	vmul.f32 v21, v58;
	[tilespmem:s7+$0x10F90] =	vst v24  }
0xe8: {  	v44 =	vld [tilespmem:s7+$0xE810];
	v22 =	vmul.f32 v22, v58;
	[tilespmem:s7+$0x10FA0] =	vst v23  }
0xe9: {  	v45 =	vld [tilespmem:s7+$0xE820];
	v59 =	vperm.xlane v17, v7;
	v20 =	vmul.f32 v20, v58;
	[tilespmem:s7+$0x10FB0] =	vst v21  }
0xea: {  	v46 =	vld [tilespmem:s7+$0xE830];
	v19 =	vmul.f32 v19, v58;
	[tilespmem:s7+$0x10FC0] =	vst v22  }
0xeb: {  	v48 =	vld [tilespmem:s7+$0xE840];
	v18 =	vmul.f32 v18, v59;
	[tilespmem:s7+$0x10FD0] =	vst v20  }
0xec: {  	v49 =	vld [tilespmem:s7+$0xE850];
	v43 =	vmul.f32 v43, v59;
	[tilespmem:s7+$0x10FE0] =	vst v19  }
0xed: {  	v50 =	vld [tilespmem:s7+$0xE860];
	v60 =	vperm.xlane v17, v8;
	v44 =	vmul.f32 v44, v59;
	[tilespmem:s7+$0x10FF0] =	vst v18  }
0xee: {  	v51 =	vld [tilespmem:s7+$0xE870];
	v45 =	vmul.f32 v45, v59;
	[tilespmem:s7+$0x11000] =	vst v43  }
0xef: {  	v46 =	vmul.f32 v46, v60;
	v41 =	vld [tilespmem:s7+$0xE880];
	[tilespmem:s7+$0x11010] =	vst v44  }
0xf0: {  	v61 =	vmul.f32 v48, v60;
	v42 =	vld [tilespmem:s7+$0xE890];
	[tilespmem:s7+$0x11020] =	vst v45  }
0xf1: {  	v62 =	vmul.f32 v49, v60;
	v63 =	vperm.xlane v17, v9;
	v40 =	vld [tilespmem:s7+$0xE8A0];
	[tilespmem:s7+$0x11030] =	vst v46  }
0xf2: {  	v50 =	vmul.f32 v50, v60;
	v39 =	vld [tilespmem:s7+$0xE8B0];
	[tilespmem:s7+$0x11040] =	vst v61  }
0xf3: {  	v37 =	vld [tilespmem:s7+$0xE8C0];
	[tilespmem:s7+$0x11050] =	vst v62;
	v54 =	vmul.f32 v51, v63  }
0xf4: {  	v38 =	vld [tilespmem:s7+$0xE8D0];
	[tilespmem:s7+$0x11060] =	vst v50;
	v41 =	vmul.f32 v41, v63  }
0xf5: {  	v56 =	vperm.xlane v17, v10;
	v36 =	vld [tilespmem:s7+$0xE8E0];
	[tilespmem:s7+$0x11070] =	vst v54;
	v42 =	vmul.f32 v42, v63  }
0xf6: {  	v35 =	vld [tilespmem:s7+$0xE8F0];
	v40 =	vmul.f32 v40, v63;
	[tilespmem:s7+$0x11080] =	vst v41  }
0xf7: {  	v33 =	vld [tilespmem:s7+$0xE900];
	v39 =	vmul.f32 v39, v56;
	[tilespmem:s7+$0x11090] =	vst v42  }
0xf8: {  	v34 =	vld [tilespmem:s7+$0xE910];
	v37 =	vmul.f32 v37, v56;
	[tilespmem:s7+$0x110A0] =	vst v40  }
0xf9: {  	v57 =	vperm.xlane v17, v11;
	v32 =	vld [tilespmem:s7+$0xE920];
	v38 =	vmul.f32 v38, v56;
	[tilespmem:s7+$0x110B0] =	vst v39  }
0xfa: {  	v31 =	vld [tilespmem:s7+$0xE930];
	v36 =	vmul.f32 v36, v56;
	[tilespmem:s7+$0x110C0] =	vst v37  }
0xfb: {  	v29 =	vld [tilespmem:s7+$0xE940];
	v35 =	vmul.f32 v35, v57;
	[tilespmem:s7+$0x110D0] =	vst v38  }
0xfc: {  	v30 =	vld [tilespmem:s7+$0xE950];
	v33 =	vmul.f32 v33, v57;
	[tilespmem:s7+$0x110E0] =	vst v36  }
0xfd: {  	v58 =	vperm.xlane v17, v12;
	v27 =	vld [tilespmem:s7+$0xE960];
	v34 =	vmul.f32 v34, v57;
	[tilespmem:s7+$0x110F0] =	vst v35  }
0xfe: {  	v28 =	vld [tilespmem:s7+$0xE970];
	v32 =	vmul.f32 v32, v57;
	[tilespmem:s7+$0x11100] =	vst v33  }
0xff: {  	v25 =	vld [tilespmem:s7+$0xE980];
	v31 =	vmul.f32 v31, v58;
	[tilespmem:s7+$0x11110] =	vst v34  }
0x100: {  	v26 =	vld [tilespmem:s7+$0xE990];
	v29 =	vmul.f32 v29, v58;
	[tilespmem:s7+$0x11120] =	vst v32  }
0x101: {  	v59 =	vperm.xlane v17, v13;
	v24 =	vld [tilespmem:s7+$0xE9A0];
	v30 =	vmul.f32 v30, v58;
	[tilespmem:s7+$0x11130] =	vst v31  }
0x102: {  	v23 =	vld [tilespmem:s7+$0xE9B0];
	v27 =	vmul.f32 v27, v58;
	[tilespmem:s7+$0x11140] =	vst v29  }
0x103: {  	v21 =	vld [tilespmem:s7+$0xE9C0];
	v28 =	vmul.f32 v28, v59;
	[tilespmem:s7+$0x11150] =	vst v30  }
0x104: {  	v22 =	vld [tilespmem:s7+$0xE9D0];
	v25 =	vmul.f32 v25, v59;
	[tilespmem:s7+$0x11160] =	vst v27  }
0x105: {  	v60 =	vperm.xlane v17, v14;
	v20 =	vld [tilespmem:s7+$0xE9E0];
	v26 =	vmul.f32 v26, v59;
	[tilespmem:s7+$0x11170] =	vst v28  }
0x106: {  	v19 =	vld [tilespmem:s7+$0xE9F0];
	v24 =	vmul.f32 v24, v59;
	[tilespmem:s7+$0x11180] =	vst v25  }
0x107: {  	v18 =	vld [tilespmem:s7+$0xEA00];
	v23 =	vmul.f32 v23, v60;
	[tilespmem:s7+$0x11190] =	vst v26  }
0x108: {  	v43 =	vld [tilespmem:s7+$0xEA10];
	v21 =	vmul.f32 v21, v60;
	[tilespmem:s7+$0x111A0] =	vst v24  }
0x109: {  	v46 =	vld [tilespmem:s7+$0xEA40];
	v61 =	vperm.xlane v17, v15;
	v22 =	vmul.f32 v22, v60;
	[tilespmem:s7+$0x111B0] =	vst v23  }
0x10a: {  	v44 =	vld [tilespmem:s7+$0xEA20];
	v20 =	vmul.f32 v20, v60;
	[tilespmem:s7+$0x111C0] =	vst v21  }
0x10b: {  	v45 =	vld [tilespmem:s7+$0xEA30];
	v19 =	vmul.f32 v19, v61;
	[tilespmem:s7+$0x111D0] =	vst v22  }
0x10c: {  	v49 =	vld [tilespmem:s7+$0xEA50];
	v17 =	vperm.xlane v17, v16;
	v18 =	vmul.f32 v18, v61;
	[tilespmem:s7+$0x111E0] =	vst v20  }
0x10d: {  	v55 =	vld [tilespmem:s7+$0xEA60];
	v62 =	vmul.f32 v43, v61;
	[tilespmem:s7+$0x111F0] =	vst v19  }
0x10e: {  	v63 =	vmul.f32 v46, v17;
	[tilespmem:s7+$0x11200] =	vst v18  }
0x10f: {  	v19 =	vmul.f32 v44, v61;
	[tilespmem:s7+$0x11210] =	vst v62  }
0x110: {  	p2 =	sne.s32 s24, $0x7C;
	v18 =	vmul.f32 v45, v17;
	[tilespmem:s7+$0x11240] =	vst v63  }
.Ltmp4:
0x111: {  	[tilespmem:s7+$0x11220] =	vst v19;
	v19 =	vmul.f32 v49, v17;
	(pc) =	sbr.rel @p2 .LBB2_8-.Ltmp4, $4  }
0x112: {  	[tilespmem:s7+$0x11230] =	vst v18;
	v17 =	vmul.f32 v55, v17  }
0x113: {  	[tilespmem:s7+$0x11250] =	vst v19  }
0x114: {  	[tilespmem:s7+$0x11260] =	vst v17;
	s7 =	sshra.s32 s8, $0x2  }
0x115: {  	[spmem:s3] =	stream.indirect.scatter.add.f32 [tilespmem:s28], [sflag:$0x3], $0x40, s7, s23, $0xb8;
	[tilespmem:$0x1D6A0] =	vst v63  }
.Ltmp5:
0x116: {  	(pc) =	sbr.rel .LBB2_9-.Ltmp5, $4  }
0x117: {  	_ = 	snop  }
0x118: {  	_ =	swait.ge [sflag:s29], $0x1400  }
0x119: {  	[sflag:s29] =	ssyncset.done $0x0  }
0x11a: {  	[sflag:s29] =	ssyncadd.s32 $0xFFFFEC00  }
.LBB2_8:
.Ltmp6:
0x11b: {  	s6 =	sadd.s32 $0x4EC0, s7;
	(pc) =	sbr.rel @p1 .LBB2_10-.Ltmp6, $4  }
0x11c: {  	[tilespmem:s20], [sflag:$0x1] =	stream.indirect.gather [hbm4b:s1+s23], $0x40, s6, s23, $0xb8;
	[tilespmem:$0x1D6A0] =	vst v63  }
0x11d: {  	_ =	swait.ge [sflag:s29], $0x1400  }
0x11e: {  	[sflag:s29] =	ssyncset.done $0x0  }
0x11f: {  	[sflag:s29] =	ssyncadd.s32 $0xFFFFEC00  }
.LBB2_9:
0x120: {  	_ =	swait.ge [sflag:s30], $0x1400  }
0x121: {  	[sflag:s30] =	ssyncset.done $0x0  }
0x122: {  	[sflag:s30] =	ssyncadd.s32 $0xFFFFEC00  }
.LBB2_10:
0x123: {  	s9 =	simm.s32 $0x3F0;
	v17 =	vld [tilespmem:s11+$0x0]  }
0x124: {  	v41 =	vld [tilespmem:s9+$0xFA70]  }
0x125: {  	v42 =	vld [tilespmem:s9+$0xFA80]  }
0x126: {  	v40 =	vld [tilespmem:s9+$0xFA90]  }
0x127: {  	v39 =	vld [tilespmem:s9+$0xFAA0]  }
0x128: {  	v37 =	vld [tilespmem:s9+$0xFAB0]  }
0x129: {  	v38 =	vld [tilespmem:s9+$0xFAC0]  }
0x12a: {  	v36 =	vld [tilespmem:s9+$0xFAD0]  }
0x12b: {  	v35 =	vld [tilespmem:s9+$0xFAE0]  }
0x12c: {  	v33 =	vld [tilespmem:s9+$0xFAF0]  }
0x12d: {  	v34 =	vld [tilespmem:s9+$0xFB00]  }
0x12e: {  	v32 =	vld [tilespmem:s9+$0xFB10]  }
0x12f: {  	v31 =	vld [tilespmem:s9+$0xFB20]  }
0x130: {  	v29 =	vld [tilespmem:s9+$0xFB30]  }
0x131: {  	v30 =	vld [tilespmem:s9+$0xFB40]  }
0x132: {  	v27 =	vld [tilespmem:s9+$0xFB50]  }
0x133: {  	v28 =	vld [tilespmem:s9+$0xFB60]  }
0x134: {  	v25 =	vld [tilespmem:s9+$0xFB70]  }
0x135: {  	v26 =	vld [tilespmem:s9+$0xFB80]  }
0x136: {  	v24 =	vld [tilespmem:s9+$0xFB90]  }
0x137: {  	v23 =	vld [tilespmem:s9+$0xFBA0]  }
0x138: {  	v21 =	vld [tilespmem:s9+$0xFBB0]  }
0x139: {  	v22 =	vld [tilespmem:s9+$0xFBC0]  }
0x13a: {  	v20 =	vld [tilespmem:s9+$0xFBD0]  }
0x13b: {  	v19 =	vld [tilespmem:s9+$0xFBE0]  }
0x13c: {  	s8 =	sadd.s32 $0x140, s8;
	s10 =	simm.s32 $0x1FC0;
	s6 =	smov.u32 s11;
	v18 =	vld [tilespmem:s9+$0xFBF0]  }
.LBB2_11:
0x13d: {  	p1 =	sne.s32 s10, $0x4FC0;
	v43 =	vld [tilespmem:s9+$0xFC00]  }
0x13e: {  	v44 =	vld [tilespmem:s9+$0xFC10]  }
0x13f: {  	v45 =	vld [tilespmem:s9+$0xFC20]  }
0x140: {  	v46 =	vld [tilespmem:s9+$0xFC30]  }
0x141: {  	v47 =	vperm.xlane v17, v1;
	v48 =	vperm.xlane v17, v2;
	v49 =	vld [tilespmem:s9+$0xFC40]  }
0x142: {  	v50 =	vperm.xlane v17, v3;
	v51 =	vperm.xlane v17, v4;
	v52 =	vld [tilespmem:s9+$0xFC50]  }
0x143: {  	v41 =	vmul.f32 v41, v47;
	v42 =	vmul.f32 v42, v47;
	v53 =	vld [tilespmem:s9+$0xFC60]  }
0x144: {  	v40 =	vmul.f32 v40, v47;
	v39 =	vmul.f32 v39, v47;
	v47 =	vld [tilespmem:s9+$0xFC70]  }
0x145: {  	v37 =	vmul.f32 v37, v48;
	v38 =	vmul.f32 v38, v48;
	[tilespmem:s9+$0x12270] =	vst v41;
	v41 =	vld [tilespmem:s9+$0xFC80]  }
0x146: {  	v36 =	vmul.f32 v36, v48;
	v35 =	vmul.f32 v35, v48;
	[tilespmem:s9+$0x12280] =	vst v42;
	v42 =	vld [tilespmem:s9+$0xFC90]  }
0x147: {  	v33 =	vmul.f32 v33, v50;
	v34 =	vmul.f32 v34, v50;
	[tilespmem:s9+$0x12290] =	vst v40;
	v40 =	vld [tilespmem:s9+$0xFCA0]  }
0x148: {  	v32 =	vmul.f32 v32, v50;
	v31 =	vmul.f32 v31, v50;
	[tilespmem:s9+$0x122A0] =	vst v39;
	v39 =	vld [tilespmem:s9+$0xFCB0]  }
0x149: {  	v29 =	vmul.f32 v29, v51;
	v30 =	vmul.f32 v30, v51;
	[tilespmem:s9+$0x122B0] =	vst v37;
	v37 =	vld [tilespmem:s9+$0xFCC0]  }
0x14a: {  	v27 =	vmul.f32 v27, v51;
	v28 =	vmul.f32 v28, v51;
	[tilespmem:s9+$0x122C0] =	vst v38;
	v38 =	vld [tilespmem:s9+$0xFCD0]  }
0x14b: {  	v48 =	vperm.xlane v17, v6;
	[tilespmem:s9+$0x122D0] =	vst v36;
	v36 =	vperm.xlane v17, v5;
	v50 =	vld [tilespmem:s9+$0xFCE0]  }
0x14c: {  	v51 =	vperm.xlane v17, v8;
	[tilespmem:s9+$0x122E0] =	vst v35;
	v35 =	vperm.xlane v17, v7;
	v54 =	vld [tilespmem:s9+$0xFCF0]  }
0x14d: {  	[tilespmem:s9+$0x122F0] =	vst v33;
	v25 =	vmul.f32 v25, v36;
	v26 =	vmul.f32 v26, v36;
	v33 =	vld [tilespmem:s9+$0xFD00]  }
0x14e: {  	v24 =	vmul.f32 v24, v36;
	v23 =	vmul.f32 v23, v36;
	[tilespmem:s9+$0x12300] =	vst v34;
	v34 =	vld [tilespmem:s9+$0xFD10]  }
0x14f: {  	v21 =	vmul.f32 v21, v48;
	v22 =	vmul.f32 v22, v48;
	[tilespmem:s9+$0x12310] =	vst v32;
	v32 =	vld [tilespmem:s9+$0xFD20]  }
0x150: {  	v20 =	vmul.f32 v20, v48;
	v19 =	vmul.f32 v19, v48;
	[tilespmem:s9+$0x12320] =	vst v31;
	v31 =	vld [tilespmem:s9+$0xFD30]  }
0x151: {  	v18 =	vmul.f32 v18, v35;
	[tilespmem:s9+$0x12330] =	vst v29;
	v29 =	vmul.f32 v43, v35;
	v36 =	vld [tilespmem:s9+$0xFD40]  }
0x152: {  	[tilespmem:s9+$0x12340] =	vst v30;
	v30 =	vmul.f32 v44, v35;
	v35 =	vmul.f32 v45, v35;
	v43 =	vld [tilespmem:s9+$0xFD50]  }
0x153: {  	v44 =	vmul.f32 v49, v51;
	[tilespmem:s9+$0x12350] =	vst v27;
	v27 =	vmul.f32 v46, v51;
	v45 =	vld [tilespmem:s9+$0xFD60]  }
0x154: {  	v46 =	vmul.f32 v53, v51;
	[tilespmem:s9+$0x12360] =	vst v28;
	v28 =	vmul.f32 v52, v51;
	v48 =	vld [tilespmem:s9+$0xFD70]  }
0x155: {  	v49 =	vperm.xlane v17, v10;
	[tilespmem:s9+$0x12370] =	vst v25;
	v25 =	vperm.xlane v17, v9;
	v51 =	vld [tilespmem:s9+$0xFD80]  }
0x156: {  	v52 =	vperm.xlane v17, v12;
	[tilespmem:s9+$0x12380] =	vst v26;
	v26 =	vperm.xlane v17, v11;
	v53 =	vld [tilespmem:s9+$0xFD90]  }
0x157: {  	[tilespmem:s9+$0x12390] =	vst v24;
	v24 =	vmul.f32 v47, v25;
	v41 =	vmul.f32 v41, v25;
	v47 =	vld [tilespmem:s9+$0xFDA0]  }
0x158: {  	[tilespmem:s9+$0x123A0] =	vst v23;
	v23 =	vmul.f32 v42, v25;
	v25 =	vmul.f32 v40, v25;
	v40 =	vld [tilespmem:s9+$0xFDB0]  }
0x159: {  	v37 =	vmul.f32 v37, v49;
	[tilespmem:s9+$0x123B0] =	vst v21;
	v21 =	vmul.f32 v39, v49;
	v39 =	vld [tilespmem:s9+$0xFDC0]  }
0x15a: {  	[tilespmem:s9+$0x123C0] =	vst v22;
	v22 =	vmul.f32 v38, v49;
	v38 =	vmul.f32 v50, v49;
	v42 =	vld [tilespmem:s9+$0xFDD0]  }
0x15b: {  	v33 =	vmul.f32 v33, v26;
	[tilespmem:s9+$0x123D0] =	vst v20;
	v20 =	vmul.f32 v54, v26;
	v49 =	vld [tilespmem:s9+$0xFDE0]  }
0x15c: {  	[tilespmem:s9+$0x123E0] =	vst v19;
	v19 =	vmul.f32 v34, v26;
	v26 =	vmul.f32 v32, v26;
	v32 =	vld [tilespmem:s9+$0xFDF0]  }
0x15d: {  	[tilespmem:s9+$0x123F0] =	vst v18;
	v18 =	vmul.f32 v31, v52;
	v31 =	vmul.f32 v36, v52;
	v34 =	vld [tilespmem:s9+$0xFE00]  }
0x15e: {  	[tilespmem:s9+$0x12400] =	vst v29;
	v29 =	vmul.f32 v43, v52;
	v43 =	vmul.f32 v45, v52;
	v36 =	vld [tilespmem:s9+$0xFE10]  }
0x15f: {  	v45 =	vperm.xlane v17, v14;
	[tilespmem:s9+$0x12410] =	vst v30;
	v30 =	vperm.xlane v17, v13;
	v50 =	vld [tilespmem:s9+$0xFE20]  }
0x160: {  	[tilespmem:s9+$0x12420] =	vst v35;
	v35 =	vperm.xlane v17, v15;
	v17 =	vperm.xlane v17, v16;
	v52 =	vld [tilespmem:s9+$0xFE30]  }
0x161: {  	[tilespmem:s9+$0x12430] =	vst v27;
	v27 =	vld [tilespmem:s9+$0xFE40];
	v48 =	vmul.f32 v48, v30;
	v51 =	vmul.f32 v51, v30  }
0x162: {  	v53 =	vmul.f32 v53, v30;
	v30 =	vmul.f32 v47, v30;
	[tilespmem:s9+$0x12440] =	vst v44;
	v44 =	vld [tilespmem:s9+$0xFE50]  }
0x163: {  	v54 =	vmul.f32 v39, v45;
	v47 =	vmul.f32 v40, v45;
	[tilespmem:s9+$0x12450] =	vst v28;
	v28 =	vld [tilespmem:s9+$0xFE60]  }
0x164: {  	[tilespmem:s9+$0x12460] =	vst v46;
	v46 =	vmul.f32 v42, v45;
	v45 =	vmul.f32 v49, v45  }
0x165: {  	v49 =	vmul.f32 v34, v35;
	[tilespmem:s9+$0x12470] =	vst v24;
	v24 =	vmul.f32 v32, v35  }
0x166: {  	v55 =	vmul.f32 v36, v35;
	v50 =	vmul.f32 v50, v35;
	[tilespmem:s9+$0x12480] =	vst v41  }
0x167: {  	v52 =	vmul.f32 v52, v17;
	v56 =	vmul.f32 v27, v17;
	[tilespmem:s9+$0x12490] =	vst v23  }
0x168: {  	v44 =	vmul.f32 v44, v17;
	[tilespmem:s9+$0x124A0] =	vst v25;
	v17 =	vmul.f32 v28, v17  }
0x169: {  	[tilespmem:s9+$0x124B0] =	vst v21  }
0x16a: {  	[tilespmem:s9+$0x124C0] =	vst v37  }
0x16b: {  	s12 =	sshra.s32 s10, $0x2;
	[tilespmem:s9+$0x124D0] =	vst v22  }
0x16c: {  	v41 =	vld [tilespmem:s12+$0xFA70];
	[tilespmem:s9+$0x124E0] =	vst v38  }
0x16d: {  	v42 =	vld [tilespmem:s12+$0xFA80];
	[tilespmem:s9+$0x124F0] =	vst v20  }
0x16e: {  	v40 =	vld [tilespmem:s12+$0xFA90];
	[tilespmem:s9+$0x12500] =	vst v33  }
0x16f: {  	v39 =	vld [tilespmem:s12+$0xFAA0];
	[tilespmem:s9+$0x12510] =	vst v19  }
0x170: {  	v37 =	vld [tilespmem:s12+$0xFAB0];
	[tilespmem:s9+$0x12520] =	vst v26  }
0x171: {  	v38 =	vld [tilespmem:s12+$0xFAC0];
	[tilespmem:s9+$0x12530] =	vst v18  }
0x172: {  	v36 =	vld [tilespmem:s12+$0xFAD0];
	[tilespmem:s9+$0x12540] =	vst v31  }
0x173: {  	v35 =	vld [tilespmem:s12+$0xFAE0];
	[tilespmem:s9+$0x12550] =	vst v29  }
0x174: {  	v33 =	vld [tilespmem:s12+$0xFAF0];
	[tilespmem:s9+$0x12560] =	vst v43  }
0x175: {  	v34 =	vld [tilespmem:s12+$0xFB00];
	[tilespmem:s9+$0x12570] =	vst v48  }
0x176: {  	v32 =	vld [tilespmem:s12+$0xFB10];
	[tilespmem:s9+$0x12580] =	vst v51  }
0x177: {  	v31 =	vld [tilespmem:s12+$0xFB20];
	[tilespmem:s9+$0x12590] =	vst v53  }
0x178: {  	v29 =	vld [tilespmem:s12+$0xFB30];
	[tilespmem:s9+$0x125A0] =	vst v30  }
0x179: {  	v30 =	vld [tilespmem:s12+$0xFB40];
	[tilespmem:s9+$0x125B0] =	vst v47  }
0x17a: {  	v27 =	vld [tilespmem:s12+$0xFB50];
	[tilespmem:s9+$0x125C0] =	vst v54  }
0x17b: {  	v28 =	vld [tilespmem:s12+$0xFB60];
	[tilespmem:s9+$0x125D0] =	vst v46  }
0x17c: {  	v25 =	vld [tilespmem:s12+$0xFB70];
	[tilespmem:s9+$0x125E0] =	vst v45  }
0x17d: {  	v26 =	vld [tilespmem:s12+$0xFB80];
	[tilespmem:s9+$0x125F0] =	vst v24  }
0x17e: {  	v24 =	vld [tilespmem:s12+$0xFB90];
	[tilespmem:s9+$0x12600] =	vst v49  }
0x17f: {  	v23 =	vld [tilespmem:s12+$0xFBA0];
	[tilespmem:s9+$0x12610] =	vst v55  }
0x180: {  	v21 =	vld [tilespmem:s12+$0xFBB0];
	[tilespmem:s9+$0x12620] =	vst v50  }
.Ltmp7:
0x181: {  	v22 =	vld [tilespmem:s12+$0xFBC0];
	[tilespmem:s9+$0x12630] =	vst v52;
	(pc) =	sbr.rel @p1 .LBB2_11-.Ltmp7, $4  }
0x182: {  	v20 =	vld [tilespmem:s12+$0xFBD0];
	[tilespmem:s9+$0x12640] =	vst v56  }
0x183: {  	v19 =	vld [tilespmem:s12+$0xFBE0];
	[tilespmem:s9+$0x12650] =	vst v44  }
0x184: {  	s6 =	sadd.s32 $0x10, s6;
	v18 =	vld [tilespmem:s12+$0xFBF0];
	[tilespmem:s9+$0x12660] =	vst v17;
	s9 =	smov.u32 s12  }
0x185: {  	s10 =	sadd.s32 $0x1000, s10;
	v17 =	vld [tilespmem:s6+$0x0]  }
0x186: {  	_ =	sdelay $0x3  }
0x187: {  	v47 =	vperm.xlane v17, v1;
	_ =	sdelay $0x1  }
0x188: {  	v41 =	vmul.f32 v41, v47  }
0x189: {  	v42 =	vmul.f32 v42, v47  }
0x18a: {  	v52 =	vperm.xlane v17, v2;
	v40 =	vmul.f32 v40, v47;
	[tilespmem:s9+$0x12270] =	vst v41  }
0x18b: {  	v39 =	vmul.f32 v39, v47;
	[tilespmem:s9+$0x12280] =	vst v42  }
0x18c: {  	v37 =	vmul.f32 v37, v52;
	[tilespmem:s9+$0x12290] =	vst v40  }
0x18d: {  	v38 =	vmul.f32 v38, v52;
	[tilespmem:s9+$0x122A0] =	vst v39  }
0x18e: {  	v63 =	vperm.xlane v17, v3;
	v36 =	vmul.f32 v36, v52;
	[tilespmem:s9+$0x122B0] =	vst v37  }
0x18f: {  	v35 =	vmul.f32 v35, v52;
	[tilespmem:s9+$0x122C0] =	vst v38  }
0x190: {  	v33 =	vmul.f32 v33, v63;
	[tilespmem:s9+$0x122D0] =	vst v36  }
0x191: {  	v34 =	vmul.f32 v34, v63;
	[tilespmem:s9+$0x122E0] =	vst v35  }
0x192: {  	v56 =	vperm.xlane v17, v4;
	v32 =	vmul.f32 v32, v63;
	[tilespmem:s9+$0x122F0] =	vst v33  }
0x193: {  	v31 =	vmul.f32 v31, v63;
	[tilespmem:s9+$0x12300] =	vst v34  }
0x194: {  	v29 =	vmul.f32 v29, v56;
	[tilespmem:s9+$0x12310] =	vst v32  }
0x195: {  	v30 =	vmul.f32 v30, v56;
	[tilespmem:s9+$0x12320] =	vst v31  }
0x196: {  	v57 =	vperm.xlane v17, v5;
	v27 =	vmul.f32 v27, v56;
	[tilespmem:s9+$0x12330] =	vst v29  }
0x197: {  	v28 =	vmul.f32 v28, v56;
	[tilespmem:s9+$0x12340] =	vst v30  }
0x198: {  	v25 =	vmul.f32 v25, v57;
	[tilespmem:s9+$0x12350] =	vst v27  }
0x199: {  	v26 =	vmul.f32 v26, v57;
	[tilespmem:s9+$0x12360] =	vst v28  }
0x19a: {  	v58 =	vperm.xlane v17, v6;
	v24 =	vmul.f32 v24, v57;
	[tilespmem:s9+$0x12370] =	vst v25  }
0x19b: {  	v23 =	vmul.f32 v23, v57;
	[tilespmem:s9+$0x12380] =	vst v26  }
0x19c: {  	v43 =	vld [tilespmem:s9+$0xFC00];
	v21 =	vmul.f32 v21, v58;
	[tilespmem:s9+$0x12390] =	vst v24  }
0x19d: {  	v44 =	vld [tilespmem:s9+$0xFC10];
	v22 =	vmul.f32 v22, v58;
	[tilespmem:s9+$0x123A0] =	vst v23  }
0x19e: {  	v45 =	vld [tilespmem:s9+$0xFC20];
	v59 =	vperm.xlane v17, v7;
	v20 =	vmul.f32 v20, v58;
	[tilespmem:s9+$0x123B0] =	vst v21  }
0x19f: {  	v46 =	vld [tilespmem:s9+$0xFC30];
	v19 =	vmul.f32 v19, v58;
	[tilespmem:s9+$0x123C0] =	vst v22  }
0x1a0: {  	v48 =	vld [tilespmem:s9+$0xFC40];
	v18 =	vmul.f32 v18, v59;
	[tilespmem:s9+$0x123D0] =	vst v20  }
0x1a1: {  	v49 =	vld [tilespmem:s9+$0xFC50];
	v43 =	vmul.f32 v43, v59;
	[tilespmem:s9+$0x123E0] =	vst v19  }
0x1a2: {  	v50 =	vld [tilespmem:s9+$0xFC60];
	v60 =	vperm.xlane v17, v8;
	v44 =	vmul.f32 v44, v59;
	[tilespmem:s9+$0x123F0] =	vst v18  }
0x1a3: {  	v51 =	vld [tilespmem:s9+$0xFC70];
	v45 =	vmul.f32 v45, v59;
	[tilespmem:s9+$0x12400] =	vst v43  }
0x1a4: {  	v46 =	vmul.f32 v46, v60;
	v41 =	vld [tilespmem:s9+$0xFC80];
	[tilespmem:s9+$0x12410] =	vst v44  }
0x1a5: {  	v61 =	vmul.f32 v48, v60;
	v42 =	vld [tilespmem:s9+$0xFC90];
	[tilespmem:s9+$0x12420] =	vst v45  }
0x1a6: {  	v62 =	vmul.f32 v49, v60;
	v63 =	vperm.xlane v17, v9;
	v40 =	vld [tilespmem:s9+$0xFCA0];
	[tilespmem:s9+$0x12430] =	vst v46  }
0x1a7: {  	v50 =	vmul.f32 v50, v60;
	v39 =	vld [tilespmem:s9+$0xFCB0];
	[tilespmem:s9+$0x12440] =	vst v61  }
0x1a8: {  	v37 =	vld [tilespmem:s9+$0xFCC0];
	[tilespmem:s9+$0x12450] =	vst v62;
	v54 =	vmul.f32 v51, v63  }
0x1a9: {  	v38 =	vld [tilespmem:s9+$0xFCD0];
	[tilespmem:s9+$0x12460] =	vst v50;
	v41 =	vmul.f32 v41, v63  }
0x1aa: {  	v56 =	vperm.xlane v17, v10;
	v36 =	vld [tilespmem:s9+$0xFCE0];
	[tilespmem:s9+$0x12470] =	vst v54;
	v42 =	vmul.f32 v42, v63  }
0x1ab: {  	v35 =	vld [tilespmem:s9+$0xFCF0];
	v40 =	vmul.f32 v40, v63;
	[tilespmem:s9+$0x12480] =	vst v41  }
0x1ac: {  	v33 =	vld [tilespmem:s9+$0xFD00];
	v39 =	vmul.f32 v39, v56;
	[tilespmem:s9+$0x12490] =	vst v42  }
0x1ad: {  	v34 =	vld [tilespmem:s9+$0xFD10];
	v37 =	vmul.f32 v37, v56;
	[tilespmem:s9+$0x124A0] =	vst v40  }
0x1ae: {  	v57 =	vperm.xlane v17, v11;
	v32 =	vld [tilespmem:s9+$0xFD20];
	v38 =	vmul.f32 v38, v56;
	[tilespmem:s9+$0x124B0] =	vst v39  }
0x1af: {  	v31 =	vld [tilespmem:s9+$0xFD30];
	v36 =	vmul.f32 v36, v56;
	[tilespmem:s9+$0x124C0] =	vst v37  }
0x1b0: {  	v29 =	vld [tilespmem:s9+$0xFD40];
	v35 =	vmul.f32 v35, v57;
	[tilespmem:s9+$0x124D0] =	vst v38  }
0x1b1: {  	v30 =	vld [tilespmem:s9+$0xFD50];
	v33 =	vmul.f32 v33, v57;
	[tilespmem:s9+$0x124E0] =	vst v36  }
0x1b2: {  	v58 =	vperm.xlane v17, v12;
	v27 =	vld [tilespmem:s9+$0xFD60];
	v34 =	vmul.f32 v34, v57;
	[tilespmem:s9+$0x124F0] =	vst v35  }
0x1b3: {  	v28 =	vld [tilespmem:s9+$0xFD70];
	v32 =	vmul.f32 v32, v57;
	[tilespmem:s9+$0x12500] =	vst v33  }
0x1b4: {  	v25 =	vld [tilespmem:s9+$0xFD80];
	v31 =	vmul.f32 v31, v58;
	[tilespmem:s9+$0x12510] =	vst v34  }
0x1b5: {  	v26 =	vld [tilespmem:s9+$0xFD90];
	v29 =	vmul.f32 v29, v58;
	[tilespmem:s9+$0x12520] =	vst v32  }
0x1b6: {  	v59 =	vperm.xlane v17, v13;
	v24 =	vld [tilespmem:s9+$0xFDA0];
	v30 =	vmul.f32 v30, v58;
	[tilespmem:s9+$0x12530] =	vst v31  }
0x1b7: {  	v23 =	vld [tilespmem:s9+$0xFDB0];
	v27 =	vmul.f32 v27, v58;
	[tilespmem:s9+$0x12540] =	vst v29  }
0x1b8: {  	v21 =	vld [tilespmem:s9+$0xFDC0];
	v28 =	vmul.f32 v28, v59;
	[tilespmem:s9+$0x12550] =	vst v30  }
0x1b9: {  	v22 =	vld [tilespmem:s9+$0xFDD0];
	v25 =	vmul.f32 v25, v59;
	[tilespmem:s9+$0x12560] =	vst v27  }
0x1ba: {  	v60 =	vperm.xlane v17, v14;
	v20 =	vld [tilespmem:s9+$0xFDE0];
	v26 =	vmul.f32 v26, v59;
	[tilespmem:s9+$0x12570] =	vst v28  }
0x1bb: {  	v19 =	vld [tilespmem:s9+$0xFDF0];
	v24 =	vmul.f32 v24, v59;
	[tilespmem:s9+$0x12580] =	vst v25  }
0x1bc: {  	v18 =	vld [tilespmem:s9+$0xFE00];
	v23 =	vmul.f32 v23, v60;
	[tilespmem:s9+$0x12590] =	vst v26  }
0x1bd: {  	v43 =	vld [tilespmem:s9+$0xFE10];
	v21 =	vmul.f32 v21, v60;
	[tilespmem:s9+$0x125A0] =	vst v24  }
0x1be: {  	v46 =	vld [tilespmem:s9+$0xFE40];
	v61 =	vperm.xlane v17, v15;
	v22 =	vmul.f32 v22, v60;
	[tilespmem:s9+$0x125B0] =	vst v23  }
0x1bf: {  	v44 =	vld [tilespmem:s9+$0xFE20];
	v20 =	vmul.f32 v20, v60;
	[tilespmem:s9+$0x125C0] =	vst v21  }
0x1c0: {  	v45 =	vld [tilespmem:s9+$0xFE30];
	v19 =	vmul.f32 v19, v61;
	[tilespmem:s9+$0x125D0] =	vst v22  }
0x1c1: {  	v49 =	vld [tilespmem:s9+$0xFE50];
	v17 =	vperm.xlane v17, v16;
	v18 =	vmul.f32 v18, v61;
	[tilespmem:s9+$0x125E0] =	vst v20  }
0x1c2: {  	v55 =	vld [tilespmem:s9+$0xFE60];
	v62 =	vmul.f32 v43, v61;
	[tilespmem:s9+$0x125F0] =	vst v19  }
0x1c3: {  	v63 =	vmul.f32 v46, v17;
	[tilespmem:s9+$0x12600] =	vst v18  }
0x1c4: {  	v19 =	vmul.f32 v44, v61;
	[tilespmem:s9+$0x12610] =	vst v62  }
0x1c5: {  	p1 =	seq.s32 s24, $0x7C;
	v18 =	vmul.f32 v45, v17;
	[tilespmem:s9+$0x12640] =	vst v63  }
.Ltmp8:
0x1c6: {  	[tilespmem:s9+$0x12620] =	vst v19;
	v19 =	vmul.f32 v49, v17;
	(pc) =	sbr.rel @p1 .LBB2_14-.Ltmp8, $4  }
0x1c7: {  	[tilespmem:s9+$0x12630] =	vst v18;
	v17 =	vmul.f32 v55, v17  }
0x1c8: {  	[tilespmem:s9+$0x12650] =	vst v19  }
0x1c9: {  	s6 =	sshra.s32 s8, $0x2;
	[tilespmem:s9+$0x12660] =	vst v17  }
0x1ca: {  	[spmem:s3] =	stream.indirect.scatter.add.f32 [tilespmem:s31], [sflag:$0x4], $0x40, s6, s23, $0xb8;
	[tilespmem:$0x1D6A0] =	vst v63  }
.Ltmp9:
0x1cb: {  	(pc) =	sbr.rel .LBB2_4-.Ltmp9, $4  }
0x1cc: {  	_ = 	snop  }
0x1cd: {  	s6 =	sadd.s32 $0x4F10, s7  }
0x1ce: {  	s24 =	sadd.s32 $0x1, s24;
	s0 =	sadd.s32 $0xA0, s0;
	s11 =	sadd.s32 $0xA0, s11  }
0x1cf: {  	[tilespmem:s25], [sflag:$0x2] =	stream.indirect.gather [hbm4b:s1+s23], $0x40, s6, s23, $0xb8;
	[tilespmem:$0x1D6A0] =	vst v63  }
.LBB2_15:
0x1d0: {  	_ =	sfence.sel $0x180000  }
0x1d1: {  	[bflag:$0x0] =	sbarrier.arrive $0xFFFF  }
0x1d2: {  	_ =	strace $0x90000047  }
0x1d3: {  	s0 =	stileid.u32;
	[bflag:$0x2] =	sbarrier.arrive $0xFFFF  }
0x1d4: {  	p0 =	sne.s32 s0, $0x0;
	s0 =	rddreg [dreg:$0x3]  }
0x1d5: {  	s0 =	sadd.s32 @!p0 $0x100000, s0  }
0x1d6: {  	[sflag:s0] =	ssyncadd.tile.s32 @!p0 $0x1;
	_ =	shalt  }
.Lfunc_end2:
_tile_overlayer_lowered:
.L_overlay_start_2:
0x1d7: {  	(tag) =	ssettag $0x2  }
0x1d8: {  	s0 =	rddreg [dreg:$0x0];
	s2 =	stileid.u32  }
0x1d9: {  	s1 =	rddreg [dreg:$0x1];
	p0 =	sne.s32 s2, $0x0  }
0x1da: {  	s3 =	rddreg [dreg:$0x2];
	[bflag:$0x3] =	sbarrier.arrive $0xFFFF;
	s2 =	simm.s32 @!p0 $0x1C05  }
0x1db: {  	[timem:s3], [sflag:s2] =	dma.local @!p0 [hbm:s0], s1  }
0x1dc: {  	s0 =	simm.s32 @!p0 $0x5  }
0x1dd: {  	_ =	swait.ge @!p0 [sflag:s0], s1  }
0x1de: {  	s1 =	ssub.s32 @!p0 $0x0, s1;
	[sflag:s0] =	ssyncset.done @!p0 $0x0  }
0x1df: {  	[sflag:s0] =	ssyncadd.s32 @!p0 s1  }
0x1e0: {  	[bflag:$0x3] =	sbarrier.arrive $0xFFFF  }
0x1e1: {  	_ =	shalt  }

</sc_bundles>
